<compile_context>
chip_gen: v7x
topology: tpu7x:2x2x1
jax: 0.10.2.dev20260603
libtpu: 0.0.44.dev20260713+nightly
codegen_flags: <defaults>
</compile_context>

<pallas_src>
import functools

import jax
import jax.numpy as jnp
from jax import lax
from jax.experimental import pallas as pl
from jax.experimental.pallas import tpu as pltpu
from jax.experimental.pallas import tpu_sc as plsc

_NC = 2
_NS = 16
_NW = _NC * _NS

_V = 201088
_H = 2880
_N = 16384
_HPW = _H // _NW
_NPAIR = _HPW // 2

_CHUNK = 12544
_NCHK = 16
_CSIZES = [_CHUNK] * (_NCHK - 1) + [_V - _CHUNK * (_NCHK - 1)]
_CSTARTS = [k * _CHUNK for k in range(_NCHK)]


def _embed_call(w_t, sid, perm, offs, nbatch, seq):
  mesh = plsc.VectorSubcoreMesh(core_axis_name="c", subcore_axis_name="s")
  cmax = max(_CSIZES)
  nrow = 2 * nbatch

  @functools.partial(
      pl.kernel,
      out_type=jax.ShapeDtypeStruct((nbatch * _H, seq), jnp.float32),
      mesh=mesh,
      scratch_types=[
          pltpu.VMEM((16384,), jnp.int32),
          pltpu.VMEM((16384,), jnp.int32),
          pltpu.VMEM((32,), jnp.int32),
          pltpu.VMEM((2, cmax), jnp.float32),
          pltpu.VMEM((2, cmax), jnp.float32),
          pltpu.VMEM((2, nbatch * seq), jnp.float32),
          pltpu.SemaphoreType.DMA,
          pltpu.SemaphoreType.DMA,
          pltpu.SemaphoreType.DMA,
      ],
      compiler_params=pltpu.CompilerParams(needs_layout_passes=False),
  )
  def body(wt_hbm, sid_hbm, perm_hbm, offs_hbm, out_hbm,
           sid_v, perm_v, offs_v, buf_a, buf_b, rows, sem0, sem1, osem):
    sems = (sem0, sem1)
    rings = (buf_a, buf_b)
    wid = lax.axis_index("s") * _NC + lax.axis_index("c")
    h0 = wid * _HPW

    pltpu.sync_copy(sid_hbm, sid_v)
    pltpu.sync_copy(perm_hbm, perm_v)
    pltpu.sync_copy(offs_hbm, offs_v)
    off_lo = offs_v[pl.ds(0, 16)]
    off_hi = offs_v[pl.ds(16, 16)]

    def off(k):
      return off_lo[k] if k < 16 else off_hi[k - 16]

    def start(p, k):
      h = h0 + 2 * p
      half = (_CSIZES[k] // 256) * 128
      for q, w in ((0, half), (half, _CSIZES[k] - half)):
        pltpu.async_copy(
            wt_hbm.at[pl.ds(h, 2), pl.ds(_CSTARTS[k] + q, w)],
            rings[k % 2].at[pl.ds(0, 2), pl.ds(q, w)],
            sems[k % 2],
        )

    def wait(k):
      half = (_CSIZES[k] // 256) * 128
      for q, w in ((0, half), (half, _CSIZES[k] - half)):
        pltpu.make_async_copy(
            wt_hbm.at[pl.ds(0, 2), pl.ds(q, w)],
            rings[k % 2].at[pl.ds(0, 2), pl.ds(q, w)],
            sems[k % 2],
        ).wait()

    def drain_out():
      for _ in range(nrow):
        pltpu.make_async_copy(
            rows.at[pl.ds(0, 1), pl.ds(0, seq)],
            out_hbm.at[pl.ds(0, 1), pl.ds(0, seq)],
            osem,
        ).wait()

    def gather_chunk(k):
      c0 = _CSTARTS[k]
      csz = _CSIZES[k]
      v0 = off(k) >> 4
      v1 = (off(k + 1) + 15) >> 4

      def vbody(v, carry):
        tok = sid_v[pl.ds(v * 16, 16)]
        pos = perm_v[pl.ds(v * 16, 16)]
        loc = jnp.minimum(jnp.maximum(tok - c0, 0), csz - 1)
        mask = tok >= c0
        for j in range(2):
          brow = jnp.full((16,), j, jnp.int32)
          vals = plsc.load_gather(rings[k % 2], [brow, loc])
          if k == 0:
            plsc.store_scatter(rows, [brow, pos], vals)
          else:
            plsc.store_scatter(rows, [brow, pos], vals, mask=mask)
        return carry

      lax.fori_loop(v0, v1, vbody, 0)

    start(0, 0)

    def pair_body(p, carry):
      for k in range(_NCHK):
        wait(k)
        if k + 1 < _NCHK:
          start(p, k + 1)
        else:
          @pl.when(p + 1 < _NPAIR)
          def _():
            start(p + 1, 0)
        if k == 0:
          @pl.when(p > 0)
          def _():
            drain_out()
        gather_chunk(k)
      h = h0 + 2 * p
      for j in range(2):
        for b in range(nbatch):
          pltpu.async_copy(
              rows.at[pl.ds(j, 1), pl.ds(b * seq, seq)],
              out_hbm.at[pl.ds(b * _H + h + j, 1), pl.ds(0, seq)],
              osem,
          )
      return carry

    lax.fori_loop(0, _NPAIR, pair_body, 0)
    drain_out()

  return body(w_t, sid, perm, offs)


def kernel(input_ids, weight):
  nb, seq = input_ids.shape
  v, d = weight.shape
  assert v == _V and d == _H and nb * seq == _N and seq == 4096
  ids = input_ids.astype(jnp.int32).reshape(_N)
  perm = jnp.argsort(ids).astype(jnp.int32)
  sid = ids[perm]
  starts = jnp.array(_CSTARTS + [_V], dtype=jnp.int32)
  offs = jnp.searchsorted(sid, starts, side="left").astype(jnp.int32)
  offs = jnp.pad(offs, (0, 32 - offs.shape[0]))
  w_t = weight.T
  out_flat = _embed_call(w_t, sid, perm, offs, nb, seq)
  out_t = out_flat.reshape(nb, _H, seq)
  return jnp.transpose(out_t, (0, 2, 1))

# --- scband reference (transcript-rebuilt; emitter-appended) ---
"""Pipeline reference for scband-token-embedding-46591805227017 (READ-ONLY COPY).

The authoritative reference and input builder live on the scoring server;
editing this copy changes nothing except your own understanding.
"""

import jax, jax.numpy as jnp
import numpy as np

VOCAB = 201088
HIDDEN = 2880
BATCH = 4
SEQ = 4096


def setup_inputs(seed: int = 0) -> dict:
    key = jax.random.key(seed)
    k_ids, k_w = jax.random.split(key)
    input_ids = jax.random.randint(k_ids, (BATCH, SEQ), 0, VOCAB, dtype=jnp.int64 if jax.config.jax_enable_x64 else jnp.int32)
    weight = jax.random.normal(k_w, (VOCAB, HIDDEN), dtype=jnp.float32) * 0.02
    return {"input_ids": input_ids, "weight": weight}


def reference(input_ids, weight):
    # F.embedding(input_ids, weight) with padding_idx=None, max_norm=None
    # -> plain gather of rows of the embedding table.
    return jnp.take(weight, input_ids, axis=0)

if __name__ == "__main__":
    import jax
    _d = setup_inputs()
    print(jax.jit(kernel)(*tuple(_d.values())))

</pallas_src>

<mosaic_0001>
#map = affine_map<(d0, d1) -> (0, 0)>
#map1 = affine_map<(d0, d1) -> (0)>
module attributes {stable_mosaic.version = 14 : i64} {
  func.func @body(%arg0: i32, %arg1: i32, %arg2: memref<2880x201088xf32, #tpu.memory_space<hbm>>, %arg3: memref<16384xi32, #tpu.memory_space<hbm>>, %arg4: memref<16384xi32, #tpu.memory_space<hbm>>, %arg5: memref<32xi32, #tpu.memory_space<hbm>>, %arg6: memref<11520x4096xf32, #tpu.memory_space<hbm>>, %arg7: memref<16384xi32, #tpu.memory_space<vmem>>, %arg8: memref<16384xi32, #tpu.memory_space<vmem>>, %arg9: memref<32xi32, #tpu.memory_space<vmem>>, %arg10: memref<2x12928xf32, #tpu.memory_space<vmem>>, %arg11: memref<2x12928xf32, #tpu.memory_space<vmem>>, %arg12: memref<2x16384xf32, #tpu.memory_space<vmem>>, %arg13: memref<!tpu.dma_semaphore, #tpu.memory_space<semaphore_mem>>, %arg14: memref<!tpu.dma_semaphore, #tpu.memory_space<semaphore_mem>>, %arg15: memref<!tpu.dma_semaphore, #tpu.memory_space<semaphore_mem>>) attributes {dimension_semantics = [#tpu.dimension_semantics<core_parallel>, #tpu.dimension_semantics<subcore_parallel>], iteration_bounds = array<i64: 2, 16>, scalar_prefetch = 0 : i64, scratch_operands = 9 : i64, tpu.core_type = #tpu.core_type<sc_vector_subcore>, window_params = [{transform_indices = #map}, {transform_indices = #map1}, {transform_indices = #map1}, {transform_indices = #map1}, {transform_indices = #map}]} {
    %mul3A = arith.constant 2 : i32
    %mul3A_0 = arith.muli %arg1, %mul3A : i32
    %add3A = arith.addi %mul3A_0, %arg0 : i32
    %mul3A_1 = arith.constant 90 : i32
    %mul3A_2 = arith.muli %add3A, %mul3A_1 : i32
    "tpu.region"() ({
      %run_scoped3A = tpu.sem_alloc : memref<!tpu.dma_semaphore, #tpu.memory_space<semaphore_mem>>
      tpu.enqueue_dma source(%arg3 : memref<16384xi32, #tpu.memory_space<hbm>>) target(%arg7 : memref<16384xi32, #tpu.memory_space<vmem>>) target_semaphore(%run_scoped3A : memref<!tpu.dma_semaphore, #tpu.memory_space<semaphore_mem>>)
      tpu.wait_dma2 semaphore(%run_scoped3A : memref<!tpu.dma_semaphore, #tpu.memory_space<semaphore_mem>>) src(%arg3 : memref<16384xi32, #tpu.memory_space<hbm>>) dst(%arg7 : memref<16384xi32, #tpu.memory_space<vmem>>)
      tpu.yield
    }) : () -> ()
    "tpu.region"() ({
      %run_scoped3A = tpu.sem_alloc : memref<!tpu.dma_semaphore, #tpu.memory_space<semaphore_mem>>
      tpu.enqueue_dma source(%arg4 : memref<16384xi32, #tpu.memory_space<hbm>>) target(%arg8 : memref<16384xi32, #tpu.memory_space<vmem>>) target_semaphore(%run_scoped3A : memref<!tpu.dma_semaphore, #tpu.memory_space<semaphore_mem>>)
      tpu.wait_dma2 semaphore(%run_scoped3A : memref<!tpu.dma_semaphore, #tpu.memory_space<semaphore_mem>>) src(%arg4 : memref<16384xi32, #tpu.memory_space<hbm>>) dst(%arg8 : memref<16384xi32, #tpu.memory_space<vmem>>)
      tpu.yield
    }) : () -> ()
    "tpu.region"() ({
      %run_scoped3A = tpu.sem_alloc : memref<!tpu.dma_semaphore, #tpu.memory_space<semaphore_mem>>
      tpu.enqueue_dma source(%arg5 : memref<32xi32, #tpu.memory_space<hbm>>) target(%arg9 : memref<32xi32, #tpu.memory_space<vmem>>) target_semaphore(%run_scoped3A : memref<!tpu.dma_semaphore, #tpu.memory_space<semaphore_mem>>)
      tpu.wait_dma2 semaphore(%run_scoped3A : memref<!tpu.dma_semaphore, #tpu.memory_space<semaphore_mem>>) src(%arg5 : memref<32xi32, #tpu.memory_space<hbm>>) dst(%arg9 : memref<32xi32, #tpu.memory_space<vmem>>)
      tpu.yield
    }) : () -> ()
    %get3A = arith.constant 0 : index
    %get3A_3 = tpu.vector_load %arg9[%get3A] {strides = array<i32>} : memref<32xi32, #tpu.memory_space<vmem>>, vector<16xi32>,
    %get3A_4 = arith.constant 16 : index
    %get3A_5 = tpu.vector_load %arg9[%get3A_4] {strides = array<i32>} : memref<32xi32, #tpu.memory_space<vmem>>, vector<16xi32>,
    %add3A_6 = arith.constant 0 : i32
    %add3A_7 = arith.addi %mul3A_2, %add3A_6 : i32
    %dma_start3A = arith.constant 0 : i32
    %dma_start3A_8 = arith.constant 0 : i32
    %dma_start3A_9 = tpu.memref_slice %arg10[%dma_start3A, %dma_start3A_8] : memref<2x12928xf32, #tpu.memory_space<vmem>> -> memref<2x6272xf32, #tpu.memory_space<vmem>>
    %dma_start3A_10 = arith.constant 0 : i32
    %dma_start3A_11 = tpu.memref_slice %arg2[%add3A_7, %dma_start3A_10] : memref<2880x201088xf32, #tpu.memory_space<hbm>> -> memref<2x6272xf32, #tpu.memory_space<hbm>>
    %dma_start3A_12 = arith.constant 0 : i32
    %dma_start3A_13 = arith.constant 0 : i32
    %dma_start3A_14 = tpu.memref_slice %arg10[%dma_start3A_12, %dma_start3A_13] : memref<2x12928xf32, #tpu.memory_space<vmem>> -> memref<2x6272xf32, #tpu.memory_space<vmem>>
    %dma_start3A_15 = arith.constant 0 : i32
    %dma_start3A_16 = tpu.memref_slice %arg2[%add3A_7, %dma_start3A_15] : memref<2880x201088xf32, #tpu.memory_space<hbm>> -> memref<2x6272xf32, #tpu.memory_space<hbm>>
    tpu.enqueue_dma source(%dma_start3A_16 : memref<2x6272xf32, #tpu.memory_space<hbm>>) target(%dma_start3A_14 : memref<2x6272xf32, #tpu.memory_space<vmem>>) target_semaphore(%arg13 : memref<!tpu.dma_semaphore, #tpu.memory_space<semaphore_mem>>)
    %dma_start3A_17 = arith.constant 0 : i32
    %dma_start3A_18 = arith.constant 6272 : i32
    %dma_start3A_19 = tpu.memref_slice %arg10[%dma_start3A_17, %dma_start3A_18] : memref<2x12928xf32, #tpu.memory_space<vmem>> -> memref<2x6272xf32, #tpu.memory_space<vmem>>
    %dma_start3A_20 = arith.constant 6272 : i32
    %dma_start3A_21 = tpu.memref_slice %arg2[%add3A_7, %dma_start3A_20] : memref<2880x201088xf32, #tpu.memory_space<hbm>> -> memref<2x6272xf32, #tpu.memory_space<hbm>>
    %dma_start3A_22 = arith.constant 0 : i32
    %dma_start3A_23 = arith.constant 6272 : i32
    %dma_start3A_24 = tpu.memref_slice %arg10[%dma_start3A_22, %dma_start3A_23] : memref<2x12928xf32, #tpu.memory_space<vmem>> -> memref<2x6272xf32, #tpu.memory_space<vmem>>
    %dma_start3A_25 = arith.constant 6272 : i32
    %dma_start3A_26 = tpu.memref_slice %arg2[%add3A_7, %dma_start3A_25] : memref<2880x201088xf32, #tpu.memory_space<hbm>> -> memref<2x6272xf32, #tpu.memory_space<hbm>>
    tpu.enqueue_dma source(%dma_start3A_26 : memref<2x6272xf32, #tpu.memory_space<hbm>>) target(%dma_start3A_24 : memref<2x6272xf32, #tpu.memory_space<vmem>>) target_semaphore(%arg13 : memref<!tpu.dma_semaphore, #tpu.memory_space<semaphore_mem>>)
    %scan3A = arith.constant 0 : i32
    %scan3A_27 = arith.constant 0 : i32
    %scan3A_28 = arith.constant 45 : i32
    %scan3A_29 = arith.addi %scan3A_27, %scan3A_28 : i32
    %scan3A_30 = arith.constant 1 : i32
    scf.for %scan3A_127 = %scan3A_27 to %scan3A_29 step %scan3A_30  : i32 {
      %dma_wait3A_128 = arith.constant 0 : i32
      %dma_wait3A_129 = arith.constant 0 : i32
      %dma_wait3A_130 = tpu.memref_slice %arg10[%dma_wait3A_128, %dma_wait3A_129] : memref<2x12928xf32, #tpu.memory_space<vmem>> -> memref<2x6272xf32, #tpu.memory_space<vmem>>
      %dma_wait3A_131 = arith.constant 0 : i32
      %dma_wait3A_132 = arith.constant 0 : i32
      %dma_wait3A_133 = tpu.memref_slice %arg2[%dma_wait3A_131, %dma_wait3A_132] : memref<2880x201088xf32, #tpu.memory_space<hbm>> -> memref<2x6272xf32, #tpu.memory_space<hbm>>
      %dma_wait3A_134 = arith.constant 0 : i32
      %dma_wait3A_135 = arith.constant 0 : i32
      %dma_wait3A_136 = tpu.memref_slice %arg10[%dma_wait3A_134, %dma_wait3A_135] : memref<2x12928xf32, #tpu.memory_space<vmem>> -> memref<2x6272xf32, #tpu.memory_space<vmem>>
      %dma_wait3A_137 = arith.constant 0 : i32
      %dma_wait3A_138 = arith.constant 0 : i32
      %dma_wait3A_139 = tpu.memref_slice %arg2[%dma_wait3A_137, %dma_wait3A_138] : memref<2880x201088xf32, #tpu.memory_space<hbm>> -> memref<2x6272xf32, #tpu.memory_space<hbm>>
      tpu.wait_dma2 semaphore(%arg13 : memref<!tpu.dma_semaphore, #tpu.memory_space<semaphore_mem>>) src(%dma_wait3A_139 : memref<2x6272xf32, #tpu.memory_space<hbm>>) dst(%dma_wait3A_136 : memref<2x6272xf32, #tpu.memory_space<vmem>>)
      %dma_wait3A_140 = arith.constant 0 : i32
      %dma_wait3A_141 = arith.constant 6272 : i32
      %dma_wait3A_142 = tpu.memref_slice %arg10[%dma_wait3A_140, %dma_wait3A_141] : memref<2x12928xf32, #tpu.memory_space<vmem>> -> memref<2x6272xf32, #tpu.memory_space<vmem>>
      %dma_wait3A_143 = arith.constant 0 : i32
      %dma_wait3A_144 = arith.constant 6272 : i32
      %dma_wait3A_145 = tpu.memref_slice %arg2[%dma_wait3A_143, %dma_wait3A_144] : memref<2880x201088xf32, #tpu.memory_space<hbm>> -> memref<2x6272xf32, #tpu.memory_space<hbm>>
      %dma_wait3A_146 = arith.constant 0 : i32
      %dma_wait3A_147 = arith.constant 6272 : i32
      %dma_wait3A_148 = tpu.memref_slice %arg10[%dma_wait3A_146, %dma_wait3A_147] : memref<2x12928xf32, #tpu.memory_space<vmem>> -> memref<2x6272xf32, #tpu.memory_space<vmem>>
      %dma_wait3A_149 = arith.constant 0 : i32
      %dma_wait3A_150 = arith.constant 6272 : i32
      %dma_wait3A_151 = tpu.memref_slice %arg2[%dma_wait3A_149, %dma_wait3A_150] : memref<2880x201088xf32, #tpu.memory_space<hbm>> -> memref<2x6272xf32, #tpu.memory_space<hbm>>
      tpu.wait_dma2 semaphore(%arg13 : memref<!tpu.dma_semaphore, #tpu.memory_space<semaphore_mem>>) src(%dma_wait3A_151 : memref<2x6272xf32, #tpu.memory_space<hbm>>) dst(%dma_wait3A_148 : memref<2x6272xf32, #tpu.memory_space<vmem>>)
      %mul3A_152 = arith.constant 2 : i32
      %mul3A_153 = arith.muli %mul3A_152, %scan3A_127 : i32
      %add3A_154 = arith.addi %mul3A_2, %mul3A_153 : i32
      %dma_start3A_155 = arith.constant 0 : i32
      %dma_start3A_156 = arith.constant 0 : i32
      %dma_start3A_157 = tpu.memref_slice %arg11[%dma_start3A_155, %dma_start3A_156] : memref<2x12928xf32, #tpu.memory_space<vmem>> -> memref<2x6272xf32, #tpu.memory_space<vmem>>
      %dma_start3A_158 = arith.constant 12544 : i32
      %dma_start3A_159 = tpu.memref_slice %arg2[%add3A_154, %dma_start3A_158] : memref<2880x201088xf32, #tpu.memory_space<hbm>> -> memref<2x6272xf32, #tpu.memory_space<hbm>>
      %dma_start3A_160 = arith.constant 0 : i32
      %dma_start3A_161 = arith.constant 0 : i32
      %dma_start3A_162 = tpu.memref_slice %arg11[%dma_start3A_160, %dma_start3A_161] : memref<2x12928xf32, #tpu.memory_space<vmem>> -> memref<2x6272xf32, #tpu.memory_space<vmem>>
      %dma_start3A_163 = arith.constant 12544 : i32
      %dma_start3A_164 = tpu.memref_slice %arg2[%add3A_154, %dma_start3A_163] : memref<2880x201088xf32, #tpu.memory_space<hbm>> -> memref<2x6272xf32, #tpu.memory_space<hbm>>
      tpu.enqueue_dma source(%dma_start3A_164 : memref<2x6272xf32, #tpu.memory_space<hbm>>) target(%dma_start3A_162 : memref<2x6272xf32, #tpu.memory_space<vmem>>) target_semaphore(%arg14 : memref<!tpu.dma_semaphore, #tpu.memory_space<semaphore_mem>>)
      %dma_start3A_165 = arith.constant 0 : i32
      %dma_start3A_166 = arith.constant 6272 : i32
      %dma_start3A_167 = tpu.memref_slice %arg11[%dma_start3A_165, %dma_start3A_166] : memref<2x12928xf32, #tpu.memory_space<vmem>> -> memref<2x6272xf32, #tpu.memory_space<vmem>>
      %dma_start3A_168 = arith.constant 18816 : i32
      %dma_start3A_169 = tpu.memref_slice %arg2[%add3A_154, %dma_start3A_168] : memref<2880x201088xf32, #tpu.memory_space<hbm>> -> memref<2x6272xf32, #tpu.memory_space<hbm>>
      %dma_start3A_170 = arith.constant 0 : i32
      %dma_start3A_171 = arith.constant 6272 : i32
      %dma_start3A_172 = tpu.memref_slice %arg11[%dma_start3A_170, %dma_start3A_171] : memref<2x12928xf32, #tpu.memory_space<vmem>> -> memref<2x6272xf32, #tpu.memory_space<vmem>>
      %dma_start3A_173 = arith.constant 18816 : i32
      %dma_start3A_174 = tpu.memref_slice %arg2[%add3A_154, %dma_start3A_173] : memref<2880x201088xf32, #tpu.memory_space<hbm>> -> memref<2x6272xf32, #tpu.memory_space<hbm>>
      tpu.enqueue_dma source(%dma_start3A_174 : memref<2x6272xf32, #tpu.memory_space<hbm>>) target(%dma_start3A_172 : memref<2x6272xf32, #tpu.memory_space<vmem>>) target_semaphore(%arg14 : memref<!tpu.dma_semaphore, #tpu.memory_space<semaphore_mem>>)
      %gt3A = arith.constant 0 : i32
      %gt3A_175 = arith.cmpi sgt, %scan3A_127, %gt3A : i32
      %convert_element_type3A = arith.extui %gt3A_175 : i1 to i32
      %cond3A = arith.constant 0 : i32
      %cond3A_176 = arith.cmpi ne, %convert_element_type3A, %cond3A : i32
      scf.if %cond3A_176 {
        %dma_wait3A_1280 = arith.constant 0 : i32
        %dma_wait3A_1281 = arith.constant 0 : i32
        %dma_wait3A_1282 = tpu.memref_slice %arg12[%dma_wait3A_1280, %dma_wait3A_1281] : memref<2x16384xf32, #tpu.memory_space<vmem>> -> memref<1x4096xf32, #tpu.memory_space<vmem>>
        %dma_wait3A_1283 = arith.constant 0 : i32
        %dma_wait3A_1284 = arith.constant 0 : i32
        %dma_wait3A_1285 = tpu.memref_slice %arg6[%dma_wait3A_1283, %dma_wait3A_1284] : memref<11520x4096xf32, #tpu.memory_space<hbm>> -> memref<1x4096xf32, #tpu.memory_space<hbm>>
        %dma_wait3A_1286 = arith.constant 0 : i32
        %dma_wait3A_1287 = arith.constant 0 : i32
        %dma_wait3A_1288 = tpu.memref_slice %arg6[%dma_wait3A_1286, %dma_wait3A_1287] : memref<11520x4096xf32, #tpu.memory_space<hbm>> -> memref<1x4096xf32, #tpu.memory_space<hbm>>
        %dma_wait3A_1289 = arith.constant 0 : i32
        %dma_wait3A_1290 = arith.constant 0 : i32
        %dma_wait3A_1291 = tpu.memref_slice %arg12[%dma_wait3A_1289, %dma_wait3A_1290] : memref<2x16384xf32, #tpu.memory_space<vmem>> -> memref<1x4096xf32, #tpu.memory_space<vmem>>
        tpu.wait_dma2 semaphore(%arg15 : memref<!tpu.dma_semaphore, #tpu.memory_space<semaphore_mem>>) src(%dma_wait3A_1291 : memref<1x4096xf32, #tpu.memory_space<vmem>>) dst(%dma_wait3A_1288 : memref<1x4096xf32, #tpu.memory_space<hbm>>)
        %dma_wait3A_1292 = arith.constant 0 : i32
        %dma_wait3A_1293 = arith.constant 0 : i32
        %dma_wait3A_1294 = tpu.memref_slice %arg12[%dma_wait3A_1292, %dma_wait3A_1293] : memref<2x16384xf32, #tpu.memory_space<vmem>> -> memref<1x4096xf32, #tpu.memory_space<vmem>>
        %dma_wait3A_1295 = arith.constant 0 : i32
        %dma_wait3A_1296 = arith.constant 0 : i32
        %dma_wait3A_1297 = tpu.memref_slice %arg6[%dma_wait3A_1295, %dma_wait3A_1296] : memref<11520x4096xf32, #tpu.memory_space<hbm>> -> memref<1x4096xf32, #tpu.memory_space<hbm>>
        %dma_wait3A_1298 = arith.constant 0 : i32
        %dma_wait3A_1299 = arith.constant 0 : i32
        %dma_wait3A_1300 = tpu.memref_slice %arg6[%dma_wait3A_1298, %dma_wait3A_1299] : memref<11520x4096xf32, #tpu.memory_space<hbm>> -> memref<1x4096xf32, #tpu.memory_space<hbm>>
        %dma_wait3A_1301 = arith.constant 0 : i32
        %dma_wait3A_1302 = arith.constant 0 : i32
        %dma_wait3A_1303 = tpu.memref_slice %arg12[%dma_wait3A_1301, %dma_wait3A_1302] : memref<2x16384xf32, #tpu.memory_space<vmem>> -> memref<1x4096xf32, #tpu.memory_space<vmem>>
        tpu.wait_dma2 semaphore(%arg15 : memref<!tpu.dma_semaphore, #tpu.memory_space<semaphore_mem>>) src(%dma_wait3A_1303 : memref<1x4096xf32, #tpu.memory_space<vmem>>) dst(%dma_wait3A_1300 : memref<1x4096xf32, #tpu.memory_space<hbm>>)
        %dma_wait3A_1304 = arith.constant 0 : i32
        %dma_wait3A_1305 = arith.constant 0 : i32
        %dma_wait3A_1306 = tpu.memref_slice %arg12[%dma_wait3A_1304, %dma_wait3A_1305] : memref<2x16384xf32, #tpu.memory_space<vmem>> -> memref<1x4096xf32, #tpu.memory_space<vmem>>
        %dma_wait3A_1307 = arith.constant 0 : i32
        %dma_wait3A_1308 = arith.constant 0 : i32
        %dma_wait3A_1309 = tpu.memref_slice %arg6[%dma_wait3A_1307, %dma_wait3A_1308] : memref<11520x4096xf32, #tpu.memory_space<hbm>> -> memref<1x4096xf32, #tpu.memory_space<hbm>>
        %dma_wait3A_1310 = arith.constant 0 : i32
        %dma_wait3A_1311 = arith.constant 0 : i32
        %dma_wait3A_1312 = tpu.memref_slice %arg6[%dma_wait3A_1310, %dma_wait3A_1311] : memref<11520x4096xf32, #tpu.memory_space<hbm>> -> memref<1x4096xf32, #tpu.memory_space<hbm>>
        %dma_wait3A_1313 = arith.constant 0 : i32
        %dma_wait3A_1314 = arith.constant 0 : i32
        %dma_wait3A_1315 = tpu.memref_slice %arg12[%dma_wait3A_1313, %dma_wait3A_1314] : memref<2x16384xf32, #tpu.memory_space<vmem>> -> memref<1x4096xf32, #tpu.memory_space<vmem>>
        tpu.wait_dma2 semaphore(%arg15 : memref<!tpu.dma_semaphore, #tpu.memory_space<semaphore_mem>>) src(%dma_wait3A_1315 : memref<1x4096xf32, #tpu.memory_space<vmem>>) dst(%dma_wait3A_1312 : memref<1x4096xf32, #tpu.memory_space<hbm>>)
        %dma_wait3A_1316 = arith.constant 0 : i32
        %dma_wait3A_1317 = arith.constant 0 : i32
        %dma_wait3A_1318 = tpu.memref_slice %arg12[%dma_wait3A_1316, %dma_wait3A_1317] : memref<2x16384xf32, #tpu.memory_space<vmem>> -> memref<1x4096xf32, #tpu.memory_space<vmem>>
        %dma_wait3A_1319 = arith.constant 0 : i32
        %dma_wait3A_1320 = arith.constant 0 : i32
        %dma_wait3A_1321 = tpu.memref_slice %arg6[%dma_wait3A_1319, %dma_wait3A_1320] : memref<11520x4096xf32, #tpu.memory_space<hbm>> -> memref<1x4096xf32, #tpu.memory_space<hbm>>
        %dma_wait3A_1322 = arith.constant 0 : i32
        %dma_wait3A_1323 = arith.constant 0 : i32
        %dma_wait3A_1324 = tpu.memref_slice %arg6[%dma_wait3A_1322, %dma_wait3A_1323] : memref<11520x4096xf32, #tpu.memory_space<hbm>> -> memref<1x4096xf32, #tpu.memory_space<hbm>>
        %dma_wait3A_1325 = arith.constant 0 : i32
        %dma_wait3A_1326 = arith.constant 0 : i32
        %dma_wait3A_1327 = tpu.memref_slice %arg12[%dma_wait3A_1325, %dma_wait3A_1326] : memref<2x16384xf32, #tpu.memory_space<vmem>> -> memref<1x4096xf32, #tpu.memory_space<vmem>>
        tpu.wait_dma2 semaphore(%arg15 : memref<!tpu.dma_semaphore, #tpu.memory_space<semaphore_mem>>) src(%dma_wait3A_1327 : memref<1x4096xf32, #tpu.memory_space<vmem>>) dst(%dma_wait3A_1324 : memref<1x4096xf32, #tpu.memory_space<hbm>>)
        %dma_wait3A_1328 = arith.constant 0 : i32
        %dma_wait3A_1329 = arith.constant 0 : i32
        %dma_wait3A_1330 = tpu.memref_slice %arg12[%dma_wait3A_1328, %dma_wait3A_1329] : memref<2x16384xf32, #tpu.memory_space<vmem>> -> memref<1x4096xf32, #tpu.memory_space<vmem>>
        %dma_wait3A_1331 = arith.constant 0 : i32
        %dma_wait3A_1332 = arith.constant 0 : i32
        %dma_wait3A_1333 = tpu.memref_slice %arg6[%dma_wait3A_1331, %dma_wait3A_1332] : memref<11520x4096xf32, #tpu.memory_space<hbm>> -> memref<1x4096xf32, #tpu.memory_space<hbm>>
        %dma_wait3A_1334 = arith.constant 0 : i32
        %dma_wait3A_1335 = arith.constant 0 : i32
        %dma_wait3A_1336 = tpu.memref_slice %arg6[%dma_wait3A_1334, %dma_wait3A_1335] : memref<11520x4096xf32, #tpu.memory_space<hbm>> -> memref<1x4096xf32, #tpu.memory_space<hbm>>
        %dma_wait3A_1337 = arith.constant 0 : i32
        %dma_wait3A_1338 = arith.constant 0 : i32
        %dma_wait3A_1339 = tpu.memref_slice %arg12[%dma_wait3A_1337, %dma_wait3A_1338] : memref<2x16384xf32, #tpu.memory_space<vmem>> -> memref<1x4096xf32, #tpu.memory_space<vmem>>
        tpu.wait_dma2 semaphore(%arg15 : memref<!tpu.dma_semaphore, #tpu.memory_space<semaphore_mem>>) src(%dma_wait3A_1339 : memref<1x4096xf32, #tpu.memory_space<vmem>>) dst(%dma_wait3A_1336 : memref<1x4096xf32, #tpu.memory_space<hbm>>)
        %dma_wait3A_1340 = arith.constant 0 : i32
        %dma_wait3A_1341 = arith.constant 0 : i32
        %dma_wait3A_1342 = tpu.memref_slice %arg12[%dma_wait3A_1340, %dma_wait3A_1341] : memref<2x16384xf32, #tpu.memory_space<vmem>> -> memref<1x4096xf32, #tpu.memory_space<vmem>>
        %dma_wait3A_1343 = arith.constant 0 : i32
        %dma_wait3A_1344 = arith.constant 0 : i32
        %dma_wait3A_1345 = tpu.memref_slice %arg6[%dma_wait3A_1343, %dma_wait3A_1344] : memref<11520x4096xf32, #tpu.memory_space<hbm>> -> memref<1x4096xf32, #tpu.memory_space<hbm>>
        %dma_wait3A_1346 = arith.constant 0 : i32
        %dma_wait3A_1347 = arith.constant 0 : i32
        %dma_wait3A_1348 = tpu.memref_slice %arg6[%dma_wait3A_1346, %dma_wait3A_1347] : memref<11520x4096xf32, #tpu.memory_space<hbm>> -> memref<1x4096xf32, #tpu.memory_space<hbm>>
        %dma_wait3A_1349 = arith.constant 0 : i32
        %dma_wait3A_1350 = arith.constant 0 : i32
        %dma_wait3A_1351 = tpu.memref_slice %arg12[%dma_wait3A_1349, %dma_wait3A_1350] : memref<2x16384xf32, #tpu.memory_space<vmem>> -> memref<1x4096xf32, #tpu.memory_space<vmem>>
        tpu.wait_dma2 semaphore(%arg15 : memref<!tpu.dma_semaphore, #tpu.memory_space<semaphore_mem>>) src(%dma_wait3A_1351 : memref<1x4096xf32, #tpu.memory_space<vmem>>) dst(%dma_wait3A_1348 : memref<1x4096xf32, #tpu.memory_space<hbm>>)
        %dma_wait3A_1352 = arith.constant 0 : i32
        %dma_wait3A_1353 = arith.constant 0 : i32
        %dma_wait3A_1354 = tpu.memref_slice %arg12[%dma_wait3A_1352, %dma_wait3A_1353] : memref<2x16384xf32, #tpu.memory_space<vmem>> -> memref<1x4096xf32, #tpu.memory_space<vmem>>
        %dma_wait3A_1355 = arith.constant 0 : i32
        %dma_wait3A_1356 = arith.constant 0 : i32
        %dma_wait3A_1357 = tpu.memref_slice %arg6[%dma_wait3A_1355, %dma_wait3A_1356] : memref<11520x4096xf32, #tpu.memory_space<hbm>> -> memref<1x4096xf32, #tpu.memory_space<hbm>>
        %dma_wait3A_1358 = arith.constant 0 : i32
        %dma_wait3A_1359 = arith.constant 0 : i32
        %dma_wait3A_1360 = tpu.memref_slice %arg6[%dma_wait3A_1358, %dma_wait3A_1359] : memref<11520x4096xf32, #tpu.memory_space<hbm>> -> memref<1x4096xf32, #tpu.memory_space<hbm>>
        %dma_wait3A_1361 = arith.constant 0 : i32
        %dma_wait3A_1362 = arith.constant 0 : i32
        %dma_wait3A_1363 = tpu.memref_slice %arg12[%dma_wait3A_1361, %dma_wait3A_1362] : memref<2x16384xf32, #tpu.memory_space<vmem>> -> memref<1x4096xf32, #tpu.memory_space<vmem>>
        tpu.wait_dma2 semaphore(%arg15 : memref<!tpu.dma_semaphore, #tpu.memory_space<semaphore_mem>>) src(%dma_wait3A_1363 : memref<1x4096xf32, #tpu.memory_space<vmem>>) dst(%dma_wait3A_1360 : memref<1x4096xf32, #tpu.memory_space<hbm>>)
        %dma_wait3A_1364 = arith.constant 0 : i32
        %dma_wait3A_1365 = arith.constant 0 : i32
        %dma_wait3A_1366 = tpu.memref_slice %arg12[%dma_wait3A_1364, %dma_wait3A_1365] : memref<2x16384xf32, #tpu.memory_space<vmem>> -> memref<1x4096xf32, #tpu.memory_space<vmem>>
        %dma_wait3A_1367 = arith.constant 0 : i32
        %dma_wait3A_1368 = arith.constant 0 : i32
        %dma_wait3A_1369 = tpu.memref_slice %arg6[%dma_wait3A_1367, %dma_wait3A_1368] : memref<11520x4096xf32, #tpu.memory_space<hbm>> -> memref<1x4096xf32, #tpu.memory_space<hbm>>
        %dma_wait3A_1370 = arith.constant 0 : i32
        %dma_wait3A_1371 = arith.constant 0 : i32
        %dma_wait3A_1372 = tpu.memref_slice %arg6[%dma_wait3A_1370, %dma_wait3A_1371] : memref<11520x4096xf32, #tpu.memory_space<hbm>> -> memref<1x4096xf32, #tpu.memory_space<hbm>>
        %dma_wait3A_1373 = arith.constant 0 : i32
        %dma_wait3A_1374 = arith.constant 0 : i32
        %dma_wait3A_1375 = tpu.memref_slice %arg12[%dma_wait3A_1373, %dma_wait3A_1374] : memref<2x16384xf32, #tpu.memory_space<vmem>> -> memref<1x4096xf32, #tpu.memory_space<vmem>>
        tpu.wait_dma2 semaphore(%arg15 : memref<!tpu.dma_semaphore, #tpu.memory_space<semaphore_mem>>) src(%dma_wait3A_1375 : memref<1x4096xf32, #tpu.memory_space<vmem>>) dst(%dma_wait3A_1372 : memref<1x4096xf32, #tpu.memory_space<hbm>>)
      } else {
      }
      %slice3A = vector.extract_strided_slice %get3A_3 {offsets = [0], sizes = [1], strides = [1]} : vector<16xi32> to vector<1xi32>
      %squeeze3A = vector.extract %slice3A[0] : i32 from vector<1xi32>
      %shift_right_arithmetic3A = arith.constant 4 : i32
      %shift_right_arithmetic3A_177 = arith.shrsi %squeeze3A, %shift_right_arithmetic3A : i32
      %slice3A_178 = vector.extract_strided_slice %get3A_3 {offsets = [1], sizes = [1], strides = [1]} : vector<16xi32> to vector<1xi32>
      %squeeze3A_179 = vector.extract %slice3A_178[0] : i32 from vector<1xi32>
      %add3A_180 = arith.constant 15 : i32
      %add3A_181 = arith.addi %squeeze3A_179, %add3A_180 : i32
      %shift_right_arithmetic3A_182 = arith.constant 4 : i32
      %shift_right_arithmetic3A_183 = arith.shrsi %add3A_181, %shift_right_arithmetic3A_182 : i32
      %while3A = arith.constant 0 : i32
      %while3A_184 = arith.subi %shift_right_arithmetic3A_183, %shift_right_arithmetic3A_177 : i32
      %while3A_185 = arith.addi %shift_right_arithmetic3A_177, %while3A_184 : i32
      %while3A_186 = arith.constant 1 : i32
      %while3A_187 = arith.divsi %while3A_184, %while3A_186 : i32
      %while3A_188 = arith.muli %while3A_187, %while3A_186 : i32
      %while3A_189 = arith.addi %shift_right_arithmetic3A_177, %while3A_188 : i32
      %while3A_190 = arith.constant 1 : i32
      scf.for %while3A_1280 = %shift_right_arithmetic3A_177 to %while3A_189 step %while3A_190  : i32 {
        %mul3A_1281 = arith.constant 16 : i32
        %mul3A_1282 = arith.muli %while3A_1280, %mul3A_1281 : i32
        %get3A_1283 = arith.index_cast %mul3A_1282 : i32 to index
        %get3A_1284 = tpu.vector_load %arg7[%get3A_1283] {strides = array<i32>} : memref<16384xi32, #tpu.memory_space<vmem>>, vector<16xi32>,
        %mul3A_1285 = arith.constant 16 : i32
        %mul3A_1286 = arith.muli %while3A_1280, %mul3A_1285 : i32
        %get3A_1287 = arith.index_cast %mul3A_1286 : i32 to index
        %get3A_1288 = tpu.vector_load %arg8[%get3A_1287] {strides = array<i32>} : memref<16384xi32, #tpu.memory_space<vmem>>, vector<16xi32>,
        %sub3A = arith.constant 0 : i32
        %sub3A_1289 = vector.broadcast %sub3A : i32 to vector<16xi32>
        %sub3A_1290 = arith.subi %get3A_1284, %sub3A_1289 : vector<16xi32>
        %max3A = arith.constant 0 : i32
        %max3A_1291 = vector.broadcast %max3A : i32 to vector<16xi32>
        %max3A_1292 = arith.maxsi %sub3A_1290, %max3A_1291 : vector<16xi32>
        %min3A = arith.constant 12543 : i32
        %min3A_1293 = vector.broadcast %min3A : i32 to vector<16xi32>
        %min3A_1294 = arith.minsi %max3A_1292, %min3A_1293 : vector<16xi32>
        %ge3A = arith.constant 0 : i32
        %ge3A_1295 = vector.broadcast %ge3A : i32 to vector<16xi32>
        %ge3A_1296 = arith.cmpi sge, %get3A_1284, %ge3A_1295 : vector<16xi32>
        %broadcast_in_dim3A = arith.constant 0 : i32
        %broadcast_in_dim3A_1297 = vector.broadcast %broadcast_in_dim3A : i32 to vector<16xi32>
        %gather3A = tpu.vector_load_idx %arg10[%broadcast_in_dim3A_1297, %min3A_1294] : memref<2x12928xf32, #tpu.memory_space<vmem>>[vector<16xi32>, vector<16xi32>], vector<16xf32>,
        tpu.vector_store_idx %arg12[%broadcast_in_dim3A_1297, %get3A_1288], %gather3A : memref<2x16384xf32, #tpu.memory_space<vmem>>[vector<16xi32>, vector<16xi32>], vector<16xf32>,
        %broadcast_in_dim3A_1298 = arith.constant 1 : i32
        %broadcast_in_dim3A_1299 = vector.broadcast %broadcast_in_dim3A_1298 : i32 to vector<16xi32>
        %gather3A_1300 = tpu.vector_load_idx %arg10[%broadcast_in_dim3A_1299, %min3A_1294] : memref<2x12928xf32, #tpu.memory_space<vmem>>[vector<16xi32>, vector<16xi32>], vector<16xf32>,
        tpu.vector_store_idx %arg12[%broadcast_in_dim3A_1299, %get3A_1288], %gather3A_1300 : memref<2x16384xf32, #tpu.memory_space<vmem>>[vector<16xi32>, vector<16xi32>], vector<16xf32>,
      }
      %while3A_191 = arith.constant 1 : i32
      scf.for %while3A_1280 = %while3A_189 to %while3A_185 step %while3A_191  : i32 {
        %mul3A_1281 = arith.constant 16 : i32
        %mul3A_1282 = arith.muli %while3A_1280, %mul3A_1281 : i32
        %get3A_1283 = arith.index_cast %mul3A_1282 : i32 to index
        %get3A_1284 = tpu.vector_load %arg7[%get3A_1283] {strides = array<i32>} : memref<16384xi32, #tpu.memory_space<vmem>>, vector<16xi32>,
        %mul3A_1285 = arith.constant 16 : i32
        %mul3A_1286 = arith.muli %while3A_1280, %mul3A_1285 : i32
        %get3A_1287 = arith.index_cast %mul3A_1286 : i32 to index
        %get3A_1288 = tpu.vector_load %arg8[%get3A_1287] {strides = array<i32>} : memref<16384xi32, #tpu.memory_space<vmem>>, vector<16xi32>,
        %sub3A = arith.constant 0 : i32
        %sub3A_1289 = vector.broadcast %sub3A : i32 to vector<16xi32>
        %sub3A_1290 = arith.subi %get3A_1284, %sub3A_1289 : vector<16xi32>
        %max3A = arith.constant 0 : i32
        %max3A_1291 = vector.broadcast %max3A : i32 to vector<16xi32>
        %max3A_1292 = arith.maxsi %sub3A_1290, %max3A_1291 : vector<16xi32>
        %min3A = arith.constant 12543 : i32
        %min3A_1293 = vector.broadcast %min3A : i32 to vector<16xi32>
        %min3A_1294 = arith.minsi %max3A_1292, %min3A_1293 : vector<16xi32>
        %ge3A = arith.constant 0 : i32
        %ge3A_1295 = vector.broadcast %ge3A : i32 to vector<16xi32>
        %ge3A_1296 = arith.cmpi sge, %get3A_1284, %ge3A_1295 : vector<16xi32>
        %broadcast_in_dim3A = arith.constant 0 : i32
        %broadcast_in_dim3A_1297 = vector.broadcast %broadcast_in_dim3A : i32 to vector<16xi32>
        %gather3A = tpu.vector_load_idx %arg10[%broadcast_in_dim3A_1297, %min3A_1294] : memref<2x12928xf32, #tpu.memory_space<vmem>>[vector<16xi32>, vector<16xi32>], vector<16xf32>,
        tpu.vector_store_idx %arg12[%broadcast_in_dim3A_1297, %get3A_1288], %gather3A : memref<2x16384xf32, #tpu.memory_space<vmem>>[vector<16xi32>, vector<16xi32>], vector<16xf32>,
        %broadcast_in_dim3A_1298 = arith.constant 1 : i32
        %broadcast_in_dim3A_1299 = vector.broadcast %broadcast_in_dim3A_1298 : i32 to vector<16xi32>
        %gather3A_1300 = tpu.vector_load_idx %arg10[%broadcast_in_dim3A_1299, %min3A_1294] : memref<2x12928xf32, #tpu.memory_space<vmem>>[vector<16xi32>, vector<16xi32>], vector<16xf32>,
        tpu.vector_store_idx %arg12[%broadcast_in_dim3A_1299, %get3A_1288], %gather3A_1300 : memref<2x16384xf32, #tpu.memory_space<vmem>>[vector<16xi32>, vector<16xi32>], vector<16xf32>,
      }
      %dma_wait3A_192 = arith.constant 0 : i32
      %dma_wait3A_193 = arith.constant 0 : i32
      %dma_wait3A_194 = tpu.memref_slice %arg11[%dma_wait3A_192, %dma_wait3A_193] : memref<2x12928xf32, #tpu.memory_space<vmem>> -> memref<2x6272xf32, #tpu.memory_space<vmem>>
      %dma_wait3A_195 = arith.constant 0 : i32
      %dma_wait3A_196 = arith.constant 0 : i32
      %dma_wait3A_197 = tpu.memref_slice %arg2[%dma_wait3A_195, %dma_wait3A_196] : memref<2880x201088xf32, #tpu.memory_space<hbm>> -> memref<2x6272xf32, #tpu.memory_space<hbm>>
      %dma_wait3A_198 = arith.constant 0 : i32
      %dma_wait3A_199 = arith.constant 0 : i32
      %dma_wait3A_200 = tpu.memref_slice %arg11[%dma_wait3A_198, %dma_wait3A_199] : memref<2x12928xf32, #tpu.memory_space<vmem>> -> memref<2x6272xf32, #tpu.memory_space<vmem>>
      %dma_wait3A_201 = arith.constant 0 : i32
      %dma_wait3A_202 = arith.constant 0 : i32
      %dma_wait3A_203 = tpu.memref_slice %arg2[%dma_wait3A_201, %dma_wait3A_202] : memref<2880x201088xf32, #tpu.memory_space<hbm>> -> memref<2x6272xf32, #tpu.memory_space<hbm>>
      tpu.wait_dma2 semaphore(%arg14 : memref<!tpu.dma_semaphore, #tpu.memory_space<semaphore_mem>>) src(%dma_wait3A_203 : memref<2x6272xf32, #tpu.memory_space<hbm>>) dst(%dma_wait3A_200 : memref<2x6272xf32, #tpu.memory_space<vmem>>)
      %dma_wait3A_204 = arith.constant 0 : i32
      %dma_wait3A_205 = arith.constant 6272 : i32
      %dma_wait3A_206 = tpu.memref_slice %arg11[%dma_wait3A_204, %dma_wait3A_205] : memref<2x12928xf32, #tpu.memory_space<vmem>> -> memref<2x6272xf32, #tpu.memory_space<vmem>>
      %dma_wait3A_207 = arith.constant 0 : i32
      %dma_wait3A_208 = arith.constant 6272 : i32
      %dma_wait3A_209 = tpu.memref_slice %arg2[%dma_wait3A_207, %dma_wait3A_208] : memref<2880x201088xf32, #tpu.memory_space<hbm>> -> memref<2x6272xf32, #tpu.memory_space<hbm>>
      %dma_wait3A_210 = arith.constant 0 : i32
      %dma_wait3A_211 = arith.constant 6272 : i32
      %dma_wait3A_212 = tpu.memref_slice %arg11[%dma_wait3A_210, %dma_wait3A_211] : memref<2x12928xf32, #tpu.memory_space<vmem>> -> memref<2x6272xf32, #tpu.memory_space<vmem>>
      %dma_wait3A_213 = arith.constant 0 : i32
      %dma_wait3A_214 = arith.constant 6272 : i32
      %dma_wait3A_215 = tpu.memref_slice %arg2[%dma_wait3A_213, %dma_wait3A_214] : memref<2880x201088xf32, #tpu.memory_space<hbm>> -> memref<2x6272xf32, #tpu.memory_space<hbm>>
      tpu.wait_dma2 semaphore(%arg14 : memref<!tpu.dma_semaphore, #tpu.memory_space<semaphore_mem>>) src(%dma_wait3A_215 : memref<2x6272xf32, #tpu.memory_space<hbm>>) dst(%dma_wait3A_212 : memref<2x6272xf32, #tpu.memory_space<vmem>>)
      %mul3A_216 = arith.constant 2 : i32
      %mul3A_217 = arith.muli %mul3A_216, %scan3A_127 : i32
      %add3A_218 = arith.addi %mul3A_2, %mul3A_217 : i32
      %dma_start3A_219 = arith.constant 0 : i32
      %dma_start3A_220 = arith.constant 0 : i32
      %dma_start3A_221 = tpu.memref_slice %arg10[%dma_start3A_219, %dma_start3A_220] : memref<2x12928xf32, #tpu.memory_space<vmem>> -> memref<2x6272xf32, #tpu.memory_space<vmem>>
      %dma_start3A_222 = arith.constant 25088 : i32
      %dma_start3A_223 = tpu.memref_slice %arg2[%add3A_218, %dma_start3A_222] : memref<2880x201088xf32, #tpu.memory_space<hbm>> -> memref<2x6272xf32, #tpu.memory_space<hbm>>
      %dma_start3A_224 = arith.constant 0 : i32
      %dma_start3A_225 = arith.constant 0 : i32
      %dma_start3A_226 = tpu.memref_slice %arg10[%dma_start3A_224, %dma_start3A_225] : memref<2x12928xf32, #tpu.memory_space<vmem>> -> memref<2x6272xf32, #tpu.memory_space<vmem>>
      %dma_start3A_227 = arith.constant 25088 : i32
      %dma_start3A_228 = tpu.memref_slice %arg2[%add3A_218, %dma_start3A_227] : memref<2880x201088xf32, #tpu.memory_space<hbm>> -> memref<2x6272xf32, #tpu.memory_space<hbm>>
      tpu.enqueue_dma source(%dma_start3A_228 : memref<2x6272xf32, #tpu.memory_space<hbm>>) target(%dma_start3A_226 : memref<2x6272xf32, #tpu.memory_space<vmem>>) target_semaphore(%arg13 : memref<!tpu.dma_semaphore, #tpu.memory_space<semaphore_mem>>)
      %dma_start3A_229 = arith.constant 0 : i32
      %dma_start3A_230 = arith.constant 6272 : i32
      %dma_start3A_231 = tpu.memref_slice %arg10[%dma_start3A_229, %dma_start3A_230] : memref<2x12928xf32, #tpu.memory_space<vmem>> -> memref<2x6272xf32, #tpu.memory_space<vmem>>
      %dma_start3A_232 = arith.constant 31360 : i32
      %dma_start3A_233 = tpu.memref_slice %arg2[%add3A_218, %dma_start3A_232] : memref<2880x201088xf32, #tpu.memory_space<hbm>> -> memref<2x6272xf32, #tpu.memory_space<hbm>>
      %dma_start3A_234 = arith.constant 0 : i32
      %dma_start3A_235 = arith.constant 6272 : i32
      %dma_start3A_236 = tpu.memref_slice %arg10[%dma_start3A_234, %dma_start3A_235] : memref<2x12928xf32, #tpu.memory_space<vmem>> -> memref<2x6272xf32, #tpu.memory_space<vmem>>
      %dma_start3A_237 = arith.constant 31360 : i32
      %dma_start3A_238 = tpu.memref_slice %arg2[%add3A_218, %dma_start3A_237] : memref<2880x201088xf32, #tpu.memory_space<hbm>> -> memref<2x6272xf32, #tpu.memory_space<hbm>>
      tpu.enqueue_dma source(%dma_start3A_238 : memref<2x6272xf32, #tpu.memory_space<hbm>>) target(%dma_start3A_236 : memref<2x6272xf32, #tpu.memory_space<vmem>>) target_semaphore(%arg13 : memref<!tpu.dma_semaphore, #tpu.memory_space<semaphore_mem>>)
      %slice3A_239 = vector.extract_strided_slice %get3A_3 {offsets = [1], sizes = [1], strides = [1]} : vector<16xi32> to vector<1xi32>
      %squeeze3A_240 = vector.extract %slice3A_239[0] : i32 from vector<1xi32>
      %shift_right_arithmetic3A_241 = arith.constant 4 : i32
      %shift_right_arithmetic3A_242 = arith.shrsi %squeeze3A_240, %shift_right_arithmetic3A_241 : i32
      %slice3A_243 = vector.extract_strided_slice %get3A_3 {offsets = [2], sizes = [1], strides = [1]} : vector<16xi32> to vector<1xi32>
      %squeeze3A_244 = vector.extract %slice3A_243[0] : i32 from vector<1xi32>
      %add3A_245 = arith.constant 15 : i32
      %add3A_246 = arith.addi %squeeze3A_244, %add3A_245 : i32
      %shift_right_arithmetic3A_247 = arith.constant 4 : i32
      %shift_right_arithmetic3A_248 = arith.shrsi %add3A_246, %shift_right_arithmetic3A_247 : i32
      %while3A_249 = arith.constant 0 : i32
      %while3A_250 = arith.subi %shift_right_arithmetic3A_248, %shift_right_arithmetic3A_242 : i32
      %while3A_251 = arith.addi %shift_right_arithmetic3A_242, %while3A_250 : i32
      %while3A_252 = arith.constant 1 : i32
      %while3A_253 = arith.divsi %while3A_250, %while3A_252 : i32
      %while3A_254 = arith.muli %while3A_253, %while3A_252 : i32
      %while3A_255 = arith.addi %shift_right_arithmetic3A_242, %while3A_254 : i32
      %while3A_256 = arith.constant 1 : i32
      scf.for %while3A_1280 = %shift_right_arithmetic3A_242 to %while3A_255 step %while3A_256  : i32 {
        %mul3A_1281 = arith.constant 16 : i32
        %mul3A_1282 = arith.muli %while3A_1280, %mul3A_1281 : i32
        %get3A_1283 = arith.index_cast %mul3A_1282 : i32 to index
        %get3A_1284 = tpu.vector_load %arg7[%get3A_1283] {strides = array<i32>} : memref<16384xi32, #tpu.memory_space<vmem>>, vector<16xi32>,
        %mul3A_1285 = arith.constant 16 : i32
        %mul3A_1286 = arith.muli %while3A_1280, %mul3A_1285 : i32
        %get3A_1287 = arith.index_cast %mul3A_1286 : i32 to index
        %get3A_1288 = tpu.vector_load %arg8[%get3A_1287] {strides = array<i32>} : memref<16384xi32, #tpu.memory_space<vmem>>, vector<16xi32>,
        %sub3A = arith.constant 12544 : i32
        %sub3A_1289 = vector.broadcast %sub3A : i32 to vector<16xi32>
        %sub3A_1290 = arith.subi %get3A_1284, %sub3A_1289 : vector<16xi32>
        %max3A = arith.constant 0 : i32
        %max3A_1291 = vector.broadcast %max3A : i32 to vector<16xi32>
        %max3A_1292 = arith.maxsi %sub3A_1290, %max3A_1291 : vector<16xi32>
        %min3A = arith.constant 12543 : i32
        %min3A_1293 = vector.broadcast %min3A : i32 to vector<16xi32>
        %min3A_1294 = arith.minsi %max3A_1292, %min3A_1293 : vector<16xi32>
        %ge3A = arith.constant 12544 : i32
        %ge3A_1295 = vector.broadcast %ge3A : i32 to vector<16xi32>
        %ge3A_1296 = arith.cmpi sge, %get3A_1284, %ge3A_1295 : vector<16xi32>
        %broadcast_in_dim3A = arith.constant 0 : i32
        %broadcast_in_dim3A_1297 = vector.broadcast %broadcast_in_dim3A : i32 to vector<16xi32>
        %gather3A = tpu.vector_load_idx %arg11[%broadcast_in_dim3A_1297, %min3A_1294] : memref<2x12928xf32, #tpu.memory_space<vmem>>[vector<16xi32>, vector<16xi32>], vector<16xf32>,
        tpu.vector_store_idx %arg12[%broadcast_in_dim3A_1297, %get3A_1288], %gather3A masked %ge3A_1296 : memref<2x16384xf32, #tpu.memory_space<vmem>>[vector<16xi32>, vector<16xi32>], vector<16xf32>, vector<16xi1>
        %broadcast_in_dim3A_1298 = arith.constant 1 : i32
        %broadcast_in_dim3A_1299 = vector.broadcast %broadcast_in_dim3A_1298 : i32 to vector<16xi32>
        %gather3A_1300 = tpu.vector_load_idx %arg11[%broadcast_in_dim3A_1299, %min3A_1294] : memref<2x12928xf32, #tpu.memory_space<vmem>>[vector<16xi32>, vector<16xi32>], vector<16xf32>,
        tpu.vector_store_idx %arg12[%broadcast_in_dim3A_1299, %get3A_1288], %gather3A_1300 masked %ge3A_1296 : memref<2x16384xf32, #tpu.memory_space<vmem>>[vector<16xi32>, vector<16xi32>], vector<16xf32>, vector<16xi1>
      }
      %while3A_257 = arith.constant 1 : i32
      scf.for %while3A_1280 = %while3A_255 to %while3A_251 step %while3A_257  : i32 {
        %mul3A_1281 = arith.constant 16 : i32
        %mul3A_1282 = arith.muli %while3A_1280, %mul3A_1281 : i32
        %get3A_1283 = arith.index_cast %mul3A_1282 : i32 to index
        %get3A_1284 = tpu.vector_load %arg7[%get3A_1283] {strides = array<i32>} : memref<16384xi32, #tpu.memory_space<vmem>>, vector<16xi32>,
        %mul3A_1285 = arith.constant 16 : i32
        %mul3A_1286 = arith.muli %while3A_1280, %mul3A_1285 : i32
        %get3A_1287 = arith.index_cast %mul3A_1286 : i32 to index
        %get3A_1288 = tpu.vector_load %arg8[%get3A_1287] {strides = array<i32>} : memref<16384xi32, #tpu.memory_space<vmem>>, vector<16xi32>,
        %sub3A = arith.constant 12544 : i32
        %sub3A_1289 = vector.broadcast %sub3A : i32 to vector<16xi32>
        %sub3A_1290 = arith.subi %get3A_1284, %sub3A_1289 : vector<16xi32>
        %max3A = arith.constant 0 : i32
        %max3A_1291 = vector.broadcast %max3A : i32 to vector<16xi32>
        %max3A_1292 = arith.maxsi %sub3A_1290, %max3A_1291 : vector<16xi32>
        %min3A = arith.constant 12543 : i32
        %min3A_1293 = vector.broadcast %min3A : i32 to vector<16xi32>
        %min3A_1294 = arith.minsi %max3A_1292, %min3A_1293 : vector<16xi32>
        %ge3A = arith.constant 12544 : i32
        %ge3A_1295 = vector.broadcast %ge3A : i32 to vector<16xi32>
        %ge3A_1296 = arith.cmpi sge, %get3A_1284, %ge3A_1295 : vector<16xi32>
        %broadcast_in_dim3A = arith.constant 0 : i32
        %broadcast_in_dim3A_1297 = vector.broadcast %broadcast_in_dim3A : i32 to vector<16xi32>
        %gather3A = tpu.vector_load_idx %arg11[%broadcast_in_dim3A_1297, %min3A_1294] : memref<2x12928xf32, #tpu.memory_space<vmem>>[vector<16xi32>, vector<16xi32>], vector<16xf32>,
        tpu.vector_store_idx %arg12[%broadcast_in_dim3A_1297, %get3A_1288], %gather3A masked %ge3A_1296 : memref<2x16384xf32, #tpu.memory_space<vmem>>[vector<16xi32>, vector<16xi32>], vector<16xf32>, vector<16xi1>
        %broadcast_in_dim3A_1298 = arith.constant 1 : i32
        %broadcast_in_dim3A_1299 = vector.broadcast %broadcast_in_dim3A_1298 : i32 to vector<16xi32>
        %gather3A_1300 = tpu.vector_load_idx %arg11[%broadcast_in_dim3A_1299, %min3A_1294] : memref<2x12928xf32, #tpu.memory_space<vmem>>[vector<16xi32>, vector<16xi32>], vector<16xf32>,
        tpu.vector_store_idx %arg12[%broadcast_in_dim3A_1299, %get3A_1288], %gather3A_1300 masked %ge3A_1296 : memref<2x16384xf32, #tpu.memory_space<vmem>>[vector<16xi32>, vector<16xi32>], vector<16xf32>, vector<16xi1>
      }
      %dma_wait3A_258 = arith.constant 0 : i32
      %dma_wait3A_259 = arith.constant 0 : i32
      %dma_wait3A_260 = tpu.memref_slice %arg10[%dma_wait3A_258, %dma_wait3A_259] : memref<2x12928xf32, #tpu.memory_space<vmem>> -> memref<2x6272xf32, #tpu.memory_space<vmem>>
      %dma_wait3A_261 = arith.constant 0 : i32
      %dma_wait3A_262 = arith.constant 0 : i32
      %dma_wait3A_263 = tpu.memref_slice %arg2[%dma_wait3A_261, %dma_wait3A_262] : memref<2880x201088xf32, #tpu.memory_space<hbm>> -> memref<2x6272xf32, #tpu.memory_space<hbm>>
      %dma_wait3A_264 = arith.constant 0 : i32
      %dma_wait3A_265 = arith.constant 0 : i32
      %dma_wait3A_266 = tpu.memref_slice %arg10[%dma_wait3A_264, %dma_wait3A_265] : memref<2x12928xf32, #tpu.memory_space<vmem>> -> memref<2x6272xf32, #tpu.memory_space<vmem>>
      %dma_wait3A_267 = arith.constant 0 : i32
      %dma_wait3A_268 = arith.constant 0 : i32
      %dma_wait3A_269 = tpu.memref_slice %arg2[%dma_wait3A_267, %dma_wait3A_268] : memref<2880x201088xf32, #tpu.memory_space<hbm>> -> memref<2x6272xf32, #tpu.memory_space<hbm>>
      tpu.wait_dma2 semaphore(%arg13 : memref<!tpu.dma_semaphore, #tpu.memory_space<semaphore_mem>>) src(%dma_wait3A_269 : memref<2x6272xf32, #tpu.memory_space<hbm>>) dst(%dma_wait3A_266 : memref<2x6272xf32, #tpu.memory_space<vmem>>)
      %dma_wait3A_270 = arith.constant 0 : i32
      %dma_wait3A_271 = arith.constant 6272 : i32
      %dma_wait3A_272 = tpu.memref_slice %arg10[%dma_wait3A_270, %dma_wait3A_271] : memref<2x12928xf32, #tpu.memory_space<vmem>> -> memref<2x6272xf32, #tpu.memory_space<vmem>>
      %dma_wait3A_273 = arith.constant 0 : i32
      %dma_wait3A_274 = arith.constant 6272 : i32
      %dma_wait3A_275 = tpu.memref_slice %arg2[%dma_wait3A_273, %dma_wait3A_274] : memref<2880x201088xf32, #tpu.memory_space<hbm>> -> memref<2x6272xf32, #tpu.memory_space<hbm>>
      %dma_wait3A_276 = arith.constant 0 : i32
      %dma_wait3A_277 = arith.constant 6272 : i32
      %dma_wait3A_278 = tpu.memref_slice %arg10[%dma_wait3A_276, %dma_wait3A_277] : memref<2x12928xf32, #tpu.memory_space<vmem>> -> memref<2x6272xf32, #tpu.memory_space<vmem>>
      %dma_wait3A_279 = arith.constant 0 : i32
      %dma_wait3A_280 = arith.constant 6272 : i32
      %dma_wait3A_281 = tpu.memref_slice %arg2[%dma_wait3A_279, %dma_wait3A_280] : memref<2880x201088xf32, #tpu.memory_space<hbm>> -> memref<2x6272xf32, #tpu.memory_space<hbm>>
      tpu.wait_dma2 semaphore(%arg13 : memref<!tpu.dma_semaphore, #tpu.memory_space<semaphore_mem>>) src(%dma_wait3A_281 : memref<2x6272xf32, #tpu.memory_space<hbm>>) dst(%dma_wait3A_278 : memref<2x6272xf32, #tpu.memory_space<vmem>>)
      %mul3A_282 = arith.constant 2 : i32
      %mul3A_283 = arith.muli %mul3A_282, %scan3A_127 : i32
      %add3A_284 = arith.addi %mul3A_2, %mul3A_283 : i32
      %dma_start3A_285 = arith.constant 0 : i32
      %dma_start3A_286 = arith.constant 0 : i32
      %dma_start3A_287 = tpu.memref_slice %arg11[%dma_start3A_285, %dma_start3A_286] : memref<2x12928xf32, #tpu.memory_space<vmem>> -> memref<2x6272xf32, #tpu.memory_space<vmem>>
      %dma_start3A_288 = arith.constant 37632 : i32
      %dma_start3A_289 = tpu.memref_slice %arg2[%add3A_284, %dma_start3A_288] : memref<2880x201088xf32, #tpu.memory_space<hbm>> -> memref<2x6272xf32, #tpu.memory_space<hbm>>
      %dma_start3A_290 = arith.constant 0 : i32
      %dma_start3A_291 = arith.constant 0 : i32
      %dma_start3A_292 = tpu.memref_slice %arg11[%dma_start3A_290, %dma_start3A_291] : memref<2x12928xf32, #tpu.memory_space<vmem>> -> memref<2x6272xf32, #tpu.memory_space<vmem>>
      %dma_start3A_293 = arith.constant 37632 : i32
      %dma_start3A_294 = tpu.memref_slice %arg2[%add3A_284, %dma_start3A_293] : memref<2880x201088xf32, #tpu.memory_space<hbm>> -> memref<2x6272xf32, #tpu.memory_space<hbm>>
      tpu.enqueue_dma source(%dma_start3A_294 : memref<2x6272xf32, #tpu.memory_space<hbm>>) target(%dma_start3A_292 : memref<2x6272xf32, #tpu.memory_space<vmem>>) target_semaphore(%arg14 : memref<!tpu.dma_semaphore, #tpu.memory_space<semaphore_mem>>)
      %dma_start3A_295 = arith.constant 0 : i32
      %dma_start3A_296 = arith.constant 6272 : i32
      %dma_start3A_297 = tpu.memref_slice %arg11[%dma_start3A_295, %dma_start3A_296] : memref<2x12928xf32, #tpu.memory_space<vmem>> -> memref<2x6272xf32, #tpu.memory_space<vmem>>
      %dma_start3A_298 = arith.constant 43904 : i32
      %dma_start3A_299 = tpu.memref_slice %arg2[%add3A_284, %dma_start3A_298] : memref<2880x201088xf32, #tpu.memory_space<hbm>> -> memref<2x6272xf32, #tpu.memory_space<hbm>>
      %dma_start3A_300 = arith.constant 0 : i32
      %dma_start3A_301 = arith.constant 6272 : i32
      %dma_start3A_302 = tpu.memref_slice %arg11[%dma_start3A_300, %dma_start3A_301] : memref<2x12928xf32, #tpu.memory_space<vmem>> -> memref<2x6272xf32, #tpu.memory_space<vmem>>
      %dma_start3A_303 = arith.constant 43904 : i32
      %dma_start3A_304 = tpu.memref_slice %arg2[%add3A_284, %dma_start3A_303] : memref<2880x201088xf32, #tpu.memory_space<hbm>> -> memref<2x6272xf32, #tpu.memory_space<hbm>>
      tpu.enqueue_dma source(%dma_start3A_304 : memref<2x6272xf32, #tpu.memory_space<hbm>>) target(%dma_start3A_302 : memref<2x6272xf32, #tpu.memory_space<vmem>>) target_semaphore(%arg14 : memref<!tpu.dma_semaphore, #tpu.memory_space<semaphore_mem>>)
      %slice3A_305 = vector.extract_strided_slice %get3A_3 {offsets = [2], sizes = [1], strides = [1]} : vector<16xi32> to vector<1xi32>
      %squeeze3A_306 = vector.extract %slice3A_305[0] : i32 from vector<1xi32>
      %shift_right_arithmetic3A_307 = arith.constant 4 : i32
      %shift_right_arithmetic3A_308 = arith.shrsi %squeeze3A_306, %shift_right_arithmetic3A_307 : i32
      %slice3A_309 = vector.extract_strided_slice %get3A_3 {offsets = [3], sizes = [1], strides = [1]} : vector<16xi32> to vector<1xi32>
      %squeeze3A_310 = vector.extract %slice3A_309[0] : i32 from vector<1xi32>
      %add3A_311 = arith.constant 15 : i32
      %add3A_312 = arith.addi %squeeze3A_310, %add3A_311 : i32
      %shift_right_arithmetic3A_313 = arith.constant 4 : i32
      %shift_right_arithmetic3A_314 = arith.shrsi %add3A_312, %shift_right_arithmetic3A_313 : i32
      %while3A_315 = arith.constant 0 : i32
      %while3A_316 = arith.subi %shift_right_arithmetic3A_314, %shift_right_arithmetic3A_308 : i32
      %while3A_317 = arith.addi %shift_right_arithmetic3A_308, %while3A_316 : i32
      %while3A_318 = arith.constant 1 : i32
      %while3A_319 = arith.divsi %while3A_316, %while3A_318 : i32
      %while3A_320 = arith.muli %while3A_319, %while3A_318 : i32
      %while3A_321 = arith.addi %shift_right_arithmetic3A_308, %while3A_320 : i32
      %while3A_322 = arith.constant 1 : i32
      scf.for %while3A_1280 = %shift_right_arithmetic3A_308 to %while3A_321 step %while3A_322  : i32 {
        %mul3A_1281 = arith.constant 16 : i32
        %mul3A_1282 = arith.muli %while3A_1280, %mul3A_1281 : i32
        %get3A_1283 = arith.index_cast %mul3A_1282 : i32 to index
        %get3A_1284 = tpu.vector_load %arg7[%get3A_1283] {strides = array<i32>} : memref<16384xi32, #tpu.memory_space<vmem>>, vector<16xi32>,
        %mul3A_1285 = arith.constant 16 : i32
        %mul3A_1286 = arith.muli %while3A_1280, %mul3A_1285 : i32
        %get3A_1287 = arith.index_cast %mul3A_1286 : i32 to index
        %get3A_1288 = tpu.vector_load %arg8[%get3A_1287] {strides = array<i32>} : memref<16384xi32, #tpu.memory_space<vmem>>, vector<16xi32>,
        %sub3A = arith.constant 25088 : i32
        %sub3A_1289 = vector.broadcast %sub3A : i32 to vector<16xi32>
        %sub3A_1290 = arith.subi %get3A_1284, %sub3A_1289 : vector<16xi32>
        %max3A = arith.constant 0 : i32
        %max3A_1291 = vector.broadcast %max3A : i32 to vector<16xi32>
        %max3A_1292 = arith.maxsi %sub3A_1290, %max3A_1291 : vector<16xi32>
        %min3A = arith.constant 12543 : i32
        %min3A_1293 = vector.broadcast %min3A : i32 to vector<16xi32>
        %min3A_1294 = arith.minsi %max3A_1292, %min3A_1293 : vector<16xi32>
        %ge3A = arith.constant 25088 : i32
        %ge3A_1295 = vector.broadcast %ge3A : i32 to vector<16xi32>
        %ge3A_1296 = arith.cmpi sge, %get3A_1284, %ge3A_1295 : vector<16xi32>
        %broadcast_in_dim3A = arith.constant 0 : i32
        %broadcast_in_dim3A_1297 = vector.broadcast %broadcast_in_dim3A : i32 to vector<16xi32>
        %gather3A = tpu.vector_load_idx %arg10[%broadcast_in_dim3A_1297, %min3A_1294] : memref<2x12928xf32, #tpu.memory_space<vmem>>[vector<16xi32>, vector<16xi32>], vector<16xf32>,
        tpu.vector_store_idx %arg12[%broadcast_in_dim3A_1297, %get3A_1288], %gather3A masked %ge3A_1296 : memref<2x16384xf32, #tpu.memory_space<vmem>>[vector<16xi32>, vector<16xi32>], vector<16xf32>, vector<16xi1>
        %broadcast_in_dim3A_1298 = arith.constant 1 : i32
        %broadcast_in_dim3A_1299 = vector.broadcast %broadcast_in_dim3A_1298 : i32 to vector<16xi32>
        %gather3A_1300 = tpu.vector_load_idx %arg10[%broadcast_in_dim3A_1299, %min3A_1294] : memref<2x12928xf32, #tpu.memory_space<vmem>>[vector<16xi32>, vector<16xi32>], vector<16xf32>,
        tpu.vector_store_idx %arg12[%broadcast_in_dim3A_1299, %get3A_1288], %gather3A_1300 masked %ge3A_1296 : memref<2x16384xf32, #tpu.memory_space<vmem>>[vector<16xi32>, vector<16xi32>], vector<16xf32>, vector<16xi1>
      }
      %while3A_323 = arith.constant 1 : i32
      scf.for %while3A_1280 = %while3A_321 to %while3A_317 step %while3A_323  : i32 {
        %mul3A_1281 = arith.constant 16 : i32
        %mul3A_1282 = arith.muli %while3A_1280, %mul3A_1281 : i32
        %get3A_1283 = arith.index_cast %mul3A_1282 : i32 to index
        %get3A_1284 = tpu.vector_load %arg7[%get3A_1283] {strides = array<i32>} : memref<16384xi32, #tpu.memory_space<vmem>>, vector<16xi32>,
        %mul3A_1285 = arith.constant 16 : i32
        %mul3A_1286 = arith.muli %while3A_1280, %mul3A_1285 : i32
        %get3A_1287 = arith.index_cast %mul3A_1286 : i32 to index
        %get3A_1288 = tpu.vector_load %arg8[%get3A_1287] {strides = array<i32>} : memref<16384xi32, #tpu.memory_space<vmem>>, vector<16xi32>,
        %sub3A = arith.constant 25088 : i32
        %sub3A_1289 = vector.broadcast %sub3A : i32 to vector<16xi32>
        %sub3A_1290 = arith.subi %get3A_1284, %sub3A_1289 : vector<16xi32>
        %max3A = arith.constant 0 : i32
        %max3A_1291 = vector.broadcast %max3A : i32 to vector<16xi32>
        %max3A_1292 = arith.maxsi %sub3A_1290, %max3A_1291 : vector<16xi32>
        %min3A = arith.constant 12543 : i32
        %min3A_1293 = vector.broadcast %min3A : i32 to vector<16xi32>
        %min3A_1294 = arith.minsi %max3A_1292, %min3A_1293 : vector<16xi32>
        %ge3A = arith.constant 25088 : i32
        %ge3A_1295 = vector.broadcast %ge3A : i32 to vector<16xi32>
        %ge3A_1296 = arith.cmpi sge, %get3A_1284, %ge3A_1295 : vector<16xi32>
        %broadcast_in_dim3A = arith.constant 0 : i32
        %broadcast_in_dim3A_1297 = vector.broadcast %broadcast_in_dim3A : i32 to vector<16xi32>
        %gather3A = tpu.vector_load_idx %arg10[%broadcast_in_dim3A_1297, %min3A_1294] : memref<2x12928xf32, #tpu.memory_space<vmem>>[vector<16xi32>, vector<16xi32>], vector<16xf32>,
        tpu.vector_store_idx %arg12[%broadcast_in_dim3A_1297, %get3A_1288], %gather3A masked %ge3A_1296 : memref<2x16384xf32, #tpu.memory_space<vmem>>[vector<16xi32>, vector<16xi32>], vector<16xf32>, vector<16xi1>
        %broadcast_in_dim3A_1298 = arith.constant 1 : i32
        %broadcast_in_dim3A_1299 = vector.broadcast %broadcast_in_dim3A_1298 : i32 to vector<16xi32>
        %gather3A_1300 = tpu.vector_load_idx %arg10[%broadcast_in_dim3A_1299, %min3A_1294] : memref<2x12928xf32, #tpu.memory_space<vmem>>[vector<16xi32>, vector<16xi32>], vector<16xf32>,
        tpu.vector_store_idx %arg12[%broadcast_in_dim3A_1299, %get3A_1288], %gather3A_1300 masked %ge3A_1296 : memref<2x16384xf32, #tpu.memory_space<vmem>>[vector<16xi32>, vector<16xi32>], vector<16xf32>, vector<16xi1>
      }
      %dma_wait3A_324 = arith.constant 0 : i32
      %dma_wait3A_325 = arith.constant 0 : i32
      %dma_wait3A_326 = tpu.memref_slice %arg11[%dma_wait3A_324, %dma_wait3A_325] : memref<2x12928xf32, #tpu.memory_space<vmem>> -> memref<2x6272xf32, #tpu.memory_space<vmem>>
      %dma_wait3A_327 = arith.constant 0 : i32
      %dma_wait3A_328 = arith.constant 0 : i32
      %dma_wait3A_329 = tpu.memref_slice %arg2[%dma_wait3A_327, %dma_wait3A_328] : memref<2880x201088xf32, #tpu.memory_space<hbm>> -> memref<2x6272xf32, #tpu.memory_space<hbm>>
      %dma_wait3A_330 = arith.constant 0 : i32
      %dma_wait3A_331 = arith.constant 0 : i32
      %dma_wait3A_332 = tpu.memref_slice %arg11[%dma_wait3A_330, %dma_wait3A_331] : memref<2x12928xf32, #tpu.memory_space<vmem>> -> memref<2x6272xf32, #tpu.memory_space<vmem>>
      %dma_wait3A_333 = arith.constant 0 : i32
      %dma_wait3A_334 = arith.constant 0 : i32
      %dma_wait3A_335 = tpu.memref_slice %arg2[%dma_wait3A_333, %dma_wait3A_334] : memref<2880x201088xf32, #tpu.memory_space<hbm>> -> memref<2x6272xf32, #tpu.memory_space<hbm>>
      tpu.wait_dma2 semaphore(%arg14 : memref<!tpu.dma_semaphore, #tpu.memory_space<semaphore_mem>>) src(%dma_wait3A_335 : memref<2x6272xf32, #tpu.memory_space<hbm>>) dst(%dma_wait3A_332 : memref<2x6272xf32, #tpu.memory_space<vmem>>)
      %dma_wait3A_336 = arith.constant 0 : i32
      %dma_wait3A_337 = arith.constant 6272 : i32
      %dma_wait3A_338 = tpu.memref_slice %arg11[%dma_wait3A_336, %dma_wait3A_337] : memref<2x12928xf32, #tpu.memory_space<vmem>> -> memref<2x6272xf32, #tpu.memory_space<vmem>>
      %dma_wait3A_339 = arith.constant 0 : i32
      %dma_wait3A_340 = arith.constant 6272 : i32
      %dma_wait3A_341 = tpu.memref_slice %arg2[%dma_wait3A_339, %dma_wait3A_340] : memref<2880x201088xf32, #tpu.memory_space<hbm>> -> memref<2x6272xf32, #tpu.memory_space<hbm>>
      %dma_wait3A_342 = arith.constant 0 : i32
      %dma_wait3A_343 = arith.constant 6272 : i32
      %dma_wait3A_344 = tpu.memref_slice %arg11[%dma_wait3A_342, %dma_wait3A_343] : memref<2x12928xf32, #tpu.memory_space<vmem>> -> memref<2x6272xf32, #tpu.memory_space<vmem>>
      %dma_wait3A_345 = arith.constant 0 : i32
      %dma_wait3A_346 = arith.constant 6272 : i32
      %dma_wait3A_347 = tpu.memref_slice %arg2[%dma_wait3A_345, %dma_wait3A_346] : memref<2880x201088xf32, #tpu.memory_space<hbm>> -> memref<2x6272xf32, #tpu.memory_space<hbm>>
      tpu.wait_dma2 semaphore(%arg14 : memref<!tpu.dma_semaphore, #tpu.memory_space<semaphore_mem>>) src(%dma_wait3A_347 : memref<2x6272xf32, #tpu.memory_space<hbm>>) dst(%dma_wait3A_344 : memref<2x6272xf32, #tpu.memory_space<vmem>>)
      %mul3A_348 = arith.constant 2 : i32
      %mul3A_349 = arith.muli %mul3A_348, %scan3A_127 : i32
      %add3A_350 = arith.addi %mul3A_2, %mul3A_349 : i32
      %dma_start3A_351 = arith.constant 0 : i32
      %dma_start3A_352 = arith.constant 0 : i32
      %dma_start3A_353 = tpu.memref_slice %arg10[%dma_start3A_351, %dma_start3A_352] : memref<2x12928xf32, #tpu.memory_space<vmem>> -> memref<2x6272xf32, #tpu.memory_space<vmem>>
      %dma_start3A_354 = arith.constant 50176 : i32
      %dma_start3A_355 = tpu.memref_slice %arg2[%add3A_350, %dma_start3A_354] : memref<2880x201088xf32, #tpu.memory_space<hbm>> -> memref<2x6272xf32, #tpu.memory_space<hbm>>
      %dma_start3A_356 = arith.constant 0 : i32
      %dma_start3A_357 = arith.constant 0 : i32
      %dma_start3A_358 = tpu.memref_slice %arg10[%dma_start3A_356, %dma_start3A_357] : memref<2x12928xf32, #tpu.memory_space<vmem>> -> memref<2x6272xf32, #tpu.memory_space<vmem>>
      %dma_start3A_359 = arith.constant 50176 : i32
      %dma_start3A_360 = tpu.memref_slice %arg2[%add3A_350, %dma_start3A_359] : memref<2880x201088xf32, #tpu.memory_space<hbm>> -> memref<2x6272xf32, #tpu.memory_space<hbm>>
      tpu.enqueue_dma source(%dma_start3A_360 : memref<2x6272xf32, #tpu.memory_space<hbm>>) target(%dma_start3A_358 : memref<2x6272xf32, #tpu.memory_space<vmem>>) target_semaphore(%arg13 : memref<!tpu.dma_semaphore, #tpu.memory_space<semaphore_mem>>)
      %dma_start3A_361 = arith.constant 0 : i32
      %dma_start3A_362 = arith.constant 6272 : i32
      %dma_start3A_363 = tpu.memref_slice %arg10[%dma_start3A_361, %dma_start3A_362] : memref<2x12928xf32, #tpu.memory_space<vmem>> -> memref<2x6272xf32, #tpu.memory_space<vmem>>
      %dma_start3A_364 = arith.constant 56448 : i32
      %dma_start3A_365 = tpu.memref_slice %arg2[%add3A_350, %dma_start3A_364] : memref<2880x201088xf32, #tpu.memory_space<hbm>> -> memref<2x6272xf32, #tpu.memory_space<hbm>>
      %dma_start3A_366 = arith.constant 0 : i32
      %dma_start3A_367 = arith.constant 6272 : i32
      %dma_start3A_368 = tpu.memref_slice %arg10[%dma_start3A_366, %dma_start3A_367] : memref<2x12928xf32, #tpu.memory_space<vmem>> -> memref<2x6272xf32, #tpu.memory_space<vmem>>
      %dma_start3A_369 = arith.constant 56448 : i32
      %dma_start3A_370 = tpu.memref_slice %arg2[%add3A_350, %dma_start3A_369] : memref<2880x201088xf32, #tpu.memory_space<hbm>> -> memref<2x6272xf32, #tpu.memory_space<hbm>>
      tpu.enqueue_dma source(%dma_start3A_370 : memref<2x6272xf32, #tpu.memory_space<hbm>>) target(%dma_start3A_368 : memref<2x6272xf32, #tpu.memory_space<vmem>>) target_semaphore(%arg13 : memref<!tpu.dma_semaphore, #tpu.memory_space<semaphore_mem>>)
      %slice3A_371 = vector.extract_strided_slice %get3A_3 {offsets = [3], sizes = [1], strides = [1]} : vector<16xi32> to vector<1xi32>
      %squeeze3A_372 = vector.extract %slice3A_371[0] : i32 from vector<1xi32>
      %shift_right_arithmetic3A_373 = arith.constant 4 : i32
      %shift_right_arithmetic3A_374 = arith.shrsi %squeeze3A_372, %shift_right_arithmetic3A_373 : i32
      %slice3A_375 = vector.extract_strided_slice %get3A_3 {offsets = [4], sizes = [1], strides = [1]} : vector<16xi32> to vector<1xi32>
      %squeeze3A_376 = vector.extract %slice3A_375[0] : i32 from vector<1xi32>
      %add3A_377 = arith.constant 15 : i32
      %add3A_378 = arith.addi %squeeze3A_376, %add3A_377 : i32
      %shift_right_arithmetic3A_379 = arith.constant 4 : i32
      %shift_right_arithmetic3A_380 = arith.shrsi %add3A_378, %shift_right_arithmetic3A_379 : i32
      %while3A_381 = arith.constant 0 : i32
      %while3A_382 = arith.subi %shift_right_arithmetic3A_380, %shift_right_arithmetic3A_374 : i32
      %while3A_383 = arith.addi %shift_right_arithmetic3A_374, %while3A_382 : i32
      %while3A_384 = arith.constant 1 : i32
      %while3A_385 = arith.divsi %while3A_382, %while3A_384 : i32
      %while3A_386 = arith.muli %while3A_385, %while3A_384 : i32
      %while3A_387 = arith.addi %shift_right_arithmetic3A_374, %while3A_386 : i32
      %while3A_388 = arith.constant 1 : i32
      scf.for %while3A_1280 = %shift_right_arithmetic3A_374 to %while3A_387 step %while3A_388  : i32 {
        %mul3A_1281 = arith.constant 16 : i32
        %mul3A_1282 = arith.muli %while3A_1280, %mul3A_1281 : i32
        %get3A_1283 = arith.index_cast %mul3A_1282 : i32 to index
        %get3A_1284 = tpu.vector_load %arg7[%get3A_1283] {strides = array<i32>} : memref<16384xi32, #tpu.memory_space<vmem>>, vector<16xi32>,
        %mul3A_1285 = arith.constant 16 : i32
        %mul3A_1286 = arith.muli %while3A_1280, %mul3A_1285 : i32
        %get3A_1287 = arith.index_cast %mul3A_1286 : i32 to index
        %get3A_1288 = tpu.vector_load %arg8[%get3A_1287] {strides = array<i32>} : memref<16384xi32, #tpu.memory_space<vmem>>, vector<16xi32>,
        %sub3A = arith.constant 37632 : i32
        %sub3A_1289 = vector.broadcast %sub3A : i32 to vector<16xi32>
        %sub3A_1290 = arith.subi %get3A_1284, %sub3A_1289 : vector<16xi32>
        %max3A = arith.constant 0 : i32
        %max3A_1291 = vector.broadcast %max3A : i32 to vector<16xi32>
        %max3A_1292 = arith.maxsi %sub3A_1290, %max3A_1291 : vector<16xi32>
        %min3A = arith.constant 12543 : i32
        %min3A_1293 = vector.broadcast %min3A : i32 to vector<16xi32>
        %min3A_1294 = arith.minsi %max3A_1292, %min3A_1293 : vector<16xi32>
        %ge3A = arith.constant 37632 : i32
        %ge3A_1295 = vector.broadcast %ge3A : i32 to vector<16xi32>
        %ge3A_1296 = arith.cmpi sge, %get3A_1284, %ge3A_1295 : vector<16xi32>
        %broadcast_in_dim3A = arith.constant 0 : i32
        %broadcast_in_dim3A_1297 = vector.broadcast %broadcast_in_dim3A : i32 to vector<16xi32>
        %gather3A = tpu.vector_load_idx %arg11[%broadcast_in_dim3A_1297, %min3A_1294] : memref<2x12928xf32, #tpu.memory_space<vmem>>[vector<16xi32>, vector<16xi32>], vector<16xf32>,
        tpu.vector_store_idx %arg12[%broadcast_in_dim3A_1297, %get3A_1288], %gather3A masked %ge3A_1296 : memref<2x16384xf32, #tpu.memory_space<vmem>>[vector<16xi32>, vector<16xi32>], vector<16xf32>, vector<16xi1>
        %broadcast_in_dim3A_1298 = arith.constant 1 : i32
        %broadcast_in_dim3A_1299 = vector.broadcast %broadcast_in_dim3A_1298 : i32 to vector<16xi32>
        %gather3A_1300 = tpu.vector_load_idx %arg11[%broadcast_in_dim3A_1299, %min3A_1294] : memref<2x12928xf32, #tpu.memory_space<vmem>>[vector<16xi32>, vector<16xi32>], vector<16xf32>,
        tpu.vector_store_idx %arg12[%broadcast_in_dim3A_1299, %get3A_1288], %gather3A_1300 masked %ge3A_1296 : memref<2x16384xf32, #tpu.memory_space<vmem>>[vector<16xi32>, vector<16xi32>], vector<16xf32>, vector<16xi1>
      }
      %while3A_389 = arith.constant 1 : i32
      scf.for %while3A_1280 = %while3A_387 to %while3A_383 step %while3A_389  : i32 {
        %mul3A_1281 = arith.constant 16 : i32
        %mul3A_1282 = arith.muli %while3A_1280, %mul3A_1281 : i32
        %get3A_1283 = arith.index_cast %mul3A_1282 : i32 to index
        %get3A_1284 = tpu.vector_load %arg7[%get3A_1283] {strides = array<i32>} : memref<16384xi32, #tpu.memory_space<vmem>>, vector<16xi32>,
        %mul3A_1285 = arith.constant 16 : i32
        %mul3A_1286 = arith.muli %while3A_1280, %mul3A_1285 : i32
        %get3A_1287 = arith.index_cast %mul3A_1286 : i32 to index
        %get3A_1288 = tpu.vector_load %arg8[%get3A_1287] {strides = array<i32>} : memref<16384xi32, #tpu.memory_space<vmem>>, vector<16xi32>,
        %sub3A = arith.constant 37632 : i32
        %sub3A_1289 = vector.broadcast %sub3A : i32 to vector<16xi32>
        %sub3A_1290 = arith.subi %get3A_1284, %sub3A_1289 : vector<16xi32>
        %max3A = arith.constant 0 : i32
        %max3A_1291 = vector.broadcast %max3A : i32 to vector<16xi32>
        %max3A_1292 = arith.maxsi %sub3A_1290, %max3A_1291 : vector<16xi32>
        %min3A = arith.constant 12543 : i32
        %min3A_1293 = vector.broadcast %min3A : i32 to vector<16xi32>
        %min3A_1294 = arith.minsi %max3A_1292, %min3A_1293 : vector<16xi32>
        %ge3A = arith.constant 37632 : i32
        %ge3A_1295 = vector.broadcast %ge3A : i32 to vector<16xi32>
        %ge3A_1296 = arith.cmpi sge, %get3A_1284, %ge3A_1295 : vector<16xi32>
        %broadcast_in_dim3A = arith.constant 0 : i32
        %broadcast_in_dim3A_1297 = vector.broadcast %broadcast_in_dim3A : i32 to vector<16xi32>
        %gather3A = tpu.vector_load_idx %arg11[%broadcast_in_dim3A_1297, %min3A_1294] : memref<2x12928xf32, #tpu.memory_space<vmem>>[vector<16xi32>, vector<16xi32>], vector<16xf32>,
        tpu.vector_store_idx %arg12[%broadcast_in_dim3A_1297, %get3A_1288], %gather3A masked %ge3A_1296 : memref<2x16384xf32, #tpu.memory_space<vmem>>[vector<16xi32>, vector<16xi32>], vector<16xf32>, vector<16xi1>
        %broadcast_in_dim3A_1298 = arith.constant 1 : i32
        %broadcast_in_dim3A_1299 = vector.broadcast %broadcast_in_dim3A_1298 : i32 to vector<16xi32>
        %gather3A_1300 = tpu.vector_load_idx %arg11[%broadcast_in_dim3A_1299, %min3A_1294] : memref<2x12928xf32, #tpu.memory_space<vmem>>[vector<16xi32>, vector<16xi32>], vector<16xf32>,
        tpu.vector_store_idx %arg12[%broadcast_in_dim3A_1299, %get3A_1288], %gather3A_1300 masked %ge3A_1296 : memref<2x16384xf32, #tpu.memory_space<vmem>>[vector<16xi32>, vector<16xi32>], vector<16xf32>, vector<16xi1>
      }
      %dma_wait3A_390 = arith.constant 0 : i32
      %dma_wait3A_391 = arith.constant 0 : i32
      %dma_wait3A_392 = tpu.memref_slice %arg10[%dma_wait3A_390, %dma_wait3A_391] : memref<2x12928xf32, #tpu.memory_space<vmem>> -> memref<2x6272xf32, #tpu.memory_space<vmem>>
      %dma_wait3A_393 = arith.constant 0 : i32
      %dma_wait3A_394 = arith.constant 0 : i32
      %dma_wait3A_395 = tpu.memref_slice %arg2[%dma_wait3A_393, %dma_wait3A_394] : memref<2880x201088xf32, #tpu.memory_space<hbm>> -> memref<2x6272xf32, #tpu.memory_space<hbm>>
      %dma_wait3A_396 = arith.constant 0 : i32
      %dma_wait3A_397 = arith.constant 0 : i32
      %dma_wait3A_398 = tpu.memref_slice %arg10[%dma_wait3A_396, %dma_wait3A_397] : memref<2x12928xf32, #tpu.memory_space<vmem>> -> memref<2x6272xf32, #tpu.memory_space<vmem>>
      %dma_wait3A_399 = arith.constant 0 : i32
      %dma_wait3A_400 = arith.constant 0 : i32
      %dma_wait3A_401 = tpu.memref_slice %arg2[%dma_wait3A_399, %dma_wait3A_400] : memref<2880x201088xf32, #tpu.memory_space<hbm>> -> memref<2x6272xf32, #tpu.memory_space<hbm>>
      tpu.wait_dma2 semaphore(%arg13 : memref<!tpu.dma_semaphore, #tpu.memory_space<semaphore_mem>>) src(%dma_wait3A_401 : memref<2x6272xf32, #tpu.memory_space<hbm>>) dst(%dma_wait3A_398 : memref<2x6272xf32, #tpu.memory_space<vmem>>)
      %dma_wait3A_402 = arith.constant 0 : i32
      %dma_wait3A_403 = arith.constant 6272 : i32
      %dma_wait3A_404 = tpu.memref_slice %arg10[%dma_wait3A_402, %dma_wait3A_403] : memref<2x12928xf32, #tpu.memory_space<vmem>> -> memref<2x6272xf32, #tpu.memory_space<vmem>>
      %dma_wait3A_405 = arith.constant 0 : i32
      %dma_wait3A_406 = arith.constant 6272 : i32
      %dma_wait3A_407 = tpu.memref_slice %arg2[%dma_wait3A_405, %dma_wait3A_406] : memref<2880x201088xf32, #tpu.memory_space<hbm>> -> memref<2x6272xf32, #tpu.memory_space<hbm>>
      %dma_wait3A_408 = arith.constant 0 : i32
      %dma_wait3A_409 = arith.constant 6272 : i32
      %dma_wait3A_410 = tpu.memref_slice %arg10[%dma_wait3A_408, %dma_wait3A_409] : memref<2x12928xf32, #tpu.memory_space<vmem>> -> memref<2x6272xf32, #tpu.memory_space<vmem>>
      %dma_wait3A_411 = arith.constant 0 : i32
      %dma_wait3A_412 = arith.constant 6272 : i32
      %dma_wait3A_413 = tpu.memref_slice %arg2[%dma_wait3A_411, %dma_wait3A_412] : memref<2880x201088xf32, #tpu.memory_space<hbm>> -> memref<2x6272xf32, #tpu.memory_space<hbm>>
      tpu.wait_dma2 semaphore(%arg13 : memref<!tpu.dma_semaphore, #tpu.memory_space<semaphore_mem>>) src(%dma_wait3A_413 : memref<2x6272xf32, #tpu.memory_space<hbm>>) dst(%dma_wait3A_410 : memref<2x6272xf32, #tpu.memory_space<vmem>>)
      %mul3A_414 = arith.constant 2 : i32
      %mul3A_415 = arith.muli %mul3A_414, %scan3A_127 : i32
      %add3A_416 = arith.addi %mul3A_2, %mul3A_415 : i32
      %dma_start3A_417 = arith.constant 0 : i32
      %dma_start3A_418 = arith.constant 0 : i32
      %dma_start3A_419 = tpu.memref_slice %arg11[%dma_start3A_417, %dma_start3A_418] : memref<2x12928xf32, #tpu.memory_space<vmem>> -> memref<2x6272xf32, #tpu.memory_space<vmem>>
      %dma_start3A_420 = arith.constant 62720 : i32
      %dma_start3A_421 = tpu.memref_slice %arg2[%add3A_416, %dma_start3A_420] : memref<2880x201088xf32, #tpu.memory_space<hbm>> -> memref<2x6272xf32, #tpu.memory_space<hbm>>
      %dma_start3A_422 = arith.constant 0 : i32
      %dma_start3A_423 = arith.constant 0 : i32
      %dma_start3A_424 = tpu.memref_slice %arg11[%dma_start3A_422, %dma_start3A_423] : memref<2x12928xf32, #tpu.memory_space<vmem>> -> memref<2x6272xf32, #tpu.memory_space<vmem>>
      %dma_start3A_425 = arith.constant 62720 : i32
      %dma_start3A_426 = tpu.memref_slice %arg2[%add3A_416, %dma_start3A_425] : memref<2880x201088xf32, #tpu.memory_space<hbm>> -> memref<2x6272xf32, #tpu.memory_space<hbm>>
      tpu.enqueue_dma source(%dma_start3A_426 : memref<2x6272xf32, #tpu.memory_space<hbm>>) target(%dma_start3A_424 : memref<2x6272xf32, #tpu.memory_space<vmem>>) target_semaphore(%arg14 : memref<!tpu.dma_semaphore, #tpu.memory_space<semaphore_mem>>)
      %dma_start3A_427 = arith.constant 0 : i32
      %dma_start3A_428 = arith.constant 6272 : i32
      %dma_start3A_429 = tpu.memref_slice %arg11[%dma_start3A_427, %dma_start3A_428] : memref<2x12928xf32, #tpu.memory_space<vmem>> -> memref<2x6272xf32, #tpu.memory_space<vmem>>
      %dma_start3A_430 = arith.constant 68992 : i32
      %dma_start3A_431 = tpu.memref_slice %arg2[%add3A_416, %dma_start3A_430] : memref<2880x201088xf32, #tpu.memory_space<hbm>> -> memref<2x6272xf32, #tpu.memory_space<hbm>>
      %dma_start3A_432 = arith.constant 0 : i32
      %dma_start3A_433 = arith.constant 6272 : i32
      %dma_start3A_434 = tpu.memref_slice %arg11[%dma_start3A_432, %dma_start3A_433] : memref<2x12928xf32, #tpu.memory_space<vmem>> -> memref<2x6272xf32, #tpu.memory_space<vmem>>
      %dma_start3A_435 = arith.constant 68992 : i32
      %dma_start3A_436 = tpu.memref_slice %arg2[%add3A_416, %dma_start3A_435] : memref<2880x201088xf32, #tpu.memory_space<hbm>> -> memref<2x6272xf32, #tpu.memory_space<hbm>>
      tpu.enqueue_dma source(%dma_start3A_436 : memref<2x6272xf32, #tpu.memory_space<hbm>>) target(%dma_start3A_434 : memref<2x6272xf32, #tpu.memory_space<vmem>>) target_semaphore(%arg14 : memref<!tpu.dma_semaphore, #tpu.memory_space<semaphore_mem>>)
      %slice3A_437 = vector.extract_strided_slice %get3A_3 {offsets = [4], sizes = [1], strides = [1]} : vector<16xi32> to vector<1xi32>
      %squeeze3A_438 = vector.extract %slice3A_437[0] : i32 from vector<1xi32>
      %shift_right_arithmetic3A_439 = arith.constant 4 : i32
      %shift_right_arithmetic3A_440 = arith.shrsi %squeeze3A_438, %shift_right_arithmetic3A_439 : i32
      %slice3A_441 = vector.extract_strided_slice %get3A_3 {offsets = [5], sizes = [1], strides = [1]} : vector<16xi32> to vector<1xi32>
      %squeeze3A_442 = vector.extract %slice3A_441[0] : i32 from vector<1xi32>
      %add3A_443 = arith.constant 15 : i32
      %add3A_444 = arith.addi %squeeze3A_442, %add3A_443 : i32
      %shift_right_arithmetic3A_445 = arith.constant 4 : i32
      %shift_right_arithmetic3A_446 = arith.shrsi %add3A_444, %shift_right_arithmetic3A_445 : i32
      %while3A_447 = arith.constant 0 : i32
      %while3A_448 = arith.subi %shift_right_arithmetic3A_446, %shift_right_arithmetic3A_440 : i32
      %while3A_449 = arith.addi %shift_right_arithmetic3A_440, %while3A_448 : i32
      %while3A_450 = arith.constant 1 : i32
      %while3A_451 = arith.divsi %while3A_448, %while3A_450 : i32
      %while3A_452 = arith.muli %while3A_451, %while3A_450 : i32
      %while3A_453 = arith.addi %shift_right_arithmetic3A_440, %while3A_452 : i32
      %while3A_454 = arith.constant 1 : i32
      scf.for %while3A_1280 = %shift_right_arithmetic3A_440 to %while3A_453 step %while3A_454  : i32 {
        %mul3A_1281 = arith.constant 16 : i32
        %mul3A_1282 = arith.muli %while3A_1280, %mul3A_1281 : i32
        %get3A_1283 = arith.index_cast %mul3A_1282 : i32 to index
        %get3A_1284 = tpu.vector_load %arg7[%get3A_1283] {strides = array<i32>} : memref<16384xi32, #tpu.memory_space<vmem>>, vector<16xi32>,
        %mul3A_1285 = arith.constant 16 : i32
        %mul3A_1286 = arith.muli %while3A_1280, %mul3A_1285 : i32
        %get3A_1287 = arith.index_cast %mul3A_1286 : i32 to index
        %get3A_1288 = tpu.vector_load %arg8[%get3A_1287] {strides = array<i32>} : memref<16384xi32, #tpu.memory_space<vmem>>, vector<16xi32>,
        %sub3A = arith.constant 50176 : i32
        %sub3A_1289 = vector.broadcast %sub3A : i32 to vector<16xi32>
        %sub3A_1290 = arith.subi %get3A_1284, %sub3A_1289 : vector<16xi32>
        %max3A = arith.constant 0 : i32
        %max3A_1291 = vector.broadcast %max3A : i32 to vector<16xi32>
        %max3A_1292 = arith.maxsi %sub3A_1290, %max3A_1291 : vector<16xi32>
        %min3A = arith.constant 12543 : i32
        %min3A_1293 = vector.broadcast %min3A : i32 to vector<16xi32>
        %min3A_1294 = arith.minsi %max3A_1292, %min3A_1293 : vector<16xi32>
        %ge3A = arith.constant 50176 : i32
        %ge3A_1295 = vector.broadcast %ge3A : i32 to vector<16xi32>
        %ge3A_1296 = arith.cmpi sge, %get3A_1284, %ge3A_1295 : vector<16xi32>
        %broadcast_in_dim3A = arith.constant 0 : i32
        %broadcast_in_dim3A_1297 = vector.broadcast %broadcast_in_dim3A : i32 to vector<16xi32>
        %gather3A = tpu.vector_load_idx %arg10[%broadcast_in_dim3A_1297, %min3A_1294] : memref<2x12928xf32, #tpu.memory_space<vmem>>[vector<16xi32>, vector<16xi32>], vector<16xf32>,
        tpu.vector_store_idx %arg12[%broadcast_in_dim3A_1297, %get3A_1288], %gather3A masked %ge3A_1296 : memref<2x16384xf32, #tpu.memory_space<vmem>>[vector<16xi32>, vector<16xi32>], vector<16xf32>, vector<16xi1>
        %broadcast_in_dim3A_1298 = arith.constant 1 : i32
        %broadcast_in_dim3A_1299 = vector.broadcast %broadcast_in_dim3A_1298 : i32 to vector<16xi32>
        %gather3A_1300 = tpu.vector_load_idx %arg10[%broadcast_in_dim3A_1299, %min3A_1294] : memref<2x12928xf32, #tpu.memory_space<vmem>>[vector<16xi32>, vector<16xi32>], vector<16xf32>,
        tpu.vector_store_idx %arg12[%broadcast_in_dim3A_1299, %get3A_1288], %gather3A_1300 masked %ge3A_1296 : memref<2x16384xf32, #tpu.memory_space<vmem>>[vector<16xi32>, vector<16xi32>], vector<16xf32>, vector<16xi1>
      }
      %while3A_455 = arith.constant 1 : i32
      scf.for %while3A_1280 = %while3A_453 to %while3A_449 step %while3A_455  : i32 {
        %mul3A_1281 = arith.constant 16 : i32
        %mul3A_1282 = arith.muli %while3A_1280, %mul3A_1281 : i32
        %get3A_1283 = arith.index_cast %mul3A_1282 : i32 to index
        %get3A_1284 = tpu.vector_load %arg7[%get3A_1283] {strides = array<i32>} : memref<16384xi32, #tpu.memory_space<vmem>>, vector<16xi32>,
        %mul3A_1285 = arith.constant 16 : i32
        %mul3A_1286 = arith.muli %while3A_1280, %mul3A_1285 : i32
        %get3A_1287 = arith.index_cast %mul3A_1286 : i32 to index
        %get3A_1288 = tpu.vector_load %arg8[%get3A_1287] {strides = array<i32>} : memref<16384xi32, #tpu.memory_space<vmem>>, vector<16xi32>,
        %sub3A = arith.constant 50176 : i32
        %sub3A_1289 = vector.broadcast %sub3A : i32 to vector<16xi32>
        %sub3A_1290 = arith.subi %get3A_1284, %sub3A_1289 : vector<16xi32>
        %max3A = arith.constant 0 : i32
        %max3A_1291 = vector.broadcast %max3A : i32 to vector<16xi32>
        %max3A_1292 = arith.maxsi %sub3A_1290, %max3A_1291 : vector<16xi32>
        %min3A = arith.constant 12543 : i32
        %min3A_1293 = vector.broadcast %min3A : i32 to vector<16xi32>
        %min3A_1294 = arith.minsi %max3A_1292, %min3A_1293 : vector<16xi32>
        %ge3A = arith.constant 50176 : i32
        %ge3A_1295 = vector.broadcast %ge3A : i32 to vector<16xi32>
        %ge3A_1296 = arith.cmpi sge, %get3A_1284, %ge3A_1295 : vector<16xi32>
        %broadcast_in_dim3A = arith.constant 0 : i32
        %broadcast_in_dim3A_1297 = vector.broadcast %broadcast_in_dim3A : i32 to vector<16xi32>
        %gather3A = tpu.vector_load_idx %arg10[%broadcast_in_dim3A_1297, %min3A_1294] : memref<2x12928xf32, #tpu.memory_space<vmem>>[vector<16xi32>, vector<16xi32>], vector<16xf32>,
        tpu.vector_store_idx %arg12[%broadcast_in_dim3A_1297, %get3A_1288], %gather3A masked %ge3A_1296 : memref<2x16384xf32, #tpu.memory_space<vmem>>[vector<16xi32>, vector<16xi32>], vector<16xf32>, vector<16xi1>
        %broadcast_in_dim3A_1298 = arith.constant 1 : i32
        %broadcast_in_dim3A_1299 = vector.broadcast %broadcast_in_dim3A_1298 : i32 to vector<16xi32>
        %gather3A_1300 = tpu.vector_load_idx %arg10[%broadcast_in_dim3A_1299, %min3A_1294] : memref<2x12928xf32, #tpu.memory_space<vmem>>[vector<16xi32>, vector<16xi32>], vector<16xf32>,
        tpu.vector_store_idx %arg12[%broadcast_in_dim3A_1299, %get3A_1288], %gather3A_1300 masked %ge3A_1296 : memref<2x16384xf32, #tpu.memory_space<vmem>>[vector<16xi32>, vector<16xi32>], vector<16xf32>, vector<16xi1>
      }
      %dma_wait3A_456 = arith.constant 0 : i32
      %dma_wait3A_457 = arith.constant 0 : i32
      %dma_wait3A_458 = tpu.memref_slice %arg11[%dma_wait3A_456, %dma_wait3A_457] : memref<2x12928xf32, #tpu.memory_space<vmem>> -> memref<2x6272xf32, #tpu.memory_space<vmem>>
      %dma_wait3A_459 = arith.constant 0 : i32
      %dma_wait3A_460 = arith.constant 0 : i32
      %dma_wait3A_461 = tpu.memref_slice %arg2[%dma_wait3A_459, %dma_wait3A_460] : memref<2880x201088xf32, #tpu.memory_space<hbm>> -> memref<2x6272xf32, #tpu.memory_space<hbm>>
      %dma_wait3A_462 = arith.constant 0 : i32
      %dma_wait3A_463 = arith.constant 0 : i32
      %dma_wait3A_464 = tpu.memref_slice %arg11[%dma_wait3A_462, %dma_wait3A_463] : memref<2x12928xf32, #tpu.memory_space<vmem>> -> memref<2x6272xf32, #tpu.memory_space<vmem>>
      %dma_wait3A_465 = arith.constant 0 : i32
      %dma_wait3A_466 = arith.constant 0 : i32
      %dma_wait3A_467 = tpu.memref_slice %arg2[%dma_wait3A_465, %dma_wait3A_466] : memref<2880x201088xf32, #tpu.memory_space<hbm>> -> memref<2x6272xf32, #tpu.memory_space<hbm>>
      tpu.wait_dma2 semaphore(%arg14 : memref<!tpu.dma_semaphore, #tpu.memory_space<semaphore_mem>>) src(%dma_wait3A_467 : memref<2x6272xf32, #tpu.memory_space<hbm>>) dst(%dma_wait3A_464 : memref<2x6272xf32, #tpu.memory_space<vmem>>)
      %dma_wait3A_468 = arith.constant 0 : i32
      %dma_wait3A_469 = arith.constant 6272 : i32
      %dma_wait3A_470 = tpu.memref_slice %arg11[%dma_wait3A_468, %dma_wait3A_469] : memref<2x12928xf32, #tpu.memory_space<vmem>> -> memref<2x6272xf32, #tpu.memory_space<vmem>>
      %dma_wait3A_471 = arith.constant 0 : i32
      %dma_wait3A_472 = arith.constant 6272 : i32
      %dma_wait3A_473 = tpu.memref_slice %arg2[%dma_wait3A_471, %dma_wait3A_472] : memref<2880x201088xf32, #tpu.memory_space<hbm>> -> memref<2x6272xf32, #tpu.memory_space<hbm>>
      %dma_wait3A_474 = arith.constant 0 : i32
      %dma_wait3A_475 = arith.constant 6272 : i32
      %dma_wait3A_476 = tpu.memref_slice %arg11[%dma_wait3A_474, %dma_wait3A_475] : memref<2x12928xf32, #tpu.memory_space<vmem>> -> memref<2x6272xf32, #tpu.memory_space<vmem>>
      %dma_wait3A_477 = arith.constant 0 : i32
      %dma_wait3A_478 = arith.constant 6272 : i32
      %dma_wait3A_479 = tpu.memref_slice %arg2[%dma_wait3A_477, %dma_wait3A_478] : memref<2880x201088xf32, #tpu.memory_space<hbm>> -> memref<2x6272xf32, #tpu.memory_space<hbm>>
      tpu.wait_dma2 semaphore(%arg14 : memref<!tpu.dma_semaphore, #tpu.memory_space<semaphore_mem>>) src(%dma_wait3A_479 : memref<2x6272xf32, #tpu.memory_space<hbm>>) dst(%dma_wait3A_476 : memref<2x6272xf32, #tpu.memory_space<vmem>>)
      %mul3A_480 = arith.constant 2 : i32
      %mul3A_481 = arith.muli %mul3A_480, %scan3A_127 : i32
      %add3A_482 = arith.addi %mul3A_2, %mul3A_481 : i32
      %dma_start3A_483 = arith.constant 0 : i32
      %dma_start3A_484 = arith.constant 0 : i32
      %dma_start3A_485 = tpu.memref_slice %arg10[%dma_start3A_483, %dma_start3A_484] : memref<2x12928xf32, #tpu.memory_space<vmem>> -> memref<2x6272xf32, #tpu.memory_space<vmem>>
      %dma_start3A_486 = arith.constant 75264 : i32
      %dma_start3A_487 = tpu.memref_slice %arg2[%add3A_482, %dma_start3A_486] : memref<2880x201088xf32, #tpu.memory_space<hbm>> -> memref<2x6272xf32, #tpu.memory_space<hbm>>
      %dma_start3A_488 = arith.constant 0 : i32
      %dma_start3A_489 = arith.constant 0 : i32
      %dma_start3A_490 = tpu.memref_slice %arg10[%dma_start3A_488, %dma_start3A_489] : memref<2x12928xf32, #tpu.memory_space<vmem>> -> memref<2x6272xf32, #tpu.memory_space<vmem>>
      %dma_start3A_491 = arith.constant 75264 : i32
      %dma_start3A_492 = tpu.memref_slice %arg2[%add3A_482, %dma_start3A_491] : memref<2880x201088xf32, #tpu.memory_space<hbm>> -> memref<2x6272xf32, #tpu.memory_space<hbm>>
      tpu.enqueue_dma source(%dma_start3A_492 : memref<2x6272xf32, #tpu.memory_space<hbm>>) target(%dma_start3A_490 : memref<2x6272xf32, #tpu.memory_space<vmem>>) target_semaphore(%arg13 : memref<!tpu.dma_semaphore, #tpu.memory_space<semaphore_mem>>)
      %dma_start3A_493 = arith.constant 0 : i32
      %dma_start3A_494 = arith.constant 6272 : i32
      %dma_start3A_495 = tpu.memref_slice %arg10[%dma_start3A_493, %dma_start3A_494] : memref<2x12928xf32, #tpu.memory_space<vmem>> -> memref<2x6272xf32, #tpu.memory_space<vmem>>
      %dma_start3A_496 = arith.constant 81536 : i32
      %dma_start3A_497 = tpu.memref_slice %arg2[%add3A_482, %dma_start3A_496] : memref<2880x201088xf32, #tpu.memory_space<hbm>> -> memref<2x6272xf32, #tpu.memory_space<hbm>>
      %dma_start3A_498 = arith.constant 0 : i32
      %dma_start3A_499 = arith.constant 6272 : i32
      %dma_start3A_500 = tpu.memref_slice %arg10[%dma_start3A_498, %dma_start3A_499] : memref<2x12928xf32, #tpu.memory_space<vmem>> -> memref<2x6272xf32, #tpu.memory_space<vmem>>
      %dma_start3A_501 = arith.constant 81536 : i32
      %dma_start3A_502 = tpu.memref_slice %arg2[%add3A_482, %dma_start3A_501] : memref<2880x201088xf32, #tpu.memory_space<hbm>> -> memref<2x6272xf32, #tpu.memory_space<hbm>>
      tpu.enqueue_dma source(%dma_start3A_502 : memref<2x6272xf32, #tpu.memory_space<hbm>>) target(%dma_start3A_500 : memref<2x6272xf32, #tpu.memory_space<vmem>>) target_semaphore(%arg13 : memref<!tpu.dma_semaphore, #tpu.memory_space<semaphore_mem>>)
      %slice3A_503 = vector.extract_strided_slice %get3A_3 {offsets = [5], sizes = [1], strides = [1]} : vector<16xi32> to vector<1xi32>
      %squeeze3A_504 = vector.extract %slice3A_503[0] : i32 from vector<1xi32>
      %shift_right_arithmetic3A_505 = arith.constant 4 : i32
      %shift_right_arithmetic3A_506 = arith.shrsi %squeeze3A_504, %shift_right_arithmetic3A_505 : i32
      %slice3A_507 = vector.extract_strided_slice %get3A_3 {offsets = [6], sizes = [1], strides = [1]} : vector<16xi32> to vector<1xi32>
      %squeeze3A_508 = vector.extract %slice3A_507[0] : i32 from vector<1xi32>
      %add3A_509 = arith.constant 15 : i32
      %add3A_510 = arith.addi %squeeze3A_508, %add3A_509 : i32
      %shift_right_arithmetic3A_511 = arith.constant 4 : i32
      %shift_right_arithmetic3A_512 = arith.shrsi %add3A_510, %shift_right_arithmetic3A_511 : i32
      %while3A_513 = arith.constant 0 : i32
      %while3A_514 = arith.subi %shift_right_arithmetic3A_512, %shift_right_arithmetic3A_506 : i32
      %while3A_515 = arith.addi %shift_right_arithmetic3A_506, %while3A_514 : i32
      %while3A_516 = arith.constant 1 : i32
      %while3A_517 = arith.divsi %while3A_514, %while3A_516 : i32
      %while3A_518 = arith.muli %while3A_517, %while3A_516 : i32
      %while3A_519 = arith.addi %shift_right_arithmetic3A_506, %while3A_518 : i32
      %while3A_520 = arith.constant 1 : i32
      scf.for %while3A_1280 = %shift_right_arithmetic3A_506 to %while3A_519 step %while3A_520  : i32 {
        %mul3A_1281 = arith.constant 16 : i32
        %mul3A_1282 = arith.muli %while3A_1280, %mul3A_1281 : i32
        %get3A_1283 = arith.index_cast %mul3A_1282 : i32 to index
        %get3A_1284 = tpu.vector_load %arg7[%get3A_1283] {strides = array<i32>} : memref<16384xi32, #tpu.memory_space<vmem>>, vector<16xi32>,
        %mul3A_1285 = arith.constant 16 : i32
        %mul3A_1286 = arith.muli %while3A_1280, %mul3A_1285 : i32
        %get3A_1287 = arith.index_cast %mul3A_1286 : i32 to index
        %get3A_1288 = tpu.vector_load %arg8[%get3A_1287] {strides = array<i32>} : memref<16384xi32, #tpu.memory_space<vmem>>, vector<16xi32>,
        %sub3A = arith.constant 62720 : i32
        %sub3A_1289 = vector.broadcast %sub3A : i32 to vector<16xi32>
        %sub3A_1290 = arith.subi %get3A_1284, %sub3A_1289 : vector<16xi32>
        %max3A = arith.constant 0 : i32
        %max3A_1291 = vector.broadcast %max3A : i32 to vector<16xi32>
        %max3A_1292 = arith.maxsi %sub3A_1290, %max3A_1291 : vector<16xi32>
        %min3A = arith.constant 12543 : i32
        %min3A_1293 = vector.broadcast %min3A : i32 to vector<16xi32>
        %min3A_1294 = arith.minsi %max3A_1292, %min3A_1293 : vector<16xi32>
        %ge3A = arith.constant 62720 : i32
        %ge3A_1295 = vector.broadcast %ge3A : i32 to vector<16xi32>
        %ge3A_1296 = arith.cmpi sge, %get3A_1284, %ge3A_1295 : vector<16xi32>
        %broadcast_in_dim3A = arith.constant 0 : i32
        %broadcast_in_dim3A_1297 = vector.broadcast %broadcast_in_dim3A : i32 to vector<16xi32>
        %gather3A = tpu.vector_load_idx %arg11[%broadcast_in_dim3A_1297, %min3A_1294] : memref<2x12928xf32, #tpu.memory_space<vmem>>[vector<16xi32>, vector<16xi32>], vector<16xf32>,
        tpu.vector_store_idx %arg12[%broadcast_in_dim3A_1297, %get3A_1288], %gather3A masked %ge3A_1296 : memref<2x16384xf32, #tpu.memory_space<vmem>>[vector<16xi32>, vector<16xi32>], vector<16xf32>, vector<16xi1>
        %broadcast_in_dim3A_1298 = arith.constant 1 : i32
        %broadcast_in_dim3A_1299 = vector.broadcast %broadcast_in_dim3A_1298 : i32 to vector<16xi32>
        %gather3A_1300 = tpu.vector_load_idx %arg11[%broadcast_in_dim3A_1299, %min3A_1294] : memref<2x12928xf32, #tpu.memory_space<vmem>>[vector<16xi32>, vector<16xi32>], vector<16xf32>,
        tpu.vector_store_idx %arg12[%broadcast_in_dim3A_1299, %get3A_1288], %gather3A_1300 masked %ge3A_1296 : memref<2x16384xf32, #tpu.memory_space<vmem>>[vector<16xi32>, vector<16xi32>], vector<16xf32>, vector<16xi1>
      }
      %while3A_521 = arith.constant 1 : i32
      scf.for %while3A_1280 = %while3A_519 to %while3A_515 step %while3A_521  : i32 {
        %mul3A_1281 = arith.constant 16 : i32
        %mul3A_1282 = arith.muli %while3A_1280, %mul3A_1281 : i32
        %get3A_1283 = arith.index_cast %mul3A_1282 : i32 to index
        %get3A_1284 = tpu.vector_load %arg7[%get3A_1283] {strides = array<i32>} : memref<16384xi32, #tpu.memory_space<vmem>>, vector<16xi32>,
        %mul3A_1285 = arith.constant 16 : i32
        %mul3A_1286 = arith.muli %while3A_1280, %mul3A_1285 : i32
        %get3A_1287 = arith.index_cast %mul3A_1286 : i32 to index
        %get3A_1288 = tpu.vector_load %arg8[%get3A_1287] {strides = array<i32>} : memref<16384xi32, #tpu.memory_space<vmem>>, vector<16xi32>,
        %sub3A = arith.constant 62720 : i32
        %sub3A_1289 = vector.broadcast %sub3A : i32 to vector<16xi32>
        %sub3A_1290 = arith.subi %get3A_1284, %sub3A_1289 : vector<16xi32>
        %max3A = arith.constant 0 : i32
        %max3A_1291 = vector.broadcast %max3A : i32 to vector<16xi32>
        %max3A_1292 = arith.maxsi %sub3A_1290, %max3A_1291 : vector<16xi32>
        %min3A = arith.constant 12543 : i32
        %min3A_1293 = vector.broadcast %min3A : i32 to vector<16xi32>
        %min3A_1294 = arith.minsi %max3A_1292, %min3A_1293 : vector<16xi32>
        %ge3A = arith.constant 62720 : i32
        %ge3A_1295 = vector.broadcast %ge3A : i32 to vector<16xi32>
        %ge3A_1296 = arith.cmpi sge, %get3A_1284, %ge3A_1295 : vector<16xi32>
        %broadcast_in_dim3A = arith.constant 0 : i32
        %broadcast_in_dim3A_1297 = vector.broadcast %broadcast_in_dim3A : i32 to vector<16xi32>
        %gather3A = tpu.vector_load_idx %arg11[%broadcast_in_dim3A_1297, %min3A_1294] : memref<2x12928xf32, #tpu.memory_space<vmem>>[vector<16xi32>, vector<16xi32>], vector<16xf32>,
        tpu.vector_store_idx %arg12[%broadcast_in_dim3A_1297, %get3A_1288], %gather3A masked %ge3A_1296 : memref<2x16384xf32, #tpu.memory_space<vmem>>[vector<16xi32>, vector<16xi32>], vector<16xf32>, vector<16xi1>
        %broadcast_in_dim3A_1298 = arith.constant 1 : i32
        %broadcast_in_dim3A_1299 = vector.broadcast %broadcast_in_dim3A_1298 : i32 to vector<16xi32>
        %gather3A_1300 = tpu.vector_load_idx %arg11[%broadcast_in_dim3A_1299, %min3A_1294] : memref<2x12928xf32, #tpu.memory_space<vmem>>[vector<16xi32>, vector<16xi32>], vector<16xf32>,
        tpu.vector_store_idx %arg12[%broadcast_in_dim3A_1299, %get3A_1288], %gather3A_1300 masked %ge3A_1296 : memref<2x16384xf32, #tpu.memory_space<vmem>>[vector<16xi32>, vector<16xi32>], vector<16xf32>, vector<16xi1>
      }
      %dma_wait3A_522 = arith.constant 0 : i32
      %dma_wait3A_523 = arith.constant 0 : i32
      %dma_wait3A_524 = tpu.memref_slice %arg10[%dma_wait3A_522, %dma_wait3A_523] : memref<2x12928xf32, #tpu.memory_space<vmem>> -> memref<2x6272xf32, #tpu.memory_space<vmem>>
      %dma_wait3A_525 = arith.constant 0 : i32
      %dma_wait3A_526 = arith.constant 0 : i32
      %dma_wait3A_527 = tpu.memref_slice %arg2[%dma_wait3A_525, %dma_wait3A_526] : memref<2880x201088xf32, #tpu.memory_space<hbm>> -> memref<2x6272xf32, #tpu.memory_space<hbm>>
      %dma_wait3A_528 = arith.constant 0 : i32
      %dma_wait3A_529 = arith.constant 0 : i32
      %dma_wait3A_530 = tpu.memref_slice %arg10[%dma_wait3A_528, %dma_wait3A_529] : memref<2x12928xf32, #tpu.memory_space<vmem>> -> memref<2x6272xf32, #tpu.memory_space<vmem>>
      %dma_wait3A_531 = arith.constant 0 : i32
      %dma_wait3A_532 = arith.constant 0 : i32
      %dma_wait3A_533 = tpu.memref_slice %arg2[%dma_wait3A_531, %dma_wait3A_532] : memref<2880x201088xf32, #tpu.memory_space<hbm>> -> memref<2x6272xf32, #tpu.memory_space<hbm>>
      tpu.wait_dma2 semaphore(%arg13 : memref<!tpu.dma_semaphore, #tpu.memory_space<semaphore_mem>>) src(%dma_wait3A_533 : memref<2x6272xf32, #tpu.memory_space<hbm>>) dst(%dma_wait3A_530 : memref<2x6272xf32, #tpu.memory_space<vmem>>)
      %dma_wait3A_534 = arith.constant 0 : i32
      %dma_wait3A_535 = arith.constant 6272 : i32
      %dma_wait3A_536 = tpu.memref_slice %arg10[%dma_wait3A_534, %dma_wait3A_535] : memref<2x12928xf32, #tpu.memory_space<vmem>> -> memref<2x6272xf32, #tpu.memory_space<vmem>>
      %dma_wait3A_537 = arith.constant 0 : i32
      %dma_wait3A_538 = arith.constant 6272 : i32
      %dma_wait3A_539 = tpu.memref_slice %arg2[%dma_wait3A_537, %dma_wait3A_538] : memref<2880x201088xf32, #tpu.memory_space<hbm>> -> memref<2x6272xf32, #tpu.memory_space<hbm>>
      %dma_wait3A_540 = arith.constant 0 : i32
      %dma_wait3A_541 = arith.constant 6272 : i32
      %dma_wait3A_542 = tpu.memref_slice %arg10[%dma_wait3A_540, %dma_wait3A_541] : memref<2x12928xf32, #tpu.memory_space<vmem>> -> memref<2x6272xf32, #tpu.memory_space<vmem>>
      %dma_wait3A_543 = arith.constant 0 : i32
      %dma_wait3A_544 = arith.constant 6272 : i32
      %dma_wait3A_545 = tpu.memref_slice %arg2[%dma_wait3A_543, %dma_wait3A_544] : memref<2880x201088xf32, #tpu.memory_space<hbm>> -> memref<2x6272xf32, #tpu.memory_space<hbm>>
      tpu.wait_dma2 semaphore(%arg13 : memref<!tpu.dma_semaphore, #tpu.memory_space<semaphore_mem>>) src(%dma_wait3A_545 : memref<2x6272xf32, #tpu.memory_space<hbm>>) dst(%dma_wait3A_542 : memref<2x6272xf32, #tpu.memory_space<vmem>>)
      %mul3A_546 = arith.constant 2 : i32
      %mul3A_547 = arith.muli %mul3A_546, %scan3A_127 : i32
      %add3A_548 = arith.addi %mul3A_2, %mul3A_547 : i32
      %dma_start3A_549 = arith.constant 0 : i32
      %dma_start3A_550 = arith.constant 0 : i32
      %dma_start3A_551 = tpu.memref_slice %arg11[%dma_start3A_549, %dma_start3A_550] : memref<2x12928xf32, #tpu.memory_space<vmem>> -> memref<2x6272xf32, #tpu.memory_space<vmem>>
      %dma_start3A_552 = arith.constant 87808 : i32
      %dma_start3A_553 = tpu.memref_slice %arg2[%add3A_548, %dma_start3A_552] : memref<2880x201088xf32, #tpu.memory_space<hbm>> -> memref<2x6272xf32, #tpu.memory_space<hbm>>
      %dma_start3A_554 = arith.constant 0 : i32
      %dma_start3A_555 = arith.constant 0 : i32
      %dma_start3A_556 = tpu.memref_slice %arg11[%dma_start3A_554, %dma_start3A_555] : memref<2x12928xf32, #tpu.memory_space<vmem>> -> memref<2x6272xf32, #tpu.memory_space<vmem>>
      %dma_start3A_557 = arith.constant 87808 : i32
      %dma_start3A_558 = tpu.memref_slice %arg2[%add3A_548, %dma_start3A_557] : memref<2880x201088xf32, #tpu.memory_space<hbm>> -> memref<2x6272xf32, #tpu.memory_space<hbm>>
      tpu.enqueue_dma source(%dma_start3A_558 : memref<2x6272xf32, #tpu.memory_space<hbm>>) target(%dma_start3A_556 : memref<2x6272xf32, #tpu.memory_space<vmem>>) target_semaphore(%arg14 : memref<!tpu.dma_semaphore, #tpu.memory_space<semaphore_mem>>)
      %dma_start3A_559 = arith.constant 0 : i32
      %dma_start3A_560 = arith.constant 6272 : i32
      %dma_start3A_561 = tpu.memref_slice %arg11[%dma_start3A_559, %dma_start3A_560] : memref<2x12928xf32, #tpu.memory_space<vmem>> -> memref<2x6272xf32, #tpu.memory_space<vmem>>
      %dma_start3A_562 = arith.constant 94080 : i32
      %dma_start3A_563 = tpu.memref_slice %arg2[%add3A_548, %dma_start3A_562] : memref<2880x201088xf32, #tpu.memory_space<hbm>> -> memref<2x6272xf32, #tpu.memory_space<hbm>>
      %dma_start3A_564 = arith.constant 0 : i32
      %dma_start3A_565 = arith.constant 6272 : i32
      %dma_start3A_566 = tpu.memref_slice %arg11[%dma_start3A_564, %dma_start3A_565] : memref<2x12928xf32, #tpu.memory_space<vmem>> -> memref<2x6272xf32, #tpu.memory_space<vmem>>
      %dma_start3A_567 = arith.constant 94080 : i32
      %dma_start3A_568 = tpu.memref_slice %arg2[%add3A_548, %dma_start3A_567] : memref<2880x201088xf32, #tpu.memory_space<hbm>> -> memref<2x6272xf32, #tpu.memory_space<hbm>>
      tpu.enqueue_dma source(%dma_start3A_568 : memref<2x6272xf32, #tpu.memory_space<hbm>>) target(%dma_start3A_566 : memref<2x6272xf32, #tpu.memory_space<vmem>>) target_semaphore(%arg14 : memref<!tpu.dma_semaphore, #tpu.memory_space<semaphore_mem>>)
      %slice3A_569 = vector.extract_strided_slice %get3A_3 {offsets = [6], sizes = [1], strides = [1]} : vector<16xi32> to vector<1xi32>
      %squeeze3A_570 = vector.extract %slice3A_569[0] : i32 from vector<1xi32>
      %shift_right_arithmetic3A_571 = arith.constant 4 : i32
      %shift_right_arithmetic3A_572 = arith.shrsi %squeeze3A_570, %shift_right_arithmetic3A_571 : i32
      %slice3A_573 = vector.extract_strided_slice %get3A_3 {offsets = [7], sizes = [1], strides = [1]} : vector<16xi32> to vector<1xi32>
      %squeeze3A_574 = vector.extract %slice3A_573[0] : i32 from vector<1xi32>
      %add3A_575 = arith.constant 15 : i32
      %add3A_576 = arith.addi %squeeze3A_574, %add3A_575 : i32
      %shift_right_arithmetic3A_577 = arith.constant 4 : i32
      %shift_right_arithmetic3A_578 = arith.shrsi %add3A_576, %shift_right_arithmetic3A_577 : i32
      %while3A_579 = arith.constant 0 : i32
      %while3A_580 = arith.subi %shift_right_arithmetic3A_578, %shift_right_arithmetic3A_572 : i32
      %while3A_581 = arith.addi %shift_right_arithmetic3A_572, %while3A_580 : i32
      %while3A_582 = arith.constant 1 : i32
      %while3A_583 = arith.divsi %while3A_580, %while3A_582 : i32
      %while3A_584 = arith.muli %while3A_583, %while3A_582 : i32
      %while3A_585 = arith.addi %shift_right_arithmetic3A_572, %while3A_584 : i32
      %while3A_586 = arith.constant 1 : i32
      scf.for %while3A_1280 = %shift_right_arithmetic3A_572 to %while3A_585 step %while3A_586  : i32 {
        %mul3A_1281 = arith.constant 16 : i32
        %mul3A_1282 = arith.muli %while3A_1280, %mul3A_1281 : i32
        %get3A_1283 = arith.index_cast %mul3A_1282 : i32 to index
        %get3A_1284 = tpu.vector_load %arg7[%get3A_1283] {strides = array<i32>} : memref<16384xi32, #tpu.memory_space<vmem>>, vector<16xi32>,
        %mul3A_1285 = arith.constant 16 : i32
        %mul3A_1286 = arith.muli %while3A_1280, %mul3A_1285 : i32
        %get3A_1287 = arith.index_cast %mul3A_1286 : i32 to index
        %get3A_1288 = tpu.vector_load %arg8[%get3A_1287] {strides = array<i32>} : memref<16384xi32, #tpu.memory_space<vmem>>, vector<16xi32>,
        %sub3A = arith.constant 75264 : i32
        %sub3A_1289 = vector.broadcast %sub3A : i32 to vector<16xi32>
        %sub3A_1290 = arith.subi %get3A_1284, %sub3A_1289 : vector<16xi32>
        %max3A = arith.constant 0 : i32
        %max3A_1291 = vector.broadcast %max3A : i32 to vector<16xi32>
        %max3A_1292 = arith.maxsi %sub3A_1290, %max3A_1291 : vector<16xi32>
        %min3A = arith.constant 12543 : i32
        %min3A_1293 = vector.broadcast %min3A : i32 to vector<16xi32>
        %min3A_1294 = arith.minsi %max3A_1292, %min3A_1293 : vector<16xi32>
        %ge3A = arith.constant 75264 : i32
        %ge3A_1295 = vector.broadcast %ge3A : i32 to vector<16xi32>
        %ge3A_1296 = arith.cmpi sge, %get3A_1284, %ge3A_1295 : vector<16xi32>
        %broadcast_in_dim3A = arith.constant 0 : i32
        %broadcast_in_dim3A_1297 = vector.broadcast %broadcast_in_dim3A : i32 to vector<16xi32>
        %gather3A = tpu.vector_load_idx %arg10[%broadcast_in_dim3A_1297, %min3A_1294] : memref<2x12928xf32, #tpu.memory_space<vmem>>[vector<16xi32>, vector<16xi32>], vector<16xf32>,
        tpu.vector_store_idx %arg12[%broadcast_in_dim3A_1297, %get3A_1288], %gather3A masked %ge3A_1296 : memref<2x16384xf32, #tpu.memory_space<vmem>>[vector<16xi32>, vector<16xi32>], vector<16xf32>, vector<16xi1>
        %broadcast_in_dim3A_1298 = arith.constant 1 : i32
        %broadcast_in_dim3A_1299 = vector.broadcast %broadcast_in_dim3A_1298 : i32 to vector<16xi32>
        %gather3A_1300 = tpu.vector_load_idx %arg10[%broadcast_in_dim3A_1299, %min3A_1294] : memref<2x12928xf32, #tpu.memory_space<vmem>>[vector<16xi32>, vector<16xi32>], vector<16xf32>,
        tpu.vector_store_idx %arg12[%broadcast_in_dim3A_1299, %get3A_1288], %gather3A_1300 masked %ge3A_1296 : memref<2x16384xf32, #tpu.memory_space<vmem>>[vector<16xi32>, vector<16xi32>], vector<16xf32>, vector<16xi1>
      }
      %while3A_587 = arith.constant 1 : i32
      scf.for %while3A_1280 = %while3A_585 to %while3A_581 step %while3A_587  : i32 {
        %mul3A_1281 = arith.constant 16 : i32
        %mul3A_1282 = arith.muli %while3A_1280, %mul3A_1281 : i32
        %get3A_1283 = arith.index_cast %mul3A_1282 : i32 to index
        %get3A_1284 = tpu.vector_load %arg7[%get3A_1283] {strides = array<i32>} : memref<16384xi32, #tpu.memory_space<vmem>>, vector<16xi32>,
        %mul3A_1285 = arith.constant 16 : i32
        %mul3A_1286 = arith.muli %while3A_1280, %mul3A_1285 : i32
        %get3A_1287 = arith.index_cast %mul3A_1286 : i32 to index
        %get3A_1288 = tpu.vector_load %arg8[%get3A_1287] {strides = array<i32>} : memref<16384xi32, #tpu.memory_space<vmem>>, vector<16xi32>,
        %sub3A = arith.constant 75264 : i32
        %sub3A_1289 = vector.broadcast %sub3A : i32 to vector<16xi32>
        %sub3A_1290 = arith.subi %get3A_1284, %sub3A_1289 : vector<16xi32>
        %max3A = arith.constant 0 : i32
        %max3A_1291 = vector.broadcast %max3A : i32 to vector<16xi32>
        %max3A_1292 = arith.maxsi %sub3A_1290, %max3A_1291 : vector<16xi32>
        %min3A = arith.constant 12543 : i32
        %min3A_1293 = vector.broadcast %min3A : i32 to vector<16xi32>
        %min3A_1294 = arith.minsi %max3A_1292, %min3A_1293 : vector<16xi32>
        %ge3A = arith.constant 75264 : i32
        %ge3A_1295 = vector.broadcast %ge3A : i32 to vector<16xi32>
        %ge3A_1296 = arith.cmpi sge, %get3A_1284, %ge3A_1295 : vector<16xi32>
        %broadcast_in_dim3A = arith.constant 0 : i32
        %broadcast_in_dim3A_1297 = vector.broadcast %broadcast_in_dim3A : i32 to vector<16xi32>
        %gather3A = tpu.vector_load_idx %arg10[%broadcast_in_dim3A_1297, %min3A_1294] : memref<2x12928xf32, #tpu.memory_space<vmem>>[vector<16xi32>, vector<16xi32>], vector<16xf32>,
        tpu.vector_store_idx %arg12[%broadcast_in_dim3A_1297, %get3A_1288], %gather3A masked %ge3A_1296 : memref<2x16384xf32, #tpu.memory_space<vmem>>[vector<16xi32>, vector<16xi32>], vector<16xf32>, vector<16xi1>
        %broadcast_in_dim3A_1298 = arith.constant 1 : i32
        %broadcast_in_dim3A_1299 = vector.broadcast %broadcast_in_dim3A_1298 : i32 to vector<16xi32>
        %gather3A_1300 = tpu.vector_load_idx %arg10[%broadcast_in_dim3A_1299, %min3A_1294] : memref<2x12928xf32, #tpu.memory_space<vmem>>[vector<16xi32>, vector<16xi32>], vector<16xf32>,
        tpu.vector_store_idx %arg12[%broadcast_in_dim3A_1299, %get3A_1288], %gather3A_1300 masked %ge3A_1296 : memref<2x16384xf32, #tpu.memory_space<vmem>>[vector<16xi32>, vector<16xi32>], vector<16xf32>, vector<16xi1>
      }
      %dma_wait3A_588 = arith.constant 0 : i32
      %dma_wait3A_589 = arith.constant 0 : i32
      %dma_wait3A_590 = tpu.memref_slice %arg11[%dma_wait3A_588, %dma_wait3A_589] : memref<2x12928xf32, #tpu.memory_space<vmem>> -> memref<2x6272xf32, #tpu.memory_space<vmem>>
      %dma_wait3A_591 = arith.constant 0 : i32
      %dma_wait3A_592 = arith.constant 0 : i32
      %dma_wait3A_593 = tpu.memref_slice %arg2[%dma_wait3A_591, %dma_wait3A_592] : memref<2880x201088xf32, #tpu.memory_space<hbm>> -> memref<2x6272xf32, #tpu.memory_space<hbm>>
      %dma_wait3A_594 = arith.constant 0 : i32
      %dma_wait3A_595 = arith.constant 0 : i32
      %dma_wait3A_596 = tpu.memref_slice %arg11[%dma_wait3A_594, %dma_wait3A_595] : memref<2x12928xf32, #tpu.memory_space<vmem>> -> memref<2x6272xf32, #tpu.memory_space<vmem>>
      %dma_wait3A_597 = arith.constant 0 : i32
      %dma_wait3A_598 = arith.constant 0 : i32
      %dma_wait3A_599 = tpu.memref_slice %arg2[%dma_wait3A_597, %dma_wait3A_598] : memref<2880x201088xf32, #tpu.memory_space<hbm>> -> memref<2x6272xf32, #tpu.memory_space<hbm>>
      tpu.wait_dma2 semaphore(%arg14 : memref<!tpu.dma_semaphore, #tpu.memory_space<semaphore_mem>>) src(%dma_wait3A_599 : memref<2x6272xf32, #tpu.memory_space<hbm>>) dst(%dma_wait3A_596 : memref<2x6272xf32, #tpu.memory_space<vmem>>)
      %dma_wait3A_600 = arith.constant 0 : i32
      %dma_wait3A_601 = arith.constant 6272 : i32
      %dma_wait3A_602 = tpu.memref_slice %arg11[%dma_wait3A_600, %dma_wait3A_601] : memref<2x12928xf32, #tpu.memory_space<vmem>> -> memref<2x6272xf32, #tpu.memory_space<vmem>>
      %dma_wait3A_603 = arith.constant 0 : i32
      %dma_wait3A_604 = arith.constant 6272 : i32
      %dma_wait3A_605 = tpu.memref_slice %arg2[%dma_wait3A_603, %dma_wait3A_604] : memref<2880x201088xf32, #tpu.memory_space<hbm>> -> memref<2x6272xf32, #tpu.memory_space<hbm>>
      %dma_wait3A_606 = arith.constant 0 : i32
      %dma_wait3A_607 = arith.constant 6272 : i32
      %dma_wait3A_608 = tpu.memref_slice %arg11[%dma_wait3A_606, %dma_wait3A_607] : memref<2x12928xf32, #tpu.memory_space<vmem>> -> memref<2x6272xf32, #tpu.memory_space<vmem>>
      %dma_wait3A_609 = arith.constant 0 : i32
      %dma_wait3A_610 = arith.constant 6272 : i32
      %dma_wait3A_611 = tpu.memref_slice %arg2[%dma_wait3A_609, %dma_wait3A_610] : memref<2880x201088xf32, #tpu.memory_space<hbm>> -> memref<2x6272xf32, #tpu.memory_space<hbm>>
      tpu.wait_dma2 semaphore(%arg14 : memref<!tpu.dma_semaphore, #tpu.memory_space<semaphore_mem>>) src(%dma_wait3A_611 : memref<2x6272xf32, #tpu.memory_space<hbm>>) dst(%dma_wait3A_608 : memref<2x6272xf32, #tpu.memory_space<vmem>>)
      %mul3A_612 = arith.constant 2 : i32
      %mul3A_613 = arith.muli %mul3A_612, %scan3A_127 : i32
      %add3A_614 = arith.addi %mul3A_2, %mul3A_613 : i32
      %dma_start3A_615 = arith.constant 0 : i32
      %dma_start3A_616 = arith.constant 0 : i32
      %dma_start3A_617 = tpu.memref_slice %arg10[%dma_start3A_615, %dma_start3A_616] : memref<2x12928xf32, #tpu.memory_space<vmem>> -> memref<2x6272xf32, #tpu.memory_space<vmem>>
      %dma_start3A_618 = arith.constant 100352 : i32
      %dma_start3A_619 = tpu.memref_slice %arg2[%add3A_614, %dma_start3A_618] : memref<2880x201088xf32, #tpu.memory_space<hbm>> -> memref<2x6272xf32, #tpu.memory_space<hbm>>
      %dma_start3A_620 = arith.constant 0 : i32
      %dma_start3A_621 = arith.constant 0 : i32
      %dma_start3A_622 = tpu.memref_slice %arg10[%dma_start3A_620, %dma_start3A_621] : memref<2x12928xf32, #tpu.memory_space<vmem>> -> memref<2x6272xf32, #tpu.memory_space<vmem>>
      %dma_start3A_623 = arith.constant 100352 : i32
      %dma_start3A_624 = tpu.memref_slice %arg2[%add3A_614, %dma_start3A_623] : memref<2880x201088xf32, #tpu.memory_space<hbm>> -> memref<2x6272xf32, #tpu.memory_space<hbm>>
      tpu.enqueue_dma source(%dma_start3A_624 : memref<2x6272xf32, #tpu.memory_space<hbm>>) target(%dma_start3A_622 : memref<2x6272xf32, #tpu.memory_space<vmem>>) target_semaphore(%arg13 : memref<!tpu.dma_semaphore, #tpu.memory_space<semaphore_mem>>)
      %dma_start3A_625 = arith.constant 0 : i32
      %dma_start3A_626 = arith.constant 6272 : i32
      %dma_start3A_627 = tpu.memref_slice %arg10[%dma_start3A_625, %dma_start3A_626] : memref<2x12928xf32, #tpu.memory_space<vmem>> -> memref<2x6272xf32, #tpu.memory_space<vmem>>
      %dma_start3A_628 = arith.constant 106624 : i32
      %dma_start3A_629 = tpu.memref_slice %arg2[%add3A_614, %dma_start3A_628] : memref<2880x201088xf32, #tpu.memory_space<hbm>> -> memref<2x6272xf32, #tpu.memory_space<hbm>>
      %dma_start3A_630 = arith.constant 0 : i32
      %dma_start3A_631 = arith.constant 6272 : i32
      %dma_start3A_632 = tpu.memref_slice %arg10[%dma_start3A_630, %dma_start3A_631] : memref<2x12928xf32, #tpu.memory_space<vmem>> -> memref<2x6272xf32, #tpu.memory_space<vmem>>
      %dma_start3A_633 = arith.constant 106624 : i32
      %dma_start3A_634 = tpu.memref_slice %arg2[%add3A_614, %dma_start3A_633] : memref<2880x201088xf32, #tpu.memory_space<hbm>> -> memref<2x6272xf32, #tpu.memory_space<hbm>>
      tpu.enqueue_dma source(%dma_start3A_634 : memref<2x6272xf32, #tpu.memory_space<hbm>>) target(%dma_start3A_632 : memref<2x6272xf32, #tpu.memory_space<vmem>>) target_semaphore(%arg13 : memref<!tpu.dma_semaphore, #tpu.memory_space<semaphore_mem>>)
      %slice3A_635 = vector.extract_strided_slice %get3A_3 {offsets = [7], sizes = [1], strides = [1]} : vector<16xi32> to vector<1xi32>
      %squeeze3A_636 = vector.extract %slice3A_635[0] : i32 from vector<1xi32>
      %shift_right_arithmetic3A_637 = arith.constant 4 : i32
      %shift_right_arithmetic3A_638 = arith.shrsi %squeeze3A_636, %shift_right_arithmetic3A_637 : i32
      %slice3A_639 = vector.extract_strided_slice %get3A_3 {offsets = [8], sizes = [1], strides = [1]} : vector<16xi32> to vector<1xi32>
      %squeeze3A_640 = vector.extract %slice3A_639[0] : i32 from vector<1xi32>
      %add3A_641 = arith.constant 15 : i32
      %add3A_642 = arith.addi %squeeze3A_640, %add3A_641 : i32
      %shift_right_arithmetic3A_643 = arith.constant 4 : i32
      %shift_right_arithmetic3A_644 = arith.shrsi %add3A_642, %shift_right_arithmetic3A_643 : i32
      %while3A_645 = arith.constant 0 : i32
      %while3A_646 = arith.subi %shift_right_arithmetic3A_644, %shift_right_arithmetic3A_638 : i32
      %while3A_647 = arith.addi %shift_right_arithmetic3A_638, %while3A_646 : i32
      %while3A_648 = arith.constant 1 : i32
      %while3A_649 = arith.divsi %while3A_646, %while3A_648 : i32
      %while3A_650 = arith.muli %while3A_649, %while3A_648 : i32
      %while3A_651 = arith.addi %shift_right_arithmetic3A_638, %while3A_650 : i32
      %while3A_652 = arith.constant 1 : i32
      scf.for %while3A_1280 = %shift_right_arithmetic3A_638 to %while3A_651 step %while3A_652  : i32 {
        %mul3A_1281 = arith.constant 16 : i32
        %mul3A_1282 = arith.muli %while3A_1280, %mul3A_1281 : i32
        %get3A_1283 = arith.index_cast %mul3A_1282 : i32 to index
        %get3A_1284 = tpu.vector_load %arg7[%get3A_1283] {strides = array<i32>} : memref<16384xi32, #tpu.memory_space<vmem>>, vector<16xi32>,
        %mul3A_1285 = arith.constant 16 : i32
        %mul3A_1286 = arith.muli %while3A_1280, %mul3A_1285 : i32
        %get3A_1287 = arith.index_cast %mul3A_1286 : i32 to index
        %get3A_1288 = tpu.vector_load %arg8[%get3A_1287] {strides = array<i32>} : memref<16384xi32, #tpu.memory_space<vmem>>, vector<16xi32>,
        %sub3A = arith.constant 87808 : i32
        %sub3A_1289 = vector.broadcast %sub3A : i32 to vector<16xi32>
        %sub3A_1290 = arith.subi %get3A_1284, %sub3A_1289 : vector<16xi32>
        %max3A = arith.constant 0 : i32
        %max3A_1291 = vector.broadcast %max3A : i32 to vector<16xi32>
        %max3A_1292 = arith.maxsi %sub3A_1290, %max3A_1291 : vector<16xi32>
        %min3A = arith.constant 12543 : i32
        %min3A_1293 = vector.broadcast %min3A : i32 to vector<16xi32>
        %min3A_1294 = arith.minsi %max3A_1292, %min3A_1293 : vector<16xi32>
        %ge3A = arith.constant 87808 : i32
        %ge3A_1295 = vector.broadcast %ge3A : i32 to vector<16xi32>
        %ge3A_1296 = arith.cmpi sge, %get3A_1284, %ge3A_1295 : vector<16xi32>
        %broadcast_in_dim3A = arith.constant 0 : i32
        %broadcast_in_dim3A_1297 = vector.broadcast %broadcast_in_dim3A : i32 to vector<16xi32>
        %gather3A = tpu.vector_load_idx %arg11[%broadcast_in_dim3A_1297, %min3A_1294] : memref<2x12928xf32, #tpu.memory_space<vmem>>[vector<16xi32>, vector<16xi32>], vector<16xf32>,
        tpu.vector_store_idx %arg12[%broadcast_in_dim3A_1297, %get3A_1288], %gather3A masked %ge3A_1296 : memref<2x16384xf32, #tpu.memory_space<vmem>>[vector<16xi32>, vector<16xi32>], vector<16xf32>, vector<16xi1>
        %broadcast_in_dim3A_1298 = arith.constant 1 : i32
        %broadcast_in_dim3A_1299 = vector.broadcast %broadcast_in_dim3A_1298 : i32 to vector<16xi32>
        %gather3A_1300 = tpu.vector_load_idx %arg11[%broadcast_in_dim3A_1299, %min3A_1294] : memref<2x12928xf32, #tpu.memory_space<vmem>>[vector<16xi32>, vector<16xi32>], vector<16xf32>,
        tpu.vector_store_idx %arg12[%broadcast_in_dim3A_1299, %get3A_1288], %gather3A_1300 masked %ge3A_1296 : memref<2x16384xf32, #tpu.memory_space<vmem>>[vector<16xi32>, vector<16xi32>], vector<16xf32>, vector<16xi1>
      }
      %while3A_653 = arith.constant 1 : i32
      scf.for %while3A_1280 = %while3A_651 to %while3A_647 step %while3A_653  : i32 {
        %mul3A_1281 = arith.constant 16 : i32
        %mul3A_1282 = arith.muli %while3A_1280, %mul3A_1281 : i32
        %get3A_1283 = arith.index_cast %mul3A_1282 : i32 to index
        %get3A_1284 = tpu.vector_load %arg7[%get3A_1283] {strides = array<i32>} : memref<16384xi32, #tpu.memory_space<vmem>>, vector<16xi32>,
        %mul3A_1285 = arith.constant 16 : i32
        %mul3A_1286 = arith.muli %while3A_1280, %mul3A_1285 : i32
        %get3A_1287 = arith.index_cast %mul3A_1286 : i32 to index
        %get3A_1288 = tpu.vector_load %arg8[%get3A_1287] {strides = array<i32>} : memref<16384xi32, #tpu.memory_space<vmem>>, vector<16xi32>,
        %sub3A = arith.constant 87808 : i32
        %sub3A_1289 = vector.broadcast %sub3A : i32 to vector<16xi32>
        %sub3A_1290 = arith.subi %get3A_1284, %sub3A_1289 : vector<16xi32>
        %max3A = arith.constant 0 : i32
        %max3A_1291 = vector.broadcast %max3A : i32 to vector<16xi32>
        %max3A_1292 = arith.maxsi %sub3A_1290, %max3A_1291 : vector<16xi32>
        %min3A = arith.constant 12543 : i32
        %min3A_1293 = vector.broadcast %min3A : i32 to vector<16xi32>
        %min3A_1294 = arith.minsi %max3A_1292, %min3A_1293 : vector<16xi32>
        %ge3A = arith.constant 87808 : i32
        %ge3A_1295 = vector.broadcast %ge3A : i32 to vector<16xi32>
        %ge3A_1296 = arith.cmpi sge, %get3A_1284, %ge3A_1295 : vector<16xi32>
        %broadcast_in_dim3A = arith.constant 0 : i32
        %broadcast_in_dim3A_1297 = vector.broadcast %broadcast_in_dim3A : i32 to vector<16xi32>
        %gather3A = tpu.vector_load_idx %arg11[%broadcast_in_dim3A_1297, %min3A_1294] : memref<2x12928xf32, #tpu.memory_space<vmem>>[vector<16xi32>, vector<16xi32>], vector<16xf32>,
        tpu.vector_store_idx %arg12[%broadcast_in_dim3A_1297, %get3A_1288], %gather3A masked %ge3A_1296 : memref<2x16384xf32, #tpu.memory_space<vmem>>[vector<16xi32>, vector<16xi32>], vector<16xf32>, vector<16xi1>
        %broadcast_in_dim3A_1298 = arith.constant 1 : i32
        %broadcast_in_dim3A_1299 = vector.broadcast %broadcast_in_dim3A_1298 : i32 to vector<16xi32>
        %gather3A_1300 = tpu.vector_load_idx %arg11[%broadcast_in_dim3A_1299, %min3A_1294] : memref<2x12928xf32, #tpu.memory_space<vmem>>[vector<16xi32>, vector<16xi32>], vector<16xf32>,
        tpu.vector_store_idx %arg12[%broadcast_in_dim3A_1299, %get3A_1288], %gather3A_1300 masked %ge3A_1296 : memref<2x16384xf32, #tpu.memory_space<vmem>>[vector<16xi32>, vector<16xi32>], vector<16xf32>, vector<16xi1>
      }
      %dma_wait3A_654 = arith.constant 0 : i32
      %dma_wait3A_655 = arith.constant 0 : i32
      %dma_wait3A_656 = tpu.memref_slice %arg10[%dma_wait3A_654, %dma_wait3A_655] : memref<2x12928xf32, #tpu.memory_space<vmem>> -> memref<2x6272xf32, #tpu.memory_space<vmem>>
      %dma_wait3A_657 = arith.constant 0 : i32
      %dma_wait3A_658 = arith.constant 0 : i32
      %dma_wait3A_659 = tpu.memref_slice %arg2[%dma_wait3A_657, %dma_wait3A_658] : memref<2880x201088xf32, #tpu.memory_space<hbm>> -> memref<2x6272xf32, #tpu.memory_space<hbm>>
      %dma_wait3A_660 = arith.constant 0 : i32
      %dma_wait3A_661 = arith.constant 0 : i32
      %dma_wait3A_662 = tpu.memref_slice %arg10[%dma_wait3A_660, %dma_wait3A_661] : memref<2x12928xf32, #tpu.memory_space<vmem>> -> memref<2x6272xf32, #tpu.memory_space<vmem>>
      %dma_wait3A_663 = arith.constant 0 : i32
      %dma_wait3A_664 = arith.constant 0 : i32
      %dma_wait3A_665 = tpu.memref_slice %arg2[%dma_wait3A_663, %dma_wait3A_664] : memref<2880x201088xf32, #tpu.memory_space<hbm>> -> memref<2x6272xf32, #tpu.memory_space<hbm>>
      tpu.wait_dma2 semaphore(%arg13 : memref<!tpu.dma_semaphore, #tpu.memory_space<semaphore_mem>>) src(%dma_wait3A_665 : memref<2x6272xf32, #tpu.memory_space<hbm>>) dst(%dma_wait3A_662 : memref<2x6272xf32, #tpu.memory_space<vmem>>)
      %dma_wait3A_666 = arith.constant 0 : i32
      %dma_wait3A_667 = arith.constant 6272 : i32
      %dma_wait3A_668 = tpu.memref_slice %arg10[%dma_wait3A_666, %dma_wait3A_667] : memref<2x12928xf32, #tpu.memory_space<vmem>> -> memref<2x6272xf32, #tpu.memory_space<vmem>>
      %dma_wait3A_669 = arith.constant 0 : i32
      %dma_wait3A_670 = arith.constant 6272 : i32
      %dma_wait3A_671 = tpu.memref_slice %arg2[%dma_wait3A_669, %dma_wait3A_670] : memref<2880x201088xf32, #tpu.memory_space<hbm>> -> memref<2x6272xf32, #tpu.memory_space<hbm>>
      %dma_wait3A_672 = arith.constant 0 : i32
      %dma_wait3A_673 = arith.constant 6272 : i32
      %dma_wait3A_674 = tpu.memref_slice %arg10[%dma_wait3A_672, %dma_wait3A_673] : memref<2x12928xf32, #tpu.memory_space<vmem>> -> memref<2x6272xf32, #tpu.memory_space<vmem>>
      %dma_wait3A_675 = arith.constant 0 : i32
      %dma_wait3A_676 = arith.constant 6272 : i32
      %dma_wait3A_677 = tpu.memref_slice %arg2[%dma_wait3A_675, %dma_wait3A_676] : memref<2880x201088xf32, #tpu.memory_space<hbm>> -> memref<2x6272xf32, #tpu.memory_space<hbm>>
      tpu.wait_dma2 semaphore(%arg13 : memref<!tpu.dma_semaphore, #tpu.memory_space<semaphore_mem>>) src(%dma_wait3A_677 : memref<2x6272xf32, #tpu.memory_space<hbm>>) dst(%dma_wait3A_674 : memref<2x6272xf32, #tpu.memory_space<vmem>>)
      %mul3A_678 = arith.constant 2 : i32
      %mul3A_679 = arith.muli %mul3A_678, %scan3A_127 : i32
      %add3A_680 = arith.addi %mul3A_2, %mul3A_679 : i32
      %dma_start3A_681 = arith.constant 0 : i32
      %dma_start3A_682 = arith.constant 0 : i32
      %dma_start3A_683 = tpu.memref_slice %arg11[%dma_start3A_681, %dma_start3A_682] : memref<2x12928xf32, #tpu.memory_space<vmem>> -> memref<2x6272xf32, #tpu.memory_space<vmem>>
      %dma_start3A_684 = arith.constant 112896 : i32
      %dma_start3A_685 = tpu.memref_slice %arg2[%add3A_680, %dma_start3A_684] : memref<2880x201088xf32, #tpu.memory_space<hbm>> -> memref<2x6272xf32, #tpu.memory_space<hbm>>
      %dma_start3A_686 = arith.constant 0 : i32
      %dma_start3A_687 = arith.constant 0 : i32
      %dma_start3A_688 = tpu.memref_slice %arg11[%dma_start3A_686, %dma_start3A_687] : memref<2x12928xf32, #tpu.memory_space<vmem>> -> memref<2x6272xf32, #tpu.memory_space<vmem>>
      %dma_start3A_689 = arith.constant 112896 : i32
      %dma_start3A_690 = tpu.memref_slice %arg2[%add3A_680, %dma_start3A_689] : memref<2880x201088xf32, #tpu.memory_space<hbm>> -> memref<2x6272xf32, #tpu.memory_space<hbm>>
      tpu.enqueue_dma source(%dma_start3A_690 : memref<2x6272xf32, #tpu.memory_space<hbm>>) target(%dma_start3A_688 : memref<2x6272xf32, #tpu.memory_space<vmem>>) target_semaphore(%arg14 : memref<!tpu.dma_semaphore, #tpu.memory_space<semaphore_mem>>)
      %dma_start3A_691 = arith.constant 0 : i32
      %dma_start3A_692 = arith.constant 6272 : i32
      %dma_start3A_693 = tpu.memref_slice %arg11[%dma_start3A_691, %dma_start3A_692] : memref<2x12928xf32, #tpu.memory_space<vmem>> -> memref<2x6272xf32, #tpu.memory_space<vmem>>
      %dma_start3A_694 = arith.constant 119168 : i32
      %dma_start3A_695 = tpu.memref_slice %arg2[%add3A_680, %dma_start3A_694] : memref<2880x201088xf32, #tpu.memory_space<hbm>> -> memref<2x6272xf32, #tpu.memory_space<hbm>>
      %dma_start3A_696 = arith.constant 0 : i32
      %dma_start3A_697 = arith.constant 6272 : i32
      %dma_start3A_698 = tpu.memref_slice %arg11[%dma_start3A_696, %dma_start3A_697] : memref<2x12928xf32, #tpu.memory_space<vmem>> -> memref<2x6272xf32, #tpu.memory_space<vmem>>
      %dma_start3A_699 = arith.constant 119168 : i32
      %dma_start3A_700 = tpu.memref_slice %arg2[%add3A_680, %dma_start3A_699] : memref<2880x201088xf32, #tpu.memory_space<hbm>> -> memref<2x6272xf32, #tpu.memory_space<hbm>>
      tpu.enqueue_dma source(%dma_start3A_700 : memref<2x6272xf32, #tpu.memory_space<hbm>>) target(%dma_start3A_698 : memref<2x6272xf32, #tpu.memory_space<vmem>>) target_semaphore(%arg14 : memref<!tpu.dma_semaphore, #tpu.memory_space<semaphore_mem>>)
      %slice3A_701 = vector.extract_strided_slice %get3A_3 {offsets = [8], sizes = [1], strides = [1]} : vector<16xi32> to vector<1xi32>
      %squeeze3A_702 = vector.extract %slice3A_701[0] : i32 from vector<1xi32>
      %shift_right_arithmetic3A_703 = arith.constant 4 : i32
      %shift_right_arithmetic3A_704 = arith.shrsi %squeeze3A_702, %shift_right_arithmetic3A_703 : i32
      %slice3A_705 = vector.extract_strided_slice %get3A_3 {offsets = [9], sizes = [1], strides = [1]} : vector<16xi32> to vector<1xi32>
      %squeeze3A_706 = vector.extract %slice3A_705[0] : i32 from vector<1xi32>
      %add3A_707 = arith.constant 15 : i32
      %add3A_708 = arith.addi %squeeze3A_706, %add3A_707 : i32
      %shift_right_arithmetic3A_709 = arith.constant 4 : i32
      %shift_right_arithmetic3A_710 = arith.shrsi %add3A_708, %shift_right_arithmetic3A_709 : i32
      %while3A_711 = arith.constant 0 : i32
      %while3A_712 = arith.subi %shift_right_arithmetic3A_710, %shift_right_arithmetic3A_704 : i32
      %while3A_713 = arith.addi %shift_right_arithmetic3A_704, %while3A_712 : i32
      %while3A_714 = arith.constant 1 : i32
      %while3A_715 = arith.divsi %while3A_712, %while3A_714 : i32
      %while3A_716 = arith.muli %while3A_715, %while3A_714 : i32
      %while3A_717 = arith.addi %shift_right_arithmetic3A_704, %while3A_716 : i32
      %while3A_718 = arith.constant 1 : i32
      scf.for %while3A_1280 = %shift_right_arithmetic3A_704 to %while3A_717 step %while3A_718  : i32 {
        %mul3A_1281 = arith.constant 16 : i32
        %mul3A_1282 = arith.muli %while3A_1280, %mul3A_1281 : i32
        %get3A_1283 = arith.index_cast %mul3A_1282 : i32 to index
        %get3A_1284 = tpu.vector_load %arg7[%get3A_1283] {strides = array<i32>} : memref<16384xi32, #tpu.memory_space<vmem>>, vector<16xi32>,
        %mul3A_1285 = arith.constant 16 : i32
        %mul3A_1286 = arith.muli %while3A_1280, %mul3A_1285 : i32
        %get3A_1287 = arith.index_cast %mul3A_1286 : i32 to index
        %get3A_1288 = tpu.vector_load %arg8[%get3A_1287] {strides = array<i32>} : memref<16384xi32, #tpu.memory_space<vmem>>, vector<16xi32>,
        %sub3A = arith.constant 100352 : i32
        %sub3A_1289 = vector.broadcast %sub3A : i32 to vector<16xi32>
        %sub3A_1290 = arith.subi %get3A_1284, %sub3A_1289 : vector<16xi32>
        %max3A = arith.constant 0 : i32
        %max3A_1291 = vector.broadcast %max3A : i32 to vector<16xi32>
        %max3A_1292 = arith.maxsi %sub3A_1290, %max3A_1291 : vector<16xi32>
        %min3A = arith.constant 12543 : i32
        %min3A_1293 = vector.broadcast %min3A : i32 to vector<16xi32>
        %min3A_1294 = arith.minsi %max3A_1292, %min3A_1293 : vector<16xi32>
        %ge3A = arith.constant 100352 : i32
        %ge3A_1295 = vector.broadcast %ge3A : i32 to vector<16xi32>
        %ge3A_1296 = arith.cmpi sge, %get3A_1284, %ge3A_1295 : vector<16xi32>
        %broadcast_in_dim3A = arith.constant 0 : i32
        %broadcast_in_dim3A_1297 = vector.broadcast %broadcast_in_dim3A : i32 to vector<16xi32>
        %gather3A = tpu.vector_load_idx %arg10[%broadcast_in_dim3A_1297, %min3A_1294] : memref<2x12928xf32, #tpu.memory_space<vmem>>[vector<16xi32>, vector<16xi32>], vector<16xf32>,
        tpu.vector_store_idx %arg12[%broadcast_in_dim3A_1297, %get3A_1288], %gather3A masked %ge3A_1296 : memref<2x16384xf32, #tpu.memory_space<vmem>>[vector<16xi32>, vector<16xi32>], vector<16xf32>, vector<16xi1>
        %broadcast_in_dim3A_1298 = arith.constant 1 : i32
        %broadcast_in_dim3A_1299 = vector.broadcast %broadcast_in_dim3A_1298 : i32 to vector<16xi32>
        %gather3A_1300 = tpu.vector_load_idx %arg10[%broadcast_in_dim3A_1299, %min3A_1294] : memref<2x12928xf32, #tpu.memory_space<vmem>>[vector<16xi32>, vector<16xi32>], vector<16xf32>,
        tpu.vector_store_idx %arg12[%broadcast_in_dim3A_1299, %get3A_1288], %gather3A_1300 masked %ge3A_1296 : memref<2x16384xf32, #tpu.memory_space<vmem>>[vector<16xi32>, vector<16xi32>], vector<16xf32>, vector<16xi1>
      }
      %while3A_719 = arith.constant 1 : i32
      scf.for %while3A_1280 = %while3A_717 to %while3A_713 step %while3A_719  : i32 {
        %mul3A_1281 = arith.constant 16 : i32
        %mul3A_1282 = arith.muli %while3A_1280, %mul3A_1281 : i32
        %get3A_1283 = arith.index_cast %mul3A_1282 : i32 to index
        %get3A_1284 = tpu.vector_load %arg7[%get3A_1283] {strides = array<i32>} : memref<16384xi32, #tpu.memory_space<vmem>>, vector<16xi32>,
        %mul3A_1285 = arith.constant 16 : i32
        %mul3A_1286 = arith.muli %while3A_1280, %mul3A_1285 : i32
        %get3A_1287 = arith.index_cast %mul3A_1286 : i32 to index
        %get3A_1288 = tpu.vector_load %arg8[%get3A_1287] {strides = array<i32>} : memref<16384xi32, #tpu.memory_space<vmem>>, vector<16xi32>,
        %sub3A = arith.constant 100352 : i32
        %sub3A_1289 = vector.broadcast %sub3A : i32 to vector<16xi32>
        %sub3A_1290 = arith.subi %get3A_1284, %sub3A_1289 : vector<16xi32>
        %max3A = arith.constant 0 : i32
        %max3A_1291 = vector.broadcast %max3A : i32 to vector<16xi32>
        %max3A_1292 = arith.maxsi %sub3A_1290, %max3A_1291 : vector<16xi32>
        %min3A = arith.constant 12543 : i32
        %min3A_1293 = vector.broadcast %min3A : i32 to vector<16xi32>
        %min3A_1294 = arith.minsi %max3A_1292, %min3A_1293 : vector<16xi32>
        %ge3A = arith.constant 100352 : i32
        %ge3A_1295 = vector.broadcast %ge3A : i32 to vector<16xi32>
        %ge3A_1296 = arith.cmpi sge, %get3A_1284, %ge3A_1295 : vector<16xi32>
        %broadcast_in_dim3A = arith.constant 0 : i32
        %broadcast_in_dim3A_1297 = vector.broadcast %broadcast_in_dim3A : i32 to vector<16xi32>
        %gather3A = tpu.vector_load_idx %arg10[%broadcast_in_dim3A_1297, %min3A_1294] : memref<2x12928xf32, #tpu.memory_space<vmem>>[vector<16xi32>, vector<16xi32>], vector<16xf32>,
        tpu.vector_store_idx %arg12[%broadcast_in_dim3A_1297, %get3A_1288], %gather3A masked %ge3A_1296 : memref<2x16384xf32, #tpu.memory_space<vmem>>[vector<16xi32>, vector<16xi32>], vector<16xf32>, vector<16xi1>
        %broadcast_in_dim3A_1298 = arith.constant 1 : i32
        %broadcast_in_dim3A_1299 = vector.broadcast %broadcast_in_dim3A_1298 : i32 to vector<16xi32>
        %gather3A_1300 = tpu.vector_load_idx %arg10[%broadcast_in_dim3A_1299, %min3A_1294] : memref<2x12928xf32, #tpu.memory_space<vmem>>[vector<16xi32>, vector<16xi32>], vector<16xf32>,
        tpu.vector_store_idx %arg12[%broadcast_in_dim3A_1299, %get3A_1288], %gather3A_1300 masked %ge3A_1296 : memref<2x16384xf32, #tpu.memory_space<vmem>>[vector<16xi32>, vector<16xi32>], vector<16xf32>, vector<16xi1>
      }
      %dma_wait3A_720 = arith.constant 0 : i32
      %dma_wait3A_721 = arith.constant 0 : i32
      %dma_wait3A_722 = tpu.memref_slice %arg11[%dma_wait3A_720, %dma_wait3A_721] : memref<2x12928xf32, #tpu.memory_space<vmem>> -> memref<2x6272xf32, #tpu.memory_space<vmem>>
      %dma_wait3A_723 = arith.constant 0 : i32
      %dma_wait3A_724 = arith.constant 0 : i32
      %dma_wait3A_725 = tpu.memref_slice %arg2[%dma_wait3A_723, %dma_wait3A_724] : memref<2880x201088xf32, #tpu.memory_space<hbm>> -> memref<2x6272xf32, #tpu.memory_space<hbm>>
      %dma_wait3A_726 = arith.constant 0 : i32
      %dma_wait3A_727 = arith.constant 0 : i32
      %dma_wait3A_728 = tpu.memref_slice %arg11[%dma_wait3A_726, %dma_wait3A_727] : memref<2x12928xf32, #tpu.memory_space<vmem>> -> memref<2x6272xf32, #tpu.memory_space<vmem>>
      %dma_wait3A_729 = arith.constant 0 : i32
      %dma_wait3A_730 = arith.constant 0 : i32
      %dma_wait3A_731 = tpu.memref_slice %arg2[%dma_wait3A_729, %dma_wait3A_730] : memref<2880x201088xf32, #tpu.memory_space<hbm>> -> memref<2x6272xf32, #tpu.memory_space<hbm>>
      tpu.wait_dma2 semaphore(%arg14 : memref<!tpu.dma_semaphore, #tpu.memory_space<semaphore_mem>>) src(%dma_wait3A_731 : memref<2x6272xf32, #tpu.memory_space<hbm>>) dst(%dma_wait3A_728 : memref<2x6272xf32, #tpu.memory_space<vmem>>)
      %dma_wait3A_732 = arith.constant 0 : i32
      %dma_wait3A_733 = arith.constant 6272 : i32
      %dma_wait3A_734 = tpu.memref_slice %arg11[%dma_wait3A_732, %dma_wait3A_733] : memref<2x12928xf32, #tpu.memory_space<vmem>> -> memref<2x6272xf32, #tpu.memory_space<vmem>>
      %dma_wait3A_735 = arith.constant 0 : i32
      %dma_wait3A_736 = arith.constant 6272 : i32
      %dma_wait3A_737 = tpu.memref_slice %arg2[%dma_wait3A_735, %dma_wait3A_736] : memref<2880x201088xf32, #tpu.memory_space<hbm>> -> memref<2x6272xf32, #tpu.memory_space<hbm>>
      %dma_wait3A_738 = arith.constant 0 : i32
      %dma_wait3A_739 = arith.constant 6272 : i32
      %dma_wait3A_740 = tpu.memref_slice %arg11[%dma_wait3A_738, %dma_wait3A_739] : memref<2x12928xf32, #tpu.memory_space<vmem>> -> memref<2x6272xf32, #tpu.memory_space<vmem>>
      %dma_wait3A_741 = arith.constant 0 : i32
      %dma_wait3A_742 = arith.constant 6272 : i32
      %dma_wait3A_743 = tpu.memref_slice %arg2[%dma_wait3A_741, %dma_wait3A_742] : memref<2880x201088xf32, #tpu.memory_space<hbm>> -> memref<2x6272xf32, #tpu.memory_space<hbm>>
      tpu.wait_dma2 semaphore(%arg14 : memref<!tpu.dma_semaphore, #tpu.memory_space<semaphore_mem>>) src(%dma_wait3A_743 : memref<2x6272xf32, #tpu.memory_space<hbm>>) dst(%dma_wait3A_740 : memref<2x6272xf32, #tpu.memory_space<vmem>>)
      %mul3A_744 = arith.constant 2 : i32
      %mul3A_745 = arith.muli %mul3A_744, %scan3A_127 : i32
      %add3A_746 = arith.addi %mul3A_2, %mul3A_745 : i32
      %dma_start3A_747 = arith.constant 0 : i32
      %dma_start3A_748 = arith.constant 0 : i32
      %dma_start3A_749 = tpu.memref_slice %arg10[%dma_start3A_747, %dma_start3A_748] : memref<2x12928xf32, #tpu.memory_space<vmem>> -> memref<2x6272xf32, #tpu.memory_space<vmem>>
      %dma_start3A_750 = arith.constant 125440 : i32
      %dma_start3A_751 = tpu.memref_slice %arg2[%add3A_746, %dma_start3A_750] : memref<2880x201088xf32, #tpu.memory_space<hbm>> -> memref<2x6272xf32, #tpu.memory_space<hbm>>
      %dma_start3A_752 = arith.constant 0 : i32
      %dma_start3A_753 = arith.constant 0 : i32
      %dma_start3A_754 = tpu.memref_slice %arg10[%dma_start3A_752, %dma_start3A_753] : memref<2x12928xf32, #tpu.memory_space<vmem>> -> memref<2x6272xf32, #tpu.memory_space<vmem>>
      %dma_start3A_755 = arith.constant 125440 : i32
      %dma_start3A_756 = tpu.memref_slice %arg2[%add3A_746, %dma_start3A_755] : memref<2880x201088xf32, #tpu.memory_space<hbm>> -> memref<2x6272xf32, #tpu.memory_space<hbm>>
      tpu.enqueue_dma source(%dma_start3A_756 : memref<2x6272xf32, #tpu.memory_space<hbm>>) target(%dma_start3A_754 : memref<2x6272xf32, #tpu.memory_space<vmem>>) target_semaphore(%arg13 : memref<!tpu.dma_semaphore, #tpu.memory_space<semaphore_mem>>)
      %dma_start3A_757 = arith.constant 0 : i32
      %dma_start3A_758 = arith.constant 6272 : i32
      %dma_start3A_759 = tpu.memref_slice %arg10[%dma_start3A_757, %dma_start3A_758] : memref<2x12928xf32, #tpu.memory_space<vmem>> -> memref<2x6272xf32, #tpu.memory_space<vmem>>
      %dma_start3A_760 = arith.constant 131712 : i32
      %dma_start3A_761 = tpu.memref_slice %arg2[%add3A_746, %dma_start3A_760] : memref<2880x201088xf32, #tpu.memory_space<hbm>> -> memref<2x6272xf32, #tpu.memory_space<hbm>>
      %dma_start3A_762 = arith.constant 0 : i32
      %dma_start3A_763 = arith.constant 6272 : i32
      %dma_start3A_764 = tpu.memref_slice %arg10[%dma_start3A_762, %dma_start3A_763] : memref<2x12928xf32, #tpu.memory_space<vmem>> -> memref<2x6272xf32, #tpu.memory_space<vmem>>
      %dma_start3A_765 = arith.constant 131712 : i32
      %dma_start3A_766 = tpu.memref_slice %arg2[%add3A_746, %dma_start3A_765] : memref<2880x201088xf32, #tpu.memory_space<hbm>> -> memref<2x6272xf32, #tpu.memory_space<hbm>>
      tpu.enqueue_dma source(%dma_start3A_766 : memref<2x6272xf32, #tpu.memory_space<hbm>>) target(%dma_start3A_764 : memref<2x6272xf32, #tpu.memory_space<vmem>>) target_semaphore(%arg13 : memref<!tpu.dma_semaphore, #tpu.memory_space<semaphore_mem>>)
      %slice3A_767 = vector.extract_strided_slice %get3A_3 {offsets = [9], sizes = [1], strides = [1]} : vector<16xi32> to vector<1xi32>
      %squeeze3A_768 = vector.extract %slice3A_767[0] : i32 from vector<1xi32>
      %shift_right_arithmetic3A_769 = arith.constant 4 : i32
      %shift_right_arithmetic3A_770 = arith.shrsi %squeeze3A_768, %shift_right_arithmetic3A_769 : i32
      %slice3A_771 = vector.extract_strided_slice %get3A_3 {offsets = [10], sizes = [1], strides = [1]} : vector<16xi32> to vector<1xi32>
      %squeeze3A_772 = vector.extract %slice3A_771[0] : i32 from vector<1xi32>
      %add3A_773 = arith.constant 15 : i32
      %add3A_774 = arith.addi %squeeze3A_772, %add3A_773 : i32
      %shift_right_arithmetic3A_775 = arith.constant 4 : i32
      %shift_right_arithmetic3A_776 = arith.shrsi %add3A_774, %shift_right_arithmetic3A_775 : i32
      %while3A_777 = arith.constant 0 : i32
      %while3A_778 = arith.subi %shift_right_arithmetic3A_776, %shift_right_arithmetic3A_770 : i32
      %while3A_779 = arith.addi %shift_right_arithmetic3A_770, %while3A_778 : i32
      %while3A_780 = arith.constant 1 : i32
      %while3A_781 = arith.divsi %while3A_778, %while3A_780 : i32
      %while3A_782 = arith.muli %while3A_781, %while3A_780 : i32
      %while3A_783 = arith.addi %shift_right_arithmetic3A_770, %while3A_782 : i32
      %while3A_784 = arith.constant 1 : i32
      scf.for %while3A_1280 = %shift_right_arithmetic3A_770 to %while3A_783 step %while3A_784  : i32 {
        %mul3A_1281 = arith.constant 16 : i32
        %mul3A_1282 = arith.muli %while3A_1280, %mul3A_1281 : i32
        %get3A_1283 = arith.index_cast %mul3A_1282 : i32 to index
        %get3A_1284 = tpu.vector_load %arg7[%get3A_1283] {strides = array<i32>} : memref<16384xi32, #tpu.memory_space<vmem>>, vector<16xi32>,
        %mul3A_1285 = arith.constant 16 : i32
        %mul3A_1286 = arith.muli %while3A_1280, %mul3A_1285 : i32
        %get3A_1287 = arith.index_cast %mul3A_1286 : i32 to index
        %get3A_1288 = tpu.vector_load %arg8[%get3A_1287] {strides = array<i32>} : memref<16384xi32, #tpu.memory_space<vmem>>, vector<16xi32>,
        %sub3A = arith.constant 112896 : i32
        %sub3A_1289 = vector.broadcast %sub3A : i32 to vector<16xi32>
        %sub3A_1290 = arith.subi %get3A_1284, %sub3A_1289 : vector<16xi32>
        %max3A = arith.constant 0 : i32
        %max3A_1291 = vector.broadcast %max3A : i32 to vector<16xi32>
        %max3A_1292 = arith.maxsi %sub3A_1290, %max3A_1291 : vector<16xi32>
        %min3A = arith.constant 12543 : i32
        %min3A_1293 = vector.broadcast %min3A : i32 to vector<16xi32>
        %min3A_1294 = arith.minsi %max3A_1292, %min3A_1293 : vector<16xi32>
        %ge3A = arith.constant 112896 : i32
        %ge3A_1295 = vector.broadcast %ge3A : i32 to vector<16xi32>
        %ge3A_1296 = arith.cmpi sge, %get3A_1284, %ge3A_1295 : vector<16xi32>
        %broadcast_in_dim3A = arith.constant 0 : i32
        %broadcast_in_dim3A_1297 = vector.broadcast %broadcast_in_dim3A : i32 to vector<16xi32>
        %gather3A = tpu.vector_load_idx %arg11[%broadcast_in_dim3A_1297, %min3A_1294] : memref<2x12928xf32, #tpu.memory_space<vmem>>[vector<16xi32>, vector<16xi32>], vector<16xf32>,
        tpu.vector_store_idx %arg12[%broadcast_in_dim3A_1297, %get3A_1288], %gather3A masked %ge3A_1296 : memref<2x16384xf32, #tpu.memory_space<vmem>>[vector<16xi32>, vector<16xi32>], vector<16xf32>, vector<16xi1>
        %broadcast_in_dim3A_1298 = arith.constant 1 : i32
        %broadcast_in_dim3A_1299 = vector.broadcast %broadcast_in_dim3A_1298 : i32 to vector<16xi32>
        %gather3A_1300 = tpu.vector_load_idx %arg11[%broadcast_in_dim3A_1299, %min3A_1294] : memref<2x12928xf32, #tpu.memory_space<vmem>>[vector<16xi32>, vector<16xi32>], vector<16xf32>,
        tpu.vector_store_idx %arg12[%broadcast_in_dim3A_1299, %get3A_1288], %gather3A_1300 masked %ge3A_1296 : memref<2x16384xf32, #tpu.memory_space<vmem>>[vector<16xi32>, vector<16xi32>], vector<16xf32>, vector<16xi1>
      }
      %while3A_785 = arith.constant 1 : i32
      scf.for %while3A_1280 = %while3A_783 to %while3A_779 step %while3A_785  : i32 {
        %mul3A_1281 = arith.constant 16 : i32
        %mul3A_1282 = arith.muli %while3A_1280, %mul3A_1281 : i32
        %get3A_1283 = arith.index_cast %mul3A_1282 : i32 to index
        %get3A_1284 = tpu.vector_load %arg7[%get3A_1283] {strides = array<i32>} : memref<16384xi32, #tpu.memory_space<vmem>>, vector<16xi32>,
        %mul3A_1285 = arith.constant 16 : i32
        %mul3A_1286 = arith.muli %while3A_1280, %mul3A_1285 : i32
        %get3A_1287 = arith.index_cast %mul3A_1286 : i32 to index
        %get3A_1288 = tpu.vector_load %arg8[%get3A_1287] {strides = array<i32>} : memref<16384xi32, #tpu.memory_space<vmem>>, vector<16xi32>,
        %sub3A = arith.constant 112896 : i32
        %sub3A_1289 = vector.broadcast %sub3A : i32 to vector<16xi32>
        %sub3A_1290 = arith.subi %get3A_1284, %sub3A_1289 : vector<16xi32>
        %max3A = arith.constant 0 : i32
        %max3A_1291 = vector.broadcast %max3A : i32 to vector<16xi32>
        %max3A_1292 = arith.maxsi %sub3A_1290, %max3A_1291 : vector<16xi32>
        %min3A = arith.constant 12543 : i32
        %min3A_1293 = vector.broadcast %min3A : i32 to vector<16xi32>
        %min3A_1294 = arith.minsi %max3A_1292, %min3A_1293 : vector<16xi32>
        %ge3A = arith.constant 112896 : i32
        %ge3A_1295 = vector.broadcast %ge3A : i32 to vector<16xi32>
        %ge3A_1296 = arith.cmpi sge, %get3A_1284, %ge3A_1295 : vector<16xi32>
        %broadcast_in_dim3A = arith.constant 0 : i32
        %broadcast_in_dim3A_1297 = vector.broadcast %broadcast_in_dim3A : i32 to vector<16xi32>
        %gather3A = tpu.vector_load_idx %arg11[%broadcast_in_dim3A_1297, %min3A_1294] : memref<2x12928xf32, #tpu.memory_space<vmem>>[vector<16xi32>, vector<16xi32>], vector<16xf32>,
        tpu.vector_store_idx %arg12[%broadcast_in_dim3A_1297, %get3A_1288], %gather3A masked %ge3A_1296 : memref<2x16384xf32, #tpu.memory_space<vmem>>[vector<16xi32>, vector<16xi32>], vector<16xf32>, vector<16xi1>
        %broadcast_in_dim3A_1298 = arith.constant 1 : i32
        %broadcast_in_dim3A_1299 = vector.broadcast %broadcast_in_dim3A_1298 : i32 to vector<16xi32>
        %gather3A_1300 = tpu.vector_load_idx %arg11[%broadcast_in_dim3A_1299, %min3A_1294] : memref<2x12928xf32, #tpu.memory_space<vmem>>[vector<16xi32>, vector<16xi32>], vector<16xf32>,
        tpu.vector_store_idx %arg12[%broadcast_in_dim3A_1299, %get3A_1288], %gather3A_1300 masked %ge3A_1296 : memref<2x16384xf32, #tpu.memory_space<vmem>>[vector<16xi32>, vector<16xi32>], vector<16xf32>, vector<16xi1>
      }
      %dma_wait3A_786 = arith.constant 0 : i32
      %dma_wait3A_787 = arith.constant 0 : i32
      %dma_wait3A_788 = tpu.memref_slice %arg10[%dma_wait3A_786, %dma_wait3A_787] : memref<2x12928xf32, #tpu.memory_space<vmem>> -> memref<2x6272xf32, #tpu.memory_space<vmem>>
      %dma_wait3A_789 = arith.constant 0 : i32
      %dma_wait3A_790 = arith.constant 0 : i32
      %dma_wait3A_791 = tpu.memref_slice %arg2[%dma_wait3A_789, %dma_wait3A_790] : memref<2880x201088xf32, #tpu.memory_space<hbm>> -> memref<2x6272xf32, #tpu.memory_space<hbm>>
      %dma_wait3A_792 = arith.constant 0 : i32
      %dma_wait3A_793 = arith.constant 0 : i32
      %dma_wait3A_794 = tpu.memref_slice %arg10[%dma_wait3A_792, %dma_wait3A_793] : memref<2x12928xf32, #tpu.memory_space<vmem>> -> memref<2x6272xf32, #tpu.memory_space<vmem>>
      %dma_wait3A_795 = arith.constant 0 : i32
      %dma_wait3A_796 = arith.constant 0 : i32
      %dma_wait3A_797 = tpu.memref_slice %arg2[%dma_wait3A_795, %dma_wait3A_796] : memref<2880x201088xf32, #tpu.memory_space<hbm>> -> memref<2x6272xf32, #tpu.memory_space<hbm>>
      tpu.wait_dma2 semaphore(%arg13 : memref<!tpu.dma_semaphore, #tpu.memory_space<semaphore_mem>>) src(%dma_wait3A_797 : memref<2x6272xf32, #tpu.memory_space<hbm>>) dst(%dma_wait3A_794 : memref<2x6272xf32, #tpu.memory_space<vmem>>)
      %dma_wait3A_798 = arith.constant 0 : i32
      %dma_wait3A_799 = arith.constant 6272 : i32
      %dma_wait3A_800 = tpu.memref_slice %arg10[%dma_wait3A_798, %dma_wait3A_799] : memref<2x12928xf32, #tpu.memory_space<vmem>> -> memref<2x6272xf32, #tpu.memory_space<vmem>>
      %dma_wait3A_801 = arith.constant 0 : i32
      %dma_wait3A_802 = arith.constant 6272 : i32
      %dma_wait3A_803 = tpu.memref_slice %arg2[%dma_wait3A_801, %dma_wait3A_802] : memref<2880x201088xf32, #tpu.memory_space<hbm>> -> memref<2x6272xf32, #tpu.memory_space<hbm>>
      %dma_wait3A_804 = arith.constant 0 : i32
      %dma_wait3A_805 = arith.constant 6272 : i32
      %dma_wait3A_806 = tpu.memref_slice %arg10[%dma_wait3A_804, %dma_wait3A_805] : memref<2x12928xf32, #tpu.memory_space<vmem>> -> memref<2x6272xf32, #tpu.memory_space<vmem>>
      %dma_wait3A_807 = arith.constant 0 : i32
      %dma_wait3A_808 = arith.constant 6272 : i32
      %dma_wait3A_809 = tpu.memref_slice %arg2[%dma_wait3A_807, %dma_wait3A_808] : memref<2880x201088xf32, #tpu.memory_space<hbm>> -> memref<2x6272xf32, #tpu.memory_space<hbm>>
      tpu.wait_dma2 semaphore(%arg13 : memref<!tpu.dma_semaphore, #tpu.memory_space<semaphore_mem>>) src(%dma_wait3A_809 : memref<2x6272xf32, #tpu.memory_space<hbm>>) dst(%dma_wait3A_806 : memref<2x6272xf32, #tpu.memory_space<vmem>>)
      %mul3A_810 = arith.constant 2 : i32
      %mul3A_811 = arith.muli %mul3A_810, %scan3A_127 : i32
      %add3A_812 = arith.addi %mul3A_2, %mul3A_811 : i32
      %dma_start3A_813 = arith.constant 0 : i32
      %dma_start3A_814 = arith.constant 0 : i32
      %dma_start3A_815 = tpu.memref_slice %arg11[%dma_start3A_813, %dma_start3A_814] : memref<2x12928xf32, #tpu.memory_space<vmem>> -> memref<2x6272xf32, #tpu.memory_space<vmem>>
      %dma_start3A_816 = arith.constant 137984 : i32
      %dma_start3A_817 = tpu.memref_slice %arg2[%add3A_812, %dma_start3A_816] : memref<2880x201088xf32, #tpu.memory_space<hbm>> -> memref<2x6272xf32, #tpu.memory_space<hbm>>
      %dma_start3A_818 = arith.constant 0 : i32
      %dma_start3A_819 = arith.constant 0 : i32
      %dma_start3A_820 = tpu.memref_slice %arg11[%dma_start3A_818, %dma_start3A_819] : memref<2x12928xf32, #tpu.memory_space<vmem>> -> memref<2x6272xf32, #tpu.memory_space<vmem>>
      %dma_start3A_821 = arith.constant 137984 : i32
      %dma_start3A_822 = tpu.memref_slice %arg2[%add3A_812, %dma_start3A_821] : memref<2880x201088xf32, #tpu.memory_space<hbm>> -> memref<2x6272xf32, #tpu.memory_space<hbm>>
      tpu.enqueue_dma source(%dma_start3A_822 : memref<2x6272xf32, #tpu.memory_space<hbm>>) target(%dma_start3A_820 : memref<2x6272xf32, #tpu.memory_space<vmem>>) target_semaphore(%arg14 : memref<!tpu.dma_semaphore, #tpu.memory_space<semaphore_mem>>)
      %dma_start3A_823 = arith.constant 0 : i32
      %dma_start3A_824 = arith.constant 6272 : i32
      %dma_start3A_825 = tpu.memref_slice %arg11[%dma_start3A_823, %dma_start3A_824] : memref<2x12928xf32, #tpu.memory_space<vmem>> -> memref<2x6272xf32, #tpu.memory_space<vmem>>
      %dma_start3A_826 = arith.constant 144256 : i32
      %dma_start3A_827 = tpu.memref_slice %arg2[%add3A_812, %dma_start3A_826] : memref<2880x201088xf32, #tpu.memory_space<hbm>> -> memref<2x6272xf32, #tpu.memory_space<hbm>>
      %dma_start3A_828 = arith.constant 0 : i32
      %dma_start3A_829 = arith.constant 6272 : i32
      %dma_start3A_830 = tpu.memref_slice %arg11[%dma_start3A_828, %dma_start3A_829] : memref<2x12928xf32, #tpu.memory_space<vmem>> -> memref<2x6272xf32, #tpu.memory_space<vmem>>
      %dma_start3A_831 = arith.constant 144256 : i32
      %dma_start3A_832 = tpu.memref_slice %arg2[%add3A_812, %dma_start3A_831] : memref<2880x201088xf32, #tpu.memory_space<hbm>> -> memref<2x6272xf32, #tpu.memory_space<hbm>>
      tpu.enqueue_dma source(%dma_start3A_832 : memref<2x6272xf32, #tpu.memory_space<hbm>>) target(%dma_start3A_830 : memref<2x6272xf32, #tpu.memory_space<vmem>>) target_semaphore(%arg14 : memref<!tpu.dma_semaphore, #tpu.memory_space<semaphore_mem>>)
      %slice3A_833 = vector.extract_strided_slice %get3A_3 {offsets = [10], sizes = [1], strides = [1]} : vector<16xi32> to vector<1xi32>
      %squeeze3A_834 = vector.extract %slice3A_833[0] : i32 from vector<1xi32>
      %shift_right_arithmetic3A_835 = arith.constant 4 : i32
      %shift_right_arithmetic3A_836 = arith.shrsi %squeeze3A_834, %shift_right_arithmetic3A_835 : i32
      %slice3A_837 = vector.extract_strided_slice %get3A_3 {offsets = [11], sizes = [1], strides = [1]} : vector<16xi32> to vector<1xi32>
      %squeeze3A_838 = vector.extract %slice3A_837[0] : i32 from vector<1xi32>
      %add3A_839 = arith.constant 15 : i32
      %add3A_840 = arith.addi %squeeze3A_838, %add3A_839 : i32
      %shift_right_arithmetic3A_841 = arith.constant 4 : i32
      %shift_right_arithmetic3A_842 = arith.shrsi %add3A_840, %shift_right_arithmetic3A_841 : i32
      %while3A_843 = arith.constant 0 : i32
      %while3A_844 = arith.subi %shift_right_arithmetic3A_842, %shift_right_arithmetic3A_836 : i32
      %while3A_845 = arith.addi %shift_right_arithmetic3A_836, %while3A_844 : i32
      %while3A_846 = arith.constant 1 : i32
      %while3A_847 = arith.divsi %while3A_844, %while3A_846 : i32
      %while3A_848 = arith.muli %while3A_847, %while3A_846 : i32
      %while3A_849 = arith.addi %shift_right_arithmetic3A_836, %while3A_848 : i32
      %while3A_850 = arith.constant 1 : i32
      scf.for %while3A_1280 = %shift_right_arithmetic3A_836 to %while3A_849 step %while3A_850  : i32 {
        %mul3A_1281 = arith.constant 16 : i32
        %mul3A_1282 = arith.muli %while3A_1280, %mul3A_1281 : i32
        %get3A_1283 = arith.index_cast %mul3A_1282 : i32 to index
        %get3A_1284 = tpu.vector_load %arg7[%get3A_1283] {strides = array<i32>} : memref<16384xi32, #tpu.memory_space<vmem>>, vector<16xi32>,
        %mul3A_1285 = arith.constant 16 : i32
        %mul3A_1286 = arith.muli %while3A_1280, %mul3A_1285 : i32
        %get3A_1287 = arith.index_cast %mul3A_1286 : i32 to index
        %get3A_1288 = tpu.vector_load %arg8[%get3A_1287] {strides = array<i32>} : memref<16384xi32, #tpu.memory_space<vmem>>, vector<16xi32>,
        %sub3A = arith.constant 125440 : i32
        %sub3A_1289 = vector.broadcast %sub3A : i32 to vector<16xi32>
        %sub3A_1290 = arith.subi %get3A_1284, %sub3A_1289 : vector<16xi32>
        %max3A = arith.constant 0 : i32
        %max3A_1291 = vector.broadcast %max3A : i32 to vector<16xi32>
        %max3A_1292 = arith.maxsi %sub3A_1290, %max3A_1291 : vector<16xi32>
        %min3A = arith.constant 12543 : i32
        %min3A_1293 = vector.broadcast %min3A : i32 to vector<16xi32>
        %min3A_1294 = arith.minsi %max3A_1292, %min3A_1293 : vector<16xi32>
        %ge3A = arith.constant 125440 : i32
        %ge3A_1295 = vector.broadcast %ge3A : i32 to vector<16xi32>
        %ge3A_1296 = arith.cmpi sge, %get3A_1284, %ge3A_1295 : vector<16xi32>
        %broadcast_in_dim3A = arith.constant 0 : i32
        %broadcast_in_dim3A_1297 = vector.broadcast %broadcast_in_dim3A : i32 to vector<16xi32>
        %gather3A = tpu.vector_load_idx %arg10[%broadcast_in_dim3A_1297, %min3A_1294] : memref<2x12928xf32, #tpu.memory_space<vmem>>[vector<16xi32>, vector<16xi32>], vector<16xf32>,
        tpu.vector_store_idx %arg12[%broadcast_in_dim3A_1297, %get3A_1288], %gather3A masked %ge3A_1296 : memref<2x16384xf32, #tpu.memory_space<vmem>>[vector<16xi32>, vector<16xi32>], vector<16xf32>, vector<16xi1>
        %broadcast_in_dim3A_1298 = arith.constant 1 : i32
        %broadcast_in_dim3A_1299 = vector.broadcast %broadcast_in_dim3A_1298 : i32 to vector<16xi32>
        %gather3A_1300 = tpu.vector_load_idx %arg10[%broadcast_in_dim3A_1299, %min3A_1294] : memref<2x12928xf32, #tpu.memory_space<vmem>>[vector<16xi32>, vector<16xi32>], vector<16xf32>,
        tpu.vector_store_idx %arg12[%broadcast_in_dim3A_1299, %get3A_1288], %gather3A_1300 masked %ge3A_1296 : memref<2x16384xf32, #tpu.memory_space<vmem>>[vector<16xi32>, vector<16xi32>], vector<16xf32>, vector<16xi1>
      }
      %while3A_851 = arith.constant 1 : i32
      scf.for %while3A_1280 = %while3A_849 to %while3A_845 step %while3A_851  : i32 {
        %mul3A_1281 = arith.constant 16 : i32
        %mul3A_1282 = arith.muli %while3A_1280, %mul3A_1281 : i32
        %get3A_1283 = arith.index_cast %mul3A_1282 : i32 to index
        %get3A_1284 = tpu.vector_load %arg7[%get3A_1283] {strides = array<i32>} : memref<16384xi32, #tpu.memory_space<vmem>>, vector<16xi32>,
        %mul3A_1285 = arith.constant 16 : i32
        %mul3A_1286 = arith.muli %while3A_1280, %mul3A_1285 : i32
        %get3A_1287 = arith.index_cast %mul3A_1286 : i32 to index
        %get3A_1288 = tpu.vector_load %arg8[%get3A_1287] {strides = array<i32>} : memref<16384xi32, #tpu.memory_space<vmem>>, vector<16xi32>,
        %sub3A = arith.constant 125440 : i32
        %sub3A_1289 = vector.broadcast %sub3A : i32 to vector<16xi32>
        %sub3A_1290 = arith.subi %get3A_1284, %sub3A_1289 : vector<16xi32>
        %max3A = arith.constant 0 : i32
        %max3A_1291 = vector.broadcast %max3A : i32 to vector<16xi32>
        %max3A_1292 = arith.maxsi %sub3A_1290, %max3A_1291 : vector<16xi32>
        %min3A = arith.constant 12543 : i32
        %min3A_1293 = vector.broadcast %min3A : i32 to vector<16xi32>
        %min3A_1294 = arith.minsi %max3A_1292, %min3A_1293 : vector<16xi32>
        %ge3A = arith.constant 125440 : i32
        %ge3A_1295 = vector.broadcast %ge3A : i32 to vector<16xi32>
        %ge3A_1296 = arith.cmpi sge, %get3A_1284, %ge3A_1295 : vector<16xi32>
        %broadcast_in_dim3A = arith.constant 0 : i32
        %broadcast_in_dim3A_1297 = vector.broadcast %broadcast_in_dim3A : i32 to vector<16xi32>
        %gather3A = tpu.vector_load_idx %arg10[%broadcast_in_dim3A_1297, %min3A_1294] : memref<2x12928xf32, #tpu.memory_space<vmem>>[vector<16xi32>, vector<16xi32>], vector<16xf32>,
        tpu.vector_store_idx %arg12[%broadcast_in_dim3A_1297, %get3A_1288], %gather3A masked %ge3A_1296 : memref<2x16384xf32, #tpu.memory_space<vmem>>[vector<16xi32>, vector<16xi32>], vector<16xf32>, vector<16xi1>
        %broadcast_in_dim3A_1298 = arith.constant 1 : i32
        %broadcast_in_dim3A_1299 = vector.broadcast %broadcast_in_dim3A_1298 : i32 to vector<16xi32>
        %gather3A_1300 = tpu.vector_load_idx %arg10[%broadcast_in_dim3A_1299, %min3A_1294] : memref<2x12928xf32, #tpu.memory_space<vmem>>[vector<16xi32>, vector<16xi32>], vector<16xf32>,
        tpu.vector_store_idx %arg12[%broadcast_in_dim3A_1299, %get3A_1288], %gather3A_1300 masked %ge3A_1296 : memref<2x16384xf32, #tpu.memory_space<vmem>>[vector<16xi32>, vector<16xi32>], vector<16xf32>, vector<16xi1>
      }
      %dma_wait3A_852 = arith.constant 0 : i32
      %dma_wait3A_853 = arith.constant 0 : i32
      %dma_wait3A_854 = tpu.memref_slice %arg11[%dma_wait3A_852, %dma_wait3A_853] : memref<2x12928xf32, #tpu.memory_space<vmem>> -> memref<2x6272xf32, #tpu.memory_space<vmem>>
      %dma_wait3A_855 = arith.constant 0 : i32
      %dma_wait3A_856 = arith.constant 0 : i32
      %dma_wait3A_857 = tpu.memref_slice %arg2[%dma_wait3A_855, %dma_wait3A_856] : memref<2880x201088xf32, #tpu.memory_space<hbm>> -> memref<2x6272xf32, #tpu.memory_space<hbm>>
      %dma_wait3A_858 = arith.constant 0 : i32
      %dma_wait3A_859 = arith.constant 0 : i32
      %dma_wait3A_860 = tpu.memref_slice %arg11[%dma_wait3A_858, %dma_wait3A_859] : memref<2x12928xf32, #tpu.memory_space<vmem>> -> memref<2x6272xf32, #tpu.memory_space<vmem>>
      %dma_wait3A_861 = arith.constant 0 : i32
      %dma_wait3A_862 = arith.constant 0 : i32
      %dma_wait3A_863 = tpu.memref_slice %arg2[%dma_wait3A_861, %dma_wait3A_862] : memref<2880x201088xf32, #tpu.memory_space<hbm>> -> memref<2x6272xf32, #tpu.memory_space<hbm>>
      tpu.wait_dma2 semaphore(%arg14 : memref<!tpu.dma_semaphore, #tpu.memory_space<semaphore_mem>>) src(%dma_wait3A_863 : memref<2x6272xf32, #tpu.memory_space<hbm>>) dst(%dma_wait3A_860 : memref<2x6272xf32, #tpu.memory_space<vmem>>)
      %dma_wait3A_864 = arith.constant 0 : i32
      %dma_wait3A_865 = arith.constant 6272 : i32
      %dma_wait3A_866 = tpu.memref_slice %arg11[%dma_wait3A_864, %dma_wait3A_865] : memref<2x12928xf32, #tpu.memory_space<vmem>> -> memref<2x6272xf32, #tpu.memory_space<vmem>>
      %dma_wait3A_867 = arith.constant 0 : i32
      %dma_wait3A_868 = arith.constant 6272 : i32
      %dma_wait3A_869 = tpu.memref_slice %arg2[%dma_wait3A_867, %dma_wait3A_868] : memref<2880x201088xf32, #tpu.memory_space<hbm>> -> memref<2x6272xf32, #tpu.memory_space<hbm>>
      %dma_wait3A_870 = arith.constant 0 : i32
      %dma_wait3A_871 = arith.constant 6272 : i32
      %dma_wait3A_872 = tpu.memref_slice %arg11[%dma_wait3A_870, %dma_wait3A_871] : memref<2x12928xf32, #tpu.memory_space<vmem>> -> memref<2x6272xf32, #tpu.memory_space<vmem>>
      %dma_wait3A_873 = arith.constant 0 : i32
      %dma_wait3A_874 = arith.constant 6272 : i32
      %dma_wait3A_875 = tpu.memref_slice %arg2[%dma_wait3A_873, %dma_wait3A_874] : memref<2880x201088xf32, #tpu.memory_space<hbm>> -> memref<2x6272xf32, #tpu.memory_space<hbm>>
      tpu.wait_dma2 semaphore(%arg14 : memref<!tpu.dma_semaphore, #tpu.memory_space<semaphore_mem>>) src(%dma_wait3A_875 : memref<2x6272xf32, #tpu.memory_space<hbm>>) dst(%dma_wait3A_872 : memref<2x6272xf32, #tpu.memory_space<vmem>>)
      %mul3A_876 = arith.constant 2 : i32
      %mul3A_877 = arith.muli %mul3A_876, %scan3A_127 : i32
      %add3A_878 = arith.addi %mul3A_2, %mul3A_877 : i32
      %dma_start3A_879 = arith.constant 0 : i32
      %dma_start3A_880 = arith.constant 0 : i32
      %dma_start3A_881 = tpu.memref_slice %arg10[%dma_start3A_879, %dma_start3A_880] : memref<2x12928xf32, #tpu.memory_space<vmem>> -> memref<2x6272xf32, #tpu.memory_space<vmem>>
      %dma_start3A_882 = arith.constant 150528 : i32
      %dma_start3A_883 = tpu.memref_slice %arg2[%add3A_878, %dma_start3A_882] : memref<2880x201088xf32, #tpu.memory_space<hbm>> -> memref<2x6272xf32, #tpu.memory_space<hbm>>
      %dma_start3A_884 = arith.constant 0 : i32
      %dma_start3A_885 = arith.constant 0 : i32
      %dma_start3A_886 = tpu.memref_slice %arg10[%dma_start3A_884, %dma_start3A_885] : memref<2x12928xf32, #tpu.memory_space<vmem>> -> memref<2x6272xf32, #tpu.memory_space<vmem>>
      %dma_start3A_887 = arith.constant 150528 : i32
      %dma_start3A_888 = tpu.memref_slice %arg2[%add3A_878, %dma_start3A_887] : memref<2880x201088xf32, #tpu.memory_space<hbm>> -> memref<2x6272xf32, #tpu.memory_space<hbm>>
      tpu.enqueue_dma source(%dma_start3A_888 : memref<2x6272xf32, #tpu.memory_space<hbm>>) target(%dma_start3A_886 : memref<2x6272xf32, #tpu.memory_space<vmem>>) target_semaphore(%arg13 : memref<!tpu.dma_semaphore, #tpu.memory_space<semaphore_mem>>)
      %dma_start3A_889 = arith.constant 0 : i32
      %dma_start3A_890 = arith.constant 6272 : i32
      %dma_start3A_891 = tpu.memref_slice %arg10[%dma_start3A_889, %dma_start3A_890] : memref<2x12928xf32, #tpu.memory_space<vmem>> -> memref<2x6272xf32, #tpu.memory_space<vmem>>
      %dma_start3A_892 = arith.constant 156800 : i32
      %dma_start3A_893 = tpu.memref_slice %arg2[%add3A_878, %dma_start3A_892] : memref<2880x201088xf32, #tpu.memory_space<hbm>> -> memref<2x6272xf32, #tpu.memory_space<hbm>>
      %dma_start3A_894 = arith.constant 0 : i32
      %dma_start3A_895 = arith.constant 6272 : i32
      %dma_start3A_896 = tpu.memref_slice %arg10[%dma_start3A_894, %dma_start3A_895] : memref<2x12928xf32, #tpu.memory_space<vmem>> -> memref<2x6272xf32, #tpu.memory_space<vmem>>
      %dma_start3A_897 = arith.constant 156800 : i32
      %dma_start3A_898 = tpu.memref_slice %arg2[%add3A_878, %dma_start3A_897] : memref<2880x201088xf32, #tpu.memory_space<hbm>> -> memref<2x6272xf32, #tpu.memory_space<hbm>>
      tpu.enqueue_dma source(%dma_start3A_898 : memref<2x6272xf32, #tpu.memory_space<hbm>>) target(%dma_start3A_896 : memref<2x6272xf32, #tpu.memory_space<vmem>>) target_semaphore(%arg13 : memref<!tpu.dma_semaphore, #tpu.memory_space<semaphore_mem>>)
      %slice3A_899 = vector.extract_strided_slice %get3A_3 {offsets = [11], sizes = [1], strides = [1]} : vector<16xi32> to vector<1xi32>
      %squeeze3A_900 = vector.extract %slice3A_899[0] : i32 from vector<1xi32>
      %shift_right_arithmetic3A_901 = arith.constant 4 : i32
      %shift_right_arithmetic3A_902 = arith.shrsi %squeeze3A_900, %shift_right_arithmetic3A_901 : i32
      %slice3A_903 = vector.extract_strided_slice %get3A_3 {offsets = [12], sizes = [1], strides = [1]} : vector<16xi32> to vector<1xi32>
      %squeeze3A_904 = vector.extract %slice3A_903[0] : i32 from vector<1xi32>
      %add3A_905 = arith.constant 15 : i32
      %add3A_906 = arith.addi %squeeze3A_904, %add3A_905 : i32
      %shift_right_arithmetic3A_907 = arith.constant 4 : i32
      %shift_right_arithmetic3A_908 = arith.shrsi %add3A_906, %shift_right_arithmetic3A_907 : i32
      %while3A_909 = arith.constant 0 : i32
      %while3A_910 = arith.subi %shift_right_arithmetic3A_908, %shift_right_arithmetic3A_902 : i32
      %while3A_911 = arith.addi %shift_right_arithmetic3A_902, %while3A_910 : i32
      %while3A_912 = arith.constant 1 : i32
      %while3A_913 = arith.divsi %while3A_910, %while3A_912 : i32
      %while3A_914 = arith.muli %while3A_913, %while3A_912 : i32
      %while3A_915 = arith.addi %shift_right_arithmetic3A_902, %while3A_914 : i32
      %while3A_916 = arith.constant 1 : i32
      scf.for %while3A_1280 = %shift_right_arithmetic3A_902 to %while3A_915 step %while3A_916  : i32 {
        %mul3A_1281 = arith.constant 16 : i32
        %mul3A_1282 = arith.muli %while3A_1280, %mul3A_1281 : i32
        %get3A_1283 = arith.index_cast %mul3A_1282 : i32 to index
        %get3A_1284 = tpu.vector_load %arg7[%get3A_1283] {strides = array<i32>} : memref<16384xi32, #tpu.memory_space<vmem>>, vector<16xi32>,
        %mul3A_1285 = arith.constant 16 : i32
        %mul3A_1286 = arith.muli %while3A_1280, %mul3A_1285 : i32
        %get3A_1287 = arith.index_cast %mul3A_1286 : i32 to index
        %get3A_1288 = tpu.vector_load %arg8[%get3A_1287] {strides = array<i32>} : memref<16384xi32, #tpu.memory_space<vmem>>, vector<16xi32>,
        %sub3A = arith.constant 137984 : i32
        %sub3A_1289 = vector.broadcast %sub3A : i32 to vector<16xi32>
        %sub3A_1290 = arith.subi %get3A_1284, %sub3A_1289 : vector<16xi32>
        %max3A = arith.constant 0 : i32
        %max3A_1291 = vector.broadcast %max3A : i32 to vector<16xi32>
        %max3A_1292 = arith.maxsi %sub3A_1290, %max3A_1291 : vector<16xi32>
        %min3A = arith.constant 12543 : i32
        %min3A_1293 = vector.broadcast %min3A : i32 to vector<16xi32>
        %min3A_1294 = arith.minsi %max3A_1292, %min3A_1293 : vector<16xi32>
        %ge3A = arith.constant 137984 : i32
        %ge3A_1295 = vector.broadcast %ge3A : i32 to vector<16xi32>
        %ge3A_1296 = arith.cmpi sge, %get3A_1284, %ge3A_1295 : vector<16xi32>
        %broadcast_in_dim3A = arith.constant 0 : i32
        %broadcast_in_dim3A_1297 = vector.broadcast %broadcast_in_dim3A : i32 to vector<16xi32>
        %gather3A = tpu.vector_load_idx %arg11[%broadcast_in_dim3A_1297, %min3A_1294] : memref<2x12928xf32, #tpu.memory_space<vmem>>[vector<16xi32>, vector<16xi32>], vector<16xf32>,
        tpu.vector_store_idx %arg12[%broadcast_in_dim3A_1297, %get3A_1288], %gather3A masked %ge3A_1296 : memref<2x16384xf32, #tpu.memory_space<vmem>>[vector<16xi32>, vector<16xi32>], vector<16xf32>, vector<16xi1>
        %broadcast_in_dim3A_1298 = arith.constant 1 : i32
        %broadcast_in_dim3A_1299 = vector.broadcast %broadcast_in_dim3A_1298 : i32 to vector<16xi32>
        %gather3A_1300 = tpu.vector_load_idx %arg11[%broadcast_in_dim3A_1299, %min3A_1294] : memref<2x12928xf32, #tpu.memory_space<vmem>>[vector<16xi32>, vector<16xi32>], vector<16xf32>,
        tpu.vector_store_idx %arg12[%broadcast_in_dim3A_1299, %get3A_1288], %gather3A_1300 masked %ge3A_1296 : memref<2x16384xf32, #tpu.memory_space<vmem>>[vector<16xi32>, vector<16xi32>], vector<16xf32>, vector<16xi1>
      }
      %while3A_917 = arith.constant 1 : i32
      scf.for %while3A_1280 = %while3A_915 to %while3A_911 step %while3A_917  : i32 {
        %mul3A_1281 = arith.constant 16 : i32
        %mul3A_1282 = arith.muli %while3A_1280, %mul3A_1281 : i32
        %get3A_1283 = arith.index_cast %mul3A_1282 : i32 to index
        %get3A_1284 = tpu.vector_load %arg7[%get3A_1283] {strides = array<i32>} : memref<16384xi32, #tpu.memory_space<vmem>>, vector<16xi32>,
        %mul3A_1285 = arith.constant 16 : i32
        %mul3A_1286 = arith.muli %while3A_1280, %mul3A_1285 : i32
        %get3A_1287 = arith.index_cast %mul3A_1286 : i32 to index
        %get3A_1288 = tpu.vector_load %arg8[%get3A_1287] {strides = array<i32>} : memref<16384xi32, #tpu.memory_space<vmem>>, vector<16xi32>,
        %sub3A = arith.constant 137984 : i32
        %sub3A_1289 = vector.broadcast %sub3A : i32 to vector<16xi32>
        %sub3A_1290 = arith.subi %get3A_1284, %sub3A_1289 : vector<16xi32>
        %max3A = arith.constant 0 : i32
        %max3A_1291 = vector.broadcast %max3A : i32 to vector<16xi32>
        %max3A_1292 = arith.maxsi %sub3A_1290, %max3A_1291 : vector<16xi32>
        %min3A = arith.constant 12543 : i32
        %min3A_1293 = vector.broadcast %min3A : i32 to vector<16xi32>
        %min3A_1294 = arith.minsi %max3A_1292, %min3A_1293 : vector<16xi32>
        %ge3A = arith.constant 137984 : i32
        %ge3A_1295 = vector.broadcast %ge3A : i32 to vector<16xi32>
        %ge3A_1296 = arith.cmpi sge, %get3A_1284, %ge3A_1295 : vector<16xi32>
        %broadcast_in_dim3A = arith.constant 0 : i32
        %broadcast_in_dim3A_1297 = vector.broadcast %broadcast_in_dim3A : i32 to vector<16xi32>
        %gather3A = tpu.vector_load_idx %arg11[%broadcast_in_dim3A_1297, %min3A_1294] : memref<2x12928xf32, #tpu.memory_space<vmem>>[vector<16xi32>, vector<16xi32>], vector<16xf32>,
        tpu.vector_store_idx %arg12[%broadcast_in_dim3A_1297, %get3A_1288], %gather3A masked %ge3A_1296 : memref<2x16384xf32, #tpu.memory_space<vmem>>[vector<16xi32>, vector<16xi32>], vector<16xf32>, vector<16xi1>
        %broadcast_in_dim3A_1298 = arith.constant 1 : i32
        %broadcast_in_dim3A_1299 = vector.broadcast %broadcast_in_dim3A_1298 : i32 to vector<16xi32>
        %gather3A_1300 = tpu.vector_load_idx %arg11[%broadcast_in_dim3A_1299, %min3A_1294] : memref<2x12928xf32, #tpu.memory_space<vmem>>[vector<16xi32>, vector<16xi32>], vector<16xf32>,
        tpu.vector_store_idx %arg12[%broadcast_in_dim3A_1299, %get3A_1288], %gather3A_1300 masked %ge3A_1296 : memref<2x16384xf32, #tpu.memory_space<vmem>>[vector<16xi32>, vector<16xi32>], vector<16xf32>, vector<16xi1>
      }
      %dma_wait3A_918 = arith.constant 0 : i32
      %dma_wait3A_919 = arith.constant 0 : i32
      %dma_wait3A_920 = tpu.memref_slice %arg10[%dma_wait3A_918, %dma_wait3A_919] : memref<2x12928xf32, #tpu.memory_space<vmem>> -> memref<2x6272xf32, #tpu.memory_space<vmem>>
      %dma_wait3A_921 = arith.constant 0 : i32
      %dma_wait3A_922 = arith.constant 0 : i32
      %dma_wait3A_923 = tpu.memref_slice %arg2[%dma_wait3A_921, %dma_wait3A_922] : memref<2880x201088xf32, #tpu.memory_space<hbm>> -> memref<2x6272xf32, #tpu.memory_space<hbm>>
      %dma_wait3A_924 = arith.constant 0 : i32
      %dma_wait3A_925 = arith.constant 0 : i32
      %dma_wait3A_926 = tpu.memref_slice %arg10[%dma_wait3A_924, %dma_wait3A_925] : memref<2x12928xf32, #tpu.memory_space<vmem>> -> memref<2x6272xf32, #tpu.memory_space<vmem>>
      %dma_wait3A_927 = arith.constant 0 : i32
      %dma_wait3A_928 = arith.constant 0 : i32
      %dma_wait3A_929 = tpu.memref_slice %arg2[%dma_wait3A_927, %dma_wait3A_928] : memref<2880x201088xf32, #tpu.memory_space<hbm>> -> memref<2x6272xf32, #tpu.memory_space<hbm>>
      tpu.wait_dma2 semaphore(%arg13 : memref<!tpu.dma_semaphore, #tpu.memory_space<semaphore_mem>>) src(%dma_wait3A_929 : memref<2x6272xf32, #tpu.memory_space<hbm>>) dst(%dma_wait3A_926 : memref<2x6272xf32, #tpu.memory_space<vmem>>)
      %dma_wait3A_930 = arith.constant 0 : i32
      %dma_wait3A_931 = arith.constant 6272 : i32
      %dma_wait3A_932 = tpu.memref_slice %arg10[%dma_wait3A_930, %dma_wait3A_931] : memref<2x12928xf32, #tpu.memory_space<vmem>> -> memref<2x6272xf32, #tpu.memory_space<vmem>>
      %dma_wait3A_933 = arith.constant 0 : i32
      %dma_wait3A_934 = arith.constant 6272 : i32
      %dma_wait3A_935 = tpu.memref_slice %arg2[%dma_wait3A_933, %dma_wait3A_934] : memref<2880x201088xf32, #tpu.memory_space<hbm>> -> memref<2x6272xf32, #tpu.memory_space<hbm>>
      %dma_wait3A_936 = arith.constant 0 : i32
      %dma_wait3A_937 = arith.constant 6272 : i32
      %dma_wait3A_938 = tpu.memref_slice %arg10[%dma_wait3A_936, %dma_wait3A_937] : memref<2x12928xf32, #tpu.memory_space<vmem>> -> memref<2x6272xf32, #tpu.memory_space<vmem>>
      %dma_wait3A_939 = arith.constant 0 : i32
      %dma_wait3A_940 = arith.constant 6272 : i32
      %dma_wait3A_941 = tpu.memref_slice %arg2[%dma_wait3A_939, %dma_wait3A_940] : memref<2880x201088xf32, #tpu.memory_space<hbm>> -> memref<2x6272xf32, #tpu.memory_space<hbm>>
      tpu.wait_dma2 semaphore(%arg13 : memref<!tpu.dma_semaphore, #tpu.memory_space<semaphore_mem>>) src(%dma_wait3A_941 : memref<2x6272xf32, #tpu.memory_space<hbm>>) dst(%dma_wait3A_938 : memref<2x6272xf32, #tpu.memory_space<vmem>>)
      %mul3A_942 = arith.constant 2 : i32
      %mul3A_943 = arith.muli %mul3A_942, %scan3A_127 : i32
      %add3A_944 = arith.addi %mul3A_2, %mul3A_943 : i32
      %dma_start3A_945 = arith.constant 0 : i32
      %dma_start3A_946 = arith.constant 0 : i32
      %dma_start3A_947 = tpu.memref_slice %arg11[%dma_start3A_945, %dma_start3A_946] : memref<2x12928xf32, #tpu.memory_space<vmem>> -> memref<2x6272xf32, #tpu.memory_space<vmem>>
      %dma_start3A_948 = arith.constant 163072 : i32
      %dma_start3A_949 = tpu.memref_slice %arg2[%add3A_944, %dma_start3A_948] : memref<2880x201088xf32, #tpu.memory_space<hbm>> -> memref<2x6272xf32, #tpu.memory_space<hbm>>
      %dma_start3A_950 = arith.constant 0 : i32
      %dma_start3A_951 = arith.constant 0 : i32
      %dma_start3A_952 = tpu.memref_slice %arg11[%dma_start3A_950, %dma_start3A_951] : memref<2x12928xf32, #tpu.memory_space<vmem>> -> memref<2x6272xf32, #tpu.memory_space<vmem>>
      %dma_start3A_953 = arith.constant 163072 : i32
      %dma_start3A_954 = tpu.memref_slice %arg2[%add3A_944, %dma_start3A_953] : memref<2880x201088xf32, #tpu.memory_space<hbm>> -> memref<2x6272xf32, #tpu.memory_space<hbm>>
      tpu.enqueue_dma source(%dma_start3A_954 : memref<2x6272xf32, #tpu.memory_space<hbm>>) target(%dma_start3A_952 : memref<2x6272xf32, #tpu.memory_space<vmem>>) target_semaphore(%arg14 : memref<!tpu.dma_semaphore, #tpu.memory_space<semaphore_mem>>)
      %dma_start3A_955 = arith.constant 0 : i32
      %dma_start3A_956 = arith.constant 6272 : i32
      %dma_start3A_957 = tpu.memref_slice %arg11[%dma_start3A_955, %dma_start3A_956] : memref<2x12928xf32, #tpu.memory_space<vmem>> -> memref<2x6272xf32, #tpu.memory_space<vmem>>
      %dma_start3A_958 = arith.constant 169344 : i32
      %dma_start3A_959 = tpu.memref_slice %arg2[%add3A_944, %dma_start3A_958] : memref<2880x201088xf32, #tpu.memory_space<hbm>> -> memref<2x6272xf32, #tpu.memory_space<hbm>>
      %dma_start3A_960 = arith.constant 0 : i32
      %dma_start3A_961 = arith.constant 6272 : i32
      %dma_start3A_962 = tpu.memref_slice %arg11[%dma_start3A_960, %dma_start3A_961] : memref<2x12928xf32, #tpu.memory_space<vmem>> -> memref<2x6272xf32, #tpu.memory_space<vmem>>
      %dma_start3A_963 = arith.constant 169344 : i32
      %dma_start3A_964 = tpu.memref_slice %arg2[%add3A_944, %dma_start3A_963] : memref<2880x201088xf32, #tpu.memory_space<hbm>> -> memref<2x6272xf32, #tpu.memory_space<hbm>>
      tpu.enqueue_dma source(%dma_start3A_964 : memref<2x6272xf32, #tpu.memory_space<hbm>>) target(%dma_start3A_962 : memref<2x6272xf32, #tpu.memory_space<vmem>>) target_semaphore(%arg14 : memref<!tpu.dma_semaphore, #tpu.memory_space<semaphore_mem>>)
      %slice3A_965 = vector.extract_strided_slice %get3A_3 {offsets = [12], sizes = [1], strides = [1]} : vector<16xi32> to vector<1xi32>
      %squeeze3A_966 = vector.extract %slice3A_965[0] : i32 from vector<1xi32>
      %shift_right_arithmetic3A_967 = arith.constant 4 : i32
      %shift_right_arithmetic3A_968 = arith.shrsi %squeeze3A_966, %shift_right_arithmetic3A_967 : i32
      %slice3A_969 = vector.extract_strided_slice %get3A_3 {offsets = [13], sizes = [1], strides = [1]} : vector<16xi32> to vector<1xi32>
      %squeeze3A_970 = vector.extract %slice3A_969[0] : i32 from vector<1xi32>
      %add3A_971 = arith.constant 15 : i32
      %add3A_972 = arith.addi %squeeze3A_970, %add3A_971 : i32
      %shift_right_arithmetic3A_973 = arith.constant 4 : i32
      %shift_right_arithmetic3A_974 = arith.shrsi %add3A_972, %shift_right_arithmetic3A_973 : i32
      %while3A_975 = arith.constant 0 : i32
      %while3A_976 = arith.subi %shift_right_arithmetic3A_974, %shift_right_arithmetic3A_968 : i32
      %while3A_977 = arith.addi %shift_right_arithmetic3A_968, %while3A_976 : i32
      %while3A_978 = arith.constant 1 : i32
      %while3A_979 = arith.divsi %while3A_976, %while3A_978 : i32
      %while3A_980 = arith.muli %while3A_979, %while3A_978 : i32
      %while3A_981 = arith.addi %shift_right_arithmetic3A_968, %while3A_980 : i32
      %while3A_982 = arith.constant 1 : i32
      scf.for %while3A_1280 = %shift_right_arithmetic3A_968 to %while3A_981 step %while3A_982  : i32 {
        %mul3A_1281 = arith.constant 16 : i32
        %mul3A_1282 = arith.muli %while3A_1280, %mul3A_1281 : i32
        %get3A_1283 = arith.index_cast %mul3A_1282 : i32 to index
        %get3A_1284 = tpu.vector_load %arg7[%get3A_1283] {strides = array<i32>} : memref<16384xi32, #tpu.memory_space<vmem>>, vector<16xi32>,
        %mul3A_1285 = arith.constant 16 : i32
        %mul3A_1286 = arith.muli %while3A_1280, %mul3A_1285 : i32
        %get3A_1287 = arith.index_cast %mul3A_1286 : i32 to index
        %get3A_1288 = tpu.vector_load %arg8[%get3A_1287] {strides = array<i32>} : memref<16384xi32, #tpu.memory_space<vmem>>, vector<16xi32>,
        %sub3A = arith.constant 150528 : i32
        %sub3A_1289 = vector.broadcast %sub3A : i32 to vector<16xi32>
        %sub3A_1290 = arith.subi %get3A_1284, %sub3A_1289 : vector<16xi32>
        %max3A = arith.constant 0 : i32
        %max3A_1291 = vector.broadcast %max3A : i32 to vector<16xi32>
        %max3A_1292 = arith.maxsi %sub3A_1290, %max3A_1291 : vector<16xi32>
        %min3A = arith.constant 12543 : i32
        %min3A_1293 = vector.broadcast %min3A : i32 to vector<16xi32>
        %min3A_1294 = arith.minsi %max3A_1292, %min3A_1293 : vector<16xi32>
        %ge3A = arith.constant 150528 : i32
        %ge3A_1295 = vector.broadcast %ge3A : i32 to vector<16xi32>
        %ge3A_1296 = arith.cmpi sge, %get3A_1284, %ge3A_1295 : vector<16xi32>
        %broadcast_in_dim3A = arith.constant 0 : i32
        %broadcast_in_dim3A_1297 = vector.broadcast %broadcast_in_dim3A : i32 to vector<16xi32>
        %gather3A = tpu.vector_load_idx %arg10[%broadcast_in_dim3A_1297, %min3A_1294] : memref<2x12928xf32, #tpu.memory_space<vmem>>[vector<16xi32>, vector<16xi32>], vector<16xf32>,
        tpu.vector_store_idx %arg12[%broadcast_in_dim3A_1297, %get3A_1288], %gather3A masked %ge3A_1296 : memref<2x16384xf32, #tpu.memory_space<vmem>>[vector<16xi32>, vector<16xi32>], vector<16xf32>, vector<16xi1>
        %broadcast_in_dim3A_1298 = arith.constant 1 : i32
        %broadcast_in_dim3A_1299 = vector.broadcast %broadcast_in_dim3A_1298 : i32 to vector<16xi32>
        %gather3A_1300 = tpu.vector_load_idx %arg10[%broadcast_in_dim3A_1299, %min3A_1294] : memref<2x12928xf32, #tpu.memory_space<vmem>>[vector<16xi32>, vector<16xi32>], vector<16xf32>,
        tpu.vector_store_idx %arg12[%broadcast_in_dim3A_1299, %get3A_1288], %gather3A_1300 masked %ge3A_1296 : memref<2x16384xf32, #tpu.memory_space<vmem>>[vector<16xi32>, vector<16xi32>], vector<16xf32>, vector<16xi1>
      }
      %while3A_983 = arith.constant 1 : i32
      scf.for %while3A_1280 = %while3A_981 to %while3A_977 step %while3A_983  : i32 {
        %mul3A_1281 = arith.constant 16 : i32
        %mul3A_1282 = arith.muli %while3A_1280, %mul3A_1281 : i32
        %get3A_1283 = arith.index_cast %mul3A_1282 : i32 to index
        %get3A_1284 = tpu.vector_load %arg7[%get3A_1283] {strides = array<i32>} : memref<16384xi32, #tpu.memory_space<vmem>>, vector<16xi32>,
        %mul3A_1285 = arith.constant 16 : i32
        %mul3A_1286 = arith.muli %while3A_1280, %mul3A_1285 : i32
        %get3A_1287 = arith.index_cast %mul3A_1286 : i32 to index
        %get3A_1288 = tpu.vector_load %arg8[%get3A_1287] {strides = array<i32>} : memref<16384xi32, #tpu.memory_space<vmem>>, vector<16xi32>,
        %sub3A = arith.constant 150528 : i32
        %sub3A_1289 = vector.broadcast %sub3A : i32 to vector<16xi32>
        %sub3A_1290 = arith.subi %get3A_1284, %sub3A_1289 : vector<16xi32>
        %max3A = arith.constant 0 : i32
        %max3A_1291 = vector.broadcast %max3A : i32 to vector<16xi32>
        %max3A_1292 = arith.maxsi %sub3A_1290, %max3A_1291 : vector<16xi32>
        %min3A = arith.constant 12543 : i32
        %min3A_1293 = vector.broadcast %min3A : i32 to vector<16xi32>
        %min3A_1294 = arith.minsi %max3A_1292, %min3A_1293 : vector<16xi32>
        %ge3A = arith.constant 150528 : i32
        %ge3A_1295 = vector.broadcast %ge3A : i32 to vector<16xi32>
        %ge3A_1296 = arith.cmpi sge, %get3A_1284, %ge3A_1295 : vector<16xi32>
        %broadcast_in_dim3A = arith.constant 0 : i32
        %broadcast_in_dim3A_1297 = vector.broadcast %broadcast_in_dim3A : i32 to vector<16xi32>
        %gather3A = tpu.vector_load_idx %arg10[%broadcast_in_dim3A_1297, %min3A_1294] : memref<2x12928xf32, #tpu.memory_space<vmem>>[vector<16xi32>, vector<16xi32>], vector<16xf32>,
        tpu.vector_store_idx %arg12[%broadcast_in_dim3A_1297, %get3A_1288], %gather3A masked %ge3A_1296 : memref<2x16384xf32, #tpu.memory_space<vmem>>[vector<16xi32>, vector<16xi32>], vector<16xf32>, vector<16xi1>
        %broadcast_in_dim3A_1298 = arith.constant 1 : i32
        %broadcast_in_dim3A_1299 = vector.broadcast %broadcast_in_dim3A_1298 : i32 to vector<16xi32>
        %gather3A_1300 = tpu.vector_load_idx %arg10[%broadcast_in_dim3A_1299, %min3A_1294] : memref<2x12928xf32, #tpu.memory_space<vmem>>[vector<16xi32>, vector<16xi32>], vector<16xf32>,
        tpu.vector_store_idx %arg12[%broadcast_in_dim3A_1299, %get3A_1288], %gather3A_1300 masked %ge3A_1296 : memref<2x16384xf32, #tpu.memory_space<vmem>>[vector<16xi32>, vector<16xi32>], vector<16xf32>, vector<16xi1>
      }
      %dma_wait3A_984 = arith.constant 0 : i32
      %dma_wait3A_985 = arith.constant 0 : i32
      %dma_wait3A_986 = tpu.memref_slice %arg11[%dma_wait3A_984, %dma_wait3A_985] : memref<2x12928xf32, #tpu.memory_space<vmem>> -> memref<2x6272xf32, #tpu.memory_space<vmem>>
      %dma_wait3A_987 = arith.constant 0 : i32
      %dma_wait3A_988 = arith.constant 0 : i32
      %dma_wait3A_989 = tpu.memref_slice %arg2[%dma_wait3A_987, %dma_wait3A_988] : memref<2880x201088xf32, #tpu.memory_space<hbm>> -> memref<2x6272xf32, #tpu.memory_space<hbm>>
      %dma_wait3A_990 = arith.constant 0 : i32
      %dma_wait3A_991 = arith.constant 0 : i32
      %dma_wait3A_992 = tpu.memref_slice %arg11[%dma_wait3A_990, %dma_wait3A_991] : memref<2x12928xf32, #tpu.memory_space<vmem>> -> memref<2x6272xf32, #tpu.memory_space<vmem>>
      %dma_wait3A_993 = arith.constant 0 : i32
      %dma_wait3A_994 = arith.constant 0 : i32
      %dma_wait3A_995 = tpu.memref_slice %arg2[%dma_wait3A_993, %dma_wait3A_994] : memref<2880x201088xf32, #tpu.memory_space<hbm>> -> memref<2x6272xf32, #tpu.memory_space<hbm>>
      tpu.wait_dma2 semaphore(%arg14 : memref<!tpu.dma_semaphore, #tpu.memory_space<semaphore_mem>>) src(%dma_wait3A_995 : memref<2x6272xf32, #tpu.memory_space<hbm>>) dst(%dma_wait3A_992 : memref<2x6272xf32, #tpu.memory_space<vmem>>)
      %dma_wait3A_996 = arith.constant 0 : i32
      %dma_wait3A_997 = arith.constant 6272 : i32
      %dma_wait3A_998 = tpu.memref_slice %arg11[%dma_wait3A_996, %dma_wait3A_997] : memref<2x12928xf32, #tpu.memory_space<vmem>> -> memref<2x6272xf32, #tpu.memory_space<vmem>>
      %dma_wait3A_999 = arith.constant 0 : i32
      %dma_wait3A_1000 = arith.constant 6272 : i32
      %dma_wait3A_1001 = tpu.memref_slice %arg2[%dma_wait3A_999, %dma_wait3A_1000] : memref<2880x201088xf32, #tpu.memory_space<hbm>> -> memref<2x6272xf32, #tpu.memory_space<hbm>>
      %dma_wait3A_1002 = arith.constant 0 : i32
      %dma_wait3A_1003 = arith.constant 6272 : i32
      %dma_wait3A_1004 = tpu.memref_slice %arg11[%dma_wait3A_1002, %dma_wait3A_1003] : memref<2x12928xf32, #tpu.memory_space<vmem>> -> memref<2x6272xf32, #tpu.memory_space<vmem>>
      %dma_wait3A_1005 = arith.constant 0 : i32
      %dma_wait3A_1006 = arith.constant 6272 : i32
      %dma_wait3A_1007 = tpu.memref_slice %arg2[%dma_wait3A_1005, %dma_wait3A_1006] : memref<2880x201088xf32, #tpu.memory_space<hbm>> -> memref<2x6272xf32, #tpu.memory_space<hbm>>
      tpu.wait_dma2 semaphore(%arg14 : memref<!tpu.dma_semaphore, #tpu.memory_space<semaphore_mem>>) src(%dma_wait3A_1007 : memref<2x6272xf32, #tpu.memory_space<hbm>>) dst(%dma_wait3A_1004 : memref<2x6272xf32, #tpu.memory_space<vmem>>)
      %mul3A_1008 = arith.constant 2 : i32
      %mul3A_1009 = arith.muli %mul3A_1008, %scan3A_127 : i32
      %add3A_1010 = arith.addi %mul3A_2, %mul3A_1009 : i32
      %dma_start3A_1011 = arith.constant 0 : i32
      %dma_start3A_1012 = arith.constant 0 : i32
      %dma_start3A_1013 = tpu.memref_slice %arg10[%dma_start3A_1011, %dma_start3A_1012] : memref<2x12928xf32, #tpu.memory_space<vmem>> -> memref<2x6272xf32, #tpu.memory_space<vmem>>
      %dma_start3A_1014 = arith.constant 175616 : i32
      %dma_start3A_1015 = tpu.memref_slice %arg2[%add3A_1010, %dma_start3A_1014] : memref<2880x201088xf32, #tpu.memory_space<hbm>> -> memref<2x6272xf32, #tpu.memory_space<hbm>>
      %dma_start3A_1016 = arith.constant 0 : i32
      %dma_start3A_1017 = arith.constant 0 : i32
      %dma_start3A_1018 = tpu.memref_slice %arg10[%dma_start3A_1016, %dma_start3A_1017] : memref<2x12928xf32, #tpu.memory_space<vmem>> -> memref<2x6272xf32, #tpu.memory_space<vmem>>
      %dma_start3A_1019 = arith.constant 175616 : i32
      %dma_start3A_1020 = tpu.memref_slice %arg2[%add3A_1010, %dma_start3A_1019] : memref<2880x201088xf32, #tpu.memory_space<hbm>> -> memref<2x6272xf32, #tpu.memory_space<hbm>>
      tpu.enqueue_dma source(%dma_start3A_1020 : memref<2x6272xf32, #tpu.memory_space<hbm>>) target(%dma_start3A_1018 : memref<2x6272xf32, #tpu.memory_space<vmem>>) target_semaphore(%arg13 : memref<!tpu.dma_semaphore, #tpu.memory_space<semaphore_mem>>)
      %dma_start3A_1021 = arith.constant 0 : i32
      %dma_start3A_1022 = arith.constant 6272 : i32
      %dma_start3A_1023 = tpu.memref_slice %arg10[%dma_start3A_1021, %dma_start3A_1022] : memref<2x12928xf32, #tpu.memory_space<vmem>> -> memref<2x6272xf32, #tpu.memory_space<vmem>>
      %dma_start3A_1024 = arith.constant 181888 : i32
      %dma_start3A_1025 = tpu.memref_slice %arg2[%add3A_1010, %dma_start3A_1024] : memref<2880x201088xf32, #tpu.memory_space<hbm>> -> memref<2x6272xf32, #tpu.memory_space<hbm>>
      %dma_start3A_1026 = arith.constant 0 : i32
      %dma_start3A_1027 = arith.constant 6272 : i32
      %dma_start3A_1028 = tpu.memref_slice %arg10[%dma_start3A_1026, %dma_start3A_1027] : memref<2x12928xf32, #tpu.memory_space<vmem>> -> memref<2x6272xf32, #tpu.memory_space<vmem>>
      %dma_start3A_1029 = arith.constant 181888 : i32
      %dma_start3A_1030 = tpu.memref_slice %arg2[%add3A_1010, %dma_start3A_1029] : memref<2880x201088xf32, #tpu.memory_space<hbm>> -> memref<2x6272xf32, #tpu.memory_space<hbm>>
      tpu.enqueue_dma source(%dma_start3A_1030 : memref<2x6272xf32, #tpu.memory_space<hbm>>) target(%dma_start3A_1028 : memref<2x6272xf32, #tpu.memory_space<vmem>>) target_semaphore(%arg13 : memref<!tpu.dma_semaphore, #tpu.memory_space<semaphore_mem>>)
      %slice3A_1031 = vector.extract_strided_slice %get3A_3 {offsets = [13], sizes = [1], strides = [1]} : vector<16xi32> to vector<1xi32>
      %squeeze3A_1032 = vector.extract %slice3A_1031[0] : i32 from vector<1xi32>
      %shift_right_arithmetic3A_1033 = arith.constant 4 : i32
      %shift_right_arithmetic3A_1034 = arith.shrsi %squeeze3A_1032, %shift_right_arithmetic3A_1033 : i32
      %slice3A_1035 = vector.extract_strided_slice %get3A_3 {offsets = [14], sizes = [1], strides = [1]} : vector<16xi32> to vector<1xi32>
      %squeeze3A_1036 = vector.extract %slice3A_1035[0] : i32 from vector<1xi32>
      %add3A_1037 = arith.constant 15 : i32
      %add3A_1038 = arith.addi %squeeze3A_1036, %add3A_1037 : i32
      %shift_right_arithmetic3A_1039 = arith.constant 4 : i32
      %shift_right_arithmetic3A_1040 = arith.shrsi %add3A_1038, %shift_right_arithmetic3A_1039 : i32
      %while3A_1041 = arith.constant 0 : i32
      %while3A_1042 = arith.subi %shift_right_arithmetic3A_1040, %shift_right_arithmetic3A_1034 : i32
      %while3A_1043 = arith.addi %shift_right_arithmetic3A_1034, %while3A_1042 : i32
      %while3A_1044 = arith.constant 1 : i32
      %while3A_1045 = arith.divsi %while3A_1042, %while3A_1044 : i32
      %while3A_1046 = arith.muli %while3A_1045, %while3A_1044 : i32
      %while3A_1047 = arith.addi %shift_right_arithmetic3A_1034, %while3A_1046 : i32
      %while3A_1048 = arith.constant 1 : i32
      scf.for %while3A_1280 = %shift_right_arithmetic3A_1034 to %while3A_1047 step %while3A_1048  : i32 {
        %mul3A_1281 = arith.constant 16 : i32
        %mul3A_1282 = arith.muli %while3A_1280, %mul3A_1281 : i32
        %get3A_1283 = arith.index_cast %mul3A_1282 : i32 to index
        %get3A_1284 = tpu.vector_load %arg7[%get3A_1283] {strides = array<i32>} : memref<16384xi32, #tpu.memory_space<vmem>>, vector<16xi32>,
        %mul3A_1285 = arith.constant 16 : i32
        %mul3A_1286 = arith.muli %while3A_1280, %mul3A_1285 : i32
        %get3A_1287 = arith.index_cast %mul3A_1286 : i32 to index
        %get3A_1288 = tpu.vector_load %arg8[%get3A_1287] {strides = array<i32>} : memref<16384xi32, #tpu.memory_space<vmem>>, vector<16xi32>,
        %sub3A = arith.constant 163072 : i32
        %sub3A_1289 = vector.broadcast %sub3A : i32 to vector<16xi32>
        %sub3A_1290 = arith.subi %get3A_1284, %sub3A_1289 : vector<16xi32>
        %max3A = arith.constant 0 : i32
        %max3A_1291 = vector.broadcast %max3A : i32 to vector<16xi32>
        %max3A_1292 = arith.maxsi %sub3A_1290, %max3A_1291 : vector<16xi32>
        %min3A = arith.constant 12543 : i32
        %min3A_1293 = vector.broadcast %min3A : i32 to vector<16xi32>
        %min3A_1294 = arith.minsi %max3A_1292, %min3A_1293 : vector<16xi32>
        %ge3A = arith.constant 163072 : i32
        %ge3A_1295 = vector.broadcast %ge3A : i32 to vector<16xi32>
        %ge3A_1296 = arith.cmpi sge, %get3A_1284, %ge3A_1295 : vector<16xi32>
        %broadcast_in_dim3A = arith.constant 0 : i32
        %broadcast_in_dim3A_1297 = vector.broadcast %broadcast_in_dim3A : i32 to vector<16xi32>
        %gather3A = tpu.vector_load_idx %arg11[%broadcast_in_dim3A_1297, %min3A_1294] : memref<2x12928xf32, #tpu.memory_space<vmem>>[vector<16xi32>, vector<16xi32>], vector<16xf32>,
        tpu.vector_store_idx %arg12[%broadcast_in_dim3A_1297, %get3A_1288], %gather3A masked %ge3A_1296 : memref<2x16384xf32, #tpu.memory_space<vmem>>[vector<16xi32>, vector<16xi32>], vector<16xf32>, vector<16xi1>
        %broadcast_in_dim3A_1298 = arith.constant 1 : i32
        %broadcast_in_dim3A_1299 = vector.broadcast %broadcast_in_dim3A_1298 : i32 to vector<16xi32>
        %gather3A_1300 = tpu.vector_load_idx %arg11[%broadcast_in_dim3A_1299, %min3A_1294] : memref<2x12928xf32, #tpu.memory_space<vmem>>[vector<16xi32>, vector<16xi32>], vector<16xf32>,
        tpu.vector_store_idx %arg12[%broadcast_in_dim3A_1299, %get3A_1288], %gather3A_1300 masked %ge3A_1296 : memref<2x16384xf32, #tpu.memory_space<vmem>>[vector<16xi32>, vector<16xi32>], vector<16xf32>, vector<16xi1>
      }
      %while3A_1049 = arith.constant 1 : i32
      scf.for %while3A_1280 = %while3A_1047 to %while3A_1043 step %while3A_1049  : i32 {
        %mul3A_1281 = arith.constant 16 : i32
        %mul3A_1282 = arith.muli %while3A_1280, %mul3A_1281 : i32
        %get3A_1283 = arith.index_cast %mul3A_1282 : i32 to index
        %get3A_1284 = tpu.vector_load %arg7[%get3A_1283] {strides = array<i32>} : memref<16384xi32, #tpu.memory_space<vmem>>, vector<16xi32>,
        %mul3A_1285 = arith.constant 16 : i32
        %mul3A_1286 = arith.muli %while3A_1280, %mul3A_1285 : i32
        %get3A_1287 = arith.index_cast %mul3A_1286 : i32 to index
        %get3A_1288 = tpu.vector_load %arg8[%get3A_1287] {strides = array<i32>} : memref<16384xi32, #tpu.memory_space<vmem>>, vector<16xi32>,
        %sub3A = arith.constant 163072 : i32
        %sub3A_1289 = vector.broadcast %sub3A : i32 to vector<16xi32>
        %sub3A_1290 = arith.subi %get3A_1284, %sub3A_1289 : vector<16xi32>
        %max3A = arith.constant 0 : i32
        %max3A_1291 = vector.broadcast %max3A : i32 to vector<16xi32>
        %max3A_1292 = arith.maxsi %sub3A_1290, %max3A_1291 : vector<16xi32>
        %min3A = arith.constant 12543 : i32
        %min3A_1293 = vector.broadcast %min3A : i32 to vector<16xi32>
        %min3A_1294 = arith.minsi %max3A_1292, %min3A_1293 : vector<16xi32>
        %ge3A = arith.constant 163072 : i32
        %ge3A_1295 = vector.broadcast %ge3A : i32 to vector<16xi32>
        %ge3A_1296 = arith.cmpi sge, %get3A_1284, %ge3A_1295 : vector<16xi32>
        %broadcast_in_dim3A = arith.constant 0 : i32
        %broadcast_in_dim3A_1297 = vector.broadcast %broadcast_in_dim3A : i32 to vector<16xi32>
        %gather3A = tpu.vector_load_idx %arg11[%broadcast_in_dim3A_1297, %min3A_1294] : memref<2x12928xf32, #tpu.memory_space<vmem>>[vector<16xi32>, vector<16xi32>], vector<16xf32>,
        tpu.vector_store_idx %arg12[%broadcast_in_dim3A_1297, %get3A_1288], %gather3A masked %ge3A_1296 : memref<2x16384xf32, #tpu.memory_space<vmem>>[vector<16xi32>, vector<16xi32>], vector<16xf32>, vector<16xi1>
        %broadcast_in_dim3A_1298 = arith.constant 1 : i32
        %broadcast_in_dim3A_1299 = vector.broadcast %broadcast_in_dim3A_1298 : i32 to vector<16xi32>
        %gather3A_1300 = tpu.vector_load_idx %arg11[%broadcast_in_dim3A_1299, %min3A_1294] : memref<2x12928xf32, #tpu.memory_space<vmem>>[vector<16xi32>, vector<16xi32>], vector<16xf32>,
        tpu.vector_store_idx %arg12[%broadcast_in_dim3A_1299, %get3A_1288], %gather3A_1300 masked %ge3A_1296 : memref<2x16384xf32, #tpu.memory_space<vmem>>[vector<16xi32>, vector<16xi32>], vector<16xf32>, vector<16xi1>
      }
      %dma_wait3A_1050 = arith.constant 0 : i32
      %dma_wait3A_1051 = arith.constant 0 : i32
      %dma_wait3A_1052 = tpu.memref_slice %arg10[%dma_wait3A_1050, %dma_wait3A_1051] : memref<2x12928xf32, #tpu.memory_space<vmem>> -> memref<2x6272xf32, #tpu.memory_space<vmem>>
      %dma_wait3A_1053 = arith.constant 0 : i32
      %dma_wait3A_1054 = arith.constant 0 : i32
      %dma_wait3A_1055 = tpu.memref_slice %arg2[%dma_wait3A_1053, %dma_wait3A_1054] : memref<2880x201088xf32, #tpu.memory_space<hbm>> -> memref<2x6272xf32, #tpu.memory_space<hbm>>
      %dma_wait3A_1056 = arith.constant 0 : i32
      %dma_wait3A_1057 = arith.constant 0 : i32
      %dma_wait3A_1058 = tpu.memref_slice %arg10[%dma_wait3A_1056, %dma_wait3A_1057] : memref<2x12928xf32, #tpu.memory_space<vmem>> -> memref<2x6272xf32, #tpu.memory_space<vmem>>
      %dma_wait3A_1059 = arith.constant 0 : i32
      %dma_wait3A_1060 = arith.constant 0 : i32
      %dma_wait3A_1061 = tpu.memref_slice %arg2[%dma_wait3A_1059, %dma_wait3A_1060] : memref<2880x201088xf32, #tpu.memory_space<hbm>> -> memref<2x6272xf32, #tpu.memory_space<hbm>>
      tpu.wait_dma2 semaphore(%arg13 : memref<!tpu.dma_semaphore, #tpu.memory_space<semaphore_mem>>) src(%dma_wait3A_1061 : memref<2x6272xf32, #tpu.memory_space<hbm>>) dst(%dma_wait3A_1058 : memref<2x6272xf32, #tpu.memory_space<vmem>>)
      %dma_wait3A_1062 = arith.constant 0 : i32
      %dma_wait3A_1063 = arith.constant 6272 : i32
      %dma_wait3A_1064 = tpu.memref_slice %arg10[%dma_wait3A_1062, %dma_wait3A_1063] : memref<2x12928xf32, #tpu.memory_space<vmem>> -> memref<2x6272xf32, #tpu.memory_space<vmem>>
      %dma_wait3A_1065 = arith.constant 0 : i32
      %dma_wait3A_1066 = arith.constant 6272 : i32
      %dma_wait3A_1067 = tpu.memref_slice %arg2[%dma_wait3A_1065, %dma_wait3A_1066] : memref<2880x201088xf32, #tpu.memory_space<hbm>> -> memref<2x6272xf32, #tpu.memory_space<hbm>>
      %dma_wait3A_1068 = arith.constant 0 : i32
      %dma_wait3A_1069 = arith.constant 6272 : i32
      %dma_wait3A_1070 = tpu.memref_slice %arg10[%dma_wait3A_1068, %dma_wait3A_1069] : memref<2x12928xf32, #tpu.memory_space<vmem>> -> memref<2x6272xf32, #tpu.memory_space<vmem>>
      %dma_wait3A_1071 = arith.constant 0 : i32
      %dma_wait3A_1072 = arith.constant 6272 : i32
      %dma_wait3A_1073 = tpu.memref_slice %arg2[%dma_wait3A_1071, %dma_wait3A_1072] : memref<2880x201088xf32, #tpu.memory_space<hbm>> -> memref<2x6272xf32, #tpu.memory_space<hbm>>
      tpu.wait_dma2 semaphore(%arg13 : memref<!tpu.dma_semaphore, #tpu.memory_space<semaphore_mem>>) src(%dma_wait3A_1073 : memref<2x6272xf32, #tpu.memory_space<hbm>>) dst(%dma_wait3A_1070 : memref<2x6272xf32, #tpu.memory_space<vmem>>)
      %mul3A_1074 = arith.constant 2 : i32
      %mul3A_1075 = arith.muli %mul3A_1074, %scan3A_127 : i32
      %add3A_1076 = arith.addi %mul3A_2, %mul3A_1075 : i32
      %dma_start3A_1077 = arith.constant 0 : i32
      %dma_start3A_1078 = arith.constant 0 : i32
      %dma_start3A_1079 = tpu.memref_slice %arg11[%dma_start3A_1077, %dma_start3A_1078] : memref<2x12928xf32, #tpu.memory_space<vmem>> -> memref<2x6400xf32, #tpu.memory_space<vmem>>
      %dma_start3A_1080 = arith.constant 188160 : i32
      %dma_start3A_1081 = tpu.memref_slice %arg2[%add3A_1076, %dma_start3A_1080] : memref<2880x201088xf32, #tpu.memory_space<hbm>> -> memref<2x6400xf32, #tpu.memory_space<hbm>>
      %dma_start3A_1082 = arith.constant 0 : i32
      %dma_start3A_1083 = arith.constant 0 : i32
      %dma_start3A_1084 = tpu.memref_slice %arg11[%dma_start3A_1082, %dma_start3A_1083] : memref<2x12928xf32, #tpu.memory_space<vmem>> -> memref<2x6400xf32, #tpu.memory_space<vmem>>
      %dma_start3A_1085 = arith.constant 188160 : i32
      %dma_start3A_1086 = tpu.memref_slice %arg2[%add3A_1076, %dma_start3A_1085] : memref<2880x201088xf32, #tpu.memory_space<hbm>> -> memref<2x6400xf32, #tpu.memory_space<hbm>>
      tpu.enqueue_dma source(%dma_start3A_1086 : memref<2x6400xf32, #tpu.memory_space<hbm>>) target(%dma_start3A_1084 : memref<2x6400xf32, #tpu.memory_space<vmem>>) target_semaphore(%arg14 : memref<!tpu.dma_semaphore, #tpu.memory_space<semaphore_mem>>)
      %dma_start3A_1087 = arith.constant 0 : i32
      %dma_start3A_1088 = arith.constant 6400 : i32
      %dma_start3A_1089 = tpu.memref_slice %arg11[%dma_start3A_1087, %dma_start3A_1088] : memref<2x12928xf32, #tpu.memory_space<vmem>> -> memref<2x6528xf32, #tpu.memory_space<vmem>>
      %dma_start3A_1090 = arith.constant 194560 : i32
      %dma_start3A_1091 = tpu.memref_slice %arg2[%add3A_1076, %dma_start3A_1090] : memref<2880x201088xf32, #tpu.memory_space<hbm>> -> memref<2x6528xf32, #tpu.memory_space<hbm>>
      %dma_start3A_1092 = arith.constant 0 : i32
      %dma_start3A_1093 = arith.constant 6400 : i32
      %dma_start3A_1094 = tpu.memref_slice %arg11[%dma_start3A_1092, %dma_start3A_1093] : memref<2x12928xf32, #tpu.memory_space<vmem>> -> memref<2x6528xf32, #tpu.memory_space<vmem>>
      %dma_start3A_1095 = arith.constant 194560 : i32
      %dma_start3A_1096 = tpu.memref_slice %arg2[%add3A_1076, %dma_start3A_1095] : memref<2880x201088xf32, #tpu.memory_space<hbm>> -> memref<2x6528xf32, #tpu.memory_space<hbm>>
      tpu.enqueue_dma source(%dma_start3A_1096 : memref<2x6528xf32, #tpu.memory_space<hbm>>) target(%dma_start3A_1094 : memref<2x6528xf32, #tpu.memory_space<vmem>>) target_semaphore(%arg14 : memref<!tpu.dma_semaphore, #tpu.memory_space<semaphore_mem>>)
      %slice3A_1097 = vector.extract_strided_slice %get3A_3 {offsets = [14], sizes = [1], strides = [1]} : vector<16xi32> to vector<1xi32>
      %squeeze3A_1098 = vector.extract %slice3A_1097[0] : i32 from vector<1xi32>
      %shift_right_arithmetic3A_1099 = arith.constant 4 : i32
      %shift_right_arithmetic3A_1100 = arith.shrsi %squeeze3A_1098, %shift_right_arithmetic3A_1099 : i32
      %slice3A_1101 = vector.extract_strided_slice %get3A_3 {offsets = [15], sizes = [1], strides = [1]} : vector<16xi32> to vector<1xi32>
      %squeeze3A_1102 = vector.extract %slice3A_1101[0] : i32 from vector<1xi32>
      %add3A_1103 = arith.constant 15 : i32
      %add3A_1104 = arith.addi %squeeze3A_1102, %add3A_1103 : i32
      %shift_right_arithmetic3A_1105 = arith.constant 4 : i32
      %shift_right_arithmetic3A_1106 = arith.shrsi %add3A_1104, %shift_right_arithmetic3A_1105 : i32
      %while3A_1107 = arith.constant 0 : i32
      %while3A_1108 = arith.subi %shift_right_arithmetic3A_1106, %shift_right_arithmetic3A_1100 : i32
      %while3A_1109 = arith.addi %shift_right_arithmetic3A_1100, %while3A_1108 : i32
      %while3A_1110 = arith.constant 1 : i32
      %while3A_1111 = arith.divsi %while3A_1108, %while3A_1110 : i32
      %while3A_1112 = arith.muli %while3A_1111, %while3A_1110 : i32
      %while3A_1113 = arith.addi %shift_right_arithmetic3A_1100, %while3A_1112 : i32
      %while3A_1114 = arith.constant 1 : i32
      scf.for %while3A_1280 = %shift_right_arithmetic3A_1100 to %while3A_1113 step %while3A_1114  : i32 {
        %mul3A_1281 = arith.constant 16 : i32
        %mul3A_1282 = arith.muli %while3A_1280, %mul3A_1281 : i32
        %get3A_1283 = arith.index_cast %mul3A_1282 : i32 to index
        %get3A_1284 = tpu.vector_load %arg7[%get3A_1283] {strides = array<i32>} : memref<16384xi32, #tpu.memory_space<vmem>>, vector<16xi32>,
        %mul3A_1285 = arith.constant 16 : i32
        %mul3A_1286 = arith.muli %while3A_1280, %mul3A_1285 : i32
        %get3A_1287 = arith.index_cast %mul3A_1286 : i32 to index
        %get3A_1288 = tpu.vector_load %arg8[%get3A_1287] {strides = array<i32>} : memref<16384xi32, #tpu.memory_space<vmem>>, vector<16xi32>,
        %sub3A = arith.constant 175616 : i32
        %sub3A_1289 = vector.broadcast %sub3A : i32 to vector<16xi32>
        %sub3A_1290 = arith.subi %get3A_1284, %sub3A_1289 : vector<16xi32>
        %max3A = arith.constant 0 : i32
        %max3A_1291 = vector.broadcast %max3A : i32 to vector<16xi32>
        %max3A_1292 = arith.maxsi %sub3A_1290, %max3A_1291 : vector<16xi32>
        %min3A = arith.constant 12543 : i32
        %min3A_1293 = vector.broadcast %min3A : i32 to vector<16xi32>
        %min3A_1294 = arith.minsi %max3A_1292, %min3A_1293 : vector<16xi32>
        %ge3A = arith.constant 175616 : i32
        %ge3A_1295 = vector.broadcast %ge3A : i32 to vector<16xi32>
        %ge3A_1296 = arith.cmpi sge, %get3A_1284, %ge3A_1295 : vector<16xi32>
        %broadcast_in_dim3A = arith.constant 0 : i32
        %broadcast_in_dim3A_1297 = vector.broadcast %broadcast_in_dim3A : i32 to vector<16xi32>
        %gather3A = tpu.vector_load_idx %arg10[%broadcast_in_dim3A_1297, %min3A_1294] : memref<2x12928xf32, #tpu.memory_space<vmem>>[vector<16xi32>, vector<16xi32>], vector<16xf32>,
        tpu.vector_store_idx %arg12[%broadcast_in_dim3A_1297, %get3A_1288], %gather3A masked %ge3A_1296 : memref<2x16384xf32, #tpu.memory_space<vmem>>[vector<16xi32>, vector<16xi32>], vector<16xf32>, vector<16xi1>
        %broadcast_in_dim3A_1298 = arith.constant 1 : i32
        %broadcast_in_dim3A_1299 = vector.broadcast %broadcast_in_dim3A_1298 : i32 to vector<16xi32>
        %gather3A_1300 = tpu.vector_load_idx %arg10[%broadcast_in_dim3A_1299, %min3A_1294] : memref<2x12928xf32, #tpu.memory_space<vmem>>[vector<16xi32>, vector<16xi32>], vector<16xf32>,
        tpu.vector_store_idx %arg12[%broadcast_in_dim3A_1299, %get3A_1288], %gather3A_1300 masked %ge3A_1296 : memref<2x16384xf32, #tpu.memory_space<vmem>>[vector<16xi32>, vector<16xi32>], vector<16xf32>, vector<16xi1>
      }
      %while3A_1115 = arith.constant 1 : i32
      scf.for %while3A_1280 = %while3A_1113 to %while3A_1109 step %while3A_1115  : i32 {
        %mul3A_1281 = arith.constant 16 : i32
        %mul3A_1282 = arith.muli %while3A_1280, %mul3A_1281 : i32
        %get3A_1283 = arith.index_cast %mul3A_1282 : i32 to index
        %get3A_1284 = tpu.vector_load %arg7[%get3A_1283] {strides = array<i32>} : memref<16384xi32, #tpu.memory_space<vmem>>, vector<16xi32>,
        %mul3A_1285 = arith.constant 16 : i32
        %mul3A_1286 = arith.muli %while3A_1280, %mul3A_1285 : i32
        %get3A_1287 = arith.index_cast %mul3A_1286 : i32 to index
        %get3A_1288 = tpu.vector_load %arg8[%get3A_1287] {strides = array<i32>} : memref<16384xi32, #tpu.memory_space<vmem>>, vector<16xi32>,
        %sub3A = arith.constant 175616 : i32
        %sub3A_1289 = vector.broadcast %sub3A : i32 to vector<16xi32>
        %sub3A_1290 = arith.subi %get3A_1284, %sub3A_1289 : vector<16xi32>
        %max3A = arith.constant 0 : i32
        %max3A_1291 = vector.broadcast %max3A : i32 to vector<16xi32>
        %max3A_1292 = arith.maxsi %sub3A_1290, %max3A_1291 : vector<16xi32>
        %min3A = arith.constant 12543 : i32
        %min3A_1293 = vector.broadcast %min3A : i32 to vector<16xi32>
        %min3A_1294 = arith.minsi %max3A_1292, %min3A_1293 : vector<16xi32>
        %ge3A = arith.constant 175616 : i32
        %ge3A_1295 = vector.broadcast %ge3A : i32 to vector<16xi32>
        %ge3A_1296 = arith.cmpi sge, %get3A_1284, %ge3A_1295 : vector<16xi32>
        %broadcast_in_dim3A = arith.constant 0 : i32
        %broadcast_in_dim3A_1297 = vector.broadcast %broadcast_in_dim3A : i32 to vector<16xi32>
        %gather3A = tpu.vector_load_idx %arg10[%broadcast_in_dim3A_1297, %min3A_1294] : memref<2x12928xf32, #tpu.memory_space<vmem>>[vector<16xi32>, vector<16xi32>], vector<16xf32>,
        tpu.vector_store_idx %arg12[%broadcast_in_dim3A_1297, %get3A_1288], %gather3A masked %ge3A_1296 : memref<2x16384xf32, #tpu.memory_space<vmem>>[vector<16xi32>, vector<16xi32>], vector<16xf32>, vector<16xi1>
        %broadcast_in_dim3A_1298 = arith.constant 1 : i32
        %broadcast_in_dim3A_1299 = vector.broadcast %broadcast_in_dim3A_1298 : i32 to vector<16xi32>
        %gather3A_1300 = tpu.vector_load_idx %arg10[%broadcast_in_dim3A_1299, %min3A_1294] : memref<2x12928xf32, #tpu.memory_space<vmem>>[vector<16xi32>, vector<16xi32>], vector<16xf32>,
        tpu.vector_store_idx %arg12[%broadcast_in_dim3A_1299, %get3A_1288], %gather3A_1300 masked %ge3A_1296 : memref<2x16384xf32, #tpu.memory_space<vmem>>[vector<16xi32>, vector<16xi32>], vector<16xf32>, vector<16xi1>
      }
      %dma_wait3A_1116 = arith.constant 0 : i32
      %dma_wait3A_1117 = arith.constant 0 : i32
      %dma_wait3A_1118 = tpu.memref_slice %arg11[%dma_wait3A_1116, %dma_wait3A_1117] : memref<2x12928xf32, #tpu.memory_space<vmem>> -> memref<2x6400xf32, #tpu.memory_space<vmem>>
      %dma_wait3A_1119 = arith.constant 0 : i32
      %dma_wait3A_1120 = arith.constant 0 : i32
      %dma_wait3A_1121 = tpu.memref_slice %arg2[%dma_wait3A_1119, %dma_wait3A_1120] : memref<2880x201088xf32, #tpu.memory_space<hbm>> -> memref<2x6400xf32, #tpu.memory_space<hbm>>
      %dma_wait3A_1122 = arith.constant 0 : i32
      %dma_wait3A_1123 = arith.constant 0 : i32
      %dma_wait3A_1124 = tpu.memref_slice %arg11[%dma_wait3A_1122, %dma_wait3A_1123] : memref<2x12928xf32, #tpu.memory_space<vmem>> -> memref<2x6400xf32, #tpu.memory_space<vmem>>
      %dma_wait3A_1125 = arith.constant 0 : i32
      %dma_wait3A_1126 = arith.constant 0 : i32
      %dma_wait3A_1127 = tpu.memref_slice %arg2[%dma_wait3A_1125, %dma_wait3A_1126] : memref<2880x201088xf32, #tpu.memory_space<hbm>> -> memref<2x6400xf32, #tpu.memory_space<hbm>>
      tpu.wait_dma2 semaphore(%arg14 : memref<!tpu.dma_semaphore, #tpu.memory_space<semaphore_mem>>) src(%dma_wait3A_1127 : memref<2x6400xf32, #tpu.memory_space<hbm>>) dst(%dma_wait3A_1124 : memref<2x6400xf32, #tpu.memory_space<vmem>>)
      %dma_wait3A_1128 = arith.constant 0 : i32
      %dma_wait3A_1129 = arith.constant 6400 : i32
      %dma_wait3A_1130 = tpu.memref_slice %arg11[%dma_wait3A_1128, %dma_wait3A_1129] : memref<2x12928xf32, #tpu.memory_space<vmem>> -> memref<2x6528xf32, #tpu.memory_space<vmem>>
      %dma_wait3A_1131 = arith.constant 0 : i32
      %dma_wait3A_1132 = arith.constant 6400 : i32
      %dma_wait3A_1133 = tpu.memref_slice %arg2[%dma_wait3A_1131, %dma_wait3A_1132] : memref<2880x201088xf32, #tpu.memory_space<hbm>> -> memref<2x6528xf32, #tpu.memory_space<hbm>>
      %dma_wait3A_1134 = arith.constant 0 : i32
      %dma_wait3A_1135 = arith.constant 6400 : i32
      %dma_wait3A_1136 = tpu.memref_slice %arg11[%dma_wait3A_1134, %dma_wait3A_1135] : memref<2x12928xf32, #tpu.memory_space<vmem>> -> memref<2x6528xf32, #tpu.memory_space<vmem>>
      %dma_wait3A_1137 = arith.constant 0 : i32
      %dma_wait3A_1138 = arith.constant 6400 : i32
      %dma_wait3A_1139 = tpu.memref_slice %arg2[%dma_wait3A_1137, %dma_wait3A_1138] : memref<2880x201088xf32, #tpu.memory_space<hbm>> -> memref<2x6528xf32, #tpu.memory_space<hbm>>
      tpu.wait_dma2 semaphore(%arg14 : memref<!tpu.dma_semaphore, #tpu.memory_space<semaphore_mem>>) src(%dma_wait3A_1139 : memref<2x6528xf32, #tpu.memory_space<hbm>>) dst(%dma_wait3A_1136 : memref<2x6528xf32, #tpu.memory_space<vmem>>)
      %add3A_1140 = arith.constant 1 : i32
      %add3A_1141 = arith.addi %scan3A_127, %add3A_1140 : i32
      %lt3A = arith.constant 45 : i32
      %lt3A_1142 = arith.cmpi slt, %add3A_1141, %lt3A : i32
      %convert_element_type3A_1143 = arith.extui %lt3A_1142 : i1 to i32
      %cond3A_1144 = arith.constant 0 : i32
      %cond3A_1145 = arith.cmpi ne, %convert_element_type3A_1143, %cond3A_1144 : i32
      scf.if %cond3A_1145 {
        %add3A_1280 = arith.constant 1 : i32
        %add3A_1281 = arith.addi %scan3A_127, %add3A_1280 : i32
        %mul3A_1282 = arith.constant 2 : i32
        %mul3A_1283 = arith.muli %mul3A_1282, %add3A_1281 : i32
        %add3A_1284 = arith.addi %mul3A_2, %mul3A_1283 : i32
        %dma_start3A_1285 = arith.constant 0 : i32
        %dma_start3A_1286 = arith.constant 0 : i32
        %dma_start3A_1287 = tpu.memref_slice %arg10[%dma_start3A_1285, %dma_start3A_1286] : memref<2x12928xf32, #tpu.memory_space<vmem>> -> memref<2x6272xf32, #tpu.memory_space<vmem>>
        %dma_start3A_1288 = arith.constant 0 : i32
        %dma_start3A_1289 = tpu.memref_slice %arg2[%add3A_1284, %dma_start3A_1288] : memref<2880x201088xf32, #tpu.memory_space<hbm>> -> memref<2x6272xf32, #tpu.memory_space<hbm>>
        %dma_start3A_1290 = arith.constant 0 : i32
        %dma_start3A_1291 = arith.constant 0 : i32
        %dma_start3A_1292 = tpu.memref_slice %arg10[%dma_start3A_1290, %dma_start3A_1291] : memref<2x12928xf32, #tpu.memory_space<vmem>> -> memref<2x6272xf32, #tpu.memory_space<vmem>>
        %dma_start3A_1293 = arith.constant 0 : i32
        %dma_start3A_1294 = tpu.memref_slice %arg2[%add3A_1284, %dma_start3A_1293] : memref<2880x201088xf32, #tpu.memory_space<hbm>> -> memref<2x6272xf32, #tpu.memory_space<hbm>>
        tpu.enqueue_dma source(%dma_start3A_1294 : memref<2x6272xf32, #tpu.memory_space<hbm>>) target(%dma_start3A_1292 : memref<2x6272xf32, #tpu.memory_space<vmem>>) target_semaphore(%arg13 : memref<!tpu.dma_semaphore, #tpu.memory_space<semaphore_mem>>)
        %dma_start3A_1295 = arith.constant 0 : i32
        %dma_start3A_1296 = arith.constant 6272 : i32
        %dma_start3A_1297 = tpu.memref_slice %arg10[%dma_start3A_1295, %dma_start3A_1296] : memref<2x12928xf32, #tpu.memory_space<vmem>> -> memref<2x6272xf32, #tpu.memory_space<vmem>>
        %dma_start3A_1298 = arith.constant 6272 : i32
        %dma_start3A_1299 = tpu.memref_slice %arg2[%add3A_1284, %dma_start3A_1298] : memref<2880x201088xf32, #tpu.memory_space<hbm>> -> memref<2x6272xf32, #tpu.memory_space<hbm>>
        %dma_start3A_1300 = arith.constant 0 : i32
        %dma_start3A_1301 = arith.constant 6272 : i32
        %dma_start3A_1302 = tpu.memref_slice %arg10[%dma_start3A_1300, %dma_start3A_1301] : memref<2x12928xf32, #tpu.memory_space<vmem>> -> memref<2x6272xf32, #tpu.memory_space<vmem>>
        %dma_start3A_1303 = arith.constant 6272 : i32
        %dma_start3A_1304 = tpu.memref_slice %arg2[%add3A_1284, %dma_start3A_1303] : memref<2880x201088xf32, #tpu.memory_space<hbm>> -> memref<2x6272xf32, #tpu.memory_space<hbm>>
        tpu.enqueue_dma source(%dma_start3A_1304 : memref<2x6272xf32, #tpu.memory_space<hbm>>) target(%dma_start3A_1302 : memref<2x6272xf32, #tpu.memory_space<vmem>>) target_semaphore(%arg13 : memref<!tpu.dma_semaphore, #tpu.memory_space<semaphore_mem>>)
      } else {
      }
      %slice3A_1146 = vector.extract_strided_slice %get3A_3 {offsets = [15], sizes = [1], strides = [1]} : vector<16xi32> to vector<1xi32>
      %squeeze3A_1147 = vector.extract %slice3A_1146[0] : i32 from vector<1xi32>
      %shift_right_arithmetic3A_1148 = arith.constant 4 : i32
      %shift_right_arithmetic3A_1149 = arith.shrsi %squeeze3A_1147, %shift_right_arithmetic3A_1148 : i32
      %slice3A_1150 = vector.extract_strided_slice %get3A_5 {offsets = [0], sizes = [1], strides = [1]} : vector<16xi32> to vector<1xi32>
      %squeeze3A_1151 = vector.extract %slice3A_1150[0] : i32 from vector<1xi32>
      %add3A_1152 = arith.constant 15 : i32
      %add3A_1153 = arith.addi %squeeze3A_1151, %add3A_1152 : i32
      %shift_right_arithmetic3A_1154 = arith.constant 4 : i32
      %shift_right_arithmetic3A_1155 = arith.shrsi %add3A_1153, %shift_right_arithmetic3A_1154 : i32
      %while3A_1156 = arith.constant 0 : i32
      %while3A_1157 = arith.subi %shift_right_arithmetic3A_1155, %shift_right_arithmetic3A_1149 : i32
      %while3A_1158 = arith.addi %shift_right_arithmetic3A_1149, %while3A_1157 : i32
      %while3A_1159 = arith.constant 1 : i32
      %while3A_1160 = arith.divsi %while3A_1157, %while3A_1159 : i32
      %while3A_1161 = arith.muli %while3A_1160, %while3A_1159 : i32
      %while3A_1162 = arith.addi %shift_right_arithmetic3A_1149, %while3A_1161 : i32
      %while3A_1163 = arith.constant 1 : i32
      scf.for %while3A_1280 = %shift_right_arithmetic3A_1149 to %while3A_1162 step %while3A_1163  : i32 {
        %mul3A_1281 = arith.constant 16 : i32
        %mul3A_1282 = arith.muli %while3A_1280, %mul3A_1281 : i32
        %get3A_1283 = arith.index_cast %mul3A_1282 : i32 to index
        %get3A_1284 = tpu.vector_load %arg7[%get3A_1283] {strides = array<i32>} : memref<16384xi32, #tpu.memory_space<vmem>>, vector<16xi32>,
        %mul3A_1285 = arith.constant 16 : i32
        %mul3A_1286 = arith.muli %while3A_1280, %mul3A_1285 : i32
        %get3A_1287 = arith.index_cast %mul3A_1286 : i32 to index
        %get3A_1288 = tpu.vector_load %arg8[%get3A_1287] {strides = array<i32>} : memref<16384xi32, #tpu.memory_space<vmem>>, vector<16xi32>,
        %sub3A = arith.constant 188160 : i32
        %sub3A_1289 = vector.broadcast %sub3A : i32 to vector<16xi32>
        %sub3A_1290 = arith.subi %get3A_1284, %sub3A_1289 : vector<16xi32>
        %max3A = arith.constant 0 : i32
        %max3A_1291 = vector.broadcast %max3A : i32 to vector<16xi32>
        %max3A_1292 = arith.maxsi %sub3A_1290, %max3A_1291 : vector<16xi32>
        %min3A = arith.constant 12927 : i32
        %min3A_1293 = vector.broadcast %min3A : i32 to vector<16xi32>
        %min3A_1294 = arith.minsi %max3A_1292, %min3A_1293 : vector<16xi32>
        %ge3A = arith.constant 188160 : i32
        %ge3A_1295 = vector.broadcast %ge3A : i32 to vector<16xi32>
        %ge3A_1296 = arith.cmpi sge, %get3A_1284, %ge3A_1295 : vector<16xi32>
        %broadcast_in_dim3A = arith.constant 0 : i32
        %broadcast_in_dim3A_1297 = vector.broadcast %broadcast_in_dim3A : i32 to vector<16xi32>
        %gather3A = tpu.vector_load_idx %arg11[%broadcast_in_dim3A_1297, %min3A_1294] : memref<2x12928xf32, #tpu.memory_space<vmem>>[vector<16xi32>, vector<16xi32>], vector<16xf32>,
        tpu.vector_store_idx %arg12[%broadcast_in_dim3A_1297, %get3A_1288], %gather3A masked %ge3A_1296 : memref<2x16384xf32, #tpu.memory_space<vmem>>[vector<16xi32>, vector<16xi32>], vector<16xf32>, vector<16xi1>
        %broadcast_in_dim3A_1298 = arith.constant 1 : i32
        %broadcast_in_dim3A_1299 = vector.broadcast %broadcast_in_dim3A_1298 : i32 to vector<16xi32>
        %gather3A_1300 = tpu.vector_load_idx %arg11[%broadcast_in_dim3A_1299, %min3A_1294] : memref<2x12928xf32, #tpu.memory_space<vmem>>[vector<16xi32>, vector<16xi32>], vector<16xf32>,
        tpu.vector_store_idx %arg12[%broadcast_in_dim3A_1299, %get3A_1288], %gather3A_1300 masked %ge3A_1296 : memref<2x16384xf32, #tpu.memory_space<vmem>>[vector<16xi32>, vector<16xi32>], vector<16xf32>, vector<16xi1>
      }
      %while3A_1164 = arith.constant 1 : i32
      scf.for %while3A_1280 = %while3A_1162 to %while3A_1158 step %while3A_1164  : i32 {
        %mul3A_1281 = arith.constant 16 : i32
        %mul3A_1282 = arith.muli %while3A_1280, %mul3A_1281 : i32
        %get3A_1283 = arith.index_cast %mul3A_1282 : i32 to index
        %get3A_1284 = tpu.vector_load %arg7[%get3A_1283] {strides = array<i32>} : memref<16384xi32, #tpu.memory_space<vmem>>, vector<16xi32>,
        %mul3A_1285 = arith.constant 16 : i32
        %mul3A_1286 = arith.muli %while3A_1280, %mul3A_1285 : i32
        %get3A_1287 = arith.index_cast %mul3A_1286 : i32 to index
        %get3A_1288 = tpu.vector_load %arg8[%get3A_1287] {strides = array<i32>} : memref<16384xi32, #tpu.memory_space<vmem>>, vector<16xi32>,
        %sub3A = arith.constant 188160 : i32
        %sub3A_1289 = vector.broadcast %sub3A : i32 to vector<16xi32>
        %sub3A_1290 = arith.subi %get3A_1284, %sub3A_1289 : vector<16xi32>
        %max3A = arith.constant 0 : i32
        %max3A_1291 = vector.broadcast %max3A : i32 to vector<16xi32>
        %max3A_1292 = arith.maxsi %sub3A_1290, %max3A_1291 : vector<16xi32>
        %min3A = arith.constant 12927 : i32
        %min3A_1293 = vector.broadcast %min3A : i32 to vector<16xi32>
        %min3A_1294 = arith.minsi %max3A_1292, %min3A_1293 : vector<16xi32>
        %ge3A = arith.constant 188160 : i32
        %ge3A_1295 = vector.broadcast %ge3A : i32 to vector<16xi32>
        %ge3A_1296 = arith.cmpi sge, %get3A_1284, %ge3A_1295 : vector<16xi32>
        %broadcast_in_dim3A = arith.constant 0 : i32
        %broadcast_in_dim3A_1297 = vector.broadcast %broadcast_in_dim3A : i32 to vector<16xi32>
        %gather3A = tpu.vector_load_idx %arg11[%broadcast_in_dim3A_1297, %min3A_1294] : memref<2x12928xf32, #tpu.memory_space<vmem>>[vector<16xi32>, vector<16xi32>], vector<16xf32>,
        tpu.vector_store_idx %arg12[%broadcast_in_dim3A_1297, %get3A_1288], %gather3A masked %ge3A_1296 : memref<2x16384xf32, #tpu.memory_space<vmem>>[vector<16xi32>, vector<16xi32>], vector<16xf32>, vector<16xi1>
        %broadcast_in_dim3A_1298 = arith.constant 1 : i32
        %broadcast_in_dim3A_1299 = vector.broadcast %broadcast_in_dim3A_1298 : i32 to vector<16xi32>
        %gather3A_1300 = tpu.vector_load_idx %arg11[%broadcast_in_dim3A_1299, %min3A_1294] : memref<2x12928xf32, #tpu.memory_space<vmem>>[vector<16xi32>, vector<16xi32>], vector<16xf32>,
        tpu.vector_store_idx %arg12[%broadcast_in_dim3A_1299, %get3A_1288], %gather3A_1300 masked %ge3A_1296 : memref<2x16384xf32, #tpu.memory_space<vmem>>[vector<16xi32>, vector<16xi32>], vector<16xf32>, vector<16xi1>
      }
      %mul3A_1165 = arith.constant 2 : i32
      %mul3A_1166 = arith.muli %mul3A_1165, %scan3A_127 : i32
      %add3A_1167 = arith.addi %mul3A_2, %mul3A_1166 : i32
      %add3A_1168 = arith.constant 0 : i32
      %add3A_1169 = arith.addi %add3A_1168, %add3A_1167 : i32
      %add3A_1170 = arith.constant 0 : i32
      %add3A_1171 = arith.addi %add3A_1169, %add3A_1170 : i32
      %dma_start3A_1172 = arith.constant 0 : i32
      %dma_start3A_1173 = arith.constant 0 : i32
      %dma_start3A_1174 = tpu.memref_slice %arg12[%dma_start3A_1172, %dma_start3A_1173] : memref<2x16384xf32, #tpu.memory_space<vmem>> -> memref<1x4096xf32, #tpu.memory_space<vmem>>
      %dma_start3A_1175 = arith.constant 0 : i32
      %dma_start3A_1176 = tpu.memref_slice %arg6[%add3A_1171, %dma_start3A_1175] : memref<11520x4096xf32, #tpu.memory_space<hbm>> -> memref<1x4096xf32, #tpu.memory_space<hbm>>
      %dma_start3A_1177 = arith.constant 0 : i32
      %dma_start3A_1178 = tpu.memref_slice %arg6[%add3A_1171, %dma_start3A_1177] : memref<11520x4096xf32, #tpu.memory_space<hbm>> -> memref<1x4096xf32, #tpu.memory_space<hbm>>
      %dma_start3A_1179 = arith.constant 0 : i32
      %dma_start3A_1180 = arith.constant 0 : i32
      %dma_start3A_1181 = tpu.memref_slice %arg12[%dma_start3A_1179, %dma_start3A_1180] : memref<2x16384xf32, #tpu.memory_space<vmem>> -> memref<1x4096xf32, #tpu.memory_space<vmem>>
      tpu.enqueue_dma source(%dma_start3A_1181 : memref<1x4096xf32, #tpu.memory_space<vmem>>) target(%dma_start3A_1178 : memref<1x4096xf32, #tpu.memory_space<hbm>>) target_semaphore(%arg15 : memref<!tpu.dma_semaphore, #tpu.memory_space<semaphore_mem>>)
      %add3A_1182 = arith.constant 2880 : i32
      %add3A_1183 = arith.addi %add3A_1182, %add3A_1167 : i32
      %add3A_1184 = arith.constant 0 : i32
      %add3A_1185 = arith.addi %add3A_1183, %add3A_1184 : i32
      %dma_start3A_1186 = arith.constant 0 : i32
      %dma_start3A_1187 = arith.constant 4096 : i32
      %dma_start3A_1188 = tpu.memref_slice %arg12[%dma_start3A_1186, %dma_start3A_1187] : memref<2x16384xf32, #tpu.memory_space<vmem>> -> memref<1x4096xf32, #tpu.memory_space<vmem>>
      %dma_start3A_1189 = arith.constant 0 : i32
      %dma_start3A_1190 = tpu.memref_slice %arg6[%add3A_1185, %dma_start3A_1189] : memref<11520x4096xf32, #tpu.memory_space<hbm>> -> memref<1x4096xf32, #tpu.memory_space<hbm>>
      %dma_start3A_1191 = arith.constant 0 : i32
      %dma_start3A_1192 = tpu.memref_slice %arg6[%add3A_1185, %dma_start3A_1191] : memref<11520x4096xf32, #tpu.memory_space<hbm>> -> memref<1x4096xf32, #tpu.memory_space<hbm>>
      %dma_start3A_1193 = arith.constant 0 : i32
      %dma_start3A_1194 = arith.constant 4096 : i32
      %dma_start3A_1195 = tpu.memref_slice %arg12[%dma_start3A_1193, %dma_start3A_1194] : memref<2x16384xf32, #tpu.memory_space<vmem>> -> memref<1x4096xf32, #tpu.memory_space<vmem>>
      tpu.enqueue_dma source(%dma_start3A_1195 : memref<1x4096xf32, #tpu.memory_space<vmem>>) target(%dma_start3A_1192 : memref<1x4096xf32, #tpu.memory_space<hbm>>) target_semaphore(%arg15 : memref<!tpu.dma_semaphore, #tpu.memory_space<semaphore_mem>>)
      %add3A_1196 = arith.constant 5760 : i32
      %add3A_1197 = arith.addi %add3A_1196, %add3A_1167 : i32
      %add3A_1198 = arith.constant 0 : i32
      %add3A_1199 = arith.addi %add3A_1197, %add3A_1198 : i32
      %dma_start3A_1200 = arith.constant 0 : i32
      %dma_start3A_1201 = arith.constant 8192 : i32
      %dma_start3A_1202 = tpu.memref_slice %arg12[%dma_start3A_1200, %dma_start3A_1201] : memref<2x16384xf32, #tpu.memory_space<vmem>> -> memref<1x4096xf32, #tpu.memory_space<vmem>>
      %dma_start3A_1203 = arith.constant 0 : i32
      %dma_start3A_1204 = tpu.memref_slice %arg6[%add3A_1199, %dma_start3A_1203] : memref<11520x4096xf32, #tpu.memory_space<hbm>> -> memref<1x4096xf32, #tpu.memory_space<hbm>>
      %dma_start3A_1205 = arith.constant 0 : i32
      %dma_start3A_1206 = tpu.memref_slice %arg6[%add3A_1199, %dma_start3A_1205] : memref<11520x4096xf32, #tpu.memory_space<hbm>> -> memref<1x4096xf32, #tpu.memory_space<hbm>>
      %dma_start3A_1207 = arith.constant 0 : i32
      %dma_start3A_1208 = arith.constant 8192 : i32
      %dma_start3A_1209 = tpu.memref_slice %arg12[%dma_start3A_1207, %dma_start3A_1208] : memref<2x16384xf32, #tpu.memory_space<vmem>> -> memref<1x4096xf32, #tpu.memory_space<vmem>>
      tpu.enqueue_dma source(%dma_start3A_1209 : memref<1x4096xf32, #tpu.memory_space<vmem>>) target(%dma_start3A_1206 : memref<1x4096xf32, #tpu.memory_space<hbm>>) target_semaphore(%arg15 : memref<!tpu.dma_semaphore, #tpu.memory_space<semaphore_mem>>)
      %add3A_1210 = arith.constant 8640 : i32
      %add3A_1211 = arith.addi %add3A_1210, %add3A_1167 : i32
      %add3A_1212 = arith.constant 0 : i32
      %add3A_1213 = arith.addi %add3A_1211, %add3A_1212 : i32
      %dma_start3A_1214 = arith.constant 0 : i32
      %dma_start3A_1215 = arith.constant 12288 : i32
      %dma_start3A_1216 = tpu.memref_slice %arg12[%dma_start3A_1214, %dma_start3A_1215] : memref<2x16384xf32, #tpu.memory_space<vmem>> -> memref<1x4096xf32, #tpu.memory_space<vmem>>
      %dma_start3A_1217 = arith.constant 0 : i32
      %dma_start3A_1218 = tpu.memref_slice %arg6[%add3A_1213, %dma_start3A_1217] : memref<11520x4096xf32, #tpu.memory_space<hbm>> -> memref<1x4096xf32, #tpu.memory_space<hbm>>
      %dma_start3A_1219 = arith.constant 0 : i32
      %dma_start3A_1220 = tpu.memref_slice %arg6[%add3A_1213, %dma_start3A_1219] : memref<11520x4096xf32, #tpu.memory_space<hbm>> -> memref<1x4096xf32, #tpu.memory_space<hbm>>
      %dma_start3A_1221 = arith.constant 0 : i32
      %dma_start3A_1222 = arith.constant 12288 : i32
      %dma_start3A_1223 = tpu.memref_slice %arg12[%dma_start3A_1221, %dma_start3A_1222] : memref<2x16384xf32, #tpu.memory_space<vmem>> -> memref<1x4096xf32, #tpu.memory_space<vmem>>
      tpu.enqueue_dma source(%dma_start3A_1223 : memref<1x4096xf32, #tpu.memory_space<vmem>>) target(%dma_start3A_1220 : memref<1x4096xf32, #tpu.memory_space<hbm>>) target_semaphore(%arg15 : memref<!tpu.dma_semaphore, #tpu.memory_space<semaphore_mem>>)
      %add3A_1224 = arith.constant 0 : i32
      %add3A_1225 = arith.addi %add3A_1224, %add3A_1167 : i32
      %add3A_1226 = arith.constant 1 : i32
      %add3A_1227 = arith.addi %add3A_1225, %add3A_1226 : i32
      %dma_start3A_1228 = arith.constant 1 : i32
      %dma_start3A_1229 = arith.constant 0 : i32
      %dma_start3A_1230 = tpu.memref_slice %arg12[%dma_start3A_1228, %dma_start3A_1229] : memref<2x16384xf32, #tpu.memory_space<vmem>> -> memref<1x4096xf32, #tpu.memory_space<vmem>>
      %dma_start3A_1231 = arith.constant 0 : i32
      %dma_start3A_1232 = tpu.memref_slice %arg6[%add3A_1227, %dma_start3A_1231] : memref<11520x4096xf32, #tpu.memory_space<hbm>> -> memref<1x4096xf32, #tpu.memory_space<hbm>>
      %dma_start3A_1233 = arith.constant 0 : i32
      %dma_start3A_1234 = tpu.memref_slice %arg6[%add3A_1227, %dma_start3A_1233] : memref<11520x4096xf32, #tpu.memory_space<hbm>> -> memref<1x4096xf32, #tpu.memory_space<hbm>>
      %dma_start3A_1235 = arith.constant 1 : i32
      %dma_start3A_1236 = arith.constant 0 : i32
      %dma_start3A_1237 = tpu.memref_slice %arg12[%dma_start3A_1235, %dma_start3A_1236] : memref<2x16384xf32, #tpu.memory_space<vmem>> -> memref<1x4096xf32, #tpu.memory_space<vmem>>
      tpu.enqueue_dma source(%dma_start3A_1237 : memref<1x4096xf32, #tpu.memory_space<vmem>>) target(%dma_start3A_1234 : memref<1x4096xf32, #tpu.memory_space<hbm>>) target_semaphore(%arg15 : memref<!tpu.dma_semaphore, #tpu.memory_space<semaphore_mem>>)
      %add3A_1238 = arith.constant 2880 : i32
      %add3A_1239 = arith.addi %add3A_1238, %add3A_1167 : i32
      %add3A_1240 = arith.constant 1 : i32
      %add3A_1241 = arith.addi %add3A_1239, %add3A_1240 : i32
      %dma_start3A_1242 = arith.constant 1 : i32
      %dma_start3A_1243 = arith.constant 4096 : i32
      %dma_start3A_1244 = tpu.memref_slice %arg12[%dma_start3A_1242, %dma_start3A_1243] : memref<2x16384xf32, #tpu.memory_space<vmem>> -> memref<1x4096xf32, #tpu.memory_space<vmem>>
      %dma_start3A_1245 = arith.constant 0 : i32
      %dma_start3A_1246 = tpu.memref_slice %arg6[%add3A_1241, %dma_start3A_1245] : memref<11520x4096xf32, #tpu.memory_space<hbm>> -> memref<1x4096xf32, #tpu.memory_space<hbm>>
      %dma_start3A_1247 = arith.constant 0 : i32
      %dma_start3A_1248 = tpu.memref_slice %arg6[%add3A_1241, %dma_start3A_1247] : memref<11520x4096xf32, #tpu.memory_space<hbm>> -> memref<1x4096xf32, #tpu.memory_space<hbm>>
      %dma_start3A_1249 = arith.constant 1 : i32
      %dma_start3A_1250 = arith.constant 4096 : i32
      %dma_start3A_1251 = tpu.memref_slice %arg12[%dma_start3A_1249, %dma_start3A_1250] : memref<2x16384xf32, #tpu.memory_space<vmem>> -> memref<1x4096xf32, #tpu.memory_space<vmem>>
      tpu.enqueue_dma source(%dma_start3A_1251 : memref<1x4096xf32, #tpu.memory_space<vmem>>) target(%dma_start3A_1248 : memref<1x4096xf32, #tpu.memory_space<hbm>>) target_semaphore(%arg15 : memref<!tpu.dma_semaphore, #tpu.memory_space<semaphore_mem>>)
      %add3A_1252 = arith.constant 5760 : i32
      %add3A_1253 = arith.addi %add3A_1252, %add3A_1167 : i32
      %add3A_1254 = arith.constant 1 : i32
      %add3A_1255 = arith.addi %add3A_1253, %add3A_1254 : i32
      %dma_start3A_1256 = arith.constant 1 : i32
      %dma_start3A_1257 = arith.constant 8192 : i32
      %dma_start3A_1258 = tpu.memref_slice %arg12[%dma_start3A_1256, %dma_start3A_1257] : memref<2x16384xf32, #tpu.memory_space<vmem>> -> memref<1x4096xf32, #tpu.memory_space<vmem>>
      %dma_start3A_1259 = arith.constant 0 : i32
      %dma_start3A_1260 = tpu.memref_slice %arg6[%add3A_1255, %dma_start3A_1259] : memref<11520x4096xf32, #tpu.memory_space<hbm>> -> memref<1x4096xf32, #tpu.memory_space<hbm>>
      %dma_start3A_1261 = arith.constant 0 : i32
      %dma_start3A_1262 = tpu.memref_slice %arg6[%add3A_1255, %dma_start3A_1261] : memref<11520x4096xf32, #tpu.memory_space<hbm>> -> memref<1x4096xf32, #tpu.memory_space<hbm>>
      %dma_start3A_1263 = arith.constant 1 : i32
      %dma_start3A_1264 = arith.constant 8192 : i32
      %dma_start3A_1265 = tpu.memref_slice %arg12[%dma_start3A_1263, %dma_start3A_1264] : memref<2x16384xf32, #tpu.memory_space<vmem>> -> memref<1x4096xf32, #tpu.memory_space<vmem>>
      tpu.enqueue_dma source(%dma_start3A_1265 : memref<1x4096xf32, #tpu.memory_space<vmem>>) target(%dma_start3A_1262 : memref<1x4096xf32, #tpu.memory_space<hbm>>) target_semaphore(%arg15 : memref<!tpu.dma_semaphore, #tpu.memory_space<semaphore_mem>>)
      %add3A_1266 = arith.constant 8640 : i32
      %add3A_1267 = arith.addi %add3A_1266, %add3A_1167 : i32
      %add3A_1268 = arith.constant 1 : i32
      %add3A_1269 = arith.addi %add3A_1267, %add3A_1268 : i32
      %dma_start3A_1270 = arith.constant 1 : i32
      %dma_start3A_1271 = arith.constant 12288 : i32
      %dma_start3A_1272 = tpu.memref_slice %arg12[%dma_start3A_1270, %dma_start3A_1271] : memref<2x16384xf32, #tpu.memory_space<vmem>> -> memref<1x4096xf32, #tpu.memory_space<vmem>>
      %dma_start3A_1273 = arith.constant 0 : i32
      %dma_start3A_1274 = tpu.memref_slice %arg6[%add3A_1269, %dma_start3A_1273] : memref<11520x4096xf32, #tpu.memory_space<hbm>> -> memref<1x4096xf32, #tpu.memory_space<hbm>>
      %dma_start3A_1275 = arith.constant 0 : i32
      %dma_start3A_1276 = tpu.memref_slice %arg6[%add3A_1269, %dma_start3A_1275] : memref<11520x4096xf32, #tpu.memory_space<hbm>> -> memref<1x4096xf32, #tpu.memory_space<hbm>>
      %dma_start3A_1277 = arith.constant 1 : i32
      %dma_start3A_1278 = arith.constant 12288 : i32
      %dma_start3A_1279 = tpu.memref_slice %arg12[%dma_start3A_1277, %dma_start3A_1278] : memref<2x16384xf32, #tpu.memory_space<vmem>> -> memref<1x4096xf32, #tpu.memory_space<vmem>>
      tpu.enqueue_dma source(%dma_start3A_1279 : memref<1x4096xf32, #tpu.memory_space<vmem>>) target(%dma_start3A_1276 : memref<1x4096xf32, #tpu.memory_space<hbm>>) target_semaphore(%arg15 : memref<!tpu.dma_semaphore, #tpu.memory_space<semaphore_mem>>)
    }
    %scan3A_31 = arith.constant 45 : i32
    %dma_wait3A = arith.constant 0 : i32
    %dma_wait3A_32 = arith.constant 0 : i32
    %dma_wait3A_33 = tpu.memref_slice %arg12[%dma_wait3A, %dma_wait3A_32] : memref<2x16384xf32, #tpu.memory_space<vmem>> -> memref<1x4096xf32, #tpu.memory_space<vmem>>
    %dma_wait3A_34 = arith.constant 0 : i32
    %dma_wait3A_35 = arith.constant 0 : i32
    %dma_wait3A_36 = tpu.memref_slice %arg6[%dma_wait3A_34, %dma_wait3A_35] : memref<11520x4096xf32, #tpu.memory_space<hbm>> -> memref<1x4096xf32, #tpu.memory_space<hbm>>
    %dma_wait3A_37 = arith.constant 0 : i32
    %dma_wait3A_38 = arith.constant 0 : i32
    %dma_wait3A_39 = tpu.memref_slice %arg6[%dma_wait3A_37, %dma_wait3A_38] : memref<11520x4096xf32, #tpu.memory_space<hbm>> -> memref<1x4096xf32, #tpu.memory_space<hbm>>
    %dma_wait3A_40 = arith.constant 0 : i32
    %dma_wait3A_41 = arith.constant 0 : i32
    %dma_wait3A_42 = tpu.memref_slice %arg12[%dma_wait3A_40, %dma_wait3A_41] : memref<2x16384xf32, #tpu.memory_space<vmem>> -> memref<1x4096xf32, #tpu.memory_space<vmem>>
    tpu.wait_dma2 semaphore(%arg15 : memref<!tpu.dma_semaphore, #tpu.memory_space<semaphore_mem>>) src(%dma_wait3A_42 : memref<1x4096xf32, #tpu.memory_space<vmem>>) dst(%dma_wait3A_39 : memref<1x4096xf32, #tpu.memory_space<hbm>>)
    %dma_wait3A_43 = arith.constant 0 : i32
    %dma_wait3A_44 = arith.constant 0 : i32
    %dma_wait3A_45 = tpu.memref_slice %arg12[%dma_wait3A_43, %dma_wait3A_44] : memref<2x16384xf32, #tpu.memory_space<vmem>> -> memref<1x4096xf32, #tpu.memory_space<vmem>>
    %dma_wait3A_46 = arith.constant 0 : i32
    %dma_wait3A_47 = arith.constant 0 : i32
    %dma_wait3A_48 = tpu.memref_slice %arg6[%dma_wait3A_46, %dma_wait3A_47] : memref<11520x4096xf32, #tpu.memory_space<hbm>> -> memref<1x4096xf32, #tpu.memory_space<hbm>>
    %dma_wait3A_49 = arith.constant 0 : i32
    %dma_wait3A_50 = arith.constant 0 : i32
    %dma_wait3A_51 = tpu.memref_slice %arg6[%dma_wait3A_49, %dma_wait3A_50] : memref<11520x4096xf32, #tpu.memory_space<hbm>> -> memref<1x4096xf32, #tpu.memory_space<hbm>>
    %dma_wait3A_52 = arith.constant 0 : i32
    %dma_wait3A_53 = arith.constant 0 : i32
    %dma_wait3A_54 = tpu.memref_slice %arg12[%dma_wait3A_52, %dma_wait3A_53] : memref<2x16384xf32, #tpu.memory_space<vmem>> -> memref<1x4096xf32, #tpu.memory_space<vmem>>
    tpu.wait_dma2 semaphore(%arg15 : memref<!tpu.dma_semaphore, #tpu.memory_space<semaphore_mem>>) src(%dma_wait3A_54 : memref<1x4096xf32, #tpu.memory_space<vmem>>) dst(%dma_wait3A_51 : memref<1x4096xf32, #tpu.memory_space<hbm>>)
    %dma_wait3A_55 = arith.constant 0 : i32
    %dma_wait3A_56 = arith.constant 0 : i32
    %dma_wait3A_57 = tpu.memref_slice %arg12[%dma_wait3A_55, %dma_wait3A_56] : memref<2x16384xf32, #tpu.memory_space<vmem>> -> memref<1x4096xf32, #tpu.memory_space<vmem>>
    %dma_wait3A_58 = arith.constant 0 : i32
    %dma_wait3A_59 = arith.constant 0 : i32
    %dma_wait3A_60 = tpu.memref_slice %arg6[%dma_wait3A_58, %dma_wait3A_59] : memref<11520x4096xf32, #tpu.memory_space<hbm>> -> memref<1x4096xf32, #tpu.memory_space<hbm>>
    %dma_wait3A_61 = arith.constant 0 : i32
    %dma_wait3A_62 = arith.constant 0 : i32
    %dma_wait3A_63 = tpu.memref_slice %arg6[%dma_wait3A_61, %dma_wait3A_62] : memref<11520x4096xf32, #tpu.memory_space<hbm>> -> memref<1x4096xf32, #tpu.memory_space<hbm>>
    %dma_wait3A_64 = arith.constant 0 : i32
    %dma_wait3A_65 = arith.constant 0 : i32
    %dma_wait3A_66 = tpu.memref_slice %arg12[%dma_wait3A_64, %dma_wait3A_65] : memref<2x16384xf32, #tpu.memory_space<vmem>> -> memref<1x4096xf32, #tpu.memory_space<vmem>>
    tpu.wait_dma2 semaphore(%arg15 : memref<!tpu.dma_semaphore, #tpu.memory_space<semaphore_mem>>) src(%dma_wait3A_66 : memref<1x4096xf32, #tpu.memory_space<vmem>>) dst(%dma_wait3A_63 : memref<1x4096xf32, #tpu.memory_space<hbm>>)
    %dma_wait3A_67 = arith.constant 0 : i32
    %dma_wait3A_68 = arith.constant 0 : i32
    %dma_wait3A_69 = tpu.memref_slice %arg12[%dma_wait3A_67, %dma_wait3A_68] : memref<2x16384xf32, #tpu.memory_space<vmem>> -> memref<1x4096xf32, #tpu.memory_space<vmem>>
    %dma_wait3A_70 = arith.constant 0 : i32
    %dma_wait3A_71 = arith.constant 0 : i32
    %dma_wait3A_72 = tpu.memref_slice %arg6[%dma_wait3A_70, %dma_wait3A_71] : memref<11520x4096xf32, #tpu.memory_space<hbm>> -> memref<1x4096xf32, #tpu.memory_space<hbm>>
    %dma_wait3A_73 = arith.constant 0 : i32
    %dma_wait3A_74 = arith.constant 0 : i32
    %dma_wait3A_75 = tpu.memref_slice %arg6[%dma_wait3A_73, %dma_wait3A_74] : memref<11520x4096xf32, #tpu.memory_space<hbm>> -> memref<1x4096xf32, #tpu.memory_space<hbm>>
    %dma_wait3A_76 = arith.constant 0 : i32
    %dma_wait3A_77 = arith.constant 0 : i32
    %dma_wait3A_78 = tpu.memref_slice %arg12[%dma_wait3A_76, %dma_wait3A_77] : memref<2x16384xf32, #tpu.memory_space<vmem>> -> memref<1x4096xf32, #tpu.memory_space<vmem>>
    tpu.wait_dma2 semaphore(%arg15 : memref<!tpu.dma_semaphore, #tpu.memory_space<semaphore_mem>>) src(%dma_wait3A_78 : memref<1x4096xf32, #tpu.memory_space<vmem>>) dst(%dma_wait3A_75 : memref<1x4096xf32, #tpu.memory_space<hbm>>)
    %dma_wait3A_79 = arith.constant 0 : i32
    %dma_wait3A_80 = arith.constant 0 : i32
    %dma_wait3A_81 = tpu.memref_slice %arg12[%dma_wait3A_79, %dma_wait3A_80] : memref<2x16384xf32, #tpu.memory_space<vmem>> -> memref<1x4096xf32, #tpu.memory_space<vmem>>
    %dma_wait3A_82 = arith.constant 0 : i32
    %dma_wait3A_83 = arith.constant 0 : i32
    %dma_wait3A_84 = tpu.memref_slice %arg6[%dma_wait3A_82, %dma_wait3A_83] : memref<11520x4096xf32, #tpu.memory_space<hbm>> -> memref<1x4096xf32, #tpu.memory_space<hbm>>
    %dma_wait3A_85 = arith.constant 0 : i32
    %dma_wait3A_86 = arith.constant 0 : i32
    %dma_wait3A_87 = tpu.memref_slice %arg6[%dma_wait3A_85, %dma_wait3A_86] : memref<11520x4096xf32, #tpu.memory_space<hbm>> -> memref<1x4096xf32, #tpu.memory_space<hbm>>
    %dma_wait3A_88 = arith.constant 0 : i32
    %dma_wait3A_89 = arith.constant 0 : i32
    %dma_wait3A_90 = tpu.memref_slice %arg12[%dma_wait3A_88, %dma_wait3A_89] : memref<2x16384xf32, #tpu.memory_space<vmem>> -> memref<1x4096xf32, #tpu.memory_space<vmem>>
    tpu.wait_dma2 semaphore(%arg15 : memref<!tpu.dma_semaphore, #tpu.memory_space<semaphore_mem>>) src(%dma_wait3A_90 : memref<1x4096xf32, #tpu.memory_space<vmem>>) dst(%dma_wait3A_87 : memref<1x4096xf32, #tpu.memory_space<hbm>>)
    %dma_wait3A_91 = arith.constant 0 : i32
    %dma_wait3A_92 = arith.constant 0 : i32
    %dma_wait3A_93 = tpu.memref_slice %arg12[%dma_wait3A_91, %dma_wait3A_92] : memref<2x16384xf32, #tpu.memory_space<vmem>> -> memref<1x4096xf32, #tpu.memory_space<vmem>>
    %dma_wait3A_94 = arith.constant 0 : i32
    %dma_wait3A_95 = arith.constant 0 : i32
    %dma_wait3A_96 = tpu.memref_slice %arg6[%dma_wait3A_94, %dma_wait3A_95] : memref<11520x4096xf32, #tpu.memory_space<hbm>> -> memref<1x4096xf32, #tpu.memory_space<hbm>>
    %dma_wait3A_97 = arith.constant 0 : i32
    %dma_wait3A_98 = arith.constant 0 : i32
    %dma_wait3A_99 = tpu.memref_slice %arg6[%dma_wait3A_97, %dma_wait3A_98] : memref<11520x4096xf32, #tpu.memory_space<hbm>> -> memref<1x4096xf32, #tpu.memory_space<hbm>>
    %dma_wait3A_100 = arith.constant 0 : i32
    %dma_wait3A_101 = arith.constant 0 : i32
    %dma_wait3A_102 = tpu.memref_slice %arg12[%dma_wait3A_100, %dma_wait3A_101] : memref<2x16384xf32, #tpu.memory_space<vmem>> -> memref<1x4096xf32, #tpu.memory_space<vmem>>
    tpu.wait_dma2 semaphore(%arg15 : memref<!tpu.dma_semaphore, #tpu.memory_space<semaphore_mem>>) src(%dma_wait3A_102 : memref<1x4096xf32, #tpu.memory_space<vmem>>) dst(%dma_wait3A_99 : memref<1x4096xf32, #tpu.memory_space<hbm>>)
    %dma_wait3A_103 = arith.constant 0 : i32
    %dma_wait3A_104 = arith.constant 0 : i32
    %dma_wait3A_105 = tpu.memref_slice %arg12[%dma_wait3A_103, %dma_wait3A_104] : memref<2x16384xf32, #tpu.memory_space<vmem>> -> memref<1x4096xf32, #tpu.memory_space<vmem>>
    %dma_wait3A_106 = arith.constant 0 : i32
    %dma_wait3A_107 = arith.constant 0 : i32
    %dma_wait3A_108 = tpu.memref_slice %arg6[%dma_wait3A_106, %dma_wait3A_107] : memref<11520x4096xf32, #tpu.memory_space<hbm>> -> memref<1x4096xf32, #tpu.memory_space<hbm>>
    %dma_wait3A_109 = arith.constant 0 : i32
    %dma_wait3A_110 = arith.constant 0 : i32
    %dma_wait3A_111 = tpu.memref_slice %arg6[%dma_wait3A_109, %dma_wait3A_110] : memref<11520x4096xf32, #tpu.memory_space<hbm>> -> memref<1x4096xf32, #tpu.memory_space<hbm>>
    %dma_wait3A_112 = arith.constant 0 : i32
    %dma_wait3A_113 = arith.constant 0 : i32
    %dma_wait3A_114 = tpu.memref_slice %arg12[%dma_wait3A_112, %dma_wait3A_113] : memref<2x16384xf32, #tpu.memory_space<vmem>> -> memref<1x4096xf32, #tpu.memory_space<vmem>>
    tpu.wait_dma2 semaphore(%arg15 : memref<!tpu.dma_semaphore, #tpu.memory_space<semaphore_mem>>) src(%dma_wait3A_114 : memref<1x4096xf32, #tpu.memory_space<vmem>>) dst(%dma_wait3A_111 : memref<1x4096xf32, #tpu.memory_space<hbm>>)
    %dma_wait3A_115 = arith.constant 0 : i32
    %dma_wait3A_116 = arith.constant 0 : i32
    %dma_wait3A_117 = tpu.memref_slice %arg12[%dma_wait3A_115, %dma_wait3A_116] : memref<2x16384xf32, #tpu.memory_space<vmem>> -> memref<1x4096xf32, #tpu.memory_space<vmem>>
    %dma_wait3A_118 = arith.constant 0 : i32
    %dma_wait3A_119 = arith.constant 0 : i32
    %dma_wait3A_120 = tpu.memref_slice %arg6[%dma_wait3A_118, %dma_wait3A_119] : memref<11520x4096xf32, #tpu.memory_space<hbm>> -> memref<1x4096xf32, #tpu.memory_space<hbm>>
    %dma_wait3A_121 = arith.constant 0 : i32
    %dma_wait3A_122 = arith.constant 0 : i32
    %dma_wait3A_123 = tpu.memref_slice %arg6[%dma_wait3A_121, %dma_wait3A_122] : memref<11520x4096xf32, #tpu.memory_space<hbm>> -> memref<1x4096xf32, #tpu.memory_space<hbm>>
    %dma_wait3A_124 = arith.constant 0 : i32
    %dma_wait3A_125 = arith.constant 0 : i32
    %dma_wait3A_126 = tpu.memref_slice %arg12[%dma_wait3A_124, %dma_wait3A_125] : memref<2x16384xf32, #tpu.memory_space<vmem>> -> memref<1x4096xf32, #tpu.memory_space<vmem>>
    tpu.wait_dma2 semaphore(%arg15 : memref<!tpu.dma_semaphore, #tpu.memory_space<semaphore_mem>>) src(%dma_wait3A_126 : memref<1x4096xf32, #tpu.memory_space<vmem>>) dst(%dma_wait3A_123 : memref<1x4096xf32, #tpu.memory_space<hbm>>)
    return
  }
}

</mosaic_0001>

<sc_bundles>
// kernel: gather_offload_async_start
scs
__scs_entry_jumppad:
0x0: {  	(pc) =	sbr.rel $0x88, $3  }
0x1: {  	(tag) =	ssettag $0x0;
	lr =	simm.s32 $0x1  }
0x2: {  	[smem:$0x3F9F] =	sst lr;
	_ =	strace $0xD0000000  }
0x3: {  	_ = 	snop  }
0x4: {  	_ = 	snop  }
0x5: {  	_ = 	snop  }
0x6: {  	_ = 	snop  }
0x7: {  	_ = 	snop  }
__scs_overlays_trampoline_lowered:
0x8: {  	[smem:$0x3FAE] =	sst s0  }
0x9: {  	[smem:$0x3FAF] =	sst s1  }
0xa: {  	[smem:$0x3FB0] =	sst s2  }
0xb: {  	[smem:$0x3FB1] =	sst s3  }
0xc: {  	[smem:$0x3FB2] =	sst s4  }
0xd: {  	[smem:$0x3FB3] =	sst s5  }
0xe: {  	[smem:$0x3FB4] =	sst s6  }
0xf: {  	[smem:$0x3FB5] =	sst s7  }
0x10: {  	[smem:$0x3FB6] =	sst s8  }
0x11: {  	[smem:$0x3FB7] =	sst s9;
	s0 =	simm.s32 @!p0 $0x0  }
0x12: {  	s1 =	sld [smem:$0x3F9D];
	s0 =	simm.s32 @p0 $0x1  }
0x13: {  	[smem:$0x3FB8] =	sst s0;
	s0 =	simm.s32 @!p1 $0x0  }
0x14: {  	s2 =	sld [smem:$0x3F9C];
	s0 =	simm.s32 @p1 $0x1  }
0x15: {  	[smem:$0x3FB9] =	sst s0;
	s0 =	simm.s32 @!p2 $0x0  }
0x16: {  	s3 =	sld [smem:$0x3FDB];
	s0 =	simm.s32 @p2 $0x1  }
0x17: {  	s4 =	simm.s32 $0x1BF5;
	[smem:$0x3FBB] =	sst s0  }
0x18: {  	s0 =	sld [smem:$0x3F9E];
	_ =	swait.ge [sflag:s4], $0x0  }
0x19: {  	s7 =	sld [smem:$0x3F9F]  }
0x1a: {  	s8 =	sadd.s32 $0xFFFFE003, lr  }
0x1b: {  	s9 =	sadd.s32 $0xFFFFFEF7, lr;
	s5 =	simm.s32 $0xFFFFFFFF;
	p2 =	slt.u32 s8, $0xFFFFF086  }
0x1c: {  	p1 =	slt.u32 s9, $0xF7A;
	s5 =	simm.s32 @!p2 $0x0  }
0x1d: {  	s5 =	simm.s32 @p1 $0x1;
	p0 =	seq.s32 s7, s2  }
0x1e: {  	s7 =	smul.u32 @!p0 $0xF7A, s2;
	p2 =	seq.s32 @!p0 s5, $0x0  }
0x1f: {  	s9 =	smul.u32 $0xF7A, s1;
	s8 =	simm.s32 @!p0 $0x1BF5;
	p2 =	por !p2, p0  }
0x20: {  	[sflag:s8] =	ssyncset.s32 @!p0 $0xFFFFF086;
	s6 =	sadd.s32 @!p0 s3, s7;
	s7 =	simm.s32 @!p0 $0x108  }
0x21: {  	s3 =	sadd.s32 s3, s9;
	s6 =	sadd.s32 @!p0 $0x88, s6;
	s7 =	simm.s32 @p2 $0x1082  }
0x22: {  	[simem:s7], [sflag:s8] =	dma.local @!p0 [hbm:s6], $0xF7A  }
0x23: {  	s9 =	sor.u32 $0xD0000000, s2;
	s6 =	simm.s32 $0x108;
	_ =	swait.ge @!p0 [sflag:s8], $0x0  }
0x24: {  	s3 =	sadd.s32 $0x88, s3;
	s6 =	simm.s32 @!p1 $0x1082;
	[sflag:s4] =	ssyncset.s32 $0xFFFFF086  }
0x25: {  	[simem:s6], [sflag:s4] =	dma.local [hbm:s3], $0xF7A  }
0x26: {  	[smem:$0x3F9F] =	sst s1;
	(tag) =	ssettag s2;
	_ =	strace s9  }
0x27: {  	s1 =	sld [smem:$0x3FAF]  }
0x28: {  	s2 =	sld [smem:$0x3FB0]  }
0x29: {  	s4 =	sld [smem:$0x3FB2]  }
0x2a: {  	p0 =	seq.s32 s5, $0x0;
	s5 =	sld [smem:$0x3FB3]  }
0x2b: {  	s6 =	sld [smem:$0x3FB4]  }
0x2c: {  	s7 =	sld [smem:$0x3FB5]  }
0x2d: {  	s3 =	simm.s32 $0x108;
	s8 =	sld [smem:$0x3FB6]  }
0x2e: {  	s3 =	simm.s32 @!p0 $0x1082;
	s9 =	sld [smem:$0x3FB7]  }
0x2f: {  	lr =	sadd.s32 s0, s3;
	s0 =	sld [smem:$0x3FAE]  }
0x30: {  	s3 =	sld [smem:$0x3FB1]  }
0x31: {  	[smem:$0x3FBA] =	sst s10  }
0x32: {  	s10 =	sld [smem:$0x3FB8];
	_ =	sdelay $0x3  }
0x33: {  	p0 =	seq.s32 s10, $0x1;
	s10 =	sld [smem:$0x3FBA];
	_ =	sdelay $0x3  }
0x34: {  	[smem:$0x3FBA] =	sst s10  }
0x35: {  	s10 =	sld [smem:$0x3FB9];
	_ =	sdelay $0x3  }
0x36: {  	p1 =	seq.s32 s10, $0x1;
	s10 =	sld [smem:$0x3FBA];
	_ =	sdelay $0x3  }
0x37: {  	[smem:$0x3FBA] =	sst s10  }
0x38: {  	s10 =	sld [smem:$0x3FBB]  }
0x39: {  	_ = 	snop;
	(pc) =	sbr.ind lr, $3  }
0x3a: {  	_ = 	snop  }
0x3b: {  	_ = 	snop  }
0x3c: {  	p2 =	seq.s32 s10, $0x1;
	s10 =	sld [smem:$0x3FBA]  }
0x3d: {  	_ =	shalt  }
0x3e: {  	_ =	shalt  }
0x3f: {  	_ =	shalt  }
0x40: {  	_ =	shalt  }
0x41: {  	_ =	shalt  }
0x42: {  	_ =	shalt  }
0x43: {  	_ =	shalt  }
0x44: {  	_ =	shalt  }
0x45: {  	_ =	shalt  }
0x46: {  	_ =	shalt  }
0x47: {  	_ =	shalt  }
0x48: {  	_ =	shalt  }
0x49: {  	_ =	shalt  }
0x4a: {  	_ =	shalt  }
0x4b: {  	_ =	shalt  }
0x4c: {  	_ =	shalt  }
0x4d: {  	_ =	shalt  }
0x4e: {  	_ =	shalt  }
0x4f: {  	_ =	shalt  }
0x50: {  	_ =	shalt  }
0x51: {  	_ =	shalt  }
0x52: {  	_ =	shalt  }
0x53: {  	_ =	shalt  }
0x54: {  	_ =	shalt  }
0x55: {  	_ =	shalt  }
0x56: {  	_ =	shalt  }
0x57: {  	_ =	shalt  }
0x58: {  	_ =	shalt  }
0x59: {  	_ =	shalt  }
0x5a: {  	_ =	shalt  }
0x5b: {  	_ =	shalt  }
0x5c: {  	_ =	shalt  }
0x5d: {  	_ =	shalt  }
0x5e: {  	_ =	shalt  }
0x5f: {  	_ =	shalt  }
0x60: {  	_ =	shalt  }
0x61: {  	_ =	shalt  }
0x62: {  	_ =	shalt  }
0x63: {  	_ =	shalt  }
0x64: {  	_ =	shalt  }
0x65: {  	_ =	shalt  }
0x66: {  	_ =	shalt  }
0x67: {  	_ =	shalt  }
0x68: {  	_ =	shalt  }
0x69: {  	_ =	shalt  }
0x6a: {  	_ =	shalt  }
0x6b: {  	_ =	shalt  }
0x6c: {  	_ =	shalt  }
0x6d: {  	_ =	shalt  }
0x6e: {  	_ =	shalt  }
0x6f: {  	_ =	shalt  }
0x70: {  	_ =	shalt  }
0x71: {  	_ =	shalt  }
0x72: {  	_ =	shalt  }
0x73: {  	_ =	shalt  }
0x74: {  	_ =	shalt  }
0x75: {  	_ =	shalt  }
0x76: {  	_ =	shalt  }
0x77: {  	_ =	shalt  }
0x78: {  	_ =	shalt  }
0x79: {  	_ =	shalt  }
0x7a: {  	_ =	shalt  }
0x7b: {  	_ =	shalt  }
0x7c: {  	_ =	shalt  }
0x7d: {  	_ =	shalt  }
0x7e: {  	_ =	shalt  }
0x7f: {  	_ =	shalt  }
0x80: {  	_ =	shalt  }
0x81: {  	_ =	shalt  }
0x82: {  	_ =	shalt  }
0x83: {  	_ =	shalt  }
0x84: {  	_ =	shalt  }
0x85: {  	_ =	shalt  }
0x86: {  	_ =	shalt  }
0x87: {  	_ =	shalt  }
.Lfunc_end0:
.L_simem_size_0:
called_computation_lowered:
.L_overlay_start_0:
0x88: {  	s2 =	sld [smem:$0x3FD9]  }
0x89: {  	s3 =	sld [smem:$0x3FFE];
	_ =	sdelay $0x1  }
0x8a: {  	s1 =	srdreg.scid  }
0x8b: {  	s0 =	sand.u32 $0x1, s1  }
0x8c: {  	s17 =	sshll.u32 s0, $0xA;
	s2 =	sadd.s32 s3, s2  }
0x8d: {  	s2 =	sadd.s32 s2, s17  }
0x8e: {  	[smem:$0x3FC6] =	sst s2  }
0x8f: {  	_ = 	snop  }
0x90: {  	s2 =	sld [smem:$0x3FD0];
	(tm) =	ssettm $0x1  }
0x91: {  	s18 =	sld [smem:$0x3FFB];
	_ =	sdelay $0x3  }
0x92: {  	_ =	strace s18  }
0x93: {  	s3 =	sld [smem:$0x3FFC];
	_ =	sdelay $0x3  }
0x94: {  	_ =	strace s3  }
0x95: {  	s3 =	sld [smem:$0x3FFD];
	_ =	sdelay $0x3  }
0x96: {  	_ =	strace s3  }
0x97: {  	_ =	strace $0x8FFFFFFF  }
0x98: {  	s19 =	sld [smem:$0x3FDB];
	_ =	sdelay $0x1  }
0x99: {  	s4 =	simm.s32 $_scs_section_size  }
0x9a: {  	s5 =	simm.s32 $_size__tile_overlayer_lowered;
	s6 =	simm.s32 $_tile_overlayer_lowered  }
0x9b: {  	s22 =	simm.s32 $0x1BFF;
	s21 =	sshll.u32 s6, $0x1;
	s3 =	sadd.s32 s4, s19  }
0x9c: {  	s7 =	simm.s32 $0x0;
	s20 =	sshll.u32 s5, $0x1;
	s5 =	sadd.s32 s21, s3  }
0x9d: {  	[timem:s7], [sflag:s22] =	dma.local [hbm:s5], s20  }
0x9e: {  	_ =	swait.ge [sflag:s22], s20  }
0x9f: {  	s4 =	ssub.s32 $0x0, s20;
	[sflag:s22] =	ssyncset.done $0x0  }
0xa0: {  	[sflag:s22] =	ssyncadd.s32 s4;
	_ =	sdelay $0x1  }
0xa1: {  	s23 =	simm.s32 $0x1B8B  }
0xa2: {  	_ =	swait.ge [sflag:s23], $0x1  }
0xa3: {  	[sflag:s23] =	ssyncset.done $0x0  }
0xa4: {  	s25 =	simm.s32 $0x1B8E;
	s24 =	sld [smem:$0x3FFE];
	[sflag:s23] =	ssyncadd.s32 $0xFFFFFFFF  }
0xa5: {  	s26 =	simm.s32 $execute0_lowered;
	[smem:$0x3FD2] =	sst s25  }
0xa6: {  	s5 =	sshll.u32 s26, $0x1;
	_ =	strace $0x80000046;
	[dreg:$0x1] =	wrdreg $0xFFFFFFFF  }
0xa7: {  	s28 =	simm.s32 $_size_execute0_lowered;
	s3 =	sadd.s32 s3, s5;
	[dreg:$0x0] =	wrdreg $0x0  }
0xa8: {  	s5 =	sshll.u32 s28, $0x1;
	[dreg:$0x2] =	wrdreg s3  }
0xa9: {  	[dreg:$0x3] =	wrdreg s5  }
0xaa: {  	[dreg:$0x4] =	wrdreg $0xC0  }
0xab: {  	_ =	task [dreg:s7], $0x5FFFF  }
0xac: {  	[dreg:$0x1] =	wrdreg $0xFFFFFFFF  }
0xad: {  	[dreg:$0x0] =	wrdreg $0x60  }
0xae: {  	[dreg:$0x2] =	wrdreg s2  }
0xaf: {  	[dreg:$0x3] =	wrdreg s24  }
0xb0: {  	[dreg:$0x4] =	wrdreg $0x9  }
0xb1: {  	_ =	task.clear_ibuf [dreg:s7], $0x5FFFF;
	_ =	strace $0x90000046  }
0xb2: {  	s29 =	simm.s32 $0x9;
	_ =	strace $0x80000048  }
0xb3: {  	_ =	swait.ge [sflag:s29], $0x1  }
0xb4: {  	[sflag:s29] =	ssyncadd.s32 $0xFFFFFFFF  }
0xb5: {  	_ =	strace $0x90000048  }
0xb6: {  	_ =	sfence  }
0xb7: {  	s30 =	sld [smem:$0x0];
	_ =	sdelay $0x2  }
0xb8: {  	s31 =	sshll.u32 s1, $0xD;
	s1 =	sshrl.u32 s1, $0x2  }
0xb9: {  	s3 =	sand.u32 $0x4000, s31;
	s1 =	sadd.s32 s1, s30  }
0xba: {  	s0 =	sor.u32 s3, s0;
	s1 =	sshll.u32 s1, $0x11  }
0xbb: {  	s0 =	sor.u32 s1, s0  }
0xbc: {  	s0 =	sadd.s32 $0x8F2B, s0  }
0xbd: {  	[sflag:s0] =	ssyncadd.remote.s32 $0x1  }
0xbe: {  	_ =	sfence.sel $0xFFFF  }
0xbf: {  	[dreg:$0x0] =	wrdreg $0xFFFFFFFF;
	(pc) =	sbr.abs _section_cstart, $3  }
0xc0: {  	[dreg:$0x1] =	wrdreg $0xFFFFFFFF  }
0xc1: {  	_ =	task.clear_ibuf [dreg:s7], $0x2FFFF;
	_ =	strace $0x9FFFFFFF  }
0xc2: {  	(tm) =	ssettm $0x7FFFFFFF  }
0xc3: {  	_ =	shalt  }
tec
execute0_lowered:
.L_overlay_start_1:
0x0: {  	(tag) =	ssettag $0x1  }
0x1: {  	s1 =	srdreg.scid;
	s2 =	rddreg [dreg:$0x0]  }
0x2: {  	s0 =	stileid.u32;
	s5 =	rddreg [dreg:$0x1];
	s6 =	simm.s32 $0x1  }
0x3: {  	s9 =	simm.s32 $0x1;
	s10 =	simm.s32 $0x3;
	s1 =	sshll.u32 s1, $0x8  }
0x4: {  	s13 =	simm.s32 $0x0;
	s3 =	sshll.u32 s0, $0x9;
	s4 =	sand.u32 $0x100, s1  }
0x5: {  	s12 =	simm.s32 $0x0;
	s1 =	rddreg [dreg:$0x2];
	s3 =	sor.u32 s3, s4  }
0x6: {  	_ =	strace $0x80000047;
	s4 =	sadd.s32 $0xA00, s5;
	s8 =	ssub.s32 $0x4000, s3  }
.Ltmp0:
0x7: {  	s5 =	sadd.s32 $0x1200, s5;
	s7 =	sand.u32 $0x1F00, s8;
	(pc) =	sbr.rel .LBB2_1-.Ltmp0, $4  }
0x8: {  	[sflag:s6] =	ssyncpa.u1 $0x0;
	s11 =	smov.u32 s3;
	p0 =	sne.s32 s7, $0x0  }
0x9: {  	s8 =	sshrl.u32 s8, $0xD;
	s7 =	simm.s32 $0x2;
	s9 =	simm.s32 @!p0 $0x0  }
0xa: {  	[sflag:s7] =	ssyncpa.u1 $0x0;
	p0 =	por $0x0, $0x0;
	s8 =	sadd.s32 s9, s8  }
0xb: {  	vm0 =	vmmov $0xffff;
	[sflag:s10] =	ssyncpa.u1 $0x0;
	s10 =	simm.s32 $0x0;
	s9 =	sadd.s32 $0x1, s8  }
.LBB2_4:
0xc: {  	v2 =	vnsel vm1, $0x0, v2  }
0xd: {  	vm1 =	vgt.s32 v0, $0x0;
	v2 =	vmin.u32 v2, $0x3FFF  }
0xe: {  	v0 =	vnsel vm1, $0x0, v0  }
0xf: {  	v0 =	vmin.u32 v0, $0x3FFF  }
0x10: {  	[tilespmem:s15], [sflag:$0x1] =	stream.indirect_vreg.gather [hbm4b:s2+s10], $0x1, v1, vm0, $0x4038;
	[tilespmem:$0x400] =	vst v63  }
0x11: {  	(ifvalue) =	ssetifvalue $0x7FFFFFFF  }
0x12: {  	[tilespmem:s16], [sflag:$0x1] =	stream.indirect_vreg.gather [hbm4b:s2+s10], $0x1, v2, vm0, $0x4038;
	[tilespmem:$0x400] =	vst v63  }
0x13: {  	s29 =	sadd.s32 $0x10, s16;
	(ifvalue) =	ssetifvalue $0x7FFFFFFF  }
0x14: {  	[tilespmem:s29], [sflag:$0x1] =	stream.indirect_vreg.gather [hbm4b:s2+s10], $0x1, v0, vm0, $0x4038;
	[tilespmem:$0x400] =	vst v63  }
0x15: {  	_ =	swait.ge [sflag:s6], $0x100  }
0x16: {  	s30 =	sshrl.u32 s13, $0x3;
	[sflag:s6] =	ssyncset.done $0x0  }
0x17: {  	s31 =	sand.u32 $0x7, s13;
	s15 =	sadd.s32 s5, s30;
	[sflag:s6] =	ssyncadd.s32 $0xFFFFFF00  }
0x18: {  	[hbm4b:s15+s31] =	stream.linear.scatter [tilespmem:s14], [sflag:$0x3], $0x100, $0x38;
	[tilespmem:$0x400] =	vst v63  }
.LBB2_5:
0x19: {  	s15 =	sadd.s32 $0x2000, s11  }
0x1a: {  	p2 =	sgt.s32 s15, $0x3FFF  }
0x1b: {  	s15 =	smov.u32 @p2 s3;
	p2 =	sne.s32 s12, s9  }
.Ltmp1:
0x1c: {  	p1 =	slt.u32 s12, $0x2;
	(pc) =	sbr.rel @!p2 .LBB2_6-.Ltmp1, $4  }
0x1d: {  	s14 =	simm.s32 @!p1 $0x3  }
0x1e: {  	s16 =	sadd.s32 $0x1, s12;
	_ =	swait.ge @!p1 [sflag:s14], $0x100  }
0x1f: {  	s13 =	smov.u32 s11;
	p0 =	por !p0, !p0;
	[sflag:s14] =	ssyncset.done @!p1 $0x0  }
0x20: {  	s12 =	smov.u32 s16;
	s11 =	smov.u32 s15;
	[sflag:s14] =	ssyncadd.s32 @!p1 $0xFFFFFF00  }
.LBB2_1:
0x21: {  	p1 =	sge.u32 s12, s8  }
0x22: {  	s14 =	sxor.u32 @!p1 $0xFFFFFFFF, s12  }
0x23: {  	s31 =	sadd.s32 $0xFFFFFFFF, s12;
	s15 =	sshrl.u32 @!p1 s11, $0x3;
	s14 =	sshll.u32 @!p1 s14, $0x8  }
0x24: {  	s16 =	sand.u32 @!p1 $0x7, s11;
	s15 =	sadd.s32 @!p1 s4, s15;
	s14 =	sand.u32 @!p1 $0x100, s14  }
0x25: {  	[tilespmem:s14], [sflag:$0x2] =	stream.linear.gather @!p1 [hbm4b:s15+s16], $0x100, $0x38;
	[tilespmem:$0x400] =	vst v63  }
0x26: {  	p1 =	sge.u32 s31, s8  }
.Ltmp2:
0x27: {  	_ = 	snop;
	(pc) =	sbr.rel @p1 .LBB2_5-.Ltmp2, $1  }
0x28: {  	_ =	sdelay $0x3  }
0x29: {  	s14 =	simm.s32 $0x1  }
0x2a: {  	_ =	swait.ge [sflag:s7], $0x100;
	s14 =	simm.s32 @!p0 $0x0  }
0x2b: {  	[sflag:s7] =	ssyncset.done $0x0;
	s14 =	sshll.u32 s14, $0x8  }
0x2c: {  	[sflag:s7] =	ssyncadd.s32 $0xFFFFFF00;
	(ifvalue) =	ssetifvalue $0x7FFFFFFF;
	v0 =	vld.msk [tilespmem:s14+$0x0 ss:$0x1], $0xffff;
	_ =	sdelay $0x4  }
0x2d: {  	s15 =	sadd.s32 $0x10, s14;
	vm1 =	vgt.s32 v0, $0x0  }
0x2e: {  	v2 =	vld.msk [tilespmem:s15+$0x0 ss:$0x1], $0xffff;
	v1 =	vnsel vm1, $0x0, v0  }
0x2f: {  	v1 =	vmin.u32 v1, $0x3FFF;
	_ =	sdelay $0x1  }
0x30: {  	s16 =	sshll.u32 s12, $0x8;
	s18 =	simm.s32 $0x20  }
0x31: {  	s16 =	sand.u32 $0x100, s16;
	s17 =	sadd.s32 $0x10, s15;
	s15 =	sor.u32 $0x200, s14  }
0x32: {  	s14 =	sor.u32 $0x200, s16;
	s16 =	sadd.s32 $0x10, s15;
	v0 =	vld.msk [tilespmem:s17+$0x0 ss:$0x1], $0xffff;
	vm1 =	vgt.s32 v2, $0x0;
	(ifvalue) =	ssetifvalue $0x7FFFFFFF  }
.LBB2_3:
0x33: {  	[tilespmem:s15], [sflag:$0x1] =	stream.indirect_vreg.gather [hbm4b:s2+s10], $0x1, v1, vm0, $0x4038;
	[tilespmem:$0x400] =	vst v63  }
0x34: {  	s18 =	sadd.s32 $0x10, s18  }
0x35: {  	v2 =	vnsel vm1, $0x0, v2;
	p1 =	slt.u32 s18, $0xF0  }
.Ltmp3:
0x36: {  	s15 =	smov.u32 s16;
	v1 =	vmin.u32 v2, $0x3FFF;
	(pc) =	sbr.rel @p1 .LBB2_3-.Ltmp3, $3  }
0x37: {  	_ =	sdelay $0x1  }
0x38: {  	s17 =	sadd.s32 $0x10, s17  }
0x39: {  	vm1 =	vgt.s32 v0, $0x0;
	s16 =	sadd.s32 $0x10, s16;
	v2 =	vmov v0;
	(ifvalue) =	ssetifvalue $0x7FFFFFFF;
	v0 =	vld.msk [tilespmem:s17+$0x0 ss:$0x1], $0xffff  }
.Ltmp4:
0x3a: {  	_ = 	snop;
	(pc) =	sbr.rel .LBB2_4-.Ltmp4, $1  }
0x3b: {  	_ =	sdelay $0x3  }
.LBB2_6:
0x3c: {  	_ =	sfence.sel $0x180000  }
0x3d: {  	s2 =	simm.s32 $0x2;
	[bflag:$0x0] =	sbarrier.arrive $0xFFFF  }
0x3e: {  	s30 =	simm.s32 $0x3;
	[sflag:s2] =	ssyncpa.u1 $0x1  }
0x3f: {  	s31 =	simm.s32 $0x1;
	[sflag:s30] =	ssyncpa.u1 $0x1  }
0x40: {  	[sflag:s31] =	ssyncpa.u1 $0x1  }
0x41: {  	p0 =	sne.s32 s0, $0x0;
	_ =	strace $0x90000047  }
0x42: {  	s0 =	sadd.s32 @!p0 $0x100000, s1;
	[bflag:$0x2] =	sbarrier.arrive $0xFFFF  }
0x43: {  	[sflag:s0] =	ssyncadd.tile.s32 @!p0 $0x1;
	_ =	shalt  }
.Lfunc_end2:
_tile_overlayer_lowered:
.L_overlay_start_2:
0x44: {  	(tag) =	ssettag $0x2  }
0x45: {  	s0 =	rddreg [dreg:$0x0];
	s2 =	stileid.u32  }
0x46: {  	s1 =	rddreg [dreg:$0x1];
	p0 =	sne.s32 s2, $0x0  }
0x47: {  	s3 =	rddreg [dreg:$0x2];
	[bflag:$0x3] =	sbarrier.arrive $0xFFFF;
	s2 =	simm.s32 @!p0 $0x1C01  }
0x48: {  	[timem:s3], [sflag:s2] =	dma.local @!p0 [hbm:s0], s1  }
0x49: {  	s0 =	simm.s32 @!p0 $0x1  }
0x4a: {  	_ =	swait.ge @!p0 [sflag:s0], s1  }
0x4b: {  	s1 =	ssub.s32 @!p0 $0x0, s1;
	[sflag:s0] =	ssyncset.done @!p0 $0x0  }
0x4c: {  	[sflag:s0] =	ssyncadd.s32 @!p0 s1  }
0x4d: {  	[bflag:$0x3] =	sbarrier.arrive $0xFFFF  }
0x4e: {  	_ =	shalt  }

// kernel: kernel.3.cloned.1.call-start
scs
__scs_entry_jumppad:
0x0: {  	(pc) =	sbr.rel $0x88, $3  }
0x1: {  	(tag) =	ssettag $0x0;
	lr =	simm.s32 $0x1  }
0x2: {  	[smem:$0x3F9F] =	sst lr;
	_ =	strace $0xD0000000  }
0x3: {  	_ = 	snop  }
0x4: {  	_ = 	snop  }
0x5: {  	_ = 	snop  }
0x6: {  	_ = 	snop  }
0x7: {  	_ = 	snop  }
__scs_overlays_trampoline_lowered:
0x8: {  	[smem:$0x3FAE] =	sst s0  }
0x9: {  	[smem:$0x3FAF] =	sst s1  }
0xa: {  	[smem:$0x3FB0] =	sst s2  }
0xb: {  	[smem:$0x3FB1] =	sst s3  }
0xc: {  	[smem:$0x3FB2] =	sst s4  }
0xd: {  	[smem:$0x3FB3] =	sst s5  }
0xe: {  	[smem:$0x3FB4] =	sst s6  }
0xf: {  	[smem:$0x3FB5] =	sst s7  }
0x10: {  	[smem:$0x3FB6] =	sst s8  }
0x11: {  	[smem:$0x3FB7] =	sst s9;
	s0 =	simm.s32 @!p0 $0x0  }
0x12: {  	s1 =	sld [smem:$0x3F9D];
	s0 =	simm.s32 @p0 $0x1  }
0x13: {  	[smem:$0x3FB8] =	sst s0;
	s0 =	simm.s32 @!p1 $0x0  }
0x14: {  	s2 =	sld [smem:$0x3F9C];
	s0 =	simm.s32 @p1 $0x1  }
0x15: {  	[smem:$0x3FB9] =	sst s0;
	s0 =	simm.s32 @!p2 $0x0  }
0x16: {  	s3 =	sld [smem:$0x3FDB];
	s0 =	simm.s32 @p2 $0x1  }
0x17: {  	s4 =	simm.s32 $0x1BF5;
	[smem:$0x3FBB] =	sst s0  }
0x18: {  	s0 =	sld [smem:$0x3F9E];
	_ =	swait.ge [sflag:s4], $0x0  }
0x19: {  	s7 =	sld [smem:$0x3F9F]  }
0x1a: {  	s8 =	sadd.s32 $0xFFFFE003, lr  }
0x1b: {  	s9 =	sadd.s32 $0xFFFFFEF7, lr;
	s5 =	simm.s32 $0xFFFFFFFF;
	p2 =	slt.u32 s8, $0xFFFFF086  }
0x1c: {  	p1 =	slt.u32 s9, $0xF7A;
	s5 =	simm.s32 @!p2 $0x0  }
0x1d: {  	s5 =	simm.s32 @p1 $0x1;
	p0 =	seq.s32 s7, s2  }
0x1e: {  	s7 =	smul.u32 @!p0 $0xF7A, s2;
	p2 =	seq.s32 @!p0 s5, $0x0  }
0x1f: {  	s9 =	smul.u32 $0xF7A, s1;
	s8 =	simm.s32 @!p0 $0x1BF5;
	p2 =	por !p2, p0  }
0x20: {  	[sflag:s8] =	ssyncset.s32 @!p0 $0xFFFFF086;
	s6 =	sadd.s32 @!p0 s3, s7;
	s7 =	simm.s32 @!p0 $0x108  }
0x21: {  	s3 =	sadd.s32 s3, s9;
	s6 =	sadd.s32 @!p0 $0x88, s6;
	s7 =	simm.s32 @p2 $0x1082  }
0x22: {  	[simem:s7], [sflag:s8] =	dma.local @!p0 [hbm:s6], $0xF7A  }
0x23: {  	s9 =	sor.u32 $0xD0000000, s2;
	s6 =	simm.s32 $0x108;
	_ =	swait.ge @!p0 [sflag:s8], $0x0  }
0x24: {  	s3 =	sadd.s32 $0x88, s3;
	s6 =	simm.s32 @!p1 $0x1082;
	[sflag:s4] =	ssyncset.s32 $0xFFFFF086  }
0x25: {  	[simem:s6], [sflag:s4] =	dma.local [hbm:s3], $0xF7A  }
0x26: {  	[smem:$0x3F9F] =	sst s1;
	(tag) =	ssettag s2;
	_ =	strace s9  }
0x27: {  	s1 =	sld [smem:$0x3FAF]  }
0x28: {  	s2 =	sld [smem:$0x3FB0]  }
0x29: {  	s4 =	sld [smem:$0x3FB2]  }
0x2a: {  	p0 =	seq.s32 s5, $0x0;
	s5 =	sld [smem:$0x3FB3]  }
0x2b: {  	s6 =	sld [smem:$0x3FB4]  }
0x2c: {  	s7 =	sld [smem:$0x3FB5]  }
0x2d: {  	s3 =	simm.s32 $0x108;
	s8 =	sld [smem:$0x3FB6]  }
0x2e: {  	s3 =	simm.s32 @!p0 $0x1082;
	s9 =	sld [smem:$0x3FB7]  }
0x2f: {  	lr =	sadd.s32 s0, s3;
	s0 =	sld [smem:$0x3FAE]  }
0x30: {  	s3 =	sld [smem:$0x3FB1]  }
0x31: {  	[smem:$0x3FBA] =	sst s10  }
0x32: {  	s10 =	sld [smem:$0x3FB8];
	_ =	sdelay $0x3  }
0x33: {  	p0 =	seq.s32 s10, $0x1;
	s10 =	sld [smem:$0x3FBA];
	_ =	sdelay $0x3  }
0x34: {  	[smem:$0x3FBA] =	sst s10  }
0x35: {  	s10 =	sld [smem:$0x3FB9];
	_ =	sdelay $0x3  }
0x36: {  	p1 =	seq.s32 s10, $0x1;
	s10 =	sld [smem:$0x3FBA];
	_ =	sdelay $0x3  }
0x37: {  	[smem:$0x3FBA] =	sst s10  }
0x38: {  	s10 =	sld [smem:$0x3FBB]  }
0x39: {  	_ = 	snop;
	(pc) =	sbr.ind lr, $3  }
0x3a: {  	_ = 	snop  }
0x3b: {  	_ = 	snop  }
0x3c: {  	p2 =	seq.s32 s10, $0x1;
	s10 =	sld [smem:$0x3FBA]  }
0x3d: {  	_ =	shalt  }
0x3e: {  	_ =	shalt  }
0x3f: {  	_ =	shalt  }
0x40: {  	_ =	shalt  }
0x41: {  	_ =	shalt  }
0x42: {  	_ =	shalt  }
0x43: {  	_ =	shalt  }
0x44: {  	_ =	shalt  }
0x45: {  	_ =	shalt  }
0x46: {  	_ =	shalt  }
0x47: {  	_ =	shalt  }
0x48: {  	_ =	shalt  }
0x49: {  	_ =	shalt  }
0x4a: {  	_ =	shalt  }
0x4b: {  	_ =	shalt  }
0x4c: {  	_ =	shalt  }
0x4d: {  	_ =	shalt  }
0x4e: {  	_ =	shalt  }
0x4f: {  	_ =	shalt  }
0x50: {  	_ =	shalt  }
0x51: {  	_ =	shalt  }
0x52: {  	_ =	shalt  }
0x53: {  	_ =	shalt  }
0x54: {  	_ =	shalt  }
0x55: {  	_ =	shalt  }
0x56: {  	_ =	shalt  }
0x57: {  	_ =	shalt  }
0x58: {  	_ =	shalt  }
0x59: {  	_ =	shalt  }
0x5a: {  	_ =	shalt  }
0x5b: {  	_ =	shalt  }
0x5c: {  	_ =	shalt  }
0x5d: {  	_ =	shalt  }
0x5e: {  	_ =	shalt  }
0x5f: {  	_ =	shalt  }
0x60: {  	_ =	shalt  }
0x61: {  	_ =	shalt  }
0x62: {  	_ =	shalt  }
0x63: {  	_ =	shalt  }
0x64: {  	_ =	shalt  }
0x65: {  	_ =	shalt  }
0x66: {  	_ =	shalt  }
0x67: {  	_ =	shalt  }
0x68: {  	_ =	shalt  }
0x69: {  	_ =	shalt  }
0x6a: {  	_ =	shalt  }
0x6b: {  	_ =	shalt  }
0x6c: {  	_ =	shalt  }
0x6d: {  	_ =	shalt  }
0x6e: {  	_ =	shalt  }
0x6f: {  	_ =	shalt  }
0x70: {  	_ =	shalt  }
0x71: {  	_ =	shalt  }
0x72: {  	_ =	shalt  }
0x73: {  	_ =	shalt  }
0x74: {  	_ =	shalt  }
0x75: {  	_ =	shalt  }
0x76: {  	_ =	shalt  }
0x77: {  	_ =	shalt  }
0x78: {  	_ =	shalt  }
0x79: {  	_ =	shalt  }
0x7a: {  	_ =	shalt  }
0x7b: {  	_ =	shalt  }
0x7c: {  	_ =	shalt  }
0x7d: {  	_ =	shalt  }
0x7e: {  	_ =	shalt  }
0x7f: {  	_ =	shalt  }
0x80: {  	_ =	shalt  }
0x81: {  	_ =	shalt  }
0x82: {  	_ =	shalt  }
0x83: {  	_ =	shalt  }
0x84: {  	_ =	shalt  }
0x85: {  	_ =	shalt  }
0x86: {  	_ =	shalt  }
0x87: {  	_ =	shalt  }
.Lfunc_end0:
.L_simem_size_0:
called_computation.1_lowered:
.L_overlay_start_0:
0x88: {  	s2 =	sld [smem:$0x3FD9]  }
0x89: {  	s3 =	sld [smem:$0x3FFE];
	_ =	sdelay $0x1  }
0x8a: {  	s1 =	srdreg.scid  }
0x8b: {  	s0 =	sand.u32 $0x1, s1  }
0x8c: {  	s17 =	sshll.u32 s0, $0xA;
	s2 =	sadd.s32 s3, s2  }
0x8d: {  	s2 =	sadd.s32 s2, s17  }
0x8e: {  	[smem:$0x3FC6] =	sst s2  }
0x8f: {  	_ = 	snop  }
0x90: {  	s2 =	sld [smem:$0x3FC8]  }
0x91: {  	s18 =	sld [smem:$0x3FD0];
	(tm) =	ssettm $0x1  }
0x92: {  	s4 =	sld [smem:$0x3FFB];
	_ =	sdelay $0x3  }
0x93: {  	_ =	strace s4  }
0x94: {  	s4 =	sld [smem:$0x3FFC];
	_ =	sdelay $0x3  }
0x95: {  	_ =	strace s4  }
0x96: {  	s4 =	sld [smem:$0x3FFD];
	_ =	sdelay $0x3  }
0x97: {  	_ =	strace s4  }
0x98: {  	_ =	strace $0x8FFFFFFF  }
0x99: {  	s19 =	sld [smem:$0x3FDB];
	_ =	sdelay $0x1  }
0x9a: {  	s5 =	simm.s32 $_scs_section_size  }
0x9b: {  	s6 =	simm.s32 $_size__tile_overlayer_lowered;
	s7 =	simm.s32 $_tile_overlayer_lowered  }
0x9c: {  	s22 =	simm.s32 $0x1BFF;
	s21 =	sshll.u32 s7, $0x1;
	s4 =	sadd.s32 s5, s19  }
0x9d: {  	s8 =	simm.s32 $0x0;
	s20 =	sshll.u32 s6, $0x1;
	s6 =	sadd.s32 s21, s4  }
0x9e: {  	[timem:s8], [sflag:s22] =	dma.local [hbm:s6], s20  }
0x9f: {  	_ =	swait.ge [sflag:s22], s20  }
0xa0: {  	s5 =	ssub.s32 $0x0, s20;
	[sflag:s22] =	ssyncset.done $0x0  }
0xa1: {  	[sflag:s22] =	ssyncadd.s32 s5;
	_ =	sdelay $0x1  }
0xa2: {  	s23 =	simm.s32 $0x1B8B  }
0xa3: {  	_ =	swait.ge [sflag:s23], $0x1  }
0xa4: {  	[sflag:s23] =	ssyncset.done $0x0  }
0xa5: {  	s25 =	simm.s32 $0x1B8E;
	s24 =	sld [smem:$0x3FFE];
	[sflag:s23] =	ssyncadd.s32 $0xFFFFFFFF  }
0xa6: {  	s26 =	simm.s32 $execute0_lowered;
	[smem:$0x3FD2] =	sst s25  }
0xa7: {  	s6 =	sshll.u32 s26, $0x1;
	_ =	strace $0x80000049;
	[dreg:$0x1] =	wrdreg $0xFFFFFFFF  }
0xa8: {  	s28 =	simm.s32 $_size_execute0_lowered;
	s4 =	sadd.s32 s4, s6;
	[dreg:$0x0] =	wrdreg $0x0  }
0xa9: {  	s6 =	sshll.u32 s28, $0x1;
	[dreg:$0x2] =	wrdreg s4  }
0xaa: {  	[dreg:$0x3] =	wrdreg s6  }
0xab: {  	[dreg:$0x4] =	wrdreg $0xC0  }
0xac: {  	_ =	task [dreg:s8], $0x5FFFF  }
0xad: {  	[dreg:$0x1] =	wrdreg $0xFFFFFFFF  }
0xae: {  	[dreg:$0x0] =	wrdreg $0x60  }
0xaf: {  	[dreg:$0x2] =	wrdreg s2  }
0xb0: {  	[dreg:$0x3] =	wrdreg s24  }
0xb1: {  	[dreg:$0x4] =	wrdreg s18  }
0xb2: {  	[dreg:$0x5] =	wrdreg $0x9  }
0xb3: {  	_ =	task.clear_ibuf [dreg:s8], $0x6FFFF;
	_ =	strace $0x90000049  }
0xb4: {  	s29 =	simm.s32 $0x9;
	_ =	strace $0x8000004B  }
0xb5: {  	_ =	swait.ge [sflag:s29], $0x1  }
0xb6: {  	[sflag:s29] =	ssyncadd.s32 $0xFFFFFFFF  }
0xb7: {  	_ =	strace $0x9000004B  }
0xb8: {  	_ =	sfence  }
0xb9: {  	s30 =	sld [smem:$0x0];
	_ =	sdelay $0x2  }
0xba: {  	s31 =	sshll.u32 s1, $0xD;
	s1 =	sshrl.u32 s1, $0x2  }
0xbb: {  	s3 =	sand.u32 $0x4000, s31;
	s1 =	sadd.s32 s1, s30  }
0xbc: {  	s0 =	sor.u32 s3, s0;
	s1 =	sshll.u32 s1, $0x11  }
0xbd: {  	s0 =	sor.u32 s1, s0  }
0xbe: {  	s0 =	sadd.s32 $0x8F2B, s0  }
0xbf: {  	[sflag:s0] =	ssyncadd.remote.s32 $0x1  }
0xc0: {  	_ =	sfence.sel $0xFFFF  }
0xc1: {  	[dreg:$0x0] =	wrdreg $0xFFFFFFFF;
	(pc) =	sbr.abs _section_cstart, $3  }
0xc2: {  	[dreg:$0x1] =	wrdreg $0xFFFFFFFF  }
0xc3: {  	_ =	task.clear_ibuf [dreg:s8], $0x2FFFF;
	_ =	strace $0x9FFFFFFF  }
0xc4: {  	(tm) =	ssettm $0x7FFFFFFF  }
0xc5: {  	_ =	shalt  }
tec
execute0_lowered:
.L_overlay_start_1:
0x0: {  	(tag) =	ssettag $0x1  }
0x1: {  	s0 =	srdreg.scid;
	s2 =	rddreg [dreg:$0x0]  }
0x2: {  	s1 =	stileid.u32;
	s6 =	rddreg [dreg:$0x1]  }
0x3: {  	s3 =	rddreg [dreg:$0x2];
	s5 =	simm.s32 $0x0;
	s18 =	simm.s32 $0x100  }
0x4: {  	s19 =	simm.s32 $0x400;
	s13 =	simm.s32 $0x11680;
	s0 =	sand.u32 $0x1, s0  }
0x5: {  	s1 =	sshll.u32 s1, $0x1;
	[smem:$0x7FF] =	sst s5;
	s20 =	sadd.s32 $0x1200, s6  }
0x6: {  	s21 =	sadd.s32 $0x200, s6;
	_ =	strace $0x8000004A;
	[dreg:$0x5] =	wrdreg s20  }
0x7: {  	s22 =	sadd.s32 $0xA00, s6;
	s28 =	sadd.s32 $0x168000, s3;
	[dreg:$0x6] =	wrdreg s21  }
0x8: {  	s30 =	sadd.s32 $0x2D0000, s3;
	s1 =	sor.u32 s0, s1;
	[dreg:$0x7] =	wrdreg s22  }
0x9: {  	s31 =	sadd.s32 $0x438000, s3;
	[dreg:$0xa] =	wrdreg s28;
	s29 =	smul.u32 $0x5A, s1  }
0xa: {  	s3 =	simm.s32 $0x0;
	s0 =	ssub.s32 $0x2, s0;
	[dreg:$0xb] =	wrdreg s30  }
0xb: {  	[dreg:$0xc] =	wrdreg s31;
	s20 =	simm.s32 $0x8080;
	s4 =	sshrl.u32 s29, $0x3  }
0xc: {  	s1 =	sshll.u32 s1, $0x8;
	s23 =	sshrl.u32 s0, $0x1;
	s8 =	smul.u32 $0x188C00, s4  }
0xd: {  	s21 =	simm.s32 $0xB180;
	s1 =	sand.u32 $0x300, s1;
	s0 =	ssub.s32 s0, s23  }
0xe: {  	s22 =	simm.s32 $0x1;
	s0 =	smax.u32 s0, $0x1;
	s1 =	sor.u32 s1, s8  }
0xf: {  	[dreg:$0x4] =	wrdreg s29;
	s24 =	sadd.s32 $0xC400, s1;
	s1 =	sshrl.u32 s1, $0x3  }
0x10: {  	[dreg:$0xd] =	wrdreg s0;
	s25 =	sshrl.u32 s24, $0x3;
	s1 =	sadd.s32 s2, s1  }
0x11: {  	s23 =	simm.s32 $0xE580;
	[dreg:$0x8] =	wrdreg s1;
	s26 =	sadd.s32 s2, s25  }
0x12: {  	s25 =	simm.s32 $0x14A80;
	[dreg:$0x9] =	wrdreg s26;
	s26 =	simm.s32 $0x2  }
.LBB2_1:
0x13: {  	[dreg:$0xe] =	wrdreg s3  }
0x14: {  	s0 =	rddreg [dreg:$0x5];
	s1 =	simm.s32 $0x4  }
0x15: {  	[tilespmem:s5], [sflag:$0x4] =	stream.linear.gather [hbm4b:s0+s5], $0x4000, $0x38;
	[tilespmem:$0x1CA80] =	vst v63  }
0x16: {  	_ =	swait.ge [sflag:s1], $0x4000  }
0x17: {  	[sflag:s1] =	ssyncset.done $0x0  }
0x18: {  	s14 =	simm.s32 $0x4000;
	s12 =	rddreg [dreg:$0x6];
	[sflag:s1] =	ssyncadd.s32 $0xFFFFC000  }
0x19: {  	[tilespmem:s14], [sflag:$0x4] =	stream.linear.gather [hbm4b:s12+s5], $0x4000, $0x38;
	[tilespmem:$0x1CA80] =	vst v63  }
0x1a: {  	_ =	swait.ge [sflag:s1], $0x4000  }
0x1b: {  	[sflag:s1] =	ssyncset.done $0x0  }
0x1c: {  	s16 =	simm.s32 $0x8000;
	s15 =	rddreg [dreg:$0x7];
	[sflag:s1] =	ssyncadd.s32 $0xFFFFC000  }
0x1d: {  	[tilespmem:s16], [sflag:$0x4] =	stream.linear.gather [hbm4b:s15+s5], $0x80, $0x38;
	[tilespmem:$0x1CA80] =	vst v63  }
0x1e: {  	_ =	swait.ge [sflag:s1], $0x80  }
0x1f: {  	[sflag:s1] =	ssyncset.done $0x0  }
0x20: {  	[sflag:s1] =	ssyncadd.s32 $0xFFFFFF80  }
0x21: {  	v0 =	vld [tilespmem:$0x8000];
	_ =	sdelay $0x4  }
0x22: {  	(v2sf) =	vpush v0, $0x0  }
0x23: {  	(v2sf) =	vpush v0, $0x1  }
0x24: {  	(v2sf) =	vpush v0, $0x2  }
0x25: {  	(v2sf) =	vpush v0, $0x3  }
0x26: {  	(v2sf) =	vpush v0, $0x4;
	_ =	sdelay $0x1  }
0x27: {  	(v2sf) =	vpush v0, $0x5  }
0x28: {  	(v2sf) =	vpush v0, $0x6  }
0x29: {  	(v2sf) =	vpush v0, $0x7;
	_ =	sdelay $0x1  }
0x2a: {  	(v2sf) =	vpush v0, $0x8  }
0x2b: {  	s4 =	rddreg [dreg:$0x8];
	(v2sf) =	vpush v0, $0x9  }
0x2c: {  	v1 =	vld [tilespmem:$0x8010];
	[tilespmem:s20], [sflag:$0x1] =	stream.strided.gather [hbm4b:s4+s18], $0x3100, s19, s18, $0x38;
	(v2sf) =	vpush v0, $0xA  }
0x2d: {  	s16 =	rddreg [dreg:$0x9]  }
0x2e: {  	[tilespmem:s21], [sflag:$0x1] =	stream.strided.gather [hbm4b:s16+s18], $0x3100, s19, s18, $0x38;
	(v2sf) =	vpush v0, $0xB;
	[tilespmem:$0x1CA80] =	vst v63  }
0x2f: {  	(v2sf) =	vpush v0, $0xC;
	s17 =	spop (v2sf)  }
0x30: {  	s24 =	spop (v2sf)  }
0x31: {  	s28 =	sshra.s32 s17, $0x4;
	s6 =	spop (v2sf);
	s17 =	sadd.s32 $0xF, s24  }
0x32: {  	(v2sf) =	vpush v0, $0xD;
	s1 =	sshra.s32 s24, $0x4;
	s7 =	spop (v2sf);
	s29 =	sadd.s32 $0xF, s6  }
0x33: {  	(v2sf) =	vpush v0, $0xE;
	s30 =	sshra.s32 s17, $0x4;
	s31 =	sshra.s32 s6, $0x4;
	s8 =	spop (v2sf)  }
0x34: {  	s24 =	sshra.s32 s29, $0x4;
	s17 =	sadd.s32 $0xF, s7;
	p0 =	sle.s32 s30, s28  }
0x35: {  	(v2sf) =	vpush v0, $0xF;
	s9 =	spop (v2sf);
	[smem:$0x7CD] =	sst s24;
	s0 =	sshra.s32 s17, $0x4  }
0x36: {  	s24 =	sadd.s32 $0xF, s8;
	s10 =	spop (v2sf);
	[smem:$0x7CF] =	sst s0  }
0x37: {  	s6 =	sshra.s32 s24, $0x4;
	s17 =	sadd.s32 $0xF, s9;
	s11 =	spop (v2sf)  }
0x38: {  	[smem:$0x7D1] =	sst s6;
	s24 =	sadd.s32 $0xF, s10;
	s0 =	sshra.s32 s17, $0x4  }
0x39: {  	s12 =	spop (v2sf);
	[smem:$0x7D3] =	sst s0;
	s6 =	sshra.s32 s24, $0x4  }
0x3a: {  	s17 =	sadd.s32 $0xF, s11;
	s3 =	spop (v2sf);
	[smem:$0x7D5] =	sst s6  }
0x3b: {  	s24 =	sadd.s32 $0xF, s12;
	s0 =	sshra.s32 s17, $0x4;
	s14 =	spop (v2sf)  }
0x3c: {  	[smem:$0x7D7] =	sst s0;
	s6 =	sshra.s32 s24, $0x4;
	s17 =	sadd.s32 $0xF, s3  }
0x3d: {  	s15 =	spop (v2sf);
	[smem:$0x7DA] =	sst s6;
	s24 =	sadd.s32 $0xF, s14  }
0x3e: {  	s0 =	sshra.s32 s17, $0x4;
	s17 =	sshra.s32 s3, $0x4;
	s16 =	spop (v2sf)  }
0x3f: {  	[smem:$0x7DC] =	sst s0;
	s6 =	sshra.s32 s24, $0x4;
	s24 =	sadd.s32 $0xF, s15  }
0x40: {  	[smem:$0x7DE] =	sst s6;
	s3 =	sadd.s32 $0xF, s16;
	s0 =	sshra.s32 s24, $0x4  }
0x41: {  	s29 =	sshra.s32 s16, $0x4;
	[smem:$0x7E0] =	sst s0;
	s4 =	spop (v2sf)  }
0x42: {  	s24 =	sshra.s32 s3, $0x4;
	s6 =	spop (v2sf);
	s3 =	sadd.s32 $0xF, s4  }
0x43: {  	[smem:$0x7E1] =	sst s24;
	s16 =	sshra.s32 s3, $0x4;
	s24 =	sadd.s32 $0xF, s6  }
0x44: {  	s0 =	spop (v2sf);
	[smem:$0x7E2] =	sst s16;
	s24 =	sshra.s32 s24, $0x4  }
0x45: {  	s16 =	sshra.s32 s4, $0x4;
	[smem:$0x7E3] =	sst s24;
	s24 =	sadd.s32 $0xF, s0  }
0x46: {  	(v2sf) =	vpush v1, $0x0;
	s4 =	sshra.s32 s24, $0x4;
	s24 =	ssub.s32 s30, s28;
	s30 =	sld [smem:$0x7CD]  }
0x47: {  	[smem:$0x7E4] =	sst s4;
	s4 =	sshra.s32 s0, $0x4;
	s0 =	simm.s32 @!p0 $0x0  }
0x48: {  	[dreg:$0xf] =	wrdreg s24;
	s0 =	simm.s32 @p0 $0x1  }
0x49: {  	[smem:$0x7CC] =	sst s0  }
0x4a: {  	p0 =	sle.s32 s30, s1;
	s24 =	ssub.s32 s30, s1;
	s30 =	sld [smem:$0x7CF]  }
0x4b: {  	s0 =	sshll.u32 s28, $0x6;
	s1 =	sshll.u32 s1, $0x6;
	s28 =	simm.s32 @!p0 $0x0  }
0x4c: {  	[dreg:$0x10] =	wrdreg s24;
	s24 =	sshll.u32 s31, $0x6;
	s28 =	simm.s32 @p0 $0x1  }
0x4d: {  	[smem:$0x7CE] =	sst s28;
	p0 =	sle.s32 s30, s31;
	s30 =	ssub.s32 s30, s31  }
0x4e: {  	s31 =	sshra.s32 s1, $0x2;
	s1 =	sshra.s32 s24, $0x2;
	s24 =	sld [smem:$0x7D1]  }
0x4f: {  	[dreg:$0x11] =	wrdreg s30  }
0x50: {  	[smem:$0x7E9] =	sst s1  }
0x51: {  	s28 =	simm.s32 @!p0 $0x0;
	s30 =	sshra.s32 s0, $0x2;
	[dreg:$0x13] =	wrdreg s31  }
0x52: {  	s28 =	simm.s32 @p0 $0x1;
	[dreg:$0x12] =	wrdreg s30  }
0x53: {  	s7 =	sshra.s32 s7, $0x4;
	s8 =	sshra.s32 s8, $0x4;
	[smem:$0x7D0] =	sst s28  }
0x54: {  	p0 =	sle.s32 s24, s7;
	s0 =	ssub.s32 s24, s7;
	s28 =	sld [smem:$0x7D3]  }
0x55: {  	s24 =	sld [smem:$0x7D5];
	s3 =	spop (v2sf);
	s1 =	simm.s32 @!p0 $0x0  }
0x56: {  	[dreg:$0x14] =	wrdreg s0;
	s0 =	sshll.u32 s7, $0x6;
	s3 =	sadd.s32 $0xF, s3  }
0x57: {  	s1 =	simm.s32 @p0 $0x1;
	s3 =	sshra.s32 s3, $0x4;
	p0 =	sle.s32 s28, s8  }
0x58: {  	[smem:$0x7D2] =	sst s1;
	s1 =	ssub.s32 s28, s8;
	s7 =	simm.s32 @!p0 $0x0  }
0x59: {  	[dreg:$0x15] =	wrdreg s1;
	p1 =	sle.s32 s3, s4;
	s3 =	ssub.s32 s3, s4  }
0x5a: {  	s1 =	sshll.u32 s8, $0x6;
	s7 =	simm.s32 @p0 $0x1;
	[smem:$0x7E6] =	sst s3  }
0x5b: {  	s9 =	sshra.s32 s9, $0x4;
	s1 =	sshra.s32 s1, $0x2;
	[smem:$0x7D4] =	sst s7  }
0x5c: {  	s28 =	sshll.u32 s9, $0x6;
	[smem:$0x7EC] =	sst s1  }
0x5d: {  	p0 =	sle.s32 s24, s9;
	s7 =	ssub.s32 s24, s9;
	s9 =	sld [smem:$0x7D7]  }
0x5e: {  	s8 =	simm.s32 @!p0 $0x0;
	s24 =	sshra.s32 s28, $0x2;
	[dreg:$0x16] =	wrdreg s7  }
0x5f: {  	s8 =	simm.s32 @p0 $0x1;
	[dreg:$0x18] =	wrdreg s24  }
0x60: {  	s10 =	sshra.s32 s10, $0x4;
	s24 =	sadd.s32 $0x4000, s24;
	[smem:$0x7D6] =	sst s8  }
0x61: {  	s8 =	sshra.s32 s0, $0x2;
	[smem:$0x7EE] =	sst s24;
	s0 =	ssub.s32 s9, s10  }
0x62: {  	p0 =	sle.s32 s9, s10;
	[smem:$0x7D9] =	sst s0  }
0x63: {  	s1 =	simm.s32 @!p0 $0x0;
	s0 =	sshll.u32 s10, $0x6;
	s10 =	sld [smem:$0x7DA]  }
0x64: {  	s11 =	sshra.s32 s11, $0x4;
	[dreg:$0x17] =	wrdreg s8;
	s1 =	simm.s32 @p0 $0x1  }
0x65: {  	s28 =	sshll.u32 s11, $0x6;
	[smem:$0x7D8] =	sst s1  }
0x66: {  	p0 =	sle.s32 s10, s11;
	s1 =	ssub.s32 s10, s11;
	s11 =	sld [smem:$0x7DC]  }
0x67: {  	s10 =	sshra.s32 s0, $0x2;
	s7 =	simm.s32 @!p0 $0x0;
	[dreg:$0x19] =	wrdreg s1  }
0x68: {  	s12 =	sshra.s32 s12, $0x4;
	[dreg:$0x1b] =	wrdreg s10;
	s7 =	simm.s32 @p0 $0x1  }
0x69: {  	[smem:$0x7DB] =	sst s7;
	p0 =	sle.s32 s11, s12  }
0x6a: {  	s7 =	ssub.s32 s11, s12;
	s11 =	sshra.s32 s28, $0x2;
	s28 =	sld [smem:$0x7DE]  }
0x6b: {  	[dreg:$0x1a] =	wrdreg s7  }
0x6c: {  	s9 =	simm.s32 @!p0 $0x0;
	s7 =	sld [smem:$0x7E0]  }
0x6d: {  	s14 =	sshra.s32 s14, $0x4;
	[dreg:$0x1c] =	wrdreg s11;
	s9 =	simm.s32 @p0 $0x1  }
0x6e: {  	s15 =	sshra.s32 s15, $0x4;
	s12 =	sshll.u32 s12, $0x6;
	[smem:$0x7DD] =	sst s9  }
0x6f: {  	p0 =	sle.s32 s28, s17;
	s0 =	ssub.s32 s28, s17;
	s9 =	sld [smem:$0x7E1]  }
0x70: {  	s12 =	sshra.s32 s12, $0x2;
	s1 =	simm.s32 @!p0 $0x0;
	[smem:$0x7F2] =	sst s0  }
0x71: {  	s0 =	sshll.u32 s17, $0x6;
	p3 =	sle.s32 s7, s14;
	s28 =	ssub.s32 s7, s14  }
0x72: {  	s17 =	sshll.u32 s15, $0x6;
	s7 =	sld [smem:$0x7E3];
	s1 =	simm.s32 @p0 $0x1  }
0x73: {  	[smem:$0x7DF] =	sst s1;
	s1 =	sshll.u32 s14, $0x6;
	p4 =	sle.s32 s9, s15  }
0x74: {  	s14 =	ssub.s32 s9, s15;
	s15 =	sshra.s32 s1, $0x2;
	s1 =	sld [smem:$0x7E2]  }
0x75: {  	[dreg:$0x1d] =	wrdreg s12;
	s9 =	sshra.s32 s17, $0x2  }
0x76: {  	[dreg:$0x1e] =	wrdreg s14;
	s14 =	sshra.s32 s0, $0x2;
	p6 =	sle.s32 s7, s16  }
0x77: {  	s7 =	ssub.s32 s7, s16;
	[smem:$0x7F6] =	sst s9;
	p5 =	sle.s32 s1, s29  }
0x78: {  	s17 =	ssub.s32 s1, s29;
	s1 =	sshll.u32 s16, $0x6;
	s16 =	sld [smem:$0x7E4]  }
0x79: {  	[dreg:$0x1f] =	wrdreg s14  }
0x7a: {  	s6 =	sshra.s32 s6, $0x4;
	s0 =	sshll.u32 s29, $0x6;
	[smem:$0x7F4] =	sst s15  }
0x7b: {  	s29 =	rddreg [dreg:$0x4];
	p0 =	sle.s32 s16, s6;
	s16 =	ssub.s32 s16, s6  }
0x7c: {  	[smem:$0x7E5] =	sst s16  }
0x7d: {  	s16 =	sshra.s32 s0, $0x2;
	s0 =	sshra.s32 s1, $0x2;
	s1 =	sshll.u32 s4, $0x6  }
0x7e: {  	s4 =	sadd.s32 $0x4000, s30;
	s30 =	sadd.s32 $0x4000, s31;
	s31 =	sld [smem:$0x7E9]  }
0x7f: {  	[smem:$0x7E7] =	sst s4  }
0x80: {  	[smem:$0x7E8] =	sst s30  }
0x81: {  	s30 =	sadd.s32 $0x4000, s8;
	s8 =	sld [smem:$0x7EC]  }
0x82: {  	[smem:$0x7F8] =	sst s16  }
0x83: {  	s6 =	sshll.u32 s6, $0x6;
	[smem:$0x7FA] =	sst s0  }
0x84: {  	s6 =	sshra.s32 s6, $0x2;
	s0 =	sadd.s32 $0x4000, s0;
	[smem:$0x7EB] =	sst s30  }
0x85: {  	s30 =	sadd.s32 $0x4000, s10;
	s10 =	sadd.s32 $0x4000, s12;
	s12 =	sld [smem:$0x7F2]  }
0x86: {  	s24 =	smov.u32 s28;
	s28 =	sadd.s32 $0x4000, s6;
	[smem:$0x7FB] =	sst s0  }
0x87: {  	[smem:$0x7FC] =	sst s28  }
0x88: {  	[smem:$0x7EF] =	sst s30  }
0x89: {  	s1 =	sshra.s32 s1, $0x2;
	s4 =	sadd.s32 $0x4000, s31;
	[smem:$0x7F1] =	sst s10  }
0x8a: {  	s30 =	sadd.s32 $0x4000, s1;
	[smem:$0x7EA] =	sst s4  }
0x8b: {  	s4 =	sadd.s32 $0x4000, s8;
	[smem:$0x7FD] =	sst s30  }
0x8c: {  	[smem:$0x7ED] =	sst s4;
	s4 =	sadd.s32 $0x4000, s11  }
0x8d: {  	s11 =	sadd.s32 $0x4000, s14;
	[smem:$0x7F0] =	sst s4  }
0x8e: {  	s14 =	sadd.s32 $0x4000, s15;
	[smem:$0x7F3] =	sst s11  }
0x8f: {  	s15 =	sadd.s32 $0x4000, s9;
	[smem:$0x7F5] =	sst s14  }
0x90: {  	s9 =	smov.u32 s17;
	s17 =	sadd.s32 $0x4000, s16;
	[smem:$0x7F7] =	sst s15  }
0x91: {  	s0 =	smov.u32 s6;
	[smem:$0x7F9] =	sst s17;
	s17 =	simm.s32 $0x0  }
.LBB2_3:
0x92: {  	s3 =	sshll.u32 s17, $0x1  }
0x93: {  	s28 =	sadd.s32 s29, s3  }
0x94: {  	s30 =	sshrl.u32 s28, $0x3  }
0x95: {  	_ =	swait.ge [sflag:s22], $0x3100;
	s3 =	sshll.u32 s28, $0x7;
	s6 =	smul.u32 $0x188C00, s30  }
0x96: {  	[sflag:s22] =	ssyncset.done $0x0;
	s16 =	sand.u32 $0x300, s3  }
0x97: {  	[sflag:s22] =	ssyncadd.s32 $0xFFFFCF00;
	s3 =	sor.u32 s16, s6  }
0x98: {  	_ =	swait.ge [sflag:s22], $0x3100;
	s4 =	sadd.s32 $0x18800, s3  }
0x99: {  	[sflag:s22] =	ssyncset.done $0x0;
	s3 =	sadd.s32 $0x24C00, s3;
	s4 =	sshrl.u32 s4, $0x3  }
0x9a: {  	[sflag:s22] =	ssyncadd.s32 $0xFFFFCF00;
	s3 =	sshrl.u32 s3, $0x3;
	s4 =	sadd.s32 s2, s4  }
0x9b: {  	[tilespmem:s23], [sflag:$0x2] =	stream.strided.gather [hbm4b:s4+s18], $0x3100, s19, s18, $0x38;
	[tilespmem:$0x1CA80] =	vst v63  }
0x9c: {  	p2 =	seq.s32 s17, $0x0;
	s3 =	sadd.s32 s2, s3  }
0x9d: {  	[tilespmem:s13], [sflag:$0x2] =	stream.strided.gather [hbm4b:s3+s18], $0x3100, s19, s18, $0x38;
	[tilespmem:$0x1CA80] =	vst v63  }
0x9e: {  	s3 =	simm.s32 @!p2 $0x3  }
0x9f: {  	_ =	swait.ge @!p2 [sflag:s3], $0x1000  }
0xa0: {  	[sflag:s3] =	ssyncset.done @!p2 $0x0  }
0xa1: {  	[sflag:s3] =	ssyncadd.s32 @!p2 $0xFFFFF000  }
0xa2: {  	_ =	swait.ge @!p2 [sflag:s3], $0x1000  }
0xa3: {  	[sflag:s3] =	ssyncset.done @!p2 $0x0  }
0xa4: {  	[sflag:s3] =	ssyncadd.s32 @!p2 $0xFFFFF000  }
0xa5: {  	_ =	swait.ge @!p2 [sflag:s3], $0x1000  }
0xa6: {  	[sflag:s3] =	ssyncset.done @!p2 $0x0  }
0xa7: {  	[sflag:s3] =	ssyncadd.s32 @!p2 $0xFFFFF000  }
0xa8: {  	_ =	swait.ge @!p2 [sflag:s3], $0x1000  }
0xa9: {  	[sflag:s3] =	ssyncset.done @!p2 $0x0  }
0xaa: {  	[sflag:s3] =	ssyncadd.s32 @!p2 $0xFFFFF000  }
0xab: {  	_ =	swait.ge @!p2 [sflag:s3], $0x1000  }
0xac: {  	[sflag:s3] =	ssyncset.done @!p2 $0x0  }
0xad: {  	[sflag:s3] =	ssyncadd.s32 @!p2 $0xFFFFF000  }
0xae: {  	_ =	swait.ge @!p2 [sflag:s3], $0x1000  }
0xaf: {  	[sflag:s3] =	ssyncset.done @!p2 $0x0  }
0xb0: {  	[sflag:s3] =	ssyncadd.s32 @!p2 $0xFFFFF000  }
0xb1: {  	_ =	swait.ge @!p2 [sflag:s3], $0x1000  }
0xb2: {  	[sflag:s3] =	ssyncset.done @!p2 $0x0  }
0xb3: {  	[sflag:s3] =	ssyncadd.s32 @!p2 $0xFFFFF000  }
0xb4: {  	_ =	swait.ge @!p2 [sflag:s3], $0x1000  }
0xb5: {  	s15 =	sld [smem:$0x7CC];
	_ =	sdelay $0x1  }
0xb6: {  	[sflag:s3] =	ssyncset.done @!p2 $0x0  }
0xb7: {  	[sflag:s3] =	ssyncadd.s32 @!p2 $0xFFFFF000;
	p2 =	seq.s32 s15, $0x1  }
.Ltmp0:
0xb8: {  	_ = 	snop;
	(pc) =	sbr.rel @p2 .LBB2_7-.Ltmp0, $1  }
0xb9: {  	_ =	sdelay $0x3  }
0xba: {  	s3 =	rddreg [dreg:$0xf]  }
0xbb: {  	p2 =	sne.s32 s3, $0x1  }
.Ltmp1:
0xbc: {  	_ = 	snop;
	(pc) =	sbr.rel @!p2 .LBB2_6-.Ltmp1, $4  }
0xbd: {  	_ = 	snop  }
0xbe: {  	s10 =	sld [smem:$0x7E7]  }
0xbf: {  	s15 =	rddreg [dreg:$0x12]  }
0xc0: {  	v0 =	vld [tilespmem:s15+$0x0];
	s14 =	sadd.s32 $0xFFFFFFFF, s3  }
.LBB2_5:
0xc1: {  	p2 =	sne.s32 s14, $0x1;
	v1 =	vld [tilespmem:s10+$0x0];
	_ =	sdelay $0x3  }
0xc2: {  	vm0 =	vgt.s32 v0, $0x0  }
0xc3: {  	v0 =	vnsel vm0, $0x0, v0  }
0xc4: {  	v0 =	vmin.u32 v0, $0x30FF  }
0xc5: {  	v2 =	vshll.u32 v0, $0x1  }
0xc6: {  	v0 =	vand.u32 $0x7F, v0;
	v2 =	vand.u32 $0x7F00, v2  }
0xc7: {  	v0 =	vor.u32 v0, v2;
	_ =	sdelay $0x3  }
0xc8: {  	v2 =	vshll.u32 v1, $0x1  }
0xc9: {  	v1 =	vand.u32 $0x7F, v1;
	v2 =	vand.u32 $0xFFFFFF00, v2;
	v3 =	vld.idx.msk [tilespmem:v0+s20+$0x0], $0xffff  }
0xca: {  	v1 =	vor.u32 v1, v2  }
0xcb: {  	v0 =	vor.u32 $0x80, v0;
	_ =	sdelay $0x3  }
0xcc: {  	[tilespmem:v1+s25+$0x0] =	vst.idx.msk $0xffff, v3  }
0xcd: {  	v0 =	vld.idx.msk [tilespmem:v0+s20+$0x0], $0xffff  }
0xce: {  	v1 =	vor.u32 $0x80, v1;
	_ =	sdelay $0x1  }
.Ltmp2:
0xcf: {  	(pc) =	sbr.rel @p2 .LBB2_5-.Ltmp2, $3  }
0xd0: {  	_ =	sdelay $0x1  }
0xd1: {  	s15 =	sadd.s32 $0x10, s15;
	[tilespmem:v1+s25+$0x0] =	vst.idx.msk $0xffff, v0  }
0xd2: {  	s14 =	sadd.s32 $0xFFFFFFFF, s14;
	s10 =	sadd.s32 $0x10, s10;
	v0 =	vld [tilespmem:s15+$0x0]  }
.LBB2_6:
0xd3: {  	_ =	sdelay $0x3  }
0xd4: {  	vm0 =	vgt.s32 v0, $0x0  }
0xd5: {  	v0 =	vnsel vm0, $0x0, v0  }
0xd6: {  	v0 =	vmin.u32 v0, $0x30FF  }
0xd7: {  	v1 =	vld [tilespmem:s10+$0x0];
	v2 =	vshll.u32 v0, $0x1  }
0xd8: {  	v0 =	vand.u32 $0x7F, v0;
	v2 =	vand.u32 $0x7F00, v2  }
0xd9: {  	v0 =	vor.u32 v0, v2;
	_ =	sdelay $0x2  }
0xda: {  	v63 =	vshll.u32 v1, $0x1  }
0xdb: {  	v1 =	vand.u32 $0x7F, v1;
	v2 =	vand.u32 $0xFFFFFF00, v63  }
0xdc: {  	v1 =	vor.u32 v1, v2;
	v3 =	vld.idx.msk [tilespmem:v0+s20+$0x0], $0xffff  }
0xdd: {  	v0 =	vor.u32 $0x80, v0;
	_ =	sdelay $0x3  }
0xde: {  	[tilespmem:v1+s25+$0x0] =	vst.idx.msk $0xffff, v3  }
0xdf: {  	v1 =	vor.u32 $0x80, v1;
	v0 =	vld.idx.msk [tilespmem:v0+s20+$0x0], $0xffff;
	_ =	sdelay $0x4  }
0xe0: {  	[tilespmem:v1+s25+$0x0] =	vst.idx.msk $0xffff, v0  }
.LBB2_7:
0xe1: {  	_ =	swait.ge [sflag:s26], $0x3100  }
0xe2: {  	[sflag:s26] =	ssyncset.done $0x0  }
0xe3: {  	[sflag:s26] =	ssyncadd.s32 $0xFFFFCF00  }
0xe4: {  	_ =	swait.ge [sflag:s26], $0x3100  }
0xe5: {  	s15 =	sld [smem:$0x7CE]  }
0xe6: {  	s6 =	sadd.s32 s16, s6  }
0xe7: {  	s3 =	sadd.s32 $0x31000, s6;
	s14 =	sadd.s32 $0x3D400, s6  }
0xe8: {  	s3 =	sshrl.u32 s3, $0x3;
	[sflag:s26] =	ssyncset.done $0x0;
	p2 =	seq.s32 s15, $0x1  }
.Ltmp3:
0xe9: {  	s3 =	sadd.s32 s2, s3;
	[sflag:s26] =	ssyncadd.s32 $0xFFFFCF00;
	(pc) =	sbr.rel @p2 .LBB2_11-.Ltmp3, $4  }
0xea: {  	[tilespmem:s20], [sflag:$0x1] =	stream.strided.gather [hbm4b:s3+s18], $0x3100, s19, s18, $0x38;
	[tilespmem:$0x1CA80] =	vst v63  }
0xeb: {  	s3 =	sshrl.u32 s14, $0x3  }
0xec: {  	s3 =	sadd.s32 s2, s3  }
0xed: {  	[tilespmem:s21], [sflag:$0x1] =	stream.strided.gather [hbm4b:s3+s18], $0x3100, s19, s18, $0x38;
	[tilespmem:$0x1CA80] =	vst v63  }
0xee: {  	s3 =	rddreg [dreg:$0x10]  }
0xef: {  	p2 =	sne.s32 s3, $0x1  }
.Ltmp4:
0xf0: {  	_ = 	snop;
	(pc) =	sbr.rel @!p2 .LBB2_10-.Ltmp4, $4  }
0xf1: {  	_ = 	snop  }
0xf2: {  	s10 =	sld [smem:$0x7E8]  }
0xf3: {  	s15 =	rddreg [dreg:$0x13]  }
0xf4: {  	v0 =	vld [tilespmem:s15+$0x0];
	s14 =	sadd.s32 $0xFFFFFFFF, s3  }
.LBB2_9:
0xf5: {  	p2 =	sne.s32 s14, $0x1;
	v1 =	vld [tilespmem:s10+$0x0];
	_ =	sdelay $0x3  }
0xf6: {  	v2 =	vadd.s32 $0xFFFFCF00, v0  }
0xf7: {  	vm0 =	vgt.s32 v2, $0x0  }
0xf8: {  	v2 =	vnsel vm0, $0x0, v2  }
0xf9: {  	v2 =	vmin.u32 v2, $0x30FF  }
0xfa: {  	v3 =	vshll.u32 v2, $0x1  }
0xfb: {  	v2 =	vand.u32 $0x7F, v2;
	v3 =	vand.u32 $0x7F00, v3  }
0xfc: {  	v2 =	vor.u32 v2, v3;
	_ =	sdelay $0x3  }
0xfd: {  	v3 =	vshll.u32 v1, $0x1  }
0xfe: {  	vm0 =	vgt.s32 v0, $0x30FF;
	v1 =	vand.u32 $0x7F, v1;
	v3 =	vand.u32 $0xFFFFFF00, v3;
	v0 =	vld.idx.msk [tilespmem:v2+s23+$0x0], $0xffff  }
0xff: {  	v1 =	vor.u32 v1, v3  }
0x100: {  	v2 =	vor.u32 $0x80, v2;
	_ =	sdelay $0x3  }
0x101: {  	[tilespmem:v1+s25+$0x0] =	vst.idx.msk vm0, v0  }
0x102: {  	v0 =	vld.idx.msk [tilespmem:v2+s23+$0x0], $0xffff  }
0x103: {  	v1 =	vor.u32 $0x80, v1;
	_ =	sdelay $0x1  }
.Ltmp5:
0x104: {  	(pc) =	sbr.rel @p2 .LBB2_9-.Ltmp5, $3  }
0x105: {  	_ =	sdelay $0x1  }
0x106: {  	s15 =	sadd.s32 $0x10, s15;
	[tilespmem:v1+s25+$0x0] =	vst.idx.msk vm0, v0  }
0x107: {  	s14 =	sadd.s32 $0xFFFFFFFF, s14;
	s10 =	sadd.s32 $0x10, s10;
	v0 =	vld [tilespmem:s15+$0x0]  }
.LBB2_10:
0x108: {  	_ =	sdelay $0x3  }
0x109: {  	v1 =	vadd.s32 $0xFFFFCF00, v0  }
0x10a: {  	vm0 =	vgt.s32 v1, $0x0  }
0x10b: {  	v1 =	vnsel vm0, $0x0, v1  }
0x10c: {  	v1 =	vmin.u32 v1, $0x30FF  }
0x10d: {  	v2 =	vld [tilespmem:s10+$0x0];
	v3 =	vshll.u32 v1, $0x1  }
0x10e: {  	v1 =	vand.u32 $0x7F, v1;
	v3 =	vand.u32 $0x7F00, v3  }
0x10f: {  	v1 =	vor.u32 v1, v3;
	_ =	sdelay $0x2  }
0x110: {  	v60 =	vshll.u32 v2, $0x1  }
0x111: {  	vm15 =	vgt.s32 v0, $0x30FF;
	v61 =	vand.u32 $0x7F, v2;
	v62 =	vand.u32 $0xFFFFFF00, v60  }
0x112: {  	v0 =	vor.u32 v61, v62;
	v63 =	vld.idx.msk [tilespmem:v1+s23+$0x0], $0xffff  }
0x113: {  	v1 =	vor.u32 $0x80, v1;
	_ =	sdelay $0x3  }
0x114: {  	[tilespmem:v0+s25+$0x0] =	vst.idx.msk vm15, v63  }
0x115: {  	v0 =	vor.u32 $0x80, v0;
	v1 =	vld.idx.msk [tilespmem:v1+s23+$0x0], $0xffff;
	_ =	sdelay $0x4  }
0x116: {  	[tilespmem:v0+s25+$0x0] =	vst.idx.msk vm15, v1  }
.LBB2_11:
0x117: {  	_ =	swait.ge [sflag:s22], $0x3100  }
0x118: {  	[sflag:s22] =	ssyncset.done $0x0  }
0x119: {  	[sflag:s22] =	ssyncadd.s32 $0xFFFFCF00  }
0x11a: {  	_ =	swait.ge [sflag:s22], $0x3100  }
0x11b: {  	s15 =	sld [smem:$0x7D0];
	_ =	sdelay $0x1  }
0x11c: {  	s3 =	sadd.s32 $0x49800, s6;
	s14 =	sadd.s32 $0x55C00, s6  }
0x11d: {  	s3 =	sshrl.u32 s3, $0x3;
	[sflag:s22] =	ssyncset.done $0x0;
	p2 =	seq.s32 s15, $0x1  }
.Ltmp6:
0x11e: {  	s3 =	sadd.s32 s2, s3;
	[sflag:s22] =	ssyncadd.s32 $0xFFFFCF00;
	(pc) =	sbr.rel @p2 .LBB2_15-.Ltmp6, $4  }
0x11f: {  	[tilespmem:s23], [sflag:$0x2] =	stream.strided.gather [hbm4b:s3+s18], $0x3100, s19, s18, $0x38;
	[tilespmem:$0x1CA80] =	vst v63  }
0x120: {  	s3 =	sshrl.u32 s14, $0x3  }
0x121: {  	s3 =	sadd.s32 s2, s3  }
0x122: {  	[tilespmem:s13], [sflag:$0x2] =	stream.strided.gather [hbm4b:s3+s18], $0x3100, s19, s18, $0x38;
	[tilespmem:$0x1CA80] =	vst v63  }
0x123: {  	s3 =	rddreg [dreg:$0x11]  }
0x124: {  	p2 =	sne.s32 s3, $0x1  }
.Ltmp7:
0x125: {  	_ = 	snop;
	(pc) =	sbr.rel @!p2 .LBB2_14-.Ltmp7, $3  }
0x126: {  	_ = 	snop  }
0x127: {  	s10 =	sld [smem:$0x7EA];
	_ =	sdelay $0x1  }
0x128: {  	v0 =	vld [tilespmem:s31+$0x0];
	s15 =	smov.u32 s31;
	s14 =	sadd.s32 $0xFFFFFFFF, s3  }
.LBB2_13:
0x129: {  	p2 =	sne.s32 s14, $0x1;
	v1 =	vld [tilespmem:s10+$0x0];
	_ =	sdelay $0x3  }
0x12a: {  	v2 =	vadd.s32 $0xFFFF9E00, v0  }
0x12b: {  	vm0 =	vgt.s32 v2, $0x0  }
0x12c: {  	v2 =	vnsel vm0, $0x0, v2  }
0x12d: {  	v2 =	vmin.u32 v2, $0x30FF  }
0x12e: {  	v3 =	vshll.u32 v2, $0x1  }
0x12f: {  	v2 =	vand.u32 $0x7F, v2;
	v3 =	vand.u32 $0x7F00, v3  }
0x130: {  	v2 =	vor.u32 v2, v3;
	_ =	sdelay $0x3  }
0x131: {  	v3 =	vshll.u32 v1, $0x1  }
0x132: {  	vm0 =	vgt.s32 v0, $0x61FF;
	v1 =	vand.u32 $0x7F, v1;
	v3 =	vand.u32 $0xFFFFFF00, v3;
	v0 =	vld.idx.msk [tilespmem:v2+s20+$0x0], $0xffff  }
0x133: {  	v1 =	vor.u32 v1, v3  }
0x134: {  	v2 =	vor.u32 $0x80, v2;
	_ =	sdelay $0x3  }
0x135: {  	[tilespmem:v1+s25+$0x0] =	vst.idx.msk vm0, v0  }
0x136: {  	v0 =	vld.idx.msk [tilespmem:v2+s20+$0x0], $0xffff  }
0x137: {  	v1 =	vor.u32 $0x80, v1;
	_ =	sdelay $0x1  }
.Ltmp8:
0x138: {  	(pc) =	sbr.rel @p2 .LBB2_13-.Ltmp8, $3  }
0x139: {  	_ =	sdelay $0x1  }
0x13a: {  	s15 =	sadd.s32 $0x10, s15;
	[tilespmem:v1+s25+$0x0] =	vst.idx.msk vm0, v0  }
0x13b: {  	s14 =	sadd.s32 $0xFFFFFFFF, s14;
	s10 =	sadd.s32 $0x10, s10;
	v0 =	vld [tilespmem:s15+$0x0]  }
.LBB2_14:
0x13c: {  	_ =	sdelay $0x3  }
0x13d: {  	v1 =	vadd.s32 $0xFFFF9E00, v0  }
0x13e: {  	vm0 =	vgt.s32 v1, $0x0  }
0x13f: {  	v1 =	vnsel vm0, $0x0, v1  }
0x140: {  	v1 =	vmin.u32 v1, $0x30FF  }
0x141: {  	v2 =	vld [tilespmem:s10+$0x0];
	v3 =	vshll.u32 v1, $0x1  }
0x142: {  	v1 =	vand.u32 $0x7F, v1;
	v3 =	vand.u32 $0x7F00, v3  }
0x143: {  	v1 =	vor.u32 v1, v3;
	_ =	sdelay $0x2  }
0x144: {  	v60 =	vshll.u32 v2, $0x1  }
0x145: {  	vm15 =	vgt.s32 v0, $0x61FF;
	v61 =	vand.u32 $0x7F, v2;
	v62 =	vand.u32 $0xFFFFFF00, v60  }
0x146: {  	v0 =	vor.u32 v61, v62;
	v63 =	vld.idx.msk [tilespmem:v1+s20+$0x0], $0xffff  }
0x147: {  	v1 =	vor.u32 $0x80, v1;
	_ =	sdelay $0x3  }
0x148: {  	[tilespmem:v0+s25+$0x0] =	vst.idx.msk vm15, v63  }
0x149: {  	v0 =	vor.u32 $0x80, v0;
	v1 =	vld.idx.msk [tilespmem:v1+s20+$0x0], $0xffff;
	_ =	sdelay $0x4  }
0x14a: {  	[tilespmem:v0+s25+$0x0] =	vst.idx.msk vm15, v1  }
.LBB2_15:
0x14b: {  	_ =	swait.ge [sflag:s26], $0x3100  }
0x14c: {  	[sflag:s26] =	ssyncset.done $0x0  }
0x14d: {  	[sflag:s26] =	ssyncadd.s32 $0xFFFFCF00  }
0x14e: {  	_ =	swait.ge [sflag:s26], $0x3100  }
0x14f: {  	s15 =	sld [smem:$0x7D2];
	_ =	sdelay $0x1  }
0x150: {  	s3 =	sadd.s32 $0x62000, s6;
	s14 =	sadd.s32 $0x6E400, s6  }
0x151: {  	s3 =	sshrl.u32 s3, $0x3;
	[sflag:s26] =	ssyncset.done $0x0;
	p2 =	seq.s32 s15, $0x1  }
.Ltmp9:
0x152: {  	s3 =	sadd.s32 s2, s3;
	[sflag:s26] =	ssyncadd.s32 $0xFFFFCF00;
	(pc) =	sbr.rel @p2 .LBB2_19-.Ltmp9, $4  }
0x153: {  	[tilespmem:s20], [sflag:$0x1] =	stream.strided.gather [hbm4b:s3+s18], $0x3100, s19, s18, $0x38;
	[tilespmem:$0x1CA80] =	vst v63  }
0x154: {  	s3 =	sshrl.u32 s14, $0x3  }
0x155: {  	s3 =	sadd.s32 s2, s3  }
0x156: {  	[tilespmem:s21], [sflag:$0x1] =	stream.strided.gather [hbm4b:s3+s18], $0x3100, s19, s18, $0x38;
	[tilespmem:$0x1CA80] =	vst v63  }
0x157: {  	s3 =	rddreg [dreg:$0x14]  }
0x158: {  	p2 =	sne.s32 s3, $0x1  }
.Ltmp10:
0x159: {  	_ = 	snop;
	(pc) =	sbr.rel @!p2 .LBB2_18-.Ltmp10, $4  }
0x15a: {  	_ = 	snop  }
0x15b: {  	s10 =	sld [smem:$0x7EB]  }
0x15c: {  	s15 =	rddreg [dreg:$0x17]  }
0x15d: {  	v0 =	vld [tilespmem:s15+$0x0];
	s14 =	sadd.s32 $0xFFFFFFFF, s3  }
.LBB2_17:
0x15e: {  	p2 =	sne.s32 s14, $0x1;
	v1 =	vld [tilespmem:s10+$0x0];
	_ =	sdelay $0x3  }
0x15f: {  	v2 =	vadd.s32 $0xFFFF6D00, v0  }
0x160: {  	vm0 =	vgt.s32 v2, $0x0  }
0x161: {  	v2 =	vnsel vm0, $0x0, v2  }
0x162: {  	v2 =	vmin.u32 v2, $0x30FF  }
0x163: {  	v3 =	vshll.u32 v2, $0x1  }
0x164: {  	v2 =	vand.u32 $0x7F, v2;
	v3 =	vand.u32 $0x7F00, v3  }
0x165: {  	v2 =	vor.u32 v2, v3;
	_ =	sdelay $0x3  }
0x166: {  	v3 =	vshll.u32 v1, $0x1  }
0x167: {  	vm0 =	vgt.s32 v0, $0x92FF;
	v1 =	vand.u32 $0x7F, v1;
	v3 =	vand.u32 $0xFFFFFF00, v3;
	v0 =	vld.idx.msk [tilespmem:v2+s23+$0x0], $0xffff  }
0x168: {  	v1 =	vor.u32 v1, v3  }
0x169: {  	v2 =	vor.u32 $0x80, v2;
	_ =	sdelay $0x3  }
0x16a: {  	[tilespmem:v1+s25+$0x0] =	vst.idx.msk vm0, v0  }
0x16b: {  	v0 =	vld.idx.msk [tilespmem:v2+s23+$0x0], $0xffff  }
0x16c: {  	v1 =	vor.u32 $0x80, v1;
	_ =	sdelay $0x1  }
.Ltmp11:
0x16d: {  	(pc) =	sbr.rel @p2 .LBB2_17-.Ltmp11, $3  }
0x16e: {  	_ =	sdelay $0x1  }
0x16f: {  	s15 =	sadd.s32 $0x10, s15;
	[tilespmem:v1+s25+$0x0] =	vst.idx.msk vm0, v0  }
0x170: {  	s14 =	sadd.s32 $0xFFFFFFFF, s14;
	s10 =	sadd.s32 $0x10, s10;
	v0 =	vld [tilespmem:s15+$0x0]  }
.LBB2_18:
0x171: {  	_ =	sdelay $0x3  }
0x172: {  	v1 =	vadd.s32 $0xFFFF6D00, v0  }
0x173: {  	vm0 =	vgt.s32 v1, $0x0  }
0x174: {  	v1 =	vnsel vm0, $0x0, v1  }
0x175: {  	v1 =	vmin.u32 v1, $0x30FF  }
0x176: {  	v2 =	vld [tilespmem:s10+$0x0];
	v3 =	vshll.u32 v1, $0x1  }
0x177: {  	v1 =	vand.u32 $0x7F, v1;
	v3 =	vand.u32 $0x7F00, v3  }
0x178: {  	v1 =	vor.u32 v1, v3;
	_ =	sdelay $0x2  }
0x179: {  	v60 =	vshll.u32 v2, $0x1  }
0x17a: {  	vm15 =	vgt.s32 v0, $0x92FF;
	v61 =	vand.u32 $0x7F, v2;
	v62 =	vand.u32 $0xFFFFFF00, v60  }
0x17b: {  	v0 =	vor.u32 v61, v62;
	v63 =	vld.idx.msk [tilespmem:v1+s23+$0x0], $0xffff  }
0x17c: {  	v1 =	vor.u32 $0x80, v1;
	_ =	sdelay $0x3  }
0x17d: {  	[tilespmem:v0+s25+$0x0] =	vst.idx.msk vm15, v63  }
0x17e: {  	v0 =	vor.u32 $0x80, v0;
	v1 =	vld.idx.msk [tilespmem:v1+s23+$0x0], $0xffff;
	_ =	sdelay $0x4  }
0x17f: {  	[tilespmem:v0+s25+$0x0] =	vst.idx.msk vm15, v1  }
.LBB2_19:
0x180: {  	_ =	swait.ge [sflag:s22], $0x3100  }
0x181: {  	[sflag:s22] =	ssyncset.done $0x0  }
0x182: {  	[sflag:s22] =	ssyncadd.s32 $0xFFFFCF00  }
0x183: {  	_ =	swait.ge [sflag:s22], $0x3100  }
0x184: {  	s15 =	sld [smem:$0x7D4];
	_ =	sdelay $0x1  }
0x185: {  	s3 =	sadd.s32 $0x7A800, s6;
	s14 =	sadd.s32 $0x86C00, s6  }
0x186: {  	s3 =	sshrl.u32 s3, $0x3;
	[sflag:s22] =	ssyncset.done $0x0;
	p2 =	seq.s32 s15, $0x1  }
.Ltmp12:
0x187: {  	s3 =	sadd.s32 s2, s3;
	[sflag:s22] =	ssyncadd.s32 $0xFFFFCF00;
	(pc) =	sbr.rel @p2 .LBB2_23-.Ltmp12, $4  }
0x188: {  	[tilespmem:s23], [sflag:$0x2] =	stream.strided.gather [hbm4b:s3+s18], $0x3100, s19, s18, $0x38;
	[tilespmem:$0x1CA80] =	vst v63  }
0x189: {  	s3 =	sshrl.u32 s14, $0x3  }
0x18a: {  	s3 =	sadd.s32 s2, s3  }
0x18b: {  	[tilespmem:s13], [sflag:$0x2] =	stream.strided.gather [hbm4b:s3+s18], $0x3100, s19, s18, $0x38;
	[tilespmem:$0x1CA80] =	vst v63  }
0x18c: {  	s3 =	rddreg [dreg:$0x15]  }
0x18d: {  	p2 =	sne.s32 s3, $0x1  }
.Ltmp13:
0x18e: {  	_ = 	snop;
	(pc) =	sbr.rel @!p2 .LBB2_22-.Ltmp13, $3  }
0x18f: {  	_ = 	snop  }
0x190: {  	s10 =	sld [smem:$0x7ED];
	_ =	sdelay $0x1  }
0x191: {  	v0 =	vld [tilespmem:s8+$0x0];
	s15 =	smov.u32 s8;
	s14 =	sadd.s32 $0xFFFFFFFF, s3  }
.LBB2_21:
0x192: {  	p2 =	sne.s32 s14, $0x1;
	v1 =	vld [tilespmem:s10+$0x0];
	_ =	sdelay $0x3  }
0x193: {  	v2 =	vadd.s32 $0xFFFF3C00, v0  }
0x194: {  	vm0 =	vgt.s32 v2, $0x0  }
0x195: {  	v2 =	vnsel vm0, $0x0, v2  }
0x196: {  	v2 =	vmin.u32 v2, $0x30FF  }
0x197: {  	v3 =	vshll.u32 v2, $0x1  }
0x198: {  	v2 =	vand.u32 $0x7F, v2;
	v3 =	vand.u32 $0x7F00, v3  }
0x199: {  	v2 =	vor.u32 v2, v3;
	_ =	sdelay $0x3  }
0x19a: {  	v3 =	vshll.u32 v1, $0x1  }
0x19b: {  	vm0 =	vgt.s32 v0, $0xC3FF;
	v1 =	vand.u32 $0x7F, v1;
	v3 =	vand.u32 $0xFFFFFF00, v3;
	v0 =	vld.idx.msk [tilespmem:v2+s20+$0x0], $0xffff  }
0x19c: {  	v1 =	vor.u32 v1, v3  }
0x19d: {  	v2 =	vor.u32 $0x80, v2;
	_ =	sdelay $0x3  }
0x19e: {  	[tilespmem:v1+s25+$0x0] =	vst.idx.msk vm0, v0  }
0x19f: {  	v0 =	vld.idx.msk [tilespmem:v2+s20+$0x0], $0xffff  }
0x1a0: {  	v1 =	vor.u32 $0x80, v1;
	_ =	sdelay $0x1  }
.Ltmp14:
0x1a1: {  	(pc) =	sbr.rel @p2 .LBB2_21-.Ltmp14, $3  }
0x1a2: {  	_ =	sdelay $0x1  }
0x1a3: {  	s15 =	sadd.s32 $0x10, s15;
	[tilespmem:v1+s25+$0x0] =	vst.idx.msk vm0, v0  }
0x1a4: {  	s14 =	sadd.s32 $0xFFFFFFFF, s14;
	s10 =	sadd.s32 $0x10, s10;
	v0 =	vld [tilespmem:s15+$0x0]  }
.LBB2_22:
0x1a5: {  	_ =	sdelay $0x3  }
0x1a6: {  	v1 =	vadd.s32 $0xFFFF3C00, v0  }
0x1a7: {  	vm0 =	vgt.s32 v1, $0x0  }
0x1a8: {  	v1 =	vnsel vm0, $0x0, v1  }
0x1a9: {  	v1 =	vmin.u32 v1, $0x30FF  }
0x1aa: {  	v2 =	vld [tilespmem:s10+$0x0];
	v3 =	vshll.u32 v1, $0x1  }
0x1ab: {  	v1 =	vand.u32 $0x7F, v1;
	v3 =	vand.u32 $0x7F00, v3  }
0x1ac: {  	v1 =	vor.u32 v1, v3;
	_ =	sdelay $0x2  }
0x1ad: {  	v60 =	vshll.u32 v2, $0x1  }
0x1ae: {  	vm15 =	vgt.s32 v0, $0xC3FF;
	v61 =	vand.u32 $0x7F, v2;
	v62 =	vand.u32 $0xFFFFFF00, v60  }
0x1af: {  	v0 =	vor.u32 v61, v62;
	v63 =	vld.idx.msk [tilespmem:v1+s20+$0x0], $0xffff  }
0x1b0: {  	v1 =	vor.u32 $0x80, v1;
	_ =	sdelay $0x3  }
0x1b1: {  	[tilespmem:v0+s25+$0x0] =	vst.idx.msk vm15, v63  }
0x1b2: {  	v0 =	vor.u32 $0x80, v0;
	v1 =	vld.idx.msk [tilespmem:v1+s20+$0x0], $0xffff;
	_ =	sdelay $0x4  }
0x1b3: {  	[tilespmem:v0+s25+$0x0] =	vst.idx.msk vm15, v1  }
.LBB2_23:
0x1b4: {  	_ =	swait.ge [sflag:s26], $0x3100  }
0x1b5: {  	[sflag:s26] =	ssyncset.done $0x0  }
0x1b6: {  	[sflag:s26] =	ssyncadd.s32 $0xFFFFCF00  }
0x1b7: {  	_ =	swait.ge [sflag:s26], $0x3100  }
0x1b8: {  	s15 =	sld [smem:$0x7D6];
	_ =	sdelay $0x1  }
0x1b9: {  	s3 =	sadd.s32 $0x93000, s6;
	s14 =	sadd.s32 $0x9F400, s6  }
0x1ba: {  	s3 =	sshrl.u32 s3, $0x3;
	[sflag:s26] =	ssyncset.done $0x0;
	p2 =	seq.s32 s15, $0x1  }
.Ltmp15:
0x1bb: {  	s3 =	sadd.s32 s2, s3;
	[sflag:s26] =	ssyncadd.s32 $0xFFFFCF00;
	(pc) =	sbr.rel @p2 .LBB2_27-.Ltmp15, $4  }
0x1bc: {  	[tilespmem:s20], [sflag:$0x1] =	stream.strided.gather [hbm4b:s3+s18], $0x3100, s19, s18, $0x38;
	[tilespmem:$0x1CA80] =	vst v63  }
0x1bd: {  	s3 =	sshrl.u32 s14, $0x3  }
0x1be: {  	s3 =	sadd.s32 s2, s3  }
0x1bf: {  	[tilespmem:s21], [sflag:$0x1] =	stream.strided.gather [hbm4b:s3+s18], $0x3100, s19, s18, $0x38;
	[tilespmem:$0x1CA80] =	vst v63  }
0x1c0: {  	s3 =	rddreg [dreg:$0x16]  }
0x1c1: {  	p2 =	sne.s32 s3, $0x1  }
.Ltmp16:
0x1c2: {  	_ = 	snop;
	(pc) =	sbr.rel @!p2 .LBB2_26-.Ltmp16, $4  }
0x1c3: {  	_ = 	snop  }
0x1c4: {  	s10 =	sld [smem:$0x7EE]  }
0x1c5: {  	s15 =	rddreg [dreg:$0x18]  }
0x1c6: {  	v0 =	vld [tilespmem:s15+$0x0];
	s14 =	sadd.s32 $0xFFFFFFFF, s3  }
.LBB2_25:
0x1c7: {  	p2 =	sne.s32 s14, $0x1;
	v1 =	vld [tilespmem:s10+$0x0];
	_ =	sdelay $0x3  }
0x1c8: {  	v2 =	vadd.s32 $0xFFFF0B00, v0  }
0x1c9: {  	vm0 =	vgt.s32 v2, $0x0  }
0x1ca: {  	v2 =	vnsel vm0, $0x0, v2  }
0x1cb: {  	v2 =	vmin.u32 v2, $0x30FF  }
0x1cc: {  	v3 =	vshll.u32 v2, $0x1  }
0x1cd: {  	v2 =	vand.u32 $0x7F, v2;
	v3 =	vand.u32 $0x7F00, v3  }
0x1ce: {  	v2 =	vor.u32 v2, v3;
	_ =	sdelay $0x3  }
0x1cf: {  	v3 =	vshll.u32 v1, $0x1  }
0x1d0: {  	vm0 =	vgt.s32 v0, $0xF4FF;
	v1 =	vand.u32 $0x7F, v1;
	v3 =	vand.u32 $0xFFFFFF00, v3;
	v0 =	vld.idx.msk [tilespmem:v2+s23+$0x0], $0xffff  }
0x1d1: {  	v1 =	vor.u32 v1, v3  }
0x1d2: {  	v2 =	vor.u32 $0x80, v2;
	_ =	sdelay $0x3  }
0x1d3: {  	[tilespmem:v1+s25+$0x0] =	vst.idx.msk vm0, v0  }
0x1d4: {  	v0 =	vld.idx.msk [tilespmem:v2+s23+$0x0], $0xffff  }
0x1d5: {  	v1 =	vor.u32 $0x80, v1;
	_ =	sdelay $0x1  }
.Ltmp17:
0x1d6: {  	(pc) =	sbr.rel @p2 .LBB2_25-.Ltmp17, $3  }
0x1d7: {  	_ =	sdelay $0x1  }
0x1d8: {  	s15 =	sadd.s32 $0x10, s15;
	[tilespmem:v1+s25+$0x0] =	vst.idx.msk vm0, v0  }
0x1d9: {  	s14 =	sadd.s32 $0xFFFFFFFF, s14;
	s10 =	sadd.s32 $0x10, s10;
	v0 =	vld [tilespmem:s15+$0x0]  }
.LBB2_26:
0x1da: {  	_ =	sdelay $0x3  }
0x1db: {  	v1 =	vadd.s32 $0xFFFF0B00, v0  }
0x1dc: {  	vm0 =	vgt.s32 v1, $0x0  }
0x1dd: {  	v1 =	vnsel vm0, $0x0, v1  }
0x1de: {  	v1 =	vmin.u32 v1, $0x30FF  }
0x1df: {  	v2 =	vld [tilespmem:s10+$0x0];
	v3 =	vshll.u32 v1, $0x1  }
0x1e0: {  	v1 =	vand.u32 $0x7F, v1;
	v3 =	vand.u32 $0x7F00, v3  }
0x1e1: {  	v1 =	vor.u32 v1, v3;
	_ =	sdelay $0x2  }
0x1e2: {  	v60 =	vshll.u32 v2, $0x1  }
0x1e3: {  	vm15 =	vgt.s32 v0, $0xF4FF;
	v61 =	vand.u32 $0x7F, v2;
	v62 =	vand.u32 $0xFFFFFF00, v60  }
0x1e4: {  	v0 =	vor.u32 v61, v62;
	v63 =	vld.idx.msk [tilespmem:v1+s23+$0x0], $0xffff  }
0x1e5: {  	v1 =	vor.u32 $0x80, v1;
	_ =	sdelay $0x3  }
0x1e6: {  	[tilespmem:v0+s25+$0x0] =	vst.idx.msk vm15, v63  }
0x1e7: {  	v0 =	vor.u32 $0x80, v0;
	v1 =	vld.idx.msk [tilespmem:v1+s23+$0x0], $0xffff;
	_ =	sdelay $0x4  }
0x1e8: {  	[tilespmem:v0+s25+$0x0] =	vst.idx.msk vm15, v1  }
.LBB2_27:
0x1e9: {  	_ =	swait.ge [sflag:s22], $0x3100  }
0x1ea: {  	[sflag:s22] =	ssyncset.done $0x0  }
0x1eb: {  	[sflag:s22] =	ssyncadd.s32 $0xFFFFCF00  }
0x1ec: {  	_ =	swait.ge [sflag:s22], $0x3100  }
0x1ed: {  	s15 =	sld [smem:$0x7D8];
	_ =	sdelay $0x1  }
0x1ee: {  	s3 =	sadd.s32 $0xAB800, s6;
	s14 =	sadd.s32 $0xB7C00, s6  }
0x1ef: {  	s3 =	sshrl.u32 s3, $0x3;
	[sflag:s22] =	ssyncset.done $0x0;
	p2 =	seq.s32 s15, $0x1  }
.Ltmp18:
0x1f0: {  	s3 =	sadd.s32 s2, s3;
	[sflag:s22] =	ssyncadd.s32 $0xFFFFCF00;
	(pc) =	sbr.rel @p2 .LBB2_31-.Ltmp18, $4  }
0x1f1: {  	[tilespmem:s23], [sflag:$0x2] =	stream.strided.gather [hbm4b:s3+s18], $0x3100, s19, s18, $0x38;
	[tilespmem:$0x1CA80] =	vst v63  }
0x1f2: {  	s3 =	sshrl.u32 s14, $0x3  }
0x1f3: {  	s3 =	sadd.s32 s2, s3  }
0x1f4: {  	[tilespmem:s13], [sflag:$0x2] =	stream.strided.gather [hbm4b:s3+s18], $0x3100, s19, s18, $0x38;
	[tilespmem:$0x1CA80] =	vst v63  }
0x1f5: {  	s3 =	sld [smem:$0x7D9];
	_ =	sdelay $0x2  }
0x1f6: {  	p2 =	sne.s32 s3, $0x1  }
.Ltmp19:
0x1f7: {  	_ = 	snop;
	(pc) =	sbr.rel @!p2 .LBB2_30-.Ltmp19, $4  }
0x1f8: {  	_ = 	snop  }
0x1f9: {  	s10 =	sld [smem:$0x7EF]  }
0x1fa: {  	s15 =	rddreg [dreg:$0x1b]  }
0x1fb: {  	v0 =	vld [tilespmem:s15+$0x0];
	s14 =	sadd.s32 $0xFFFFFFFF, s3  }
.LBB2_29:
0x1fc: {  	p2 =	sne.s32 s14, $0x1;
	v1 =	vld [tilespmem:s10+$0x0];
	_ =	sdelay $0x3  }
0x1fd: {  	v2 =	vadd.s32 $0xFFFEDA00, v0  }
0x1fe: {  	vm0 =	vgt.s32 v2, $0x0  }
0x1ff: {  	v2 =	vnsel vm0, $0x0, v2  }
0x200: {  	v2 =	vmin.u32 v2, $0x30FF  }
0x201: {  	v3 =	vshll.u32 v2, $0x1  }
0x202: {  	v2 =	vand.u32 $0x7F, v2;
	v3 =	vand.u32 $0x7F00, v3  }
0x203: {  	v2 =	vor.u32 v2, v3;
	_ =	sdelay $0x3  }
0x204: {  	v3 =	vshll.u32 v1, $0x1  }
0x205: {  	vm0 =	vgt.s32 v0, $0x125FF;
	v1 =	vand.u32 $0x7F, v1;
	v3 =	vand.u32 $0xFFFFFF00, v3;
	v0 =	vld.idx.msk [tilespmem:v2+s20+$0x0], $0xffff  }
0x206: {  	v1 =	vor.u32 v1, v3  }
0x207: {  	v2 =	vor.u32 $0x80, v2;
	_ =	sdelay $0x3  }
0x208: {  	[tilespmem:v1+s25+$0x0] =	vst.idx.msk vm0, v0  }
0x209: {  	v0 =	vld.idx.msk [tilespmem:v2+s20+$0x0], $0xffff  }
0x20a: {  	v1 =	vor.u32 $0x80, v1;
	_ =	sdelay $0x1  }
.Ltmp20:
0x20b: {  	(pc) =	sbr.rel @p2 .LBB2_29-.Ltmp20, $3  }
0x20c: {  	_ =	sdelay $0x1  }
0x20d: {  	s15 =	sadd.s32 $0x10, s15;
	[tilespmem:v1+s25+$0x0] =	vst.idx.msk vm0, v0  }
0x20e: {  	s14 =	sadd.s32 $0xFFFFFFFF, s14;
	s10 =	sadd.s32 $0x10, s10;
	v0 =	vld [tilespmem:s15+$0x0]  }
.LBB2_30:
0x20f: {  	_ =	sdelay $0x3  }
0x210: {  	v1 =	vadd.s32 $0xFFFEDA00, v0  }
0x211: {  	vm0 =	vgt.s32 v1, $0x0  }
0x212: {  	v1 =	vnsel vm0, $0x0, v1  }
0x213: {  	v1 =	vmin.u32 v1, $0x30FF  }
0x214: {  	v2 =	vld [tilespmem:s10+$0x0];
	v3 =	vshll.u32 v1, $0x1  }
0x215: {  	v1 =	vand.u32 $0x7F, v1;
	v3 =	vand.u32 $0x7F00, v3  }
0x216: {  	v1 =	vor.u32 v1, v3;
	_ =	sdelay $0x2  }
0x217: {  	v60 =	vshll.u32 v2, $0x1  }
0x218: {  	vm15 =	vgt.s32 v0, $0x125FF;
	v61 =	vand.u32 $0x7F, v2;
	v62 =	vand.u32 $0xFFFFFF00, v60  }
0x219: {  	v0 =	vor.u32 v61, v62;
	v63 =	vld.idx.msk [tilespmem:v1+s20+$0x0], $0xffff  }
0x21a: {  	v1 =	vor.u32 $0x80, v1;
	_ =	sdelay $0x3  }
0x21b: {  	[tilespmem:v0+s25+$0x0] =	vst.idx.msk vm15, v63  }
0x21c: {  	v0 =	vor.u32 $0x80, v0;
	v1 =	vld.idx.msk [tilespmem:v1+s20+$0x0], $0xffff;
	_ =	sdelay $0x4  }
0x21d: {  	[tilespmem:v0+s25+$0x0] =	vst.idx.msk vm15, v1  }
.LBB2_31:
0x21e: {  	_ =	swait.ge [sflag:s26], $0x3100  }
0x21f: {  	[sflag:s26] =	ssyncset.done $0x0  }
0x220: {  	[sflag:s26] =	ssyncadd.s32 $0xFFFFCF00  }
0x221: {  	_ =	swait.ge [sflag:s26], $0x3100  }
0x222: {  	s15 =	sld [smem:$0x7DB];
	_ =	sdelay $0x1  }
0x223: {  	s3 =	sadd.s32 $0xC4000, s6;
	s14 =	sadd.s32 $0xD0400, s6  }
0x224: {  	s3 =	sshrl.u32 s3, $0x3;
	[sflag:s26] =	ssyncset.done $0x0;
	p2 =	seq.s32 s15, $0x1  }
.Ltmp21:
0x225: {  	s3 =	sadd.s32 s2, s3;
	[sflag:s26] =	ssyncadd.s32 $0xFFFFCF00;
	(pc) =	sbr.rel @p2 .LBB2_35-.Ltmp21, $4  }
0x226: {  	[tilespmem:s20], [sflag:$0x1] =	stream.strided.gather [hbm4b:s3+s18], $0x3100, s19, s18, $0x38;
	[tilespmem:$0x1CA80] =	vst v63  }
0x227: {  	s3 =	sshrl.u32 s14, $0x3  }
0x228: {  	s3 =	sadd.s32 s2, s3  }
0x229: {  	[tilespmem:s21], [sflag:$0x1] =	stream.strided.gather [hbm4b:s3+s18], $0x3100, s19, s18, $0x38;
	[tilespmem:$0x1CA80] =	vst v63  }
0x22a: {  	s3 =	rddreg [dreg:$0x19]  }
0x22b: {  	p2 =	sne.s32 s3, $0x1  }
.Ltmp22:
0x22c: {  	_ = 	snop;
	(pc) =	sbr.rel @!p2 .LBB2_34-.Ltmp22, $4  }
0x22d: {  	_ = 	snop  }
0x22e: {  	s10 =	sld [smem:$0x7F0]  }
0x22f: {  	s15 =	rddreg [dreg:$0x1c]  }
0x230: {  	v0 =	vld [tilespmem:s15+$0x0];
	s14 =	sadd.s32 $0xFFFFFFFF, s3  }
.LBB2_33:
0x231: {  	p2 =	sne.s32 s14, $0x1;
	v1 =	vld [tilespmem:s10+$0x0];
	_ =	sdelay $0x3  }
0x232: {  	v2 =	vadd.s32 $0xFFFEA900, v0  }
0x233: {  	vm0 =	vgt.s32 v2, $0x0  }
0x234: {  	v2 =	vnsel vm0, $0x0, v2  }
0x235: {  	v2 =	vmin.u32 v2, $0x30FF  }
0x236: {  	v3 =	vshll.u32 v2, $0x1  }
0x237: {  	v2 =	vand.u32 $0x7F, v2;
	v3 =	vand.u32 $0x7F00, v3  }
0x238: {  	v2 =	vor.u32 v2, v3;
	_ =	sdelay $0x3  }
0x239: {  	v3 =	vshll.u32 v1, $0x1  }
0x23a: {  	vm0 =	vgt.s32 v0, $0x156FF;
	v1 =	vand.u32 $0x7F, v1;
	v3 =	vand.u32 $0xFFFFFF00, v3;
	v0 =	vld.idx.msk [tilespmem:v2+s23+$0x0], $0xffff  }
0x23b: {  	v1 =	vor.u32 v1, v3  }
0x23c: {  	v2 =	vor.u32 $0x80, v2;
	_ =	sdelay $0x3  }
0x23d: {  	[tilespmem:v1+s25+$0x0] =	vst.idx.msk vm0, v0  }
0x23e: {  	v0 =	vld.idx.msk [tilespmem:v2+s23+$0x0], $0xffff  }
0x23f: {  	v1 =	vor.u32 $0x80, v1;
	_ =	sdelay $0x1  }
.Ltmp23:
0x240: {  	(pc) =	sbr.rel @p2 .LBB2_33-.Ltmp23, $3  }
0x241: {  	_ =	sdelay $0x1  }
0x242: {  	s15 =	sadd.s32 $0x10, s15;
	[tilespmem:v1+s25+$0x0] =	vst.idx.msk vm0, v0  }
0x243: {  	s14 =	sadd.s32 $0xFFFFFFFF, s14;
	s10 =	sadd.s32 $0x10, s10;
	v0 =	vld [tilespmem:s15+$0x0]  }
.LBB2_34:
0x244: {  	_ =	sdelay $0x3  }
0x245: {  	v1 =	vadd.s32 $0xFFFEA900, v0  }
0x246: {  	vm0 =	vgt.s32 v1, $0x0  }
0x247: {  	v1 =	vnsel vm0, $0x0, v1  }
0x248: {  	v1 =	vmin.u32 v1, $0x30FF  }
0x249: {  	v2 =	vld [tilespmem:s10+$0x0];
	v3 =	vshll.u32 v1, $0x1  }
0x24a: {  	v1 =	vand.u32 $0x7F, v1;
	v3 =	vand.u32 $0x7F00, v3  }
0x24b: {  	v1 =	vor.u32 v1, v3;
	_ =	sdelay $0x2  }
0x24c: {  	v60 =	vshll.u32 v2, $0x1  }
0x24d: {  	vm15 =	vgt.s32 v0, $0x156FF;
	v61 =	vand.u32 $0x7F, v2;
	v62 =	vand.u32 $0xFFFFFF00, v60  }
0x24e: {  	v0 =	vor.u32 v61, v62;
	v63 =	vld.idx.msk [tilespmem:v1+s23+$0x0], $0xffff  }
0x24f: {  	v1 =	vor.u32 $0x80, v1;
	_ =	sdelay $0x3  }
0x250: {  	[tilespmem:v0+s25+$0x0] =	vst.idx.msk vm15, v63  }
0x251: {  	v0 =	vor.u32 $0x80, v0;
	v1 =	vld.idx.msk [tilespmem:v1+s23+$0x0], $0xffff;
	_ =	sdelay $0x4  }
0x252: {  	[tilespmem:v0+s25+$0x0] =	vst.idx.msk vm15, v1  }
.LBB2_35:
0x253: {  	_ =	swait.ge [sflag:s22], $0x3100  }
0x254: {  	[sflag:s22] =	ssyncset.done $0x0  }
0x255: {  	[sflag:s22] =	ssyncadd.s32 $0xFFFFCF00  }
0x256: {  	_ =	swait.ge [sflag:s22], $0x3100  }
0x257: {  	s15 =	sld [smem:$0x7DD];
	_ =	sdelay $0x1  }
0x258: {  	s3 =	sadd.s32 $0xDC800, s6;
	s14 =	sadd.s32 $0xE8C00, s6  }
0x259: {  	s3 =	sshrl.u32 s3, $0x3;
	[sflag:s22] =	ssyncset.done $0x0;
	p2 =	seq.s32 s15, $0x1  }
.Ltmp24:
0x25a: {  	s3 =	sadd.s32 s2, s3;
	[sflag:s22] =	ssyncadd.s32 $0xFFFFCF00;
	(pc) =	sbr.rel @p2 .LBB2_39-.Ltmp24, $4  }
0x25b: {  	[tilespmem:s23], [sflag:$0x2] =	stream.strided.gather [hbm4b:s3+s18], $0x3100, s19, s18, $0x38;
	[tilespmem:$0x1CA80] =	vst v63  }
0x25c: {  	s3 =	sshrl.u32 s14, $0x3  }
0x25d: {  	s3 =	sadd.s32 s2, s3  }
0x25e: {  	[tilespmem:s13], [sflag:$0x2] =	stream.strided.gather [hbm4b:s3+s18], $0x3100, s19, s18, $0x38;
	[tilespmem:$0x1CA80] =	vst v63  }
0x25f: {  	s3 =	rddreg [dreg:$0x1a]  }
0x260: {  	p2 =	sne.s32 s3, $0x1  }
.Ltmp25:
0x261: {  	_ = 	snop;
	(pc) =	sbr.rel @!p2 .LBB2_38-.Ltmp25, $4  }
0x262: {  	_ = 	snop  }
0x263: {  	s10 =	sld [smem:$0x7F1]  }
0x264: {  	s15 =	rddreg [dreg:$0x1d]  }
0x265: {  	v0 =	vld [tilespmem:s15+$0x0];
	s14 =	sadd.s32 $0xFFFFFFFF, s3  }
.LBB2_37:
0x266: {  	p2 =	sne.s32 s14, $0x1;
	v1 =	vld [tilespmem:s10+$0x0];
	_ =	sdelay $0x3  }
0x267: {  	v2 =	vadd.s32 $0xFFFE7800, v0  }
0x268: {  	vm0 =	vgt.s32 v2, $0x0  }
0x269: {  	v2 =	vnsel vm0, $0x0, v2  }
0x26a: {  	v2 =	vmin.u32 v2, $0x30FF  }
0x26b: {  	v3 =	vshll.u32 v2, $0x1  }
0x26c: {  	v2 =	vand.u32 $0x7F, v2;
	v3 =	vand.u32 $0x7F00, v3  }
0x26d: {  	v2 =	vor.u32 v2, v3;
	_ =	sdelay $0x3  }
0x26e: {  	v3 =	vshll.u32 v1, $0x1  }
0x26f: {  	vm0 =	vgt.s32 v0, $0x187FF;
	v1 =	vand.u32 $0x7F, v1;
	v3 =	vand.u32 $0xFFFFFF00, v3;
	v0 =	vld.idx.msk [tilespmem:v2+s20+$0x0], $0xffff  }
0x270: {  	v1 =	vor.u32 v1, v3  }
0x271: {  	v2 =	vor.u32 $0x80, v2;
	_ =	sdelay $0x3  }
0x272: {  	[tilespmem:v1+s25+$0x0] =	vst.idx.msk vm0, v0  }
0x273: {  	v0 =	vld.idx.msk [tilespmem:v2+s20+$0x0], $0xffff  }
0x274: {  	v1 =	vor.u32 $0x80, v1;
	_ =	sdelay $0x1  }
.Ltmp26:
0x275: {  	(pc) =	sbr.rel @p2 .LBB2_37-.Ltmp26, $3  }
0x276: {  	_ =	sdelay $0x1  }
0x277: {  	s15 =	sadd.s32 $0x10, s15;
	[tilespmem:v1+s25+$0x0] =	vst.idx.msk vm0, v0  }
0x278: {  	s14 =	sadd.s32 $0xFFFFFFFF, s14;
	s10 =	sadd.s32 $0x10, s10;
	v0 =	vld [tilespmem:s15+$0x0]  }
.LBB2_38:
0x279: {  	_ =	sdelay $0x3  }
0x27a: {  	v1 =	vadd.s32 $0xFFFE7800, v0  }
0x27b: {  	vm0 =	vgt.s32 v1, $0x0  }
0x27c: {  	v1 =	vnsel vm0, $0x0, v1  }
0x27d: {  	v1 =	vmin.u32 v1, $0x30FF  }
0x27e: {  	v2 =	vld [tilespmem:s10+$0x0];
	v3 =	vshll.u32 v1, $0x1  }
0x27f: {  	v1 =	vand.u32 $0x7F, v1;
	v3 =	vand.u32 $0x7F00, v3  }
0x280: {  	v1 =	vor.u32 v1, v3;
	_ =	sdelay $0x2  }
0x281: {  	v60 =	vshll.u32 v2, $0x1  }
0x282: {  	vm15 =	vgt.s32 v0, $0x187FF;
	v61 =	vand.u32 $0x7F, v2;
	v62 =	vand.u32 $0xFFFFFF00, v60  }
0x283: {  	v0 =	vor.u32 v61, v62;
	v63 =	vld.idx.msk [tilespmem:v1+s20+$0x0], $0xffff  }
0x284: {  	v1 =	vor.u32 $0x80, v1;
	_ =	sdelay $0x3  }
0x285: {  	[tilespmem:v0+s25+$0x0] =	vst.idx.msk vm15, v63  }
0x286: {  	v0 =	vor.u32 $0x80, v0;
	v1 =	vld.idx.msk [tilespmem:v1+s20+$0x0], $0xffff;
	_ =	sdelay $0x4  }
0x287: {  	[tilespmem:v0+s25+$0x0] =	vst.idx.msk vm15, v1  }
.LBB2_39:
0x288: {  	_ =	swait.ge [sflag:s26], $0x3100  }
0x289: {  	[sflag:s26] =	ssyncset.done $0x0  }
0x28a: {  	[sflag:s26] =	ssyncadd.s32 $0xFFFFCF00  }
0x28b: {  	_ =	swait.ge [sflag:s26], $0x3100  }
0x28c: {  	s15 =	sld [smem:$0x7DF];
	_ =	sdelay $0x1  }
0x28d: {  	s3 =	sadd.s32 $0xF5000, s6;
	s14 =	sadd.s32 $0x101400, s6  }
0x28e: {  	s3 =	sshrl.u32 s3, $0x3;
	[sflag:s26] =	ssyncset.done $0x0;
	p2 =	seq.s32 s15, $0x1  }
.Ltmp27:
0x28f: {  	s3 =	sadd.s32 s2, s3;
	[sflag:s26] =	ssyncadd.s32 $0xFFFFCF00;
	(pc) =	sbr.rel @p2 .LBB2_43-.Ltmp27, $4  }
0x290: {  	[tilespmem:s20], [sflag:$0x1] =	stream.strided.gather [hbm4b:s3+s18], $0x3100, s19, s18, $0x38;
	[tilespmem:$0x1CA80] =	vst v63  }
0x291: {  	s3 =	sshrl.u32 s14, $0x3  }
0x292: {  	s3 =	sadd.s32 s2, s3  }
0x293: {  	[tilespmem:s21], [sflag:$0x1] =	stream.strided.gather [hbm4b:s3+s18], $0x3100, s19, s18, $0x38;
	[tilespmem:$0x1CA80] =	vst v63  }
0x294: {  	p2 =	sne.s32 s12, $0x1  }
.Ltmp28:
0x295: {  	_ = 	snop;
	(pc) =	sbr.rel @!p2 .LBB2_42-.Ltmp28, $4  }
0x296: {  	_ = 	snop  }
0x297: {  	s10 =	sld [smem:$0x7F3]  }
0x298: {  	s15 =	rddreg [dreg:$0x1f]  }
0x299: {  	s14 =	sadd.s32 $0xFFFFFFFF, s12;
	v0 =	vld [tilespmem:s15+$0x0]  }
.LBB2_41:
0x29a: {  	p2 =	sne.s32 s14, $0x1;
	v1 =	vld [tilespmem:s10+$0x0];
	_ =	sdelay $0x3  }
0x29b: {  	v2 =	vadd.s32 $0xFFFE4700, v0  }
0x29c: {  	vm0 =	vgt.s32 v2, $0x0  }
0x29d: {  	v2 =	vnsel vm0, $0x0, v2  }
0x29e: {  	v2 =	vmin.u32 v2, $0x30FF  }
0x29f: {  	v3 =	vshll.u32 v2, $0x1  }
0x2a0: {  	v2 =	vand.u32 $0x7F, v2;
	v3 =	vand.u32 $0x7F00, v3  }
0x2a1: {  	v2 =	vor.u32 v2, v3;
	_ =	sdelay $0x3  }
0x2a2: {  	v3 =	vshll.u32 v1, $0x1  }
0x2a3: {  	vm0 =	vgt.s32 v0, $0x1B8FF;
	v1 =	vand.u32 $0x7F, v1;
	v3 =	vand.u32 $0xFFFFFF00, v3;
	v0 =	vld.idx.msk [tilespmem:v2+s23+$0x0], $0xffff  }
0x2a4: {  	v1 =	vor.u32 v1, v3  }
0x2a5: {  	v2 =	vor.u32 $0x80, v2;
	_ =	sdelay $0x3  }
0x2a6: {  	[tilespmem:v1+s25+$0x0] =	vst.idx.msk vm0, v0  }
0x2a7: {  	v0 =	vld.idx.msk [tilespmem:v2+s23+$0x0], $0xffff  }
0x2a8: {  	v1 =	vor.u32 $0x80, v1;
	_ =	sdelay $0x1  }
.Ltmp29:
0x2a9: {  	(pc) =	sbr.rel @p2 .LBB2_41-.Ltmp29, $3  }
0x2aa: {  	_ =	sdelay $0x1  }
0x2ab: {  	s15 =	sadd.s32 $0x10, s15;
	[tilespmem:v1+s25+$0x0] =	vst.idx.msk vm0, v0  }
0x2ac: {  	s14 =	sadd.s32 $0xFFFFFFFF, s14;
	s10 =	sadd.s32 $0x10, s10;
	v0 =	vld [tilespmem:s15+$0x0]  }
.LBB2_42:
0x2ad: {  	_ =	sdelay $0x3  }
0x2ae: {  	v1 =	vadd.s32 $0xFFFE4700, v0  }
0x2af: {  	vm0 =	vgt.s32 v1, $0x0  }
0x2b0: {  	v1 =	vnsel vm0, $0x0, v1  }
0x2b1: {  	v1 =	vmin.u32 v1, $0x30FF  }
0x2b2: {  	v2 =	vld [tilespmem:s10+$0x0];
	v3 =	vshll.u32 v1, $0x1  }
0x2b3: {  	v1 =	vand.u32 $0x7F, v1;
	v3 =	vand.u32 $0x7F00, v3  }
0x2b4: {  	v1 =	vor.u32 v1, v3;
	_ =	sdelay $0x2  }
0x2b5: {  	v60 =	vshll.u32 v2, $0x1  }
0x2b6: {  	vm15 =	vgt.s32 v0, $0x1B8FF;
	v61 =	vand.u32 $0x7F, v2;
	v62 =	vand.u32 $0xFFFFFF00, v60  }
0x2b7: {  	v0 =	vor.u32 v61, v62;
	v63 =	vld.idx.msk [tilespmem:v1+s23+$0x0], $0xffff  }
0x2b8: {  	v1 =	vor.u32 $0x80, v1;
	_ =	sdelay $0x3  }
0x2b9: {  	[tilespmem:v0+s25+$0x0] =	vst.idx.msk vm15, v63  }
0x2ba: {  	v0 =	vor.u32 $0x80, v0;
	v1 =	vld.idx.msk [tilespmem:v1+s23+$0x0], $0xffff;
	_ =	sdelay $0x4  }
0x2bb: {  	[tilespmem:v0+s25+$0x0] =	vst.idx.msk vm15, v1  }
.LBB2_43:
0x2bc: {  	_ =	swait.ge [sflag:s22], $0x3100  }
0x2bd: {  	[sflag:s22] =	ssyncset.done $0x0  }
0x2be: {  	[sflag:s22] =	ssyncadd.s32 $0xFFFFCF00  }
0x2bf: {  	s3 =	sadd.s32 $0x10D800, s6;
	_ =	swait.ge [sflag:s22], $0x3100  }
0x2c0: {  	s15 =	sadd.s32 $0x119C00, s6;
	s3 =	sshrl.u32 s3, $0x3;
	[sflag:s22] =	ssyncset.done $0x0  }
.Ltmp30:
0x2c1: {  	s3 =	sadd.s32 s2, s3;
	[sflag:s22] =	ssyncadd.s32 $0xFFFFCF00;
	(pc) =	sbr.rel @p3 .LBB2_47-.Ltmp30, $4  }
0x2c2: {  	[tilespmem:s23], [sflag:$0x2] =	stream.strided.gather [hbm4b:s3+s18], $0x3100, s19, s18, $0x38;
	[tilespmem:$0x1CA80] =	vst v63  }
0x2c3: {  	s3 =	sshrl.u32 s15, $0x3  }
0x2c4: {  	s3 =	sadd.s32 s2, s3  }
0x2c5: {  	[tilespmem:s13], [sflag:$0x2] =	stream.strided.gather [hbm4b:s3+s18], $0x3100, s19, s18, $0x38;
	[tilespmem:$0x1CA80] =	vst v63  }
0x2c6: {  	p2 =	sne.s32 s24, $0x1  }
.Ltmp31:
0x2c7: {  	_ = 	snop;
	(pc) =	sbr.rel @!p2 .LBB2_46-.Ltmp31, $3  }
0x2c8: {  	s15 =	sld [smem:$0x7F4]  }
0x2c9: {  	s10 =	sld [smem:$0x7F5];
	_ =	sdelay $0x1  }
0x2ca: {  	s14 =	sadd.s32 $0xFFFFFFFF, s24;
	v0 =	vld [tilespmem:s15+$0x0]  }
.LBB2_45:
0x2cb: {  	p2 =	sne.s32 s14, $0x1;
	v1 =	vld [tilespmem:s10+$0x0];
	_ =	sdelay $0x3  }
0x2cc: {  	v2 =	vadd.s32 $0xFFFE1600, v0  }
0x2cd: {  	vm0 =	vgt.s32 v2, $0x0  }
0x2ce: {  	v2 =	vnsel vm0, $0x0, v2  }
0x2cf: {  	v2 =	vmin.u32 v2, $0x30FF  }
0x2d0: {  	v3 =	vshll.u32 v2, $0x1  }
0x2d1: {  	v2 =	vand.u32 $0x7F, v2;
	v3 =	vand.u32 $0x7F00, v3  }
0x2d2: {  	v2 =	vor.u32 v2, v3;
	_ =	sdelay $0x3  }
0x2d3: {  	v3 =	vshll.u32 v1, $0x1  }
0x2d4: {  	vm0 =	vgt.s32 v0, $0x1E9FF;
	v1 =	vand.u32 $0x7F, v1;
	v3 =	vand.u32 $0xFFFFFF00, v3;
	v0 =	vld.idx.msk [tilespmem:v2+s20+$0x0], $0xffff  }
0x2d5: {  	v1 =	vor.u32 v1, v3  }
0x2d6: {  	v2 =	vor.u32 $0x80, v2;
	_ =	sdelay $0x3  }
0x2d7: {  	[tilespmem:v1+s25+$0x0] =	vst.idx.msk vm0, v0  }
0x2d8: {  	v0 =	vld.idx.msk [tilespmem:v2+s20+$0x0], $0xffff  }
0x2d9: {  	v1 =	vor.u32 $0x80, v1;
	_ =	sdelay $0x1  }
.Ltmp32:
0x2da: {  	(pc) =	sbr.rel @p2 .LBB2_45-.Ltmp32, $3  }
0x2db: {  	_ =	sdelay $0x1  }
0x2dc: {  	s15 =	sadd.s32 $0x10, s15;
	[tilespmem:v1+s25+$0x0] =	vst.idx.msk vm0, v0  }
0x2dd: {  	s14 =	sadd.s32 $0xFFFFFFFF, s14;
	s10 =	sadd.s32 $0x10, s10;
	v0 =	vld [tilespmem:s15+$0x0]  }
.LBB2_46:
0x2de: {  	_ =	sdelay $0x3  }
0x2df: {  	v1 =	vadd.s32 $0xFFFE1600, v0  }
0x2e0: {  	vm0 =	vgt.s32 v1, $0x0  }
0x2e1: {  	v1 =	vnsel vm0, $0x0, v1  }
0x2e2: {  	v1 =	vmin.u32 v1, $0x30FF  }
0x2e3: {  	v2 =	vld [tilespmem:s10+$0x0];
	v3 =	vshll.u32 v1, $0x1  }
0x2e4: {  	v1 =	vand.u32 $0x7F, v1;
	v3 =	vand.u32 $0x7F00, v3  }
0x2e5: {  	v1 =	vor.u32 v1, v3;
	_ =	sdelay $0x2  }
0x2e6: {  	v60 =	vshll.u32 v2, $0x1  }
0x2e7: {  	vm15 =	vgt.s32 v0, $0x1E9FF;
	v61 =	vand.u32 $0x7F, v2;
	v62 =	vand.u32 $0xFFFFFF00, v60  }
0x2e8: {  	v0 =	vor.u32 v61, v62;
	v63 =	vld.idx.msk [tilespmem:v1+s20+$0x0], $0xffff  }
0x2e9: {  	v1 =	vor.u32 $0x80, v1;
	_ =	sdelay $0x3  }
0x2ea: {  	[tilespmem:v0+s25+$0x0] =	vst.idx.msk vm15, v63  }
0x2eb: {  	v0 =	vor.u32 $0x80, v0;
	v1 =	vld.idx.msk [tilespmem:v1+s20+$0x0], $0xffff;
	_ =	sdelay $0x4  }
0x2ec: {  	[tilespmem:v0+s25+$0x0] =	vst.idx.msk vm15, v1  }
.LBB2_47:
0x2ed: {  	_ =	swait.ge [sflag:s26], $0x3100  }
0x2ee: {  	[sflag:s26] =	ssyncset.done $0x0  }
0x2ef: {  	[sflag:s26] =	ssyncadd.s32 $0xFFFFCF00  }
0x2f0: {  	s3 =	sadd.s32 $0x126000, s6;
	_ =	swait.ge [sflag:s26], $0x3100  }
0x2f1: {  	s15 =	sadd.s32 $0x132400, s6;
	s3 =	sshrl.u32 s3, $0x3;
	[sflag:s26] =	ssyncset.done $0x0  }
.Ltmp33:
0x2f2: {  	s3 =	sadd.s32 s2, s3;
	[sflag:s26] =	ssyncadd.s32 $0xFFFFCF00;
	(pc) =	sbr.rel @p4 .LBB2_51-.Ltmp33, $4  }
0x2f3: {  	[tilespmem:s20], [sflag:$0x1] =	stream.strided.gather [hbm4b:s3+s18], $0x3100, s19, s18, $0x38;
	[tilespmem:$0x1CA80] =	vst v63  }
0x2f4: {  	s3 =	sshrl.u32 s15, $0x3  }
0x2f5: {  	s3 =	sadd.s32 s2, s3  }
0x2f6: {  	[tilespmem:s21], [sflag:$0x1] =	stream.strided.gather [hbm4b:s3+s18], $0x3100, s19, s18, $0x38;
	[tilespmem:$0x1CA80] =	vst v63  }
0x2f7: {  	s3 =	rddreg [dreg:$0x1e]  }
0x2f8: {  	p2 =	sne.s32 s3, $0x1  }
.Ltmp34:
0x2f9: {  	_ = 	snop;
	(pc) =	sbr.rel @!p2 .LBB2_50-.Ltmp34, $3  }
0x2fa: {  	s15 =	sld [smem:$0x7F6]  }
0x2fb: {  	s10 =	sld [smem:$0x7F7];
	_ =	sdelay $0x1  }
0x2fc: {  	s14 =	sadd.s32 $0xFFFFFFFF, s3;
	v0 =	vld [tilespmem:s15+$0x0]  }
.LBB2_49:
0x2fd: {  	p2 =	sne.s32 s14, $0x1;
	v1 =	vld [tilespmem:s10+$0x0];
	_ =	sdelay $0x3  }
0x2fe: {  	v2 =	vadd.s32 $0xFFFDE500, v0  }
0x2ff: {  	vm0 =	vgt.s32 v2, $0x0  }
0x300: {  	v2 =	vnsel vm0, $0x0, v2  }
0x301: {  	v2 =	vmin.u32 v2, $0x30FF  }
0x302: {  	v3 =	vshll.u32 v2, $0x1  }
0x303: {  	v2 =	vand.u32 $0x7F, v2;
	v3 =	vand.u32 $0x7F00, v3  }
0x304: {  	v2 =	vor.u32 v2, v3;
	_ =	sdelay $0x3  }
0x305: {  	v3 =	vshll.u32 v1, $0x1  }
0x306: {  	vm0 =	vgt.s32 v0, $0x21AFF;
	v1 =	vand.u32 $0x7F, v1;
	v3 =	vand.u32 $0xFFFFFF00, v3;
	v0 =	vld.idx.msk [tilespmem:v2+s23+$0x0], $0xffff  }
0x307: {  	v1 =	vor.u32 v1, v3  }
0x308: {  	v2 =	vor.u32 $0x80, v2;
	_ =	sdelay $0x3  }
0x309: {  	[tilespmem:v1+s25+$0x0] =	vst.idx.msk vm0, v0  }
0x30a: {  	v0 =	vld.idx.msk [tilespmem:v2+s23+$0x0], $0xffff  }
0x30b: {  	v1 =	vor.u32 $0x80, v1;
	_ =	sdelay $0x1  }
.Ltmp35:
0x30c: {  	(pc) =	sbr.rel @p2 .LBB2_49-.Ltmp35, $3  }
0x30d: {  	_ =	sdelay $0x1  }
0x30e: {  	s15 =	sadd.s32 $0x10, s15;
	[tilespmem:v1+s25+$0x0] =	vst.idx.msk vm0, v0  }
0x30f: {  	s14 =	sadd.s32 $0xFFFFFFFF, s14;
	s10 =	sadd.s32 $0x10, s10;
	v0 =	vld [tilespmem:s15+$0x0]  }
.LBB2_50:
0x310: {  	_ =	sdelay $0x3  }
0x311: {  	v1 =	vadd.s32 $0xFFFDE500, v0  }
0x312: {  	vm0 =	vgt.s32 v1, $0x0  }
0x313: {  	v1 =	vnsel vm0, $0x0, v1  }
0x314: {  	v1 =	vmin.u32 v1, $0x30FF  }
0x315: {  	v2 =	vld [tilespmem:s10+$0x0];
	v3 =	vshll.u32 v1, $0x1  }
0x316: {  	v1 =	vand.u32 $0x7F, v1;
	v3 =	vand.u32 $0x7F00, v3  }
0x317: {  	v1 =	vor.u32 v1, v3;
	_ =	sdelay $0x2  }
0x318: {  	v60 =	vshll.u32 v2, $0x1  }
0x319: {  	vm15 =	vgt.s32 v0, $0x21AFF;
	v61 =	vand.u32 $0x7F, v2;
	v62 =	vand.u32 $0xFFFFFF00, v60  }
0x31a: {  	v0 =	vor.u32 v61, v62;
	v63 =	vld.idx.msk [tilespmem:v1+s23+$0x0], $0xffff  }
0x31b: {  	v1 =	vor.u32 $0x80, v1;
	_ =	sdelay $0x3  }
0x31c: {  	[tilespmem:v0+s25+$0x0] =	vst.idx.msk vm15, v63  }
0x31d: {  	v0 =	vor.u32 $0x80, v0;
	v1 =	vld.idx.msk [tilespmem:v1+s23+$0x0], $0xffff;
	_ =	sdelay $0x4  }
0x31e: {  	[tilespmem:v0+s25+$0x0] =	vst.idx.msk vm15, v1  }
.LBB2_51:
0x31f: {  	_ =	swait.ge [sflag:s22], $0x3100  }
0x320: {  	[sflag:s22] =	ssyncset.done $0x0  }
0x321: {  	[sflag:s22] =	ssyncadd.s32 $0xFFFFCF00  }
0x322: {  	s3 =	sadd.s32 $0x13E800, s6;
	_ =	swait.ge [sflag:s22], $0x3100  }
0x323: {  	s15 =	sadd.s32 $0x14AC00, s6;
	s3 =	sshrl.u32 s3, $0x3;
	[sflag:s22] =	ssyncset.done $0x0  }
.Ltmp36:
0x324: {  	s3 =	sadd.s32 s2, s3;
	[sflag:s22] =	ssyncadd.s32 $0xFFFFCF00;
	(pc) =	sbr.rel @p5 .LBB2_55-.Ltmp36, $4  }
0x325: {  	[tilespmem:s23], [sflag:$0x2] =	stream.strided.gather [hbm4b:s3+s18], $0x3100, s19, s18, $0x38;
	[tilespmem:$0x1CA80] =	vst v63  }
0x326: {  	s3 =	sshrl.u32 s15, $0x3  }
0x327: {  	s3 =	sadd.s32 s2, s3  }
0x328: {  	[tilespmem:s13], [sflag:$0x2] =	stream.strided.gather [hbm4b:s3+s18], $0x3100, s19, s18, $0x38;
	[tilespmem:$0x1CA80] =	vst v63  }
0x329: {  	p2 =	sne.s32 s9, $0x1  }
.Ltmp37:
0x32a: {  	_ = 	snop;
	(pc) =	sbr.rel @!p2 .LBB2_54-.Ltmp37, $3  }
0x32b: {  	s15 =	sld [smem:$0x7F8]  }
0x32c: {  	s10 =	sld [smem:$0x7F9];
	_ =	sdelay $0x1  }
0x32d: {  	s14 =	sadd.s32 $0xFFFFFFFF, s9;
	v0 =	vld [tilespmem:s15+$0x0]  }
.LBB2_53:
0x32e: {  	p2 =	sne.s32 s14, $0x1;
	v1 =	vld [tilespmem:s10+$0x0];
	_ =	sdelay $0x3  }
0x32f: {  	v2 =	vadd.s32 $0xFFFDB400, v0  }
0x330: {  	vm0 =	vgt.s32 v2, $0x0  }
0x331: {  	v2 =	vnsel vm0, $0x0, v2  }
0x332: {  	v2 =	vmin.u32 v2, $0x30FF  }
0x333: {  	v3 =	vshll.u32 v2, $0x1  }
0x334: {  	v2 =	vand.u32 $0x7F, v2;
	v3 =	vand.u32 $0x7F00, v3  }
0x335: {  	v2 =	vor.u32 v2, v3;
	_ =	sdelay $0x3  }
0x336: {  	v3 =	vshll.u32 v1, $0x1  }
0x337: {  	vm0 =	vgt.s32 v0, $0x24BFF;
	v1 =	vand.u32 $0x7F, v1;
	v3 =	vand.u32 $0xFFFFFF00, v3;
	v0 =	vld.idx.msk [tilespmem:v2+s20+$0x0], $0xffff  }
0x338: {  	v1 =	vor.u32 v1, v3  }
0x339: {  	v2 =	vor.u32 $0x80, v2;
	_ =	sdelay $0x3  }
0x33a: {  	[tilespmem:v1+s25+$0x0] =	vst.idx.msk vm0, v0  }
0x33b: {  	v0 =	vld.idx.msk [tilespmem:v2+s20+$0x0], $0xffff  }
0x33c: {  	v1 =	vor.u32 $0x80, v1;
	_ =	sdelay $0x1  }
.Ltmp38:
0x33d: {  	(pc) =	sbr.rel @p2 .LBB2_53-.Ltmp38, $3  }
0x33e: {  	_ =	sdelay $0x1  }
0x33f: {  	s15 =	sadd.s32 $0x10, s15;
	[tilespmem:v1+s25+$0x0] =	vst.idx.msk vm0, v0  }
0x340: {  	s14 =	sadd.s32 $0xFFFFFFFF, s14;
	s10 =	sadd.s32 $0x10, s10;
	v0 =	vld [tilespmem:s15+$0x0]  }
.LBB2_54:
0x341: {  	_ =	sdelay $0x3  }
0x342: {  	v1 =	vadd.s32 $0xFFFDB400, v0  }
0x343: {  	vm0 =	vgt.s32 v1, $0x0  }
0x344: {  	v1 =	vnsel vm0, $0x0, v1  }
0x345: {  	v1 =	vmin.u32 v1, $0x30FF  }
0x346: {  	v2 =	vld [tilespmem:s10+$0x0];
	v3 =	vshll.u32 v1, $0x1  }
0x347: {  	v1 =	vand.u32 $0x7F, v1;
	v3 =	vand.u32 $0x7F00, v3  }
0x348: {  	v1 =	vor.u32 v1, v3;
	_ =	sdelay $0x2  }
0x349: {  	v60 =	vshll.u32 v2, $0x1  }
0x34a: {  	vm15 =	vgt.s32 v0, $0x24BFF;
	v61 =	vand.u32 $0x7F, v2;
	v62 =	vand.u32 $0xFFFFFF00, v60  }
0x34b: {  	v0 =	vor.u32 v61, v62;
	v63 =	vld.idx.msk [tilespmem:v1+s20+$0x0], $0xffff  }
0x34c: {  	v1 =	vor.u32 $0x80, v1;
	_ =	sdelay $0x3  }
0x34d: {  	[tilespmem:v0+s25+$0x0] =	vst.idx.msk vm15, v63  }
0x34e: {  	v0 =	vor.u32 $0x80, v0;
	v1 =	vld.idx.msk [tilespmem:v1+s20+$0x0], $0xffff;
	_ =	sdelay $0x4  }
0x34f: {  	[tilespmem:v0+s25+$0x0] =	vst.idx.msk vm15, v1  }
.LBB2_55:
0x350: {  	_ =	swait.ge [sflag:s26], $0x3100  }
0x351: {  	[sflag:s26] =	ssyncset.done $0x0  }
0x352: {  	[sflag:s26] =	ssyncadd.s32 $0xFFFFCF00  }
0x353: {  	s3 =	sadd.s32 $0x157000, s6;
	_ =	swait.ge [sflag:s26], $0x3100  }
0x354: {  	s15 =	sadd.s32 $0x163400, s6;
	s3 =	sshrl.u32 s3, $0x3;
	[sflag:s26] =	ssyncset.done $0x0  }
.Ltmp39:
0x355: {  	s3 =	sadd.s32 s2, s3;
	[sflag:s26] =	ssyncadd.s32 $0xFFFFCF00;
	(pc) =	sbr.rel @p6 .LBB2_59-.Ltmp39, $4  }
0x356: {  	[tilespmem:s20], [sflag:$0x1] =	stream.strided.gather [hbm4b:s3+s18], $0x3100, s19, s18, $0x38;
	[tilespmem:$0x1CA80] =	vst v63  }
0x357: {  	s3 =	sshrl.u32 s15, $0x3  }
0x358: {  	s3 =	sadd.s32 s2, s3  }
0x359: {  	[tilespmem:s21], [sflag:$0x1] =	stream.strided.gather [hbm4b:s3+s18], $0x3100, s19, s18, $0x38;
	[tilespmem:$0x1CA80] =	vst v63  }
0x35a: {  	p2 =	sne.s32 s7, $0x1  }
.Ltmp40:
0x35b: {  	_ = 	snop;
	(pc) =	sbr.rel @!p2 .LBB2_58-.Ltmp40, $3  }
0x35c: {  	s15 =	sld [smem:$0x7FA]  }
0x35d: {  	s10 =	sld [smem:$0x7FB];
	_ =	sdelay $0x1  }
0x35e: {  	s14 =	sadd.s32 $0xFFFFFFFF, s7;
	v0 =	vld [tilespmem:s15+$0x0]  }
.LBB2_57:
0x35f: {  	p2 =	sne.s32 s14, $0x1;
	v1 =	vld [tilespmem:s10+$0x0];
	_ =	sdelay $0x3  }
0x360: {  	v2 =	vadd.s32 $0xFFFD8300, v0  }
0x361: {  	vm0 =	vgt.s32 v2, $0x0  }
0x362: {  	v2 =	vnsel vm0, $0x0, v2  }
0x363: {  	v2 =	vmin.u32 v2, $0x30FF  }
0x364: {  	v3 =	vshll.u32 v2, $0x1  }
0x365: {  	v2 =	vand.u32 $0x7F, v2;
	v3 =	vand.u32 $0x7F00, v3  }
0x366: {  	v2 =	vor.u32 v2, v3;
	_ =	sdelay $0x3  }
0x367: {  	v3 =	vshll.u32 v1, $0x1  }
0x368: {  	vm0 =	vgt.s32 v0, $0x27CFF;
	v1 =	vand.u32 $0x7F, v1;
	v3 =	vand.u32 $0xFFFFFF00, v3;
	v0 =	vld.idx.msk [tilespmem:v2+s23+$0x0], $0xffff  }
0x369: {  	v1 =	vor.u32 v1, v3  }
0x36a: {  	v2 =	vor.u32 $0x80, v2;
	_ =	sdelay $0x3  }
0x36b: {  	[tilespmem:v1+s25+$0x0] =	vst.idx.msk vm0, v0  }
0x36c: {  	v0 =	vld.idx.msk [tilespmem:v2+s23+$0x0], $0xffff  }
0x36d: {  	v1 =	vor.u32 $0x80, v1;
	_ =	sdelay $0x1  }
.Ltmp41:
0x36e: {  	(pc) =	sbr.rel @p2 .LBB2_57-.Ltmp41, $3  }
0x36f: {  	_ =	sdelay $0x1  }
0x370: {  	s15 =	sadd.s32 $0x10, s15;
	[tilespmem:v1+s25+$0x0] =	vst.idx.msk vm0, v0  }
0x371: {  	s14 =	sadd.s32 $0xFFFFFFFF, s14;
	s10 =	sadd.s32 $0x10, s10;
	v0 =	vld [tilespmem:s15+$0x0]  }
.LBB2_58:
0x372: {  	_ =	sdelay $0x3  }
0x373: {  	v1 =	vadd.s32 $0xFFFD8300, v0  }
0x374: {  	vm0 =	vgt.s32 v1, $0x0  }
0x375: {  	v1 =	vnsel vm0, $0x0, v1  }
0x376: {  	v1 =	vmin.u32 v1, $0x30FF  }
0x377: {  	v2 =	vld [tilespmem:s10+$0x0];
	v3 =	vshll.u32 v1, $0x1  }
0x378: {  	v1 =	vand.u32 $0x7F, v1;
	v3 =	vand.u32 $0x7F00, v3  }
0x379: {  	v1 =	vor.u32 v1, v3;
	_ =	sdelay $0x2  }
0x37a: {  	v60 =	vshll.u32 v2, $0x1  }
0x37b: {  	vm15 =	vgt.s32 v0, $0x27CFF;
	v61 =	vand.u32 $0x7F, v2;
	v62 =	vand.u32 $0xFFFFFF00, v60  }
0x37c: {  	v0 =	vor.u32 v61, v62;
	v63 =	vld.idx.msk [tilespmem:v1+s23+$0x0], $0xffff  }
0x37d: {  	v1 =	vor.u32 $0x80, v1;
	_ =	sdelay $0x3  }
0x37e: {  	[tilespmem:v0+s25+$0x0] =	vst.idx.msk vm15, v63  }
0x37f: {  	v0 =	vor.u32 $0x80, v0;
	v1 =	vld.idx.msk [tilespmem:v1+s23+$0x0], $0xffff;
	_ =	sdelay $0x4  }
0x380: {  	[tilespmem:v0+s25+$0x0] =	vst.idx.msk vm15, v1  }
.LBB2_59:
0x381: {  	_ =	swait.ge [sflag:s22], $0x3100  }
0x382: {  	[sflag:s22] =	ssyncset.done $0x0  }
0x383: {  	[sflag:s22] =	ssyncadd.s32 $0xFFFFCF00  }
0x384: {  	s3 =	sadd.s32 $0x16F800, s6;
	_ =	swait.ge [sflag:s22], $0x3100  }
0x385: {  	s15 =	sadd.s32 $0x17C000, s6;
	s3 =	sshrl.u32 s3, $0x3;
	[sflag:s22] =	ssyncset.done $0x0  }
.Ltmp42:
0x386: {  	s3 =	sadd.s32 s2, s3;
	[sflag:s22] =	ssyncadd.s32 $0xFFFFCF00;
	(pc) =	sbr.rel @p0 .LBB2_63-.Ltmp42, $4  }
0x387: {  	[tilespmem:s23], [sflag:$0x2] =	stream.strided.gather [hbm4b:s3+s18], $0x3200, s19, s18, $0x38;
	[tilespmem:$0x1CA80] =	vst v63  }
0x388: {  	s3 =	sshrl.u32 s15, $0x3  }
0x389: {  	s4 =	simm.s32 $0x11780;
	s3 =	sadd.s32 s2, s3  }
0x38a: {  	[tilespmem:s4], [sflag:$0x2] =	stream.strided.gather [hbm4b:s3+s18], $0x3300, s19, s18, $0x38;
	[tilespmem:$0x1CA80] =	vst v63  }
0x38b: {  	s3 =	sld [smem:$0x7E5];
	_ =	sdelay $0x2  }
0x38c: {  	p2 =	sne.s32 s3, $0x1  }
.Ltmp43:
0x38d: {  	_ = 	snop;
	(pc) =	sbr.rel @!p2 .LBB2_62-.Ltmp43, $3  }
0x38e: {  	_ = 	snop  }
0x38f: {  	s6 =	sld [smem:$0x7FC];
	_ =	sdelay $0x1  }
0x390: {  	v0 =	vld [tilespmem:s0+$0x0];
	s14 =	smov.u32 s0;
	s10 =	sadd.s32 $0xFFFFFFFF, s3  }
.LBB2_61:
0x391: {  	p2 =	sne.s32 s10, $0x1;
	v1 =	vld [tilespmem:s6+$0x0];
	_ =	sdelay $0x3  }
0x392: {  	v2 =	vadd.s32 $0xFFFD5200, v0  }
0x393: {  	vm0 =	vgt.s32 v2, $0x0  }
0x394: {  	v2 =	vnsel vm0, $0x0, v2  }
0x395: {  	v2 =	vmin.u32 v2, $0x30FF  }
0x396: {  	v3 =	vshll.u32 v2, $0x1  }
0x397: {  	v2 =	vand.u32 $0x7F, v2;
	v3 =	vand.u32 $0x7F00, v3  }
0x398: {  	v2 =	vor.u32 v2, v3;
	_ =	sdelay $0x3  }
0x399: {  	v3 =	vshll.u32 v1, $0x1  }
0x39a: {  	vm0 =	vgt.s32 v0, $0x2ADFF;
	v1 =	vand.u32 $0x7F, v1;
	v3 =	vand.u32 $0xFFFFFF00, v3;
	v0 =	vld.idx.msk [tilespmem:v2+s20+$0x0], $0xffff  }
0x39b: {  	v1 =	vor.u32 v1, v3  }
0x39c: {  	v2 =	vor.u32 $0x80, v2;
	_ =	sdelay $0x3  }
0x39d: {  	[tilespmem:v1+s25+$0x0] =	vst.idx.msk vm0, v0  }
0x39e: {  	v0 =	vld.idx.msk [tilespmem:v2+s20+$0x0], $0xffff  }
0x39f: {  	v1 =	vor.u32 $0x80, v1;
	_ =	sdelay $0x1  }
.Ltmp44:
0x3a0: {  	(pc) =	sbr.rel @p2 .LBB2_61-.Ltmp44, $3  }
0x3a1: {  	_ =	sdelay $0x1  }
0x3a2: {  	s14 =	sadd.s32 $0x10, s14;
	[tilespmem:v1+s25+$0x0] =	vst.idx.msk vm0, v0  }
0x3a3: {  	s10 =	sadd.s32 $0xFFFFFFFF, s10;
	s6 =	sadd.s32 $0x10, s6;
	v0 =	vld [tilespmem:s14+$0x0]  }
.LBB2_62:
0x3a4: {  	_ =	sdelay $0x3  }
0x3a5: {  	v1 =	vadd.s32 $0xFFFD5200, v0  }
0x3a6: {  	vm0 =	vgt.s32 v1, $0x0  }
0x3a7: {  	v1 =	vnsel vm0, $0x0, v1  }
0x3a8: {  	v1 =	vmin.u32 v1, $0x30FF  }
0x3a9: {  	v2 =	vld [tilespmem:s6+$0x0];
	v3 =	vshll.u32 v1, $0x1  }
0x3aa: {  	v1 =	vand.u32 $0x7F, v1;
	v3 =	vand.u32 $0x7F00, v3  }
0x3ab: {  	v1 =	vor.u32 v1, v3;
	_ =	sdelay $0x2  }
0x3ac: {  	v60 =	vshll.u32 v2, $0x1  }
0x3ad: {  	vm15 =	vgt.s32 v0, $0x2ADFF;
	v61 =	vand.u32 $0x7F, v2;
	v62 =	vand.u32 $0xFFFFFF00, v60  }
0x3ae: {  	v0 =	vor.u32 v61, v62;
	v63 =	vld.idx.msk [tilespmem:v1+s20+$0x0], $0xffff  }
0x3af: {  	v1 =	vor.u32 $0x80, v1;
	_ =	sdelay $0x3  }
0x3b0: {  	[tilespmem:v0+s25+$0x0] =	vst.idx.msk vm15, v63  }
0x3b1: {  	v0 =	vor.u32 $0x80, v0;
	v1 =	vld.idx.msk [tilespmem:v1+s20+$0x0], $0xffff;
	_ =	sdelay $0x4  }
0x3b2: {  	[tilespmem:v0+s25+$0x0] =	vst.idx.msk vm15, v1  }
.LBB2_63:
0x3b3: {  	s6 =	sadd.s32 $0x1, s17;
	p2 =	seq.s32 s17, $0x2C  }
0x3b4: {  	s3 =	sshll.u32 @!p2 s6, $0x1  }
0x3b5: {  	_ =	swait.ge [sflag:s26], $0x3200;
	s3 =	sadd.s32 @!p2 s29, s3  }
0x3b6: {  	[sflag:s26] =	ssyncset.done $0x0;
	s10 =	simm.s32 @!p2 $0x100;
	s4 =	sshrl.u32 @!p2 s3, $0x3  }
0x3b7: {  	[sflag:s26] =	ssyncadd.s32 $0xFFFFCE00;
	s3 =	sshll.u32 @!p2 s3, $0x7;
	s4 =	smul.u32 @!p2 $0x188C00, s4  }
0x3b8: {  	s11 =	simm.s32 @!p2 $0x400;
	_ =	swait.ge [sflag:s26], $0x3300;
	s3 =	sand.u32 @!p2 $0x300, s3  }
0x3b9: {  	s14 =	simm.s32 @!p2 $0x8080;
	[sflag:s26] =	ssyncset.done $0x0;
	s3 =	sor.u32 @!p2 s3, s4  }
.Ltmp45:
0x3ba: {  	s4 =	sshrl.u32 @!p2 s3, $0x3;
	s3 =	sadd.s32 @!p2 $0xC400, s3;
	(pc) =	sbr.rel @p1 .LBB2_67-.Ltmp45, $4  }
0x3bb: {  	[sflag:s26] =	ssyncadd.s32 $0xFFFFCD00;
	s4 =	sadd.s32 @!p2 s2, s4;
	s3 =	sshrl.u32 @!p2 s3, $0x3  }
0x3bc: {  	[tilespmem:s14], [sflag:$0x1] =	stream.strided.gather @!p2 [hbm4b:s4+s10], $0x3100, s11, s10, $0x38;
	[tilespmem:$0x1CA80] =	vst v63  }
0x3bd: {  	s3 =	sadd.s32 @!p2 s2, s3;
	s4 =	simm.s32 @!p2 $0xB180  }
0x3be: {  	[tilespmem:s4], [sflag:$0x1] =	stream.strided.gather @!p2 [hbm4b:s3+s10], $0x3100, s11, s10, $0x38;
	[tilespmem:$0x1CA80] =	vst v63  }
0x3bf: {  	s3 =	sld [smem:$0x7E6];
	_ =	sdelay $0x2  }
0x3c0: {  	p2 =	sne.s32 s3, $0x1  }
.Ltmp46:
0x3c1: {  	_ = 	snop;
	(pc) =	sbr.rel @!p2 .LBB2_66-.Ltmp46, $3  }
0x3c2: {  	_ = 	snop  }
0x3c3: {  	s10 =	sld [smem:$0x7FD];
	_ =	sdelay $0x1  }
0x3c4: {  	v0 =	vld [tilespmem:s1+$0x0];
	s15 =	smov.u32 s1;
	s14 =	sadd.s32 $0xFFFFFFFF, s3  }
.LBB2_65:
0x3c5: {  	p2 =	sne.s32 s14, $0x1;
	v1 =	vld [tilespmem:s10+$0x0];
	_ =	sdelay $0x3  }
0x3c6: {  	v2 =	vadd.s32 $0xFFFD2100, v0  }
0x3c7: {  	vm0 =	vgt.s32 v2, $0x0  }
0x3c8: {  	v2 =	vnsel vm0, $0x0, v2  }
0x3c9: {  	v2 =	vmin.u32 v2, $0x327F  }
0x3ca: {  	v3 =	vshll.u32 v2, $0x1  }
0x3cb: {  	v2 =	vand.u32 $0x7F, v2;
	v3 =	vand.u32 $0x7F00, v3  }
0x3cc: {  	v2 =	vor.u32 v2, v3;
	_ =	sdelay $0x3  }
0x3cd: {  	v3 =	vshll.u32 v1, $0x1  }
0x3ce: {  	vm0 =	vgt.s32 v0, $0x2DEFF;
	v1 =	vand.u32 $0x7F, v1;
	v3 =	vand.u32 $0xFFFFFF00, v3;
	v0 =	vld.idx.msk [tilespmem:v2+s23+$0x0], $0xffff  }
0x3cf: {  	v1 =	vor.u32 v1, v3  }
0x3d0: {  	v2 =	vor.u32 $0x80, v2;
	_ =	sdelay $0x3  }
0x3d1: {  	[tilespmem:v1+s25+$0x0] =	vst.idx.msk vm0, v0  }
0x3d2: {  	v0 =	vld.idx.msk [tilespmem:v2+s23+$0x0], $0xffff  }
0x3d3: {  	v1 =	vor.u32 $0x80, v1;
	_ =	sdelay $0x1  }
.Ltmp47:
0x3d4: {  	(pc) =	sbr.rel @p2 .LBB2_65-.Ltmp47, $3  }
0x3d5: {  	_ =	sdelay $0x1  }
0x3d6: {  	s15 =	sadd.s32 $0x10, s15;
	[tilespmem:v1+s25+$0x0] =	vst.idx.msk vm0, v0  }
0x3d7: {  	s14 =	sadd.s32 $0xFFFFFFFF, s14;
	s10 =	sadd.s32 $0x10, s10;
	v0 =	vld [tilespmem:s15+$0x0]  }
.LBB2_66:
0x3d8: {  	_ =	sdelay $0x3  }
0x3d9: {  	v1 =	vadd.s32 $0xFFFD2100, v0  }
0x3da: {  	vm0 =	vgt.s32 v1, $0x0  }
0x3db: {  	v1 =	vnsel vm0, $0x0, v1  }
0x3dc: {  	v1 =	vmin.u32 v1, $0x327F  }
0x3dd: {  	v2 =	vld [tilespmem:s10+$0x0];
	v3 =	vshll.u32 v1, $0x1  }
0x3de: {  	v1 =	vand.u32 $0x7F, v1;
	v3 =	vand.u32 $0x7F00, v3  }
0x3df: {  	v1 =	vor.u32 v1, v3;
	_ =	sdelay $0x2  }
0x3e0: {  	v60 =	vshll.u32 v2, $0x1  }
0x3e1: {  	vm15 =	vgt.s32 v0, $0x2DEFF;
	v61 =	vand.u32 $0x7F, v2;
	v62 =	vand.u32 $0xFFFFFF00, v60  }
0x3e2: {  	v0 =	vor.u32 v61, v62;
	v63 =	vld.idx.msk [tilespmem:v1+s23+$0x0], $0xffff  }
0x3e3: {  	v1 =	vor.u32 $0x80, v1;
	_ =	sdelay $0x3  }
0x3e4: {  	[tilespmem:v0+s25+$0x0] =	vst.idx.msk vm15, v63  }
0x3e5: {  	v0 =	vor.u32 $0x80, v0;
	v1 =	vld.idx.msk [tilespmem:v1+s23+$0x0], $0xffff;
	_ =	sdelay $0x4  }
0x3e6: {  	[tilespmem:v0+s25+$0x0] =	vst.idx.msk vm15, v1  }
.LBB2_67:
0x3e7: {  	s3 =	sshll.u32 s30, $0xF  }
0x3e8: {  	s3 =	sor.u32 s16, s3  }
0x3e9: {  	s4 =	rddreg [dreg:$0x2];
	s3 =	sshrl.u32 s3, $0x3  }
0x3ea: {  	s14 =	simm.s32 $0x14A80;
	s10 =	sadd.s32 s4, s3  }
0x3eb: {  	s15 =	simm.s32 $0x80;
	s16 =	simm.s32 $0x14B80;
	s17 =	sadd.s32 $0x0, s10  }
.LBB2_68:
0x3ec: {  	[hbm4b:s17+s5] =	stream.linear.scatter [tilespmem:s14], [sflag:$0x3], $0x80, $0x38;
	[tilespmem:$0x1CA80] =	vst v63  }
0x3ed: {  	s3 =	smov.u32 s15;
	s14 =	smov.u32 s16;
	p2 =	sne.s32 s15, $0xF80  }
.Ltmp48:
0x3ee: {  	s15 =	sadd.s32 $0x80, s15;
	(pc) =	sbr.rel @p2 .LBB2_68-.Ltmp48, $2  }
0x3ef: {  	_ =	sdelay $0x2  }
0x3f0: {  	s16 =	sadd.s32 $0x100, s16;
	s17 =	sadd.s32 s3, s10  }
0x3f1: {  	[hbm4b:s17+s5] =	stream.linear.scatter [tilespmem:s14], [sflag:$0x3], $0x80, $0x38;
	[tilespmem:$0x1CA80] =	vst v63  }
0x3f2: {  	s3 =	sshll.u32 s28, $0x9  }
0x3f3: {  	s14 =	sshll.u32 s28, $0x4;
	s15 =	rddreg [dreg:$0xa];
	s16 =	sand.u32 $0xFFFF000, s3  }
0x3f4: {  	s17 =	sand.u32 $0x60, s14;
	s3 =	sadd.s32 s16, s15  }
0x3f5: {  	s30 =	simm.s32 $0x16B80;
	s10 =	sadd.s32 s17, s3  }
0x3f6: {  	s14 =	simm.s32 $0x16A80;
	s15 =	simm.s32 $0x80;
	s11 =	sadd.s32 $0x0, s10  }
.LBB2_70:
0x3f7: {  	[hbm4b:s11+s5] =	stream.linear.scatter [tilespmem:s14], [sflag:$0x3], $0x80, $0x38;
	[tilespmem:$0x1CA80] =	vst v63  }
0x3f8: {  	s3 =	smov.u32 s15;
	s14 =	smov.u32 s30;
	p2 =	sne.s32 s15, $0xF80  }
.Ltmp49:
0x3f9: {  	s15 =	sadd.s32 $0x80, s15;
	(pc) =	sbr.rel @p2 .LBB2_70-.Ltmp49, $2  }
0x3fa: {  	_ =	sdelay $0x2  }
0x3fb: {  	s30 =	sadd.s32 $0x100, s30;
	s11 =	sadd.s32 s3, s10  }
0x3fc: {  	[hbm4b:s11+s5] =	stream.linear.scatter [tilespmem:s14], [sflag:$0x3], $0x80, $0x38;
	[tilespmem:$0x1CA80] =	vst v63  }
0x3fd: {  	s3 =	rddreg [dreg:$0xb]  }
0x3fe: {  	s3 =	sadd.s32 s16, s3  }
0x3ff: {  	s14 =	simm.s32 $0x18A80;
	s10 =	sadd.s32 s17, s3  }
0x400: {  	s15 =	simm.s32 $0x80;
	s30 =	simm.s32 $0x18B80;
	s11 =	sadd.s32 $0x0, s10  }
.LBB2_72:
0x401: {  	[hbm4b:s11+s5] =	stream.linear.scatter [tilespmem:s14], [sflag:$0x3], $0x80, $0x38;
	[tilespmem:$0x1CA80] =	vst v63  }
0x402: {  	s3 =	smov.u32 s15;
	s14 =	smov.u32 s30;
	p2 =	sne.s32 s15, $0xF80  }
.Ltmp50:
0x403: {  	s15 =	sadd.s32 $0x80, s15;
	(pc) =	sbr.rel @p2 .LBB2_72-.Ltmp50, $2  }
0x404: {  	_ =	sdelay $0x2  }
0x405: {  	s30 =	sadd.s32 $0x100, s30;
	s11 =	sadd.s32 s3, s10  }
0x406: {  	[hbm4b:s11+s5] =	stream.linear.scatter [tilespmem:s14], [sflag:$0x3], $0x80, $0x38;
	[tilespmem:$0x1CA80] =	vst v63  }
0x407: {  	s3 =	rddreg [dreg:$0xc]  }
0x408: {  	s3 =	sadd.s32 s16, s3  }
0x409: {  	s14 =	simm.s32 $0x1AA80;
	s10 =	sadd.s32 s17, s3  }
0x40a: {  	s15 =	simm.s32 $0x80;
	s30 =	simm.s32 $0x1AB80;
	s11 =	sadd.s32 $0x0, s10  }
.LBB2_74:
0x40b: {  	[hbm4b:s11+s5] =	stream.linear.scatter [tilespmem:s14], [sflag:$0x3], $0x80, $0x38;
	[tilespmem:$0x1CA80] =	vst v63  }
0x40c: {  	s3 =	smov.u32 s15;
	s14 =	smov.u32 s30;
	p2 =	sne.s32 s15, $0xF80  }
.Ltmp51:
0x40d: {  	s15 =	sadd.s32 $0x80, s15;
	(pc) =	sbr.rel @p2 .LBB2_74-.Ltmp51, $2  }
0x40e: {  	_ =	sdelay $0x2  }
0x40f: {  	s30 =	sadd.s32 $0x100, s30;
	s11 =	sadd.s32 s3, s10  }
0x410: {  	[hbm4b:s11+s5] =	stream.linear.scatter [tilespmem:s14], [sflag:$0x3], $0x80, $0x38;
	[tilespmem:$0x1CA80] =	vst v63  }
0x411: {  	s30 =	rddreg [dreg:$0x2]  }
0x412: {  	s3 =	sadd.s32 s30, s16  }
0x413: {  	s3 =	sadd.s32 s17, s3  }
0x414: {  	s14 =	simm.s32 $0x14B00;
	s10 =	sadd.s32 $0x10, s3  }
0x415: {  	s15 =	simm.s32 $0x80;
	s16 =	simm.s32 $0x14C00;
	s11 =	sadd.s32 $0x0, s10  }
.LBB2_76:
0x416: {  	[hbm4b:s11+s5] =	stream.linear.scatter [tilespmem:s14], [sflag:$0x3], $0x80, $0x38;
	[tilespmem:$0x1CA80] =	vst v63  }
0x417: {  	s3 =	smov.u32 s15;
	s14 =	smov.u32 s16;
	p2 =	sne.s32 s15, $0xF80  }
.Ltmp52:
0x418: {  	s15 =	sadd.s32 $0x80, s15;
	(pc) =	sbr.rel @p2 .LBB2_76-.Ltmp52, $2  }
0x419: {  	_ =	sdelay $0x2  }
0x41a: {  	s16 =	sadd.s32 $0x100, s16;
	s11 =	sadd.s32 s3, s10  }
0x41b: {  	[hbm4b:s11+s5] =	stream.linear.scatter [tilespmem:s14], [sflag:$0x3], $0x80, $0x38;
	[tilespmem:$0x1CA80] =	vst v63  }
0x41c: {  	s3 =	sadd.s32 $0xB41, s28  }
0x41d: {  	s4 =	sshll.u32 s3, $0x4  }
0x41e: {  	s3 =	sshll.u32 s3, $0x9;
	s4 =	sand.u32 $0x70, s4  }
0x41f: {  	s3 =	sand.u32 $0xFFFF000, s3;
	s4 =	sadd.s32 s30, s4  }
0x420: {  	s14 =	simm.s32 $0x16B00;
	s10 =	sadd.s32 s3, s4  }
0x421: {  	s15 =	simm.s32 $0x80;
	s16 =	simm.s32 $0x16C00;
	s11 =	sadd.s32 $0x0, s10  }
.LBB2_78:
0x422: {  	[hbm4b:s11+s5] =	stream.linear.scatter [tilespmem:s14], [sflag:$0x3], $0x80, $0x38;
	[tilespmem:$0x1CA80] =	vst v63  }
0x423: {  	s3 =	smov.u32 s15;
	s14 =	smov.u32 s16;
	p2 =	sne.s32 s15, $0xF80  }
.Ltmp53:
0x424: {  	s15 =	sadd.s32 $0x80, s15;
	(pc) =	sbr.rel @p2 .LBB2_78-.Ltmp53, $2  }
0x425: {  	_ =	sdelay $0x2  }
0x426: {  	s16 =	sadd.s32 $0x100, s16;
	s11 =	sadd.s32 s3, s10  }
0x427: {  	[hbm4b:s11+s5] =	stream.linear.scatter [tilespmem:s14], [sflag:$0x3], $0x80, $0x38;
	[tilespmem:$0x1CA80] =	vst v63  }
0x428: {  	s3 =	sadd.s32 $0x1681, s28  }
0x429: {  	s4 =	sshll.u32 s3, $0x4  }
0x42a: {  	s3 =	sshll.u32 s3, $0x9;
	s4 =	sand.u32 $0x70, s4  }
0x42b: {  	s3 =	sand.u32 $0xFFFF000, s3;
	s4 =	sadd.s32 s30, s4  }
0x42c: {  	s14 =	simm.s32 $0x18B00;
	s10 =	sadd.s32 s3, s4  }
0x42d: {  	s15 =	simm.s32 $0x80;
	s16 =	simm.s32 $0x18C00;
	s11 =	sadd.s32 $0x0, s10  }
.LBB2_80:
0x42e: {  	[hbm4b:s11+s5] =	stream.linear.scatter [tilespmem:s14], [sflag:$0x3], $0x80, $0x38;
	[tilespmem:$0x1CA80] =	vst v63  }
0x42f: {  	s3 =	smov.u32 s15;
	s14 =	smov.u32 s16;
	p2 =	sne.s32 s15, $0xF80  }
.Ltmp54:
0x430: {  	s15 =	sadd.s32 $0x80, s15;
	(pc) =	sbr.rel @p2 .LBB2_80-.Ltmp54, $2  }
0x431: {  	_ =	sdelay $0x2  }
0x432: {  	s16 =	sadd.s32 $0x100, s16;
	s11 =	sadd.s32 s3, s10  }
0x433: {  	[hbm4b:s11+s5] =	stream.linear.scatter [tilespmem:s14], [sflag:$0x3], $0x80, $0x38;
	[tilespmem:$0x1CA80] =	vst v63  }
0x434: {  	s3 =	sadd.s32 $0x21C1, s28  }
0x435: {  	s4 =	sshll.u32 s3, $0x4  }
0x436: {  	s3 =	sshll.u32 s3, $0x9;
	s4 =	sand.u32 $0x70, s4  }
0x437: {  	s3 =	sand.u32 $0xFFFF000, s3;
	s4 =	sadd.s32 s30, s4  }
0x438: {  	s14 =	simm.s32 $0x1AB00;
	s10 =	sadd.s32 s3, s4  }
0x439: {  	s15 =	simm.s32 $0x80;
	s16 =	simm.s32 $0x1AC00;
	s11 =	sadd.s32 $0x0, s10  }
.LBB2_82:
0x43a: {  	[hbm4b:s11+s5] =	stream.linear.scatter [tilespmem:s14], [sflag:$0x3], $0x80, $0x38;
	[tilespmem:$0x1CA80] =	vst v63  }
0x43b: {  	s3 =	smov.u32 s15;
	s14 =	smov.u32 s16;
	p2 =	seq.s32 s15, $0xF80  }
.Ltmp55:
0x43c: {  	s15 =	sadd.s32 $0x80, s15;
	(pc) =	sbr.rel @!p2 .LBB2_82-.Ltmp55, $2  }
0x43d: {  	_ =	sdelay $0x2  }
0x43e: {  	s16 =	sadd.s32 $0x100, s16;
	s11 =	sadd.s32 s3, s10  }
0x43f: {  	[hbm4b:s11+s5] =	stream.linear.scatter [tilespmem:s14], [sflag:$0x3], $0x80, $0x38;
	[tilespmem:$0x1CA80] =	vst v63  }
0x440: {  	p2 =	seq.s32 s6, $0x2D  }
.Ltmp56:
0x441: {  	_ = 	snop;
	(pc) =	sbr.rel @!p2 .LBB2_3-.Ltmp56, $2  }
0x442: {  	_ =	sdelay $0x2  }
0x443: {  	s17 =	smov.u32 s6  }
0x444: {  	s1 =	simm.s32 $0x3  }
0x445: {  	_ =	swait.ge [sflag:s1], $0x1000  }
0x446: {  	[sflag:s1] =	ssyncset.done $0x0  }
0x447: {  	[sflag:s1] =	ssyncadd.s32 $0xFFFFF000  }
0x448: {  	_ =	swait.ge [sflag:s1], $0x1000  }
0x449: {  	[sflag:s1] =	ssyncset.done $0x0  }
0x44a: {  	[sflag:s1] =	ssyncadd.s32 $0xFFFFF000  }
0x44b: {  	_ =	swait.ge [sflag:s1], $0x1000  }
0x44c: {  	[sflag:s1] =	ssyncset.done $0x0  }
0x44d: {  	[sflag:s1] =	ssyncadd.s32 $0xFFFFF000  }
0x44e: {  	_ =	swait.ge [sflag:s1], $0x1000  }
0x44f: {  	[sflag:s1] =	ssyncset.done $0x0  }
0x450: {  	[sflag:s1] =	ssyncadd.s32 $0xFFFFF000  }
0x451: {  	_ =	swait.ge [sflag:s1], $0x1000  }
0x452: {  	[sflag:s1] =	ssyncset.done $0x0  }
0x453: {  	[sflag:s1] =	ssyncadd.s32 $0xFFFFF000  }
0x454: {  	_ =	swait.ge [sflag:s1], $0x1000  }
0x455: {  	[sflag:s1] =	ssyncset.done $0x0  }
0x456: {  	[sflag:s1] =	ssyncadd.s32 $0xFFFFF000  }
0x457: {  	_ =	swait.ge [sflag:s1], $0x1000  }
0x458: {  	[sflag:s1] =	ssyncset.done $0x0  }
0x459: {  	[sflag:s1] =	ssyncadd.s32 $0xFFFFF000  }
0x45a: {  	_ =	swait.ge [sflag:s1], $0x1000  }
0x45b: {  	s3 =	rddreg [dreg:$0xe]  }
0x45c: {  	s0 =	rddreg [dreg:$0xd];
	s3 =	sadd.s32 $0x1, s3  }
0x45d: {  	p0 =	sne.s32 s3, s0  }
.Ltmp57:
0x45e: {  	_ = 	snop;
	(pc) =	sbr.rel @p0 .LBB2_1-.Ltmp57, $3  }
0x45f: {  	_ =	sdelay $0x1  }
0x460: {  	[sflag:s1] =	ssyncset.done $0x0  }
0x461: {  	[sflag:s1] =	ssyncadd.s32 $0xFFFFF000  }
0x462: {  	_ =	sfence.sel $0x180000  }
0x463: {  	[bflag:$0x0] =	sbarrier.arrive $0xFFFF  }
0x464: {  	_ =	strace $0x9000004A  }
0x465: {  	s0 =	stileid.u32;
	[bflag:$0x2] =	sbarrier.arrive $0xFFFF  }
0x466: {  	p0 =	sne.s32 s0, $0x0;
	s0 =	rddreg [dreg:$0x3]  }
0x467: {  	s0 =	sadd.s32 @!p0 $0x100000, s0  }
0x468: {  	[sflag:s0] =	ssyncadd.tile.s32 @!p0 $0x1;
	_ =	shalt  }
.Lfunc_end2:
_tile_overlayer_lowered:
.L_overlay_start_2:
0x469: {  	(tag) =	ssettag $0x2  }
0x46a: {  	s0 =	rddreg [dreg:$0x0];
	s2 =	stileid.u32  }
0x46b: {  	s1 =	rddreg [dreg:$0x1];
	p0 =	sne.s32 s2, $0x0  }
0x46c: {  	s3 =	rddreg [dreg:$0x2];
	[bflag:$0x3] =	sbarrier.arrive $0xFFFF;
	s2 =	simm.s32 @!p0 $0x1C04  }
0x46d: {  	[timem:s3], [sflag:s2] =	dma.local @!p0 [hbm:s0], s1  }
0x46e: {  	s0 =	simm.s32 @!p0 $0x4  }
0x46f: {  	_ =	swait.ge @!p0 [sflag:s0], s1  }
0x470: {  	s1 =	ssub.s32 @!p0 $0x0, s1;
	[sflag:s0] =	ssyncset.done @!p0 $0x0  }
0x471: {  	[sflag:s0] =	ssyncadd.s32 @!p0 s1  }
0x472: {  	[bflag:$0x3] =	sbarrier.arrive $0xFFFF  }
0x473: {  	_ =	shalt  }

</sc_bundles>
